<compile_context>
chip_gen: v7x
topology: tpu7x:2x2x1
jax: 0.10.2.dev20260603
libtpu: 0.0.44.dev20260713+nightly
codegen_flags: <defaults>
</compile_context>

<pallas_src>
import functools

import jax
import jax.numpy as jnp
from jax import lax
from jax.experimental import pallas as pl
from jax.experimental.pallas import tpu as pltpu, tpu_sc as plsc

N = 10000
E = 320000
D = 128
DEGW = 16

NC, NS, L = 2, 16, 16
NW = NC * NS

EDGES_PER_TILE = E // NW
ECHUNK = 80
N_ECHUNKS = EDGES_PER_TILE // ECHUNK
NBLK = 5
NGRP = 5
GSZ = 5

BATCH_PAD = 10240
ROWS_PER_TILE = BATCH_PAD // NW
ROWS_PER_TILE_CORE = BATCH_PAD // NS
GCHUNK = 80
C1_CH = BATCH_PAD // NS // GCHUNK
C2_CH = BATCH_PAD // NW // GCHUNK
ZROWS = 624
ZREM = N - NS * ZROWS


def _sc_body(src_hbm, dst_hbm, nodes_hbm, feat_hbm, zf_hbm,
             selfg_hbm, aggg_hbm, degg0_hbm, degg1_hbm,
             esrc_v, edst_v, rows_v, ones_v, nidx_v, gdeg_v,
             zdeg_v, agg_sh, deg_sh, gsem, ssem, dsem, wsem, vsem, sem,
             isem, jsem):
    cid = lax.axis_index("c")
    sid = lax.axis_index("s")
    wid = sid * NC + cid

    zbase = sid * ZROWS
    pltpu.sync_copy(zf_hbm.at[pl.ds(zbase, ZROWS)], agg_sh.at[pl.ds(zbase, ZROWS)])

    def zfill_body(r, _):
        zdeg_v[pl.ds(r * L, L)] = jnp.zeros((L,), jnp.float32)
        return 0
    lax.fori_loop(0, ZROWS // L, zfill_body, 0)
    pltpu.sync_copy(zdeg_v, deg_sh.at[pl.ds(zbase, ZROWS)])

    @pl.when(sid == NS - 1)
    def _zero_rem():
        rbase = NS * ZROWS
        pltpu.sync_copy(zf_hbm.at[pl.ds(rbase, ZREM)], agg_sh.at[pl.ds(rbase, ZREM)])
        pltpu.sync_copy(zdeg_v.at[pl.ds(0, ZREM)], deg_sh.at[pl.ds(rbase, ZREM)])

    def ones_body(r, _):
        ones_v[pl.ds(r * L, L)] = jnp.ones((L,), jnp.float32)
        return 0
    lax.fori_loop(0, ECHUNK // L, ones_body, 0)

    plsc.subcore_barrier()

    BCH = NGRP * GSZ

    def run_block(slot):
        def agather(i, b):
            return pltpu.async_copy(
                feat_hbm.at[esrc_v.at[slot, i]], rows_v.at[b], gsem.at[b])

        gds = [agather(0, 0), agather(1, 1)]
        tail, dds = [], []
        for j in range(BCH):
            b = j % 2
            gds[j].wait()
            s = pltpu.async_copy(
                rows_v.at[b], agg_sh.at[edst_v.at[slot, j]],
                ssem.at[b], add=True)
            dds.append(pltpu.async_copy(
                ones_v, deg_sh.at[edst_v.at[slot, j]], dsem, add=True))
            if j + 2 < BCH:
                s.wait()
                gds.append(agather(j + 2, b))
            else:
                tail.append(s)
        for s in tail:
            s.wait()
        for d in dds:
            d.wait()

    pltpu.async_copy(src_hbm.at[wid, 0], esrc_v.at[0], isem.at[0])
    pltpu.async_copy(dst_hbm.at[wid, 0], edst_v.at[0], jsem.at[0])

    def block_body(bk, _):
        s = lax.rem(bk, 2)
        nxt = jnp.minimum(bk + 1, NBLK - 1)
        pltpu.async_copy(src_hbm.at[wid, nxt], esrc_v.at[1 - s], isem.at[1 - s])
        pltpu.async_copy(dst_hbm.at[wid, nxt], edst_v.at[1 - s], jsem.at[1 - s])
        pltpu.make_async_copy(src_hbm.at[wid, 0], esrc_v.at[s], isem.at[s]).wait()
        pltpu.make_async_copy(dst_hbm.at[wid, 0], edst_v.at[s], jsem.at[s]).wait()
        run_block(s)
        return 0
    lax.fori_loop(0, NBLK, block_body, 0)

    fs = NBLK % 2
    pltpu.make_async_copy(src_hbm.at[wid, 0], esrc_v.at[fs], isem.at[fs]).wait()
    pltpu.make_async_copy(dst_hbm.at[wid, 0], edst_v.at[fs], jsem.at[fs]).wait()

    plsc.subcore_barrier()

    c1base = sid * C1_CH
    pltpu.sync_copy(nodes_hbm.at[pl.ds(c1base, C1_CH)], nidx_v)

    def c1_pair(k, _):
        i0 = 2 * k
        row0 = (c1base + i0) * GCHUNK
        ga0 = pltpu.async_copy(agg_sh.at[nidx_v.at[i0]], rows_v.at[0], gsem.at[0])
        gd0 = pltpu.async_copy(deg_sh.at[nidx_v.at[i0]], gdeg_v.at[0], dsem)
        ga1 = pltpu.async_copy(agg_sh.at[nidx_v.at[i0 + 1]], rows_v.at[1], gsem.at[1])
        gd1 = pltpu.async_copy(deg_sh.at[nidx_v.at[i0 + 1]], gdeg_v.at[1], vsem)
        ga0.wait()
        w0 = pltpu.async_copy(rows_v.at[0], aggg_hbm.at[cid, pl.ds(row0, GCHUNK)], wsem)
        ga1.wait()
        w1 = pltpu.async_copy(rows_v.at[1], aggg_hbm.at[cid, pl.ds(row0 + GCHUNK, GCHUNK)], wsem)
        gd0.wait()
        gd1.wait()

        @pl.when(cid == 0)
        def _w0():
            pltpu.sync_copy(gdeg_v.at[0], degg0_hbm.at[pl.ds(row0, GCHUNK)])
            pltpu.sync_copy(gdeg_v.at[1], degg0_hbm.at[pl.ds(row0 + GCHUNK, GCHUNK)])

        @pl.when(cid == 1)
        def _w1():
            pltpu.sync_copy(gdeg_v.at[0], degg1_hbm.at[pl.ds(row0, GCHUNK)])
            pltpu.sync_copy(gdeg_v.at[1], degg1_hbm.at[pl.ds(row0 + GCHUNK, GCHUNK)])
        w0.wait()
        w1.wait()
        return 0
    lax.fori_loop(0, C1_CH // 2, c1_pair, 0)

    c2base = wid * C2_CH
    pltpu.sync_copy(nodes_hbm.at[pl.ds(c2base, C2_CH)], nidx_v.at[pl.ds(0, C2_CH)])

    def c2_pair(k, _):
        i0 = 2 * k
        row0 = (c2base + i0) * GCHUNK
        g0 = pltpu.async_copy(feat_hbm.at[nidx_v.at[i0]], rows_v.at[0], gsem.at[0])
        g1 = pltpu.async_copy(feat_hbm.at[nidx_v.at[i0 + 1]], rows_v.at[1], gsem.at[1])
        g0.wait()
        w0 = pltpu.async_copy(rows_v.at[0], selfg_hbm.at[pl.ds(row0, GCHUNK)], wsem)
        g1.wait()
        w1 = pltpu.async_copy(rows_v.at[1], selfg_hbm.at[pl.ds(row0 + GCHUNK, GCHUNK)], wsem)
        w0.wait()
        w1.wait()
        return 0
    lax.fori_loop(0, C2_CH // 2, c2_pair, 0)


_sc_kernel = functools.partial(
    pl.kernel,
    out_type=[
        jax.ShapeDtypeStruct((BATCH_PAD, D), jnp.float32),
        jax.ShapeDtypeStruct((NC, BATCH_PAD, D), jnp.float32),
        jax.ShapeDtypeStruct((BATCH_PAD,), jnp.float32),
        jax.ShapeDtypeStruct((BATCH_PAD,), jnp.float32),
    ],
    mesh=plsc.VectorSubcoreMesh(core_axis_name="c", subcore_axis_name="s"),
    scratch_types=[
        pltpu.VMEM((2, NGRP * GSZ, ECHUNK), jnp.int32),
        pltpu.VMEM((2, NGRP * GSZ, ECHUNK), jnp.int32),
        pltpu.VMEM((2, ECHUNK, D), jnp.float32),
        pltpu.VMEM((ECHUNK,), jnp.float32),
        pltpu.VMEM((C1_CH, GCHUNK), jnp.int32),
        pltpu.VMEM((2, GCHUNK), jnp.float32),
        pltpu.VMEM((ZROWS,), jnp.float32),
        pltpu.VMEM_SHARED((N, D), jnp.float32),
        pltpu.VMEM_SHARED((N,), jnp.float32),
        pltpu.SemaphoreType.DMA((2,)),
        pltpu.SemaphoreType.DMA((2,)),
        pltpu.SemaphoreType.DMA,
        pltpu.SemaphoreType.DMA,
        pltpu.SemaphoreType.DMA,
        pltpu.SemaphoreType.DMA,
        pltpu.SemaphoreType.DMA((2,)),
        pltpu.SemaphoreType.DMA((2,)),
    ],
)(_sc_body)


BLK = 1024


def _mlp_body(self_ref, agg_ref, deg0_ref, deg1_ref, w1a_ref, w1b_ref, b1_ref,
              w2_ref, b2_ref, out_ref):
    s = self_ref[:]
    a = agg_ref[0] + agg_ref[1]
    deg = (deg0_ref[0] + deg1_ref[0]).reshape(BLK, 1)
    neigh = a / jnp.maximum(deg, 1.0)
    h = jnp.tanh(
        jnp.dot(s, w1a_ref[:], preferred_element_type=jnp.float32)
        + jnp.dot(neigh, w1b_ref[:], preferred_element_type=jnp.float32)
        + b1_ref[:]
    )
    out_ref[:] = (
        jnp.dot(h, w2_ref[:], preferred_element_type=jnp.float32) + b2_ref[:]
    )


def _tc_mlp(selfg, aggg, degg0, degg1, w1a, w1b, b1, w2, b2):
    grid = (BATCH_PAD // BLK,)
    return pl.pallas_call(
        _mlp_body,
        grid=grid,
        in_specs=[
            pl.BlockSpec((BLK, D), lambda i: (i, 0)),
            pl.BlockSpec((NC, BLK, D), lambda i: (0, i, 0)),
            pl.BlockSpec((1, BLK), lambda i: (0, i)),
            pl.BlockSpec((1, BLK), lambda i: (0, i)),
            pl.BlockSpec((D, D), lambda i: (0, 0)),
            pl.BlockSpec((D, D), lambda i: (0, 0)),
            pl.BlockSpec((1, D), lambda i: (0, 0)),
            pl.BlockSpec((D, D), lambda i: (0, 0)),
            pl.BlockSpec((1, D), lambda i: (0, 0)),
        ],
        out_specs=pl.BlockSpec((BLK, D), lambda i: (i, 0)),
        out_shape=jax.ShapeDtypeStruct((BATCH_PAD, D), jnp.float32),
    )(selfg, aggg, degg0.reshape(1, BATCH_PAD), degg1.reshape(1, BATCH_PAD),
      w1a, w1b, b1, w2, b2)


def kernel(nodes, edge_index, features_pos, W1, b1, W2, b2):
    src = edge_index[0].reshape(NW, NBLK, NGRP * GSZ, ECHUNK)
    dst = edge_index[1].reshape(NW, NBLK, NGRP * GSZ, ECHUNK)
    nodes_pad = jnp.concatenate(
        [nodes, jnp.zeros((BATCH_PAD - N,), dtype=jnp.int32)]
    ).reshape(BATCH_PAD // GCHUNK, GCHUNK)
    zf = jnp.zeros((N, D), jnp.float32)
    selfg, aggg, degg0, degg1 = _sc_kernel(
        src, dst, nodes_pad, features_pos, zf)
    out = _tc_mlp(selfg, aggg, degg0, degg1,
                  W1[:D], W1[D:], b1.reshape(1, D), W2, b2.reshape(1, D))
    return out[:N]

# --- scband reference (transcript-rebuilt; emitter-appended) ---
"""Pipeline reference for scband-encoder-p-54365696033484 (READ-ONLY COPY).

The authoritative reference and input builder live on the scoring server;
editing this copy changes nothing except your own understanding.
"""

import jax, jax.numpy as jnp
import numpy as np

N_NODES = 10000
N_EDGES = 320000
FEAT_DIM = 128


def setup_inputs(seed: int = 0) -> dict:
    key = jax.random.key(seed)
    k1, k2, k3, k4, k5, k6, k7, k8 = jax.random.split(key, 8)
    nodes = jax.random.randint(k1, (N_NODES,), 0, N_NODES, dtype=jnp.int32)
    edge_index = jax.random.randint(k2, (2, N_EDGES), 0, N_NODES, dtype=jnp.int32)
    # learned parameters
    features_pos = jax.random.normal(k3, (N_NODES, FEAT_DIM), dtype=jnp.float32)
    # pos_nonlinear_layer: Linear(2*feat, feat) -> Tanh -> Linear(feat, feat)
    W1 = jax.random.normal(k4, (2 * FEAT_DIM, FEAT_DIM), dtype=jnp.float32) * (1.0 / np.sqrt(2 * FEAT_DIM))
    b1 = jnp.zeros((FEAT_DIM,), dtype=jnp.float32)
    W2 = jax.random.normal(k5, (FEAT_DIM, FEAT_DIM), dtype=jnp.float32) * (1.0 / np.sqrt(FEAT_DIM))
    b2 = jnp.zeros((FEAT_DIM,), dtype=jnp.float32)
    return {
        "nodes": nodes,
        "edge_index": edge_index,
        "features_pos": features_pos,
        "W1": W1,
        "b1": b1,
        "W2": W2,
        "b2": b2,
    }


def reference(nodes, edge_index, features_pos, W1, b1, W2, b2):
    # Aggregator for the single MLG layer: mean over in-neighbors (gather + segment-sum)
    src = edge_index[0]
    dst = edge_index[1]
    msgs = jnp.take(features_pos, src, axis=0)  # gather [E, d]
    agg_sum = jax.ops.segment_sum(msgs, dst, num_segments=N_NODES)
    deg = jax.ops.segment_sum(jnp.ones((N_EDGES,), dtype=jnp.float32), dst, num_segments=N_NODES)
    neigh_feats = agg_sum / jnp.clip(deg, 1.0, None)[:, None]
    # gather per-node aggregated features and self embeddings for the batch
    neigh_batch = jnp.take(neigh_feats, nodes, axis=0)
    self_feats = jnp.take(features_pos, nodes, axis=0)  # features_pos lookup
    final_pos = jnp.concatenate([self_feats, neigh_batch], axis=1)  # [B, 2*d]
    # pos_nonlinear_layer: Linear -> Tanh -> Linear
    h = jnp.tanh(final_pos @ W1 + b1)
    combined_pos = h @ W2 + b2
    return combined_pos

if __name__ == "__main__":
    import jax
    _d = setup_inputs()
    print(jax.jit(kernel)(*tuple(_d.values())))

</pallas_src>

<mosaic_0001>
#map = affine_map<(d0, d1) -> (0, 0, 0, 0)>
#map1 = affine_map<(d0, d1) -> (0, 0)>
#map2 = affine_map<(d0, d1) -> (0, 0, 0)>
#map3 = affine_map<(d0, d1) -> (0)>
module attributes {stable_mosaic.version = 14 : i64} {
  func.func @_sc_body(%arg0: i32, %arg1: i32, %arg2: memref<32x5x25x80xi32, #tpu.memory_space<hbm>>, %arg3: memref<32x5x25x80xi32, #tpu.memory_space<hbm>>, %arg4: memref<128x80xi32, #tpu.memory_space<hbm>>, %arg5: memref<10000x128xf32, #tpu.memory_space<hbm>>, %arg6: memref<10000x128xf32, #tpu.memory_space<hbm>>, %arg7: memref<10240x128xf32, #tpu.memory_space<hbm>>, %arg8: memref<2x10240x128xf32, #tpu.memory_space<hbm>>, %arg9: memref<10240xf32, #tpu.memory_space<hbm>>, %arg10: memref<10240xf32, #tpu.memory_space<hbm>>, %arg11: memref<2x25x80xi32, #tpu.memory_space<vmem>>, %arg12: memref<2x25x80xi32, #tpu.memory_space<vmem>>, %arg13: memref<2x80x128xf32, #tpu.memory_space<vmem>>, %arg14: memref<80xf32, #tpu.memory_space<vmem>>, %arg15: memref<8x80xi32, #tpu.memory_space<vmem>>, %arg16: memref<2x80xf32, #tpu.memory_space<vmem>>, %arg17: memref<624xf32, #tpu.memory_space<vmem>>, %arg18: memref<10000x128xf32, #tpu.memory_space<vmem_shared>>, %arg19: memref<10000xf32, #tpu.memory_space<vmem_shared>>, %arg20: memref<2x!tpu.dma_semaphore, #tpu.memory_space<semaphore_mem>>, %arg21: memref<2x!tpu.dma_semaphore, #tpu.memory_space<semaphore_mem>>, %arg22: memref<!tpu.dma_semaphore, #tpu.memory_space<semaphore_mem>>, %arg23: memref<!tpu.dma_semaphore, #tpu.memory_space<semaphore_mem>>, %arg24: memref<!tpu.dma_semaphore, #tpu.memory_space<semaphore_mem>>, %arg25: memref<!tpu.dma_semaphore, #tpu.memory_space<semaphore_mem>>, %arg26: memref<2x!tpu.dma_semaphore, #tpu.memory_space<semaphore_mem>>, %arg27: memref<2x!tpu.dma_semaphore, #tpu.memory_space<semaphore_mem>>) attributes {dimension_semantics = [#tpu.dimension_semantics<core_parallel>, #tpu.dimension_semantics<subcore_parallel>], iteration_bounds = array<i64: 2, 16>, scalar_prefetch = 0 : i64, scratch_operands = 17 : i64, tpu.core_type = #tpu.core_type<sc_vector_subcore>, window_params = [{transform_indices = #map}, {transform_indices = #map}, {transform_indices = #map1}, {transform_indices = #map1}, {transform_indices = #map1}, {transform_indices = #map1}, {transform_indices = #map2}, {transform_indices = #map3}, {transform_indices = #map3}]} {
    %mul3A = arith.constant 2 : i32
    %mul3A_0 = arith.muli %arg1, %mul3A : i32
    %add3A = arith.addi %mul3A_0, %arg0 : i32
    %mul3A_1 = arith.constant 624 : i32
    %mul3A_2 = arith.muli %arg1, %mul3A_1 : i32
    "tpu.region"() ({
      %run_scoped3A = tpu.sem_alloc : memref<!tpu.dma_semaphore, #tpu.memory_space<semaphore_mem>>
      %dma_start3A_126 = arith.constant 0 : i32
      %dma_start3A_127 = tpu.memref_slice %arg18[%mul3A_2, %dma_start3A_126] : memref<10000x128xf32, #tpu.memory_space<vmem_shared>> -> memref<624x128xf32, #tpu.memory_space<vmem_shared>>
      %dma_start3A_128 = arith.constant 0 : i32
      %dma_start3A_129 = tpu.memref_slice %arg6[%mul3A_2, %dma_start3A_128] : memref<10000x128xf32, #tpu.memory_space<hbm>> -> memref<624x128xf32, #tpu.memory_space<hbm>>
      tpu.enqueue_dma source(%dma_start3A_129 : memref<624x128xf32, #tpu.memory_space<hbm>>) target(%dma_start3A_127 : memref<624x128xf32, #tpu.memory_space<vmem_shared>>) target_semaphore(%run_scoped3A : memref<!tpu.dma_semaphore, #tpu.memory_space<semaphore_mem>>)
      %dma_wait3A_130 = arith.constant 0 : i32
      %dma_wait3A_131 = tpu.memref_slice %arg18[%mul3A_2, %dma_wait3A_130] : memref<10000x128xf32, #tpu.memory_space<vmem_shared>> -> memref<624x128xf32, #tpu.memory_space<vmem_shared>>
      %dma_wait3A_132 = arith.constant 0 : i32
      %dma_wait3A_133 = tpu.memref_slice %arg6[%mul3A_2, %dma_wait3A_132] : memref<10000x128xf32, #tpu.memory_space<hbm>> -> memref<624x128xf32, #tpu.memory_space<hbm>>
      tpu.wait_dma2 semaphore(%run_scoped3A : memref<!tpu.dma_semaphore, #tpu.memory_space<semaphore_mem>>) src(%dma_wait3A_133 : memref<624x128xf32, #tpu.memory_space<hbm>>) dst(%dma_wait3A_131 : memref<624x128xf32, #tpu.memory_space<vmem_shared>>)
      tpu.yield
    }) : () -> ()
    %scan3A = arith.constant 0 : i32
    %scan3A_3 = arith.constant 0 : i32
    %scan3A_4 = arith.constant 39 : i32
    %scan3A_5 = arith.addi %scan3A_3, %scan3A_4 : i32
    %scan3A_6 = arith.constant 1 : i32
    %scan3A_7 = scf.for %scan3A_126 = %scan3A_3 to %scan3A_5 step %scan3A_6 iter_args(%scan3A_127 = %scan3A) -> (i32)  : i32 {
      %broadcast_in_dim3A = arith.constant 0.000000e+00 : f32
      %broadcast_in_dim3A_128 = vector.broadcast %broadcast_in_dim3A : f32 to vector<16xf32>
      %mul3A_129 = arith.constant 16 : i32
      %mul3A_130 = arith.muli %scan3A_126, %mul3A_129 : i32
      %swap3A = arith.index_cast %mul3A_130 : i32 to index
      %swap3A_131 = tpu.vector_load %arg17[%swap3A] {strides = array<i32>} : memref<624xf32, #tpu.memory_space<vmem>>, vector<16xf32>,
      %swap3A_132 = vector.shape_cast %swap3A_131 : vector<16xf32> to vector<16xf32>
      %swap3A_133 = vector.shape_cast %broadcast_in_dim3A_128 : vector<16xf32> to vector<16xf32>
      tpu.vector_store %arg17[%swap3A], %swap3A_133 {strides = array<i32>} : memref<624xf32, #tpu.memory_space<vmem>>, vector<16xf32>,
      %scan3A_134 = arith.constant 0 : i32
      scf.yield %scan3A_134 : i32
    }
    %scan3A_8 = arith.constant 39 : i32
    "tpu.region"() ({
      %run_scoped3A = tpu.sem_alloc : memref<!tpu.dma_semaphore, #tpu.memory_space<semaphore_mem>>
      %dma_start3A_126 = tpu.memref_slice %arg19[%mul3A_2] : memref<10000xf32, #tpu.memory_space<vmem_shared>> -> memref<624xf32, #tpu.memory_space<vmem_shared>>
      %dma_start3A_127 = tpu.memref_slice %arg19[%mul3A_2] : memref<10000xf32, #tpu.memory_space<vmem_shared>> -> memref<624xf32, #tpu.memory_space<vmem_shared>>
      tpu.enqueue_dma source(%arg17 : memref<624xf32, #tpu.memory_space<vmem>>) target(%dma_start3A_127 : memref<624xf32, #tpu.memory_space<vmem_shared>>) target_semaphore(%run_scoped3A : memref<!tpu.dma_semaphore, #tpu.memory_space<semaphore_mem>>)
      %dma_wait3A_128 = tpu.memref_slice %arg19[%mul3A_2] : memref<10000xf32, #tpu.memory_space<vmem_shared>> -> memref<624xf32, #tpu.memory_space<vmem_shared>>
      %dma_wait3A_129 = tpu.memref_slice %arg19[%mul3A_2] : memref<10000xf32, #tpu.memory_space<vmem_shared>> -> memref<624xf32, #tpu.memory_space<vmem_shared>>
      tpu.wait_dma2 semaphore(%run_scoped3A : memref<!tpu.dma_semaphore, #tpu.memory_space<semaphore_mem>>) src(%arg17 : memref<624xf32, #tpu.memory_space<vmem>>) dst(%dma_wait3A_129 : memref<624xf32, #tpu.memory_space<vmem_shared>>)
      tpu.yield
    }) : () -> ()
    %eq3A = arith.constant 15 : i32
    %eq3A_9 = arith.cmpi eq, %arg1, %eq3A : i32
    %convert_element_type3A = arith.extui %eq3A_9 : i1 to i32
    %cond3A = arith.constant 0 : i32
    %cond3A_10 = arith.cmpi ne, %convert_element_type3A, %cond3A : i32
    scf.if %cond3A_10 {
      "tpu.region"() ({
        %run_scoped3A = tpu.sem_alloc : memref<!tpu.dma_semaphore, #tpu.memory_space<semaphore_mem>>
        %dma_start3A_126 = arith.constant 9984 : i32
        %dma_start3A_127 = arith.constant 0 : i32
        %dma_start3A_128 = tpu.memref_slice %arg18[%dma_start3A_126, %dma_start3A_127] : memref<10000x128xf32, #tpu.memory_space<vmem_shared>> -> memref<16x128xf32, #tpu.memory_space<vmem_shared>>
        %dma_start3A_129 = arith.constant 9984 : i32
        %dma_start3A_130 = arith.constant 0 : i32
        %dma_start3A_131 = tpu.memref_slice %arg6[%dma_start3A_129, %dma_start3A_130] : memref<10000x128xf32, #tpu.memory_space<hbm>> -> memref<16x128xf32, #tpu.memory_space<hbm>>
        tpu.enqueue_dma source(%dma_start3A_131 : memref<16x128xf32, #tpu.memory_space<hbm>>) target(%dma_start3A_128 : memref<16x128xf32, #tpu.memory_space<vmem_shared>>) target_semaphore(%run_scoped3A : memref<!tpu.dma_semaphore, #tpu.memory_space<semaphore_mem>>)
        %dma_wait3A_132 = arith.constant 9984 : i32
        %dma_wait3A_133 = arith.constant 0 : i32
        %dma_wait3A_134 = tpu.memref_slice %arg18[%dma_wait3A_132, %dma_wait3A_133] : memref<10000x128xf32, #tpu.memory_space<vmem_shared>> -> memref<16x128xf32, #tpu.memory_space<vmem_shared>>
        %dma_wait3A_135 = arith.constant 9984 : i32
        %dma_wait3A_136 = arith.constant 0 : i32
        %dma_wait3A_137 = tpu.memref_slice %arg6[%dma_wait3A_135, %dma_wait3A_136] : memref<10000x128xf32, #tpu.memory_space<hbm>> -> memref<16x128xf32, #tpu.memory_space<hbm>>
        tpu.wait_dma2 semaphore(%run_scoped3A : memref<!tpu.dma_semaphore, #tpu.memory_space<semaphore_mem>>) src(%dma_wait3A_137 : memref<16x128xf32, #tpu.memory_space<hbm>>) dst(%dma_wait3A_134 : memref<16x128xf32, #tpu.memory_space<vmem_shared>>)
        tpu.yield
      }) : () -> ()
      "tpu.region"() ({
        %run_scoped3A = tpu.sem_alloc : memref<!tpu.dma_semaphore, #tpu.memory_space<semaphore_mem>>
        %dma_start3A_126 = arith.constant 0 : i32
        %dma_start3A_127 = tpu.memref_slice %arg17[%dma_start3A_126] : memref<624xf32, #tpu.memory_space<vmem>> -> memref<16xf32, #tpu.memory_space<vmem>>
        %dma_start3A_128 = arith.constant 9984 : i32
        %dma_start3A_129 = tpu.memref_slice %arg19[%dma_start3A_128] : memref<10000xf32, #tpu.memory_space<vmem_shared>> -> memref<16xf32, #tpu.memory_space<vmem_shared>>
        %dma_start3A_130 = arith.constant 9984 : i32
        %dma_start3A_131 = tpu.memref_slice %arg19[%dma_start3A_130] : memref<10000xf32, #tpu.memory_space<vmem_shared>> -> memref<16xf32, #tpu.memory_space<vmem_shared>>
        %dma_start3A_132 = arith.constant 0 : i32
        %dma_start3A_133 = tpu.memref_slice %arg17[%dma_start3A_132] : memref<624xf32, #tpu.memory_space<vmem>> -> memref<16xf32, #tpu.memory_space<vmem>>
        tpu.enqueue_dma source(%dma_start3A_133 : memref<16xf32, #tpu.memory_space<vmem>>) target(%dma_start3A_131 : memref<16xf32, #tpu.memory_space<vmem_shared>>) target_semaphore(%run_scoped3A : memref<!tpu.dma_semaphore, #tpu.memory_space<semaphore_mem>>)
        %dma_wait3A_134 = arith.constant 0 : i32
        %dma_wait3A_135 = tpu.memref_slice %arg17[%dma_wait3A_134] : memref<624xf32, #tpu.memory_space<vmem>> -> memref<16xf32, #tpu.memory_space<vmem>>
        %dma_wait3A_136 = arith.constant 9984 : i32
        %dma_wait3A_137 = tpu.memref_slice %arg19[%dma_wait3A_136] : memref<10000xf32, #tpu.memory_space<vmem_shared>> -> memref<16xf32, #tpu.memory_space<vmem_shared>>
        %dma_wait3A_138 = arith.constant 9984 : i32
        %dma_wait3A_139 = tpu.memref_slice %arg19[%dma_wait3A_138] : memref<10000xf32, #tpu.memory_space<vmem_shared>> -> memref<16xf32, #tpu.memory_space<vmem_shared>>
        %dma_wait3A_140 = arith.constant 0 : i32
        %dma_wait3A_141 = tpu.memref_slice %arg17[%dma_wait3A_140] : memref<624xf32, #tpu.memory_space<vmem>> -> memref<16xf32, #tpu.memory_space<vmem>>
        tpu.wait_dma2 semaphore(%run_scoped3A : memref<!tpu.dma_semaphore, #tpu.memory_space<semaphore_mem>>) src(%dma_wait3A_141 : memref<16xf32, #tpu.memory_space<vmem>>) dst(%dma_wait3A_139 : memref<16xf32, #tpu.memory_space<vmem_shared>>)
        tpu.yield
      }) : () -> ()
    } else {
    }
    %scan3A_11 = arith.constant 0 : i32
    %scan3A_12 = arith.constant 0 : i32
    %scan3A_13 = arith.constant 5 : i32
    %scan3A_14 = arith.addi %scan3A_12, %scan3A_13 : i32
    %scan3A_15 = arith.constant 1 : i32
    %scan3A_16 = scf.for %scan3A_126 = %scan3A_12 to %scan3A_14 step %scan3A_15 iter_args(%scan3A_127 = %scan3A_11) -> (i32)  : i32 {
      %broadcast_in_dim3A = arith.constant 1.000000e+00 : f32
      %broadcast_in_dim3A_128 = vector.broadcast %broadcast_in_dim3A : f32 to vector<16xf32>
      %mul3A_129 = arith.constant 16 : i32
      %mul3A_130 = arith.muli %scan3A_126, %mul3A_129 : i32
      %swap3A = arith.index_cast %mul3A_130 : i32 to index
      %swap3A_131 = tpu.vector_load %arg14[%swap3A] {strides = array<i32>} : memref<80xf32, #tpu.memory_space<vmem>>, vector<16xf32>,
      %swap3A_132 = vector.shape_cast %swap3A_131 : vector<16xf32> to vector<16xf32>
      %swap3A_133 = vector.shape_cast %broadcast_in_dim3A_128 : vector<16xf32> to vector<16xf32>
      tpu.vector_store %arg14[%swap3A], %swap3A_133 {strides = array<i32>} : memref<80xf32, #tpu.memory_space<vmem>>, vector<16xf32>,
      %scan3A_134 = arith.constant 0 : i32
      scf.yield %scan3A_134 : i32
    }
    %scan3A_17 = arith.constant 5 : i32
    %barrier3A = arith.constant 0 : index
    tpu.barrier barrier_id(%barrier3A)
    %dma_start3A = arith.constant 0 : i32
    %dma_start3A_18 = arith.constant 0 : i32
    %dma_start3A_19 = arith.constant 0 : i32
    %dma_start3A_20 = arith.constant 0 : i32
    %dma_start3A_21 = arith.constant 0 : i32
    %dma_start3A_22 = tpu.memref_slice %arg11[%dma_start3A_18, %dma_start3A_20, %dma_start3A_21] : memref<2x25x80xi32, #tpu.memory_space<vmem>> -> memref<1x25x80xi32, #tpu.memory_space<vmem>>
    %dma_start3A_23 = tpu.memref_squeeze %dma_start3A_22 : memref<1x25x80xi32, #tpu.memory_space<vmem>> -> memref<25x80xi32, #tpu.memory_space<vmem>>
    %dma_start3A_24 = arith.constant 0 : i32
    %dma_start3A_25 = arith.constant 0 : i32
    %dma_start3A_26 = tpu.memref_slice %arg2[%add3A, %dma_start3A, %dma_start3A_24, %dma_start3A_25] : memref<32x5x25x80xi32, #tpu.memory_space<hbm>> -> memref<1x1x25x80xi32, #tpu.memory_space<hbm>>
    %dma_start3A_27 = tpu.memref_squeeze %dma_start3A_26 : memref<1x1x25x80xi32, #tpu.memory_space<hbm>> -> memref<25x80xi32, #tpu.memory_space<hbm>>
    %dma_start3A_28 = tpu.memref_slice %arg26[%dma_start3A_19] : memref<2x!tpu.dma_semaphore, #tpu.memory_space<semaphore_mem>> -> memref<1x!tpu.dma_semaphore, #tpu.memory_space<semaphore_mem>>
    %dma_start3A_29 = tpu.memref_squeeze %dma_start3A_28 : memref<1x!tpu.dma_semaphore, #tpu.memory_space<semaphore_mem>> -> memref<!tpu.dma_semaphore, #tpu.memory_space<semaphore_mem>>
    %dma_start3A_30 = arith.constant 0 : i32
    %dma_start3A_31 = arith.constant 0 : i32
    %dma_start3A_32 = tpu.memref_slice %arg11[%dma_start3A_18, %dma_start3A_30, %dma_start3A_31] : memref<2x25x80xi32, #tpu.memory_space<vmem>> -> memref<1x25x80xi32, #tpu.memory_space<vmem>>
    %dma_start3A_33 = tpu.memref_squeeze %dma_start3A_32 : memref<1x25x80xi32, #tpu.memory_space<vmem>> -> memref<25x80xi32, #tpu.memory_space<vmem>>
    %dma_start3A_34 = arith.constant 0 : i32
    %dma_start3A_35 = arith.constant 0 : i32
    %dma_start3A_36 = tpu.memref_slice %arg2[%add3A, %dma_start3A, %dma_start3A_34, %dma_start3A_35] : memref<32x5x25x80xi32, #tpu.memory_space<hbm>> -> memref<1x1x25x80xi32, #tpu.memory_space<hbm>>
    %dma_start3A_37 = tpu.memref_squeeze %dma_start3A_36 : memref<1x1x25x80xi32, #tpu.memory_space<hbm>> -> memref<25x80xi32, #tpu.memory_space<hbm>>
    tpu.enqueue_dma source(%dma_start3A_37 : memref<25x80xi32, #tpu.memory_space<hbm>>) target(%dma_start3A_33 : memref<25x80xi32, #tpu.memory_space<vmem>>) target_semaphore(%dma_start3A_29 : memref<!tpu.dma_semaphore, #tpu.memory_space<semaphore_mem>>)
    %dma_start3A_38 = arith.constant 0 : i32
    %dma_start3A_39 = arith.constant 0 : i32
    %dma_start3A_40 = arith.constant 0 : i32
    %dma_start3A_41 = arith.constant 0 : i32
    %dma_start3A_42 = arith.constant 0 : i32
    %dma_start3A_43 = tpu.memref_slice %arg12[%dma_start3A_39, %dma_start3A_41, %dma_start3A_42] : memref<2x25x80xi32, #tpu.memory_space<vmem>> -> memref<1x25x80xi32, #tpu.memory_space<vmem>>
    %dma_start3A_44 = tpu.memref_squeeze %dma_start3A_43 : memref<1x25x80xi32, #tpu.memory_space<vmem>> -> memref<25x80xi32, #tpu.memory_space<vmem>>
    %dma_start3A_45 = arith.constant 0 : i32
    %dma_start3A_46 = arith.constant 0 : i32
    %dma_start3A_47 = tpu.memref_slice %arg3[%add3A, %dma_start3A_38, %dma_start3A_45, %dma_start3A_46] : memref<32x5x25x80xi32, #tpu.memory_space<hbm>> -> memref<1x1x25x80xi32, #tpu.memory_space<hbm>>
    %dma_start3A_48 = tpu.memref_squeeze %dma_start3A_47 : memref<1x1x25x80xi32, #tpu.memory_space<hbm>> -> memref<25x80xi32, #tpu.memory_space<hbm>>
    %dma_start3A_49 = tpu.memref_slice %arg27[%dma_start3A_40] : memref<2x!tpu.dma_semaphore, #tpu.memory_space<semaphore_mem>> -> memref<1x!tpu.dma_semaphore, #tpu.memory_space<semaphore_mem>>
    %dma_start3A_50 = tpu.memref_squeeze %dma_start3A_49 : memref<1x!tpu.dma_semaphore, #tpu.memory_space<semaphore_mem>> -> memref<!tpu.dma_semaphore, #tpu.memory_space<semaphore_mem>>
    %dma_start3A_51 = arith.constant 0 : i32
    %dma_start3A_52 = arith.constant 0 : i32
    %dma_start3A_53 = tpu.memref_slice %arg12[%dma_start3A_39, %dma_start3A_51, %dma_start3A_52] : memref<2x25x80xi32, #tpu.memory_space<vmem>> -> memref<1x25x80xi32, #tpu.memory_space<vmem>>
    %dma_start3A_54 = tpu.memref_squeeze %dma_start3A_53 : memref<1x25x80xi32, #tpu.memory_space<vmem>> -> memref<25x80xi32, #tpu.memory_space<vmem>>
    %dma_start3A_55 = arith.constant 0 : i32
    %dma_start3A_56 = arith.constant 0 : i32
    %dma_start3A_57 = tpu.memref_slice %arg3[%add3A, %dma_start3A_38, %dma_start3A_55, %dma_start3A_56] : memref<32x5x25x80xi32, #tpu.memory_space<hbm>> -> memref<1x1x25x80xi32, #tpu.memory_space<hbm>>
    %dma_start3A_58 = tpu.memref_squeeze %dma_start3A_57 : memref<1x1x25x80xi32, #tpu.memory_space<hbm>> -> memref<25x80xi32, #tpu.memory_space<hbm>>
    tpu.enqueue_dma source(%dma_start3A_58 : memref<25x80xi32, #tpu.memory_space<hbm>>) target(%dma_start3A_54 : memref<25x80xi32, #tpu.memory_space<vmem>>) target_semaphore(%dma_start3A_50 : memref<!tpu.dma_semaphore, #tpu.memory_space<semaphore_mem>>)
    %scan3A_59 = arith.constant 0 : i32
    %scan3A_60 = arith.constant 0 : i32
    %scan3A_61 = arith.constant 5 : i32
    %scan3A_62 = arith.addi %scan3A_60, %scan3A_61 : i32
    %scan3A_63 = arith.constant 1 : i32
    %scan3A_64 = scf.for %scan3A_126 = %scan3A_60 to %scan3A_62 step %scan3A_63 iter_args(%scan3A_127 = %scan3A_59) -> (i32)  : i32 {
      %rem3A = arith.constant 2 : i32
      %rem3A_128 = arith.remsi %scan3A_126, %rem3A : i32
      %add3A_129 = arith.constant 1 : i32
      %add3A_130 = arith.addi %scan3A_126, %add3A_129 : i32
      %min3A = arith.constant 4 : i32
      %min3A_131 = arith.minsi %add3A_130, %min3A : i32
      %sub3A = arith.constant 1 : i32
      %sub3A_132 = arith.subi %sub3A, %rem3A_128 : i32
      %sub3A_133 = arith.constant 1 : i32
      %sub3A_134 = arith.subi %sub3A_133, %rem3A_128 : i32
      %dma_start3A_135 = arith.constant 0 : i32
      %dma_start3A_136 = arith.constant 0 : i32
      %dma_start3A_137 = tpu.memref_slice %arg11[%sub3A_132, %dma_start3A_135, %dma_start3A_136] : memref<2x25x80xi32, #tpu.memory_space<vmem>> -> memref<1x25x80xi32, #tpu.memory_space<vmem>>
      %dma_start3A_138 = tpu.memref_squeeze %dma_start3A_137 : memref<1x25x80xi32, #tpu.memory_space<vmem>> -> memref<25x80xi32, #tpu.memory_space<vmem>>
      %dma_start3A_139 = arith.constant 0 : i32
      %dma_start3A_140 = arith.constant 0 : i32
      %dma_start3A_141 = tpu.memref_slice %arg2[%add3A, %min3A_131, %dma_start3A_139, %dma_start3A_140] : memref<32x5x25x80xi32, #tpu.memory_space<hbm>> -> memref<1x1x25x80xi32, #tpu.memory_space<hbm>>
      %dma_start3A_142 = tpu.memref_squeeze %dma_start3A_141 : memref<1x1x25x80xi32, #tpu.memory_space<hbm>> -> memref<25x80xi32, #tpu.memory_space<hbm>>
      %dma_start3A_143 = tpu.memref_slice %arg26[%sub3A_134] : memref<2x!tpu.dma_semaphore, #tpu.memory_space<semaphore_mem>> -> memref<1x!tpu.dma_semaphore, #tpu.memory_space<semaphore_mem>>
      %dma_start3A_144 = tpu.memref_squeeze %dma_start3A_143 : memref<1x!tpu.dma_semaphore, #tpu.memory_space<semaphore_mem>> -> memref<!tpu.dma_semaphore, #tpu.memory_space<semaphore_mem>>
      %dma_start3A_145 = arith.constant 0 : i32
      %dma_start3A_146 = arith.constant 0 : i32
      %dma_start3A_147 = tpu.memref_slice %arg11[%sub3A_132, %dma_start3A_145, %dma_start3A_146] : memref<2x25x80xi32, #tpu.memory_space<vmem>> -> memref<1x25x80xi32, #tpu.memory_space<vmem>>
      %dma_start3A_148 = tpu.memref_squeeze %dma_start3A_147 : memref<1x25x80xi32, #tpu.memory_space<vmem>> -> memref<25x80xi32, #tpu.memory_space<vmem>>
      %dma_start3A_149 = arith.constant 0 : i32
      %dma_start3A_150 = arith.constant 0 : i32
      %dma_start3A_151 = tpu.memref_slice %arg2[%add3A, %min3A_131, %dma_start3A_149, %dma_start3A_150] : memref<32x5x25x80xi32, #tpu.memory_space<hbm>> -> memref<1x1x25x80xi32, #tpu.memory_space<hbm>>
      %dma_start3A_152 = tpu.memref_squeeze %dma_start3A_151 : memref<1x1x25x80xi32, #tpu.memory_space<hbm>> -> memref<25x80xi32, #tpu.memory_space<hbm>>
      tpu.enqueue_dma source(%dma_start3A_152 : memref<25x80xi32, #tpu.memory_space<hbm>>) target(%dma_start3A_148 : memref<25x80xi32, #tpu.memory_space<vmem>>) target_semaphore(%dma_start3A_144 : memref<!tpu.dma_semaphore, #tpu.memory_space<semaphore_mem>>)
      %sub3A_153 = arith.constant 1 : i32
      %sub3A_154 = arith.subi %sub3A_153, %rem3A_128 : i32
      %sub3A_155 = arith.constant 1 : i32
      %sub3A_156 = arith.subi %sub3A_155, %rem3A_128 : i32
      %dma_start3A_157 = arith.constant 0 : i32
      %dma_start3A_158 = arith.constant 0 : i32
      %dma_start3A_159 = tpu.memref_slice %arg12[%sub3A_154, %dma_start3A_157, %dma_start3A_158] : memref<2x25x80xi32, #tpu.memory_space<vmem>> -> memref<1x25x80xi32, #tpu.memory_space<vmem>>
      %dma_start3A_160 = tpu.memref_squeeze %dma_start3A_159 : memref<1x25x80xi32, #tpu.memory_space<vmem>> -> memref<25x80xi32, #tpu.memory_space<vmem>>
      %dma_start3A_161 = arith.constant 0 : i32
      %dma_start3A_162 = arith.constant 0 : i32
      %dma_start3A_163 = tpu.memref_slice %arg3[%add3A, %min3A_131, %dma_start3A_161, %dma_start3A_162] : memref<32x5x25x80xi32, #tpu.memory_space<hbm>> -> memref<1x1x25x80xi32, #tpu.memory_space<hbm>>
      %dma_start3A_164 = tpu.memref_squeeze %dma_start3A_163 : memref<1x1x25x80xi32, #tpu.memory_space<hbm>> -> memref<25x80xi32, #tpu.memory_space<hbm>>
      %dma_start3A_165 = tpu.memref_slice %arg27[%sub3A_156] : memref<2x!tpu.dma_semaphore, #tpu.memory_space<semaphore_mem>> -> memref<1x!tpu.dma_semaphore, #tpu.memory_space<semaphore_mem>>
      %dma_start3A_166 = tpu.memref_squeeze %dma_start3A_165 : memref<1x!tpu.dma_semaphore, #tpu.memory_space<semaphore_mem>> -> memref<!tpu.dma_semaphore, #tpu.memory_space<semaphore_mem>>
      %dma_start3A_167 = arith.constant 0 : i32
      %dma_start3A_168 = arith.constant 0 : i32
      %dma_start3A_169 = tpu.memref_slice %arg12[%sub3A_154, %dma_start3A_167, %dma_start3A_168] : memref<2x25x80xi32, #tpu.memory_space<vmem>> -> memref<1x25x80xi32, #tpu.memory_space<vmem>>
      %dma_start3A_170 = tpu.memref_squeeze %dma_start3A_169 : memref<1x25x80xi32, #tpu.memory_space<vmem>> -> memref<25x80xi32, #tpu.memory_space<vmem>>
      %dma_start3A_171 = arith.constant 0 : i32
      %dma_start3A_172 = arith.constant 0 : i32
      %dma_start3A_173 = tpu.memref_slice %arg3[%add3A, %min3A_131, %dma_start3A_171, %dma_start3A_172] : memref<32x5x25x80xi32, #tpu.memory_space<hbm>> -> memref<1x1x25x80xi32, #tpu.memory_space<hbm>>
      %dma_start3A_174 = tpu.memref_squeeze %dma_start3A_173 : memref<1x1x25x80xi32, #tpu.memory_space<hbm>> -> memref<25x80xi32, #tpu.memory_space<hbm>>
      tpu.enqueue_dma source(%dma_start3A_174 : memref<25x80xi32, #tpu.memory_space<hbm>>) target(%dma_start3A_170 : memref<25x80xi32, #tpu.memory_space<vmem>>) target_semaphore(%dma_start3A_166 : memref<!tpu.dma_semaphore, #tpu.memory_space<semaphore_mem>>)
      %dma_wait3A_175 = arith.constant 0 : i32
      %dma_wait3A_176 = arith.constant 0 : i32
      %dma_wait3A_177 = arith.constant 0 : i32
      %dma_wait3A_178 = tpu.memref_slice %arg11[%rem3A_128, %dma_wait3A_176, %dma_wait3A_177] : memref<2x25x80xi32, #tpu.memory_space<vmem>> -> memref<1x25x80xi32, #tpu.memory_space<vmem>>
      %dma_wait3A_179 = tpu.memref_squeeze %dma_wait3A_178 : memref<1x25x80xi32, #tpu.memory_space<vmem>> -> memref<25x80xi32, #tpu.memory_space<vmem>>
      %dma_wait3A_180 = arith.constant 0 : i32
      %dma_wait3A_181 = arith.constant 0 : i32
      %dma_wait3A_182 = tpu.memref_slice %arg2[%add3A, %dma_wait3A_175, %dma_wait3A_180, %dma_wait3A_181] : memref<32x5x25x80xi32, #tpu.memory_space<hbm>> -> memref<1x1x25x80xi32, #tpu.memory_space<hbm>>
      %dma_wait3A_183 = tpu.memref_squeeze %dma_wait3A_182 : memref<1x1x25x80xi32, #tpu.memory_space<hbm>> -> memref<25x80xi32, #tpu.memory_space<hbm>>
      %dma_wait3A_184 = tpu.memref_slice %arg26[%rem3A_128] : memref<2x!tpu.dma_semaphore, #tpu.memory_space<semaphore_mem>> -> memref<1x!tpu.dma_semaphore, #tpu.memory_space<semaphore_mem>>
      %dma_wait3A_185 = tpu.memref_squeeze %dma_wait3A_184 : memref<1x!tpu.dma_semaphore, #tpu.memory_space<semaphore_mem>> -> memref<!tpu.dma_semaphore, #tpu.memory_space<semaphore_mem>>
      %dma_wait3A_186 = arith.constant 0 : i32
      %dma_wait3A_187 = arith.constant 0 : i32
      %dma_wait3A_188 = tpu.memref_slice %arg11[%rem3A_128, %dma_wait3A_186, %dma_wait3A_187] : memref<2x25x80xi32, #tpu.memory_space<vmem>> -> memref<1x25x80xi32, #tpu.memory_space<vmem>>
      %dma_wait3A_189 = tpu.memref_squeeze %dma_wait3A_188 : memref<1x25x80xi32, #tpu.memory_space<vmem>> -> memref<25x80xi32, #tpu.memory_space<vmem>>
      %dma_wait3A_190 = arith.constant 0 : i32
      %dma_wait3A_191 = arith.constant 0 : i32
      %dma_wait3A_192 = tpu.memref_slice %arg2[%add3A, %dma_wait3A_175, %dma_wait3A_190, %dma_wait3A_191] : memref<32x5x25x80xi32, #tpu.memory_space<hbm>> -> memref<1x1x25x80xi32, #tpu.memory_space<hbm>>
      %dma_wait3A_193 = tpu.memref_squeeze %dma_wait3A_192 : memref<1x1x25x80xi32, #tpu.memory_space<hbm>> -> memref<25x80xi32, #tpu.memory_space<hbm>>
      tpu.wait_dma2 semaphore(%dma_wait3A_185 : memref<!tpu.dma_semaphore, #tpu.memory_space<semaphore_mem>>) src(%dma_wait3A_193 : memref<25x80xi32, #tpu.memory_space<hbm>>) dst(%dma_wait3A_189 : memref<25x80xi32, #tpu.memory_space<vmem>>)
      %dma_wait3A_194 = arith.constant 0 : i32
      %dma_wait3A_195 = arith.constant 0 : i32
      %dma_wait3A_196 = arith.constant 0 : i32
      %dma_wait3A_197 = tpu.memref_slice %arg12[%rem3A_128, %dma_wait3A_195, %dma_wait3A_196] : memref<2x25x80xi32, #tpu.memory_space<vmem>> -> memref<1x25x80xi32, #tpu.memory_space<vmem>>
      %dma_wait3A_198 = tpu.memref_squeeze %dma_wait3A_197 : memref<1x25x80xi32, #tpu.memory_space<vmem>> -> memref<25x80xi32, #tpu.memory_space<vmem>>
      %dma_wait3A_199 = arith.constant 0 : i32
      %dma_wait3A_200 = arith.constant 0 : i32
      %dma_wait3A_201 = tpu.memref_slice %arg3[%add3A, %dma_wait3A_194, %dma_wait3A_199, %dma_wait3A_200] : memref<32x5x25x80xi32, #tpu.memory_space<hbm>> -> memref<1x1x25x80xi32, #tpu.memory_space<hbm>>
      %dma_wait3A_202 = tpu.memref_squeeze %dma_wait3A_201 : memref<1x1x25x80xi32, #tpu.memory_space<hbm>> -> memref<25x80xi32, #tpu.memory_space<hbm>>
      %dma_wait3A_203 = tpu.memref_slice %arg27[%rem3A_128] : memref<2x!tpu.dma_semaphore, #tpu.memory_space<semaphore_mem>> -> memref<1x!tpu.dma_semaphore, #tpu.memory_space<semaphore_mem>>
      %dma_wait3A_204 = tpu.memref_squeeze %dma_wait3A_203 : memref<1x!tpu.dma_semaphore, #tpu.memory_space<semaphore_mem>> -> memref<!tpu.dma_semaphore, #tpu.memory_space<semaphore_mem>>
      %dma_wait3A_205 = arith.constant 0 : i32
      %dma_wait3A_206 = arith.constant 0 : i32
      %dma_wait3A_207 = tpu.memref_slice %arg12[%rem3A_128, %dma_wait3A_205, %dma_wait3A_206] : memref<2x25x80xi32, #tpu.memory_space<vmem>> -> memref<1x25x80xi32, #tpu.memory_space<vmem>>
      %dma_wait3A_208 = tpu.memref_squeeze %dma_wait3A_207 : memref<1x25x80xi32, #tpu.memory_space<vmem>> -> memref<25x80xi32, #tpu.memory_space<vmem>>
      %dma_wait3A_209 = arith.constant 0 : i32
      %dma_wait3A_210 = arith.constant 0 : i32
      %dma_wait3A_211 = tpu.memref_slice %arg3[%add3A, %dma_wait3A_194, %dma_wait3A_209, %dma_wait3A_210] : memref<32x5x25x80xi32, #tpu.memory_space<hbm>> -> memref<1x1x25x80xi32, #tpu.memory_space<hbm>>
      %dma_wait3A_212 = tpu.memref_squeeze %dma_wait3A_211 : memref<1x1x25x80xi32, #tpu.memory_space<hbm>> -> memref<25x80xi32, #tpu.memory_space<hbm>>
      tpu.wait_dma2 semaphore(%dma_wait3A_204 : memref<!tpu.dma_semaphore, #tpu.memory_space<semaphore_mem>>) src(%dma_wait3A_212 : memref<25x80xi32, #tpu.memory_space<hbm>>) dst(%dma_wait3A_208 : memref<25x80xi32, #tpu.memory_space<vmem>>)
      %dma_start3A_213 = arith.constant 0 : i32
      %dma_start3A_214 = arith.constant 0 : i32
      %dma_start3A_215 = arith.constant 0 : i32
      %dma_start3A_216 = arith.constant 0 : i32
      %dma_start3A_217 = arith.constant 0 : i32
      %dma_start3A_218 = tpu.memref_slice %arg13[%dma_start3A_214, %dma_start3A_216, %dma_start3A_217] : memref<2x80x128xf32, #tpu.memory_space<vmem>> -> memref<1x80x128xf32, #tpu.memory_space<vmem>>
      %dma_start3A_219 = tpu.memref_squeeze %dma_start3A_218 : memref<1x80x128xf32, #tpu.memory_space<vmem>> -> memref<80x128xf32, #tpu.memory_space<vmem>>
      %dma_start3A_220 = arith.constant 0 : i32
      %dma_start3A_221 = tpu.memref_slice %arg11[%rem3A_128, %dma_start3A_213, %dma_start3A_220] : memref<2x25x80xi32, #tpu.memory_space<vmem>> -> memref<1x1x80xi32, #tpu.memory_space<vmem>>
      %dma_start3A_222 = tpu.memref_squeeze %dma_start3A_221 : memref<1x1x80xi32, #tpu.memory_space<vmem>> -> memref<80xi32, #tpu.memory_space<vmem>>
      %dma_start3A_223 = arith.constant 0 : i32
      %dma_start3A_224 = arith.constant 0 : i32
      %dma_start3A_225 = tpu.memref_slice %arg5[%dma_start3A_223, %dma_start3A_224] : memref<10000x128xf32, #tpu.memory_space<hbm>> -> memref<10000x128xf32, #tpu.memory_space<hbm>>
      %dma_start3A_226 = tpu.memref_slice %arg20[%dma_start3A_215] : memref<2x!tpu.dma_semaphore, #tpu.memory_space<semaphore_mem>> -> memref<1x!tpu.dma_semaphore, #tpu.memory_space<semaphore_mem>>
      %dma_start3A_227 = tpu.memref_squeeze %dma_start3A_226 : memref<1x!tpu.dma_semaphore, #tpu.memory_space<semaphore_mem>> -> memref<!tpu.dma_semaphore, #tpu.memory_space<semaphore_mem>>
      tpu.enqueue_indirect_dma source(%dma_start3A_225 : memref<10000x128xf32, #tpu.memory_space<hbm>>) target(%dma_start3A_219 : memref<80x128xf32, #tpu.memory_space<vmem>>) offsets(%dma_start3A_222 : memref<80xi32, #tpu.memory_space<vmem>>) semaphore(%dma_start3A_227 : memref<!tpu.dma_semaphore, #tpu.memory_space<semaphore_mem>>)
      %dma_start3A_228 = arith.constant 1 : i32
      %dma_start3A_229 = arith.constant 1 : i32
      %dma_start3A_230 = arith.constant 1 : i32
      %dma_start3A_231 = arith.constant 0 : i32
      %dma_start3A_232 = arith.constant 0 : i32
      %dma_start3A_233 = tpu.memref_slice %arg13[%dma_start3A_229, %dma_start3A_231, %dma_start3A_232] : memref<2x80x128xf32, #tpu.memory_space<vmem>> -> memref<1x80x128xf32, #tpu.memory_space<vmem>>
      %dma_start3A_234 = tpu.memref_squeeze %dma_start3A_233 : memref<1x80x128xf32, #tpu.memory_space<vmem>> -> memref<80x128xf32, #tpu.memory_space<vmem>>
      %dma_start3A_235 = arith.constant 0 : i32
      %dma_start3A_236 = tpu.memref_slice %arg11[%rem3A_128, %dma_start3A_228, %dma_start3A_235] : memref<2x25x80xi32, #tpu.memory_space<vmem>> -> memref<1x1x80xi32, #tpu.memory_space<vmem>>
      %dma_start3A_237 = tpu.memref_squeeze %dma_start3A_236 : memref<1x1x80xi32, #tpu.memory_space<vmem>> -> memref<80xi32, #tpu.memory_space<vmem>>
      %dma_start3A_238 = arith.constant 0 : i32
      %dma_start3A_239 = arith.constant 0 : i32
      %dma_start3A_240 = tpu.memref_slice %arg5[%dma_start3A_238, %dma_start3A_239] : memref<10000x128xf32, #tpu.memory_space<hbm>> -> memref<10000x128xf32, #tpu.memory_space<hbm>>
      %dma_start3A_241 = tpu.memref_slice %arg20[%dma_start3A_230] : memref<2x!tpu.dma_semaphore, #tpu.memory_space<semaphore_mem>> -> memref<1x!tpu.dma_semaphore, #tpu.memory_space<semaphore_mem>>
      %dma_start3A_242 = tpu.memref_squeeze %dma_start3A_241 : memref<1x!tpu.dma_semaphore, #tpu.memory_space<semaphore_mem>> -> memref<!tpu.dma_semaphore, #tpu.memory_space<semaphore_mem>>
      tpu.enqueue_indirect_dma source(%dma_start3A_240 : memref<10000x128xf32, #tpu.memory_space<hbm>>) target(%dma_start3A_234 : memref<80x128xf32, #tpu.memory_space<vmem>>) offsets(%dma_start3A_237 : memref<80xi32, #tpu.memory_space<vmem>>) semaphore(%dma_start3A_242 : memref<!tpu.dma_semaphore, #tpu.memory_space<semaphore_mem>>)
      %dma_wait3A_243 = arith.constant 0 : i32
      %dma_wait3A_244 = arith.constant 0 : i32
      %dma_wait3A_245 = arith.constant 0 : i32
      %dma_wait3A_246 = arith.constant 0 : i32
      %dma_wait3A_247 = arith.constant 0 : i32
      %dma_wait3A_248 = tpu.memref_slice %arg13[%dma_wait3A_244, %dma_wait3A_246, %dma_wait3A_247] : memref<2x80x128xf32, #tpu.memory_space<vmem>> -> memref<1x80x128xf32, #tpu.memory_space<vmem>>
      %dma_wait3A_249 = tpu.memref_squeeze %dma_wait3A_248 : memref<1x80x128xf32, #tpu.memory_space<vmem>> -> memref<80x128xf32, #tpu.memory_space<vmem>>
      %dma_wait3A_250 = arith.constant 0 : i32
      %dma_wait3A_251 = tpu.memref_slice %arg11[%rem3A_128, %dma_wait3A_243, %dma_wait3A_250] : memref<2x25x80xi32, #tpu.memory_space<vmem>> -> memref<1x1x80xi32, #tpu.memory_space<vmem>>
      %dma_wait3A_252 = tpu.memref_squeeze %dma_wait3A_251 : memref<1x1x80xi32, #tpu.memory_space<vmem>> -> memref<80xi32, #tpu.memory_space<vmem>>
      %dma_wait3A_253 = arith.constant 0 : i32
      %dma_wait3A_254 = arith.constant 0 : i32
      %dma_wait3A_255 = tpu.memref_slice %arg5[%dma_wait3A_253, %dma_wait3A_254] : memref<10000x128xf32, #tpu.memory_space<hbm>> -> memref<10000x128xf32, #tpu.memory_space<hbm>>
      %dma_wait3A_256 = tpu.memref_slice %arg20[%dma_wait3A_245] : memref<2x!tpu.dma_semaphore, #tpu.memory_space<semaphore_mem>> -> memref<1x!tpu.dma_semaphore, #tpu.memory_space<semaphore_mem>>
      %dma_wait3A_257 = tpu.memref_squeeze %dma_wait3A_256 : memref<1x!tpu.dma_semaphore, #tpu.memory_space<semaphore_mem>> -> memref<!tpu.dma_semaphore, #tpu.memory_space<semaphore_mem>>
      tpu.wait_indirect_dma semaphore(%dma_wait3A_257 : memref<!tpu.dma_semaphore, #tpu.memory_space<semaphore_mem>>) src(%dma_wait3A_255 : memref<10000x128xf32, #tpu.memory_space<hbm>>) dst(%dma_wait3A_249 : memref<80x128xf32, #tpu.memory_space<vmem>>)
      %dma_start3A_258 = arith.constant 0 : i32
      %dma_start3A_259 = arith.constant 0 : i32
      %dma_start3A_260 = arith.constant 0 : i32
      %dma_start3A_261 = arith.constant 0 : i32
      %dma_start3A_262 = arith.constant 0 : i32
      %dma_start3A_263 = tpu.memref_slice %arg13[%dma_start3A_258, %dma_start3A_261, %dma_start3A_262] : memref<2x80x128xf32, #tpu.memory_space<vmem>> -> memref<1x80x128xf32, #tpu.memory_space<vmem>>
      %dma_start3A_264 = tpu.memref_squeeze %dma_start3A_263 : memref<1x80x128xf32, #tpu.memory_space<vmem>> -> memref<80x128xf32, #tpu.memory_space<vmem>>
      %dma_start3A_265 = arith.constant 0 : i32
      %dma_start3A_266 = tpu.memref_slice %arg12[%rem3A_128, %dma_start3A_259, %dma_start3A_265] : memref<2x25x80xi32, #tpu.memory_space<vmem>> -> memref<1x1x80xi32, #tpu.memory_space<vmem>>
      %dma_start3A_267 = tpu.memref_squeeze %dma_start3A_266 : memref<1x1x80xi32, #tpu.memory_space<vmem>> -> memref<80xi32, #tpu.memory_space<vmem>>
      %dma_start3A_268 = arith.constant 0 : i32
      %dma_start3A_269 = arith.constant 0 : i32
      %dma_start3A_270 = tpu.memref_slice %arg18[%dma_start3A_268, %dma_start3A_269] : memref<10000x128xf32, #tpu.memory_space<vmem_shared>> -> memref<10000x128xf32, #tpu.memory_space<vmem_shared>>
      %dma_start3A_271 = tpu.memref_slice %arg21[%dma_start3A_260] : memref<2x!tpu.dma_semaphore, #tpu.memory_space<semaphore_mem>> -> memref<1x!tpu.dma_semaphore, #tpu.memory_space<semaphore_mem>>
      %dma_start3A_272 = tpu.memref_squeeze %dma_start3A_271 : memref<1x!tpu.dma_semaphore, #tpu.memory_space<semaphore_mem>> -> memref<!tpu.dma_semaphore, #tpu.memory_space<semaphore_mem>>
      tpu.enqueue_indirect_dma source(%dma_start3A_264 : memref<80x128xf32, #tpu.memory_space<vmem>>) target(%dma_start3A_270 : memref<10000x128xf32, #tpu.memory_space<vmem_shared>>) offsets(%dma_start3A_267 : memref<80xi32, #tpu.memory_space<vmem>>) semaphore(%dma_start3A_272 : memref<!tpu.dma_semaphore, #tpu.memory_space<semaphore_mem>>) {add = true}
      %dma_start3A_273 = arith.constant 0 : i32
      %dma_start3A_274 = arith.constant 0 : i32
      %dma_start3A_275 = tpu.memref_slice %arg12[%rem3A_128, %dma_start3A_273, %dma_start3A_274] : memref<2x25x80xi32, #tpu.memory_space<vmem>> -> memref<1x1x80xi32, #tpu.memory_space<vmem>>
      %dma_start3A_276 = tpu.memref_squeeze %dma_start3A_275 : memref<1x1x80xi32, #tpu.memory_space<vmem>> -> memref<80xi32, #tpu.memory_space<vmem>>
      %dma_start3A_277 = arith.constant 0 : i32
      %dma_start3A_278 = tpu.memref_slice %arg19[%dma_start3A_277] : memref<10000xf32, #tpu.memory_space<vmem_shared>> -> memref<10000xf32, #tpu.memory_space<vmem_shared>>
      tpu.enqueue_indirect_dma source(%arg14 : memref<80xf32, #tpu.memory_space<vmem>>) target(%dma_start3A_278 : memref<10000xf32, #tpu.memory_space<vmem_shared>>) offsets(%dma_start3A_276 : memref<80xi32, #tpu.memory_space<vmem>>) semaphore(%arg22 : memref<!tpu.dma_semaphore, #tpu.memory_space<semaphore_mem>>) {add = true}
      %dma_wait3A_279 = arith.constant 0 : i32
      %dma_wait3A_280 = arith.constant 0 : i32
      %dma_wait3A_281 = arith.constant 0 : i32
      %dma_wait3A_282 = arith.constant 0 : i32
      %dma_wait3A_283 = arith.constant 0 : i32
      %dma_wait3A_284 = tpu.memref_slice %arg13[%dma_wait3A_279, %dma_wait3A_282, %dma_wait3A_283] : memref<2x80x128xf32, #tpu.memory_space<vmem>> -> memref<1x80x128xf32, #tpu.memory_space<vmem>>
      %dma_wait3A_285 = tpu.memref_squeeze %dma_wait3A_284 : memref<1x80x128xf32, #tpu.memory_space<vmem>> -> memref<80x128xf32, #tpu.memory_space<vmem>>
      %dma_wait3A_286 = arith.constant 0 : i32
      %dma_wait3A_287 = tpu.memref_slice %arg12[%rem3A_128, %dma_wait3A_280, %dma_wait3A_286] : memref<2x25x80xi32, #tpu.memory_space<vmem>> -> memref<1x1x80xi32, #tpu.memory_space<vmem>>
      %dma_wait3A_288 = tpu.memref_squeeze %dma_wait3A_287 : memref<1x1x80xi32, #tpu.memory_space<vmem>> -> memref<80xi32, #tpu.memory_space<vmem>>
      %dma_wait3A_289 = arith.constant 0 : i32
      %dma_wait3A_290 = arith.constant 0 : i32
      %dma_wait3A_291 = tpu.memref_slice %arg18[%dma_wait3A_289, %dma_wait3A_290] : memref<10000x128xf32, #tpu.memory_space<vmem_shared>> -> memref<10000x128xf32, #tpu.memory_space<vmem_shared>>
      %dma_wait3A_292 = tpu.memref_slice %arg21[%dma_wait3A_281] : memref<2x!tpu.dma_semaphore, #tpu.memory_space<semaphore_mem>> -> memref<1x!tpu.dma_semaphore, #tpu.memory_space<semaphore_mem>>
      %dma_wait3A_293 = tpu.memref_squeeze %dma_wait3A_292 : memref<1x!tpu.dma_semaphore, #tpu.memory_space<semaphore_mem>> -> memref<!tpu.dma_semaphore, #tpu.memory_space<semaphore_mem>>
      tpu.wait_indirect_dma semaphore(%dma_wait3A_293 : memref<!tpu.dma_semaphore, #tpu.memory_space<semaphore_mem>>) src(%dma_wait3A_285 : memref<80x128xf32, #tpu.memory_space<vmem>>) dst(%dma_wait3A_291 : memref<10000x128xf32, #tpu.memory_space<vmem_shared>>)
      %dma_start3A_294 = arith.constant 2 : i32
      %dma_start3A_295 = arith.constant 0 : i32
      %dma_start3A_296 = arith.constant 0 : i32
      %dma_start3A_297 = arith.constant 0 : i32
      %dma_start3A_298 = arith.constant 0 : i32
      %dma_start3A_299 = tpu.memref_slice %arg13[%dma_start3A_295, %dma_start3A_297, %dma_start3A_298] : memref<2x80x128xf32, #tpu.memory_space<vmem>> -> memref<1x80x128xf32, #tpu.memory_space<vmem>>
      %dma_start3A_300 = tpu.memref_squeeze %dma_start3A_299 : memref<1x80x128xf32, #tpu.memory_space<vmem>> -> memref<80x128xf32, #tpu.memory_space<vmem>>
      %dma_start3A_301 = arith.constant 0 : i32
      %dma_start3A_302 = tpu.memref_slice %arg11[%rem3A_128, %dma_start3A_294, %dma_start3A_301] : memref<2x25x80xi32, #tpu.memory_space<vmem>> -> memref<1x1x80xi32, #tpu.memory_space<vmem>>
      %dma_start3A_303 = tpu.memref_squeeze %dma_start3A_302 : memref<1x1x80xi32, #tpu.memory_space<vmem>> -> memref<80xi32, #tpu.memory_space<vmem>>
      %dma_start3A_304 = arith.constant 0 : i32
      %dma_start3A_305 = arith.constant 0 : i32
      %dma_start3A_306 = tpu.memref_slice %arg5[%dma_start3A_304, %dma_start3A_305] : memref<10000x128xf32, #tpu.memory_space<hbm>> -> memref<10000x128xf32, #tpu.memory_space<hbm>>
      %dma_start3A_307 = tpu.memref_slice %arg20[%dma_start3A_296] : memref<2x!tpu.dma_semaphore, #tpu.memory_space<semaphore_mem>> -> memref<1x!tpu.dma_semaphore, #tpu.memory_space<semaphore_mem>>
      %dma_start3A_308 = tpu.memref_squeeze %dma_start3A_307 : memref<1x!tpu.dma_semaphore, #tpu.memory_space<semaphore_mem>> -> memref<!tpu.dma_semaphore, #tpu.memory_space<semaphore_mem>>
      tpu.enqueue_indirect_dma source(%dma_start3A_306 : memref<10000x128xf32, #tpu.memory_space<hbm>>) target(%dma_start3A_300 : memref<80x128xf32, #tpu.memory_space<vmem>>) offsets(%dma_start3A_303 : memref<80xi32, #tpu.memory_space<vmem>>) semaphore(%dma_start3A_308 : memref<!tpu.dma_semaphore, #tpu.memory_space<semaphore_mem>>)
      %dma_wait3A_309 = arith.constant 1 : i32
      %dma_wait3A_310 = arith.constant 1 : i32
      %dma_wait3A_311 = arith.constant 1 : i32
      %dma_wait3A_312 = arith.constant 0 : i32
      %dma_wait3A_313 = arith.constant 0 : i32
      %dma_wait3A_314 = tpu.memref_slice %arg13[%dma_wait3A_310, %dma_wait3A_312, %dma_wait3A_313] : memref<2x80x128xf32, #tpu.memory_space<vmem>> -> memref<1x80x128xf32, #tpu.memory_space<vmem>>
      %dma_wait3A_315 = tpu.memref_squeeze %dma_wait3A_314 : memref<1x80x128xf32, #tpu.memory_space<vmem>> -> memref<80x128xf32, #tpu.memory_space<vmem>>
      %dma_wait3A_316 = arith.constant 0 : i32
      %dma_wait3A_317 = tpu.memref_slice %arg11[%rem3A_128, %dma_wait3A_309, %dma_wait3A_316] : memref<2x25x80xi32, #tpu.memory_space<vmem>> -> memref<1x1x80xi32, #tpu.memory_space<vmem>>
      %dma_wait3A_318 = tpu.memref_squeeze %dma_wait3A_317 : memref<1x1x80xi32, #tpu.memory_space<vmem>> -> memref<80xi32, #tpu.memory_space<vmem>>
      %dma_wait3A_319 = arith.constant 0 : i32
      %dma_wait3A_320 = arith.constant 0 : i32
      %dma_wait3A_321 = tpu.memref_slice %arg5[%dma_wait3A_319, %dma_wait3A_320] : memref<10000x128xf32, #tpu.memory_space<hbm>> -> memref<10000x128xf32, #tpu.memory_space<hbm>>
      %dma_wait3A_322 = tpu.memref_slice %arg20[%dma_wait3A_311] : memref<2x!tpu.dma_semaphore, #tpu.memory_space<semaphore_mem>> -> memref<1x!tpu.dma_semaphore, #tpu.memory_space<semaphore_mem>>
      %dma_wait3A_323 = tpu.memref_squeeze %dma_wait3A_322 : memref<1x!tpu.dma_semaphore, #tpu.memory_space<semaphore_mem>> -> memref<!tpu.dma_semaphore, #tpu.memory_space<semaphore_mem>>
      tpu.wait_indirect_dma semaphore(%dma_wait3A_323 : memref<!tpu.dma_semaphore, #tpu.memory_space<semaphore_mem>>) src(%dma_wait3A_321 : memref<10000x128xf32, #tpu.memory_space<hbm>>) dst(%dma_wait3A_315 : memref<80x128xf32, #tpu.memory_space<vmem>>)
      %dma_start3A_324 = arith.constant 1 : i32
      %dma_start3A_325 = arith.constant 1 : i32
      %dma_start3A_326 = arith.constant 1 : i32
      %dma_start3A_327 = arith.constant 0 : i32
      %dma_start3A_328 = arith.constant 0 : i32
      %dma_start3A_329 = tpu.memref_slice %arg13[%dma_start3A_324, %dma_start3A_327, %dma_start3A_328] : memref<2x80x128xf32, #tpu.memory_space<vmem>> -> memref<1x80x128xf32, #tpu.memory_space<vmem>>
      %dma_start3A_330 = tpu.memref_squeeze %dma_start3A_329 : memref<1x80x128xf32, #tpu.memory_space<vmem>> -> memref<80x128xf32, #tpu.memory_space<vmem>>
      %dma_start3A_331 = arith.constant 0 : i32
      %dma_start3A_332 = tpu.memref_slice %arg12[%rem3A_128, %dma_start3A_325, %dma_start3A_331] : memref<2x25x80xi32, #tpu.memory_space<vmem>> -> memref<1x1x80xi32, #tpu.memory_space<vmem>>
      %dma_start3A_333 = tpu.memref_squeeze %dma_start3A_332 : memref<1x1x80xi32, #tpu.memory_space<vmem>> -> memref<80xi32, #tpu.memory_space<vmem>>
      %dma_start3A_334 = arith.constant 0 : i32
      %dma_start3A_335 = arith.constant 0 : i32
      %dma_start3A_336 = tpu.memref_slice %arg18[%dma_start3A_334, %dma_start3A_335] : memref<10000x128xf32, #tpu.memory_space<vmem_shared>> -> memref<10000x128xf32, #tpu.memory_space<vmem_shared>>
      %dma_start3A_337 = tpu.memref_slice %arg21[%dma_start3A_326] : memref<2x!tpu.dma_semaphore, #tpu.memory_space<semaphore_mem>> -> memref<1x!tpu.dma_semaphore, #tpu.memory_space<semaphore_mem>>
      %dma_start3A_338 = tpu.memref_squeeze %dma_start3A_337 : memref<1x!tpu.dma_semaphore, #tpu.memory_space<semaphore_mem>> -> memref<!tpu.dma_semaphore, #tpu.memory_space<semaphore_mem>>
      tpu.enqueue_indirect_dma source(%dma_start3A_330 : memref<80x128xf32, #tpu.memory_space<vmem>>) target(%dma_start3A_336 : memref<10000x128xf32, #tpu.memory_space<vmem_shared>>) offsets(%dma_start3A_333 : memref<80xi32, #tpu.memory_space<vmem>>) semaphore(%dma_start3A_338 : memref<!tpu.dma_semaphore, #tpu.memory_space<semaphore_mem>>) {add = true}
      %dma_start3A_339 = arith.constant 1 : i32
      %dma_start3A_340 = arith.constant 0 : i32
      %dma_start3A_341 = tpu.memref_slice %arg12[%rem3A_128, %dma_start3A_339, %dma_start3A_340] : memref<2x25x80xi32, #tpu.memory_space<vmem>> -> memref<1x1x80xi32, #tpu.memory_space<vmem>>
      %dma_start3A_342 = tpu.memref_squeeze %dma_start3A_341 : memref<1x1x80xi32, #tpu.memory_space<vmem>> -> memref<80xi32, #tpu.memory_space<vmem>>
      %dma_start3A_343 = arith.constant 0 : i32
      %dma_start3A_344 = tpu.memref_slice %arg19[%dma_start3A_343] : memref<10000xf32, #tpu.memory_space<vmem_shared>> -> memref<10000xf32, #tpu.memory_space<vmem_shared>>
      tpu.enqueue_indirect_dma source(%arg14 : memref<80xf32, #tpu.memory_space<vmem>>) target(%dma_start3A_344 : memref<10000xf32, #tpu.memory_space<vmem_shared>>) offsets(%dma_start3A_342 : memref<80xi32, #tpu.memory_space<vmem>>) semaphore(%arg22 : memref<!tpu.dma_semaphore, #tpu.memory_space<semaphore_mem>>) {add = true}
      %dma_wait3A_345 = arith.constant 1 : i32
      %dma_wait3A_346 = arith.constant 1 : i32
      %dma_wait3A_347 = arith.constant 1 : i32
      %dma_wait3A_348 = arith.constant 0 : i32
      %dma_wait3A_349 = arith.constant 0 : i32
      %dma_wait3A_350 = tpu.memref_slice %arg13[%dma_wait3A_345, %dma_wait3A_348, %dma_wait3A_349] : memref<2x80x128xf32, #tpu.memory_space<vmem>> -> memref<1x80x128xf32, #tpu.memory_space<vmem>>
      %dma_wait3A_351 = tpu.memref_squeeze %dma_wait3A_350 : memref<1x80x128xf32, #tpu.memory_space<vmem>> -> memref<80x128xf32, #tpu.memory_space<vmem>>
      %dma_wait3A_352 = arith.constant 0 : i32
      %dma_wait3A_353 = tpu.memref_slice %arg12[%rem3A_128, %dma_wait3A_346, %dma_wait3A_352] : memref<2x25x80xi32, #tpu.memory_space<vmem>> -> memref<1x1x80xi32, #tpu.memory_space<vmem>>
      %dma_wait3A_354 = tpu.memref_squeeze %dma_wait3A_353 : memref<1x1x80xi32, #tpu.memory_space<vmem>> -> memref<80xi32, #tpu.memory_space<vmem>>
      %dma_wait3A_355 = arith.constant 0 : i32
      %dma_wait3A_356 = arith.constant 0 : i32
      %dma_wait3A_357 = tpu.memref_slice %arg18[%dma_wait3A_355, %dma_wait3A_356] : memref<10000x128xf32, #tpu.memory_space<vmem_shared>> -> memref<10000x128xf32, #tpu.memory_space<vmem_shared>>
      %dma_wait3A_358 = tpu.memref_slice %arg21[%dma_wait3A_347] : memref<2x!tpu.dma_semaphore, #tpu.memory_space<semaphore_mem>> -> memref<1x!tpu.dma_semaphore, #tpu.memory_space<semaphore_mem>>
      %dma_wait3A_359 = tpu.memref_squeeze %dma_wait3A_358 : memref<1x!tpu.dma_semaphore, #tpu.memory_space<semaphore_mem>> -> memref<!tpu.dma_semaphore, #tpu.memory_space<semaphore_mem>>
      tpu.wait_indirect_dma semaphore(%dma_wait3A_359 : memref<!tpu.dma_semaphore, #tpu.memory_space<semaphore_mem>>) src(%dma_wait3A_351 : memref<80x128xf32, #tpu.memory_space<vmem>>) dst(%dma_wait3A_357 : memref<10000x128xf32, #tpu.memory_space<vmem_shared>>)
      %dma_start3A_360 = arith.constant 3 : i32
      %dma_start3A_361 = arith.constant 1 : i32
      %dma_start3A_362 = arith.constant 1 : i32
      %dma_start3A_363 = arith.constant 0 : i32
      %dma_start3A_364 = arith.constant 0 : i32
      %dma_start3A_365 = tpu.memref_slice %arg13[%dma_start3A_361, %dma_start3A_363, %dma_start3A_364] : memref<2x80x128xf32, #tpu.memory_space<vmem>> -> memref<1x80x128xf32, #tpu.memory_space<vmem>>
      %dma_start3A_366 = tpu.memref_squeeze %dma_start3A_365 : memref<1x80x128xf32, #tpu.memory_space<vmem>> -> memref<80x128xf32, #tpu.memory_space<vmem>>
      %dma_start3A_367 = arith.constant 0 : i32
      %dma_start3A_368 = tpu.memref_slice %arg11[%rem3A_128, %dma_start3A_360, %dma_start3A_367] : memref<2x25x80xi32, #tpu.memory_space<vmem>> -> memref<1x1x80xi32, #tpu.memory_space<vmem>>
      %dma_start3A_369 = tpu.memref_squeeze %dma_start3A_368 : memref<1x1x80xi32, #tpu.memory_space<vmem>> -> memref<80xi32, #tpu.memory_space<vmem>>
      %dma_start3A_370 = arith.constant 0 : i32
      %dma_start3A_371 = arith.constant 0 : i32
      %dma_start3A_372 = tpu.memref_slice %arg5[%dma_start3A_370, %dma_start3A_371] : memref<10000x128xf32, #tpu.memory_space<hbm>> -> memref<10000x128xf32, #tpu.memory_space<hbm>>
      %dma_start3A_373 = tpu.memref_slice %arg20[%dma_start3A_362] : memref<2x!tpu.dma_semaphore, #tpu.memory_space<semaphore_mem>> -> memref<1x!tpu.dma_semaphore, #tpu.memory_space<semaphore_mem>>
      %dma_start3A_374 = tpu.memref_squeeze %dma_start3A_373 : memref<1x!tpu.dma_semaphore, #tpu.memory_space<semaphore_mem>> -> memref<!tpu.dma_semaphore, #tpu.memory_space<semaphore_mem>>
      tpu.enqueue_indirect_dma source(%dma_start3A_372 : memref<10000x128xf32, #tpu.memory_space<hbm>>) target(%dma_start3A_366 : memref<80x128xf32, #tpu.memory_space<vmem>>) offsets(%dma_start3A_369 : memref<80xi32, #tpu.memory_space<vmem>>) semaphore(%dma_start3A_374 : memref<!tpu.dma_semaphore, #tpu.memory_space<semaphore_mem>>)
      %dma_wait3A_375 = arith.constant 2 : i32
      %dma_wait3A_376 = arith.constant 0 : i32
      %dma_wait3A_377 = arith.constant 0 : i32
      %dma_wait3A_378 = arith.constant 0 : i32
      %dma_wait3A_379 = arith.constant 0 : i32
      %dma_wait3A_380 = tpu.memref_slice %arg13[%dma_wait3A_376, %dma_wait3A_378, %dma_wait3A_379] : memref<2x80x128xf32, #tpu.memory_space<vmem>> -> memref<1x80x128xf32, #tpu.memory_space<vmem>>
      %dma_wait3A_381 = tpu.memref_squeeze %dma_wait3A_380 : memref<1x80x128xf32, #tpu.memory_space<vmem>> -> memref<80x128xf32, #tpu.memory_space<vmem>>
      %dma_wait3A_382 = arith.constant 0 : i32
      %dma_wait3A_383 = tpu.memref_slice %arg11[%rem3A_128, %dma_wait3A_375, %dma_wait3A_382] : memref<2x25x80xi32, #tpu.memory_space<vmem>> -> memref<1x1x80xi32, #tpu.memory_space<vmem>>
      %dma_wait3A_384 = tpu.memref_squeeze %dma_wait3A_383 : memref<1x1x80xi32, #tpu.memory_space<vmem>> -> memref<80xi32, #tpu.memory_space<vmem>>
      %dma_wait3A_385 = arith.constant 0 : i32
      %dma_wait3A_386 = arith.constant 0 : i32
      %dma_wait3A_387 = tpu.memref_slice %arg5[%dma_wait3A_385, %dma_wait3A_386] : memref<10000x128xf32, #tpu.memory_space<hbm>> -> memref<10000x128xf32, #tpu.memory_space<hbm>>
      %dma_wait3A_388 = tpu.memref_slice %arg20[%dma_wait3A_377] : memref<2x!tpu.dma_semaphore, #tpu.memory_space<semaphore_mem>> -> memref<1x!tpu.dma_semaphore, #tpu.memory_space<semaphore_mem>>
      %dma_wait3A_389 = tpu.memref_squeeze %dma_wait3A_388 : memref<1x!tpu.dma_semaphore, #tpu.memory_space<semaphore_mem>> -> memref<!tpu.dma_semaphore, #tpu.memory_space<semaphore_mem>>
      tpu.wait_indirect_dma semaphore(%dma_wait3A_389 : memref<!tpu.dma_semaphore, #tpu.memory_space<semaphore_mem>>) src(%dma_wait3A_387 : memref<10000x128xf32, #tpu.memory_space<hbm>>) dst(%dma_wait3A_381 : memref<80x128xf32, #tpu.memory_space<vmem>>)
      %dma_start3A_390 = arith.constant 0 : i32
      %dma_start3A_391 = arith.constant 2 : i32
      %dma_start3A_392 = arith.constant 0 : i32
      %dma_start3A_393 = arith.constant 0 : i32
      %dma_start3A_394 = arith.constant 0 : i32
      %dma_start3A_395 = tpu.memref_slice %arg13[%dma_start3A_390, %dma_start3A_393, %dma_start3A_394] : memref<2x80x128xf32, #tpu.memory_space<vmem>> -> memref<1x80x128xf32, #tpu.memory_space<vmem>>
      %dma_start3A_396 = tpu.memref_squeeze %dma_start3A_395 : memref<1x80x128xf32, #tpu.memory_space<vmem>> -> memref<80x128xf32, #tpu.memory_space<vmem>>
      %dma_start3A_397 = arith.constant 0 : i32
      %dma_start3A_398 = tpu.memref_slice %arg12[%rem3A_128, %dma_start3A_391, %dma_start3A_397] : memref<2x25x80xi32, #tpu.memory_space<vmem>> -> memref<1x1x80xi32, #tpu.memory_space<vmem>>
      %dma_start3A_399 = tpu.memref_squeeze %dma_start3A_398 : memref<1x1x80xi32, #tpu.memory_space<vmem>> -> memref<80xi32, #tpu.memory_space<vmem>>
      %dma_start3A_400 = arith.constant 0 : i32
      %dma_start3A_401 = arith.constant 0 : i32
      %dma_start3A_402 = tpu.memref_slice %arg18[%dma_start3A_400, %dma_start3A_401] : memref<10000x128xf32, #tpu.memory_space<vmem_shared>> -> memref<10000x128xf32, #tpu.memory_space<vmem_shared>>
      %dma_start3A_403 = tpu.memref_slice %arg21[%dma_start3A_392] : memref<2x!tpu.dma_semaphore, #tpu.memory_space<semaphore_mem>> -> memref<1x!tpu.dma_semaphore, #tpu.memory_space<semaphore_mem>>
      %dma_start3A_404 = tpu.memref_squeeze %dma_start3A_403 : memref<1x!tpu.dma_semaphore, #tpu.memory_space<semaphore_mem>> -> memref<!tpu.dma_semaphore, #tpu.memory_space<semaphore_mem>>
      tpu.enqueue_indirect_dma source(%dma_start3A_396 : memref<80x128xf32, #tpu.memory_space<vmem>>) target(%dma_start3A_402 : memref<10000x128xf32, #tpu.memory_space<vmem_shared>>) offsets(%dma_start3A_399 : memref<80xi32, #tpu.memory_space<vmem>>) semaphore(%dma_start3A_404 : memref<!tpu.dma_semaphore, #tpu.memory_space<semaphore_mem>>) {add = true}
      %dma_start3A_405 = arith.constant 2 : i32
      %dma_start3A_406 = arith.constant 0 : i32
      %dma_start3A_407 = tpu.memref_slice %arg12[%rem3A_128, %dma_start3A_405, %dma_start3A_406] : memref<2x25x80xi32, #tpu.memory_space<vmem>> -> memref<1x1x80xi32, #tpu.memory_space<vmem>>
      %dma_start3A_408 = tpu.memref_squeeze %dma_start3A_407 : memref<1x1x80xi32, #tpu.memory_space<vmem>> -> memref<80xi32, #tpu.memory_space<vmem>>
      %dma_start3A_409 = arith.constant 0 : i32
      %dma_start3A_410 = tpu.memref_slice %arg19[%dma_start3A_409] : memref<10000xf32, #tpu.memory_space<vmem_shared>> -> memref<10000xf32, #tpu.memory_space<vmem_shared>>
      tpu.enqueue_indirect_dma source(%arg14 : memref<80xf32, #tpu.memory_space<vmem>>) target(%dma_start3A_410 : memref<10000xf32, #tpu.memory_space<vmem_shared>>) offsets(%dma_start3A_408 : memref<80xi32, #tpu.memory_space<vmem>>) semaphore(%arg22 : memref<!tpu.dma_semaphore, #tpu.memory_space<semaphore_mem>>) {add = true}
      %dma_wait3A_411 = arith.constant 0 : i32
      %dma_wait3A_412 = arith.constant 2 : i32
      %dma_wait3A_413 = arith.constant 0 : i32
      %dma_wait3A_414 = arith.constant 0 : i32
      %dma_wait3A_415 = arith.constant 0 : i32
      %dma_wait3A_416 = tpu.memref_slice %arg13[%dma_wait3A_411, %dma_wait3A_414, %dma_wait3A_415] : memref<2x80x128xf32, #tpu.memory_space<vmem>> -> memref<1x80x128xf32, #tpu.memory_space<vmem>>
      %dma_wait3A_417 = tpu.memref_squeeze %dma_wait3A_416 : memref<1x80x128xf32, #tpu.memory_space<vmem>> -> memref<80x128xf32, #tpu.memory_space<vmem>>
      %dma_wait3A_418 = arith.constant 0 : i32
      %dma_wait3A_419 = tpu.memref_slice %arg12[%rem3A_128, %dma_wait3A_412, %dma_wait3A_418] : memref<2x25x80xi32, #tpu.memory_space<vmem>> -> memref<1x1x80xi32, #tpu.memory_space<vmem>>
      %dma_wait3A_420 = tpu.memref_squeeze %dma_wait3A_419 : memref<1x1x80xi32, #tpu.memory_space<vmem>> -> memref<80xi32, #tpu.memory_space<vmem>>
      %dma_wait3A_421 = arith.constant 0 : i32
      %dma_wait3A_422 = arith.constant 0 : i32
      %dma_wait3A_423 = tpu.memref_slice %arg18[%dma_wait3A_421, %dma_wait3A_422] : memref<10000x128xf32, #tpu.memory_space<vmem_shared>> -> memref<10000x128xf32, #tpu.memory_space<vmem_shared>>
      %dma_wait3A_424 = tpu.memref_slice %arg21[%dma_wait3A_413] : memref<2x!tpu.dma_semaphore, #tpu.memory_space<semaphore_mem>> -> memref<1x!tpu.dma_semaphore, #tpu.memory_space<semaphore_mem>>
      %dma_wait3A_425 = tpu.memref_squeeze %dma_wait3A_424 : memref<1x!tpu.dma_semaphore, #tpu.memory_space<semaphore_mem>> -> memref<!tpu.dma_semaphore, #tpu.memory_space<semaphore_mem>>
      tpu.wait_indirect_dma semaphore(%dma_wait3A_425 : memref<!tpu.dma_semaphore, #tpu.memory_space<semaphore_mem>>) src(%dma_wait3A_417 : memref<80x128xf32, #tpu.memory_space<vmem>>) dst(%dma_wait3A_423 : memref<10000x128xf32, #tpu.memory_space<vmem_shared>>)
      %dma_start3A_426 = arith.constant 4 : i32
      %dma_start3A_427 = arith.constant 0 : i32
      %dma_start3A_428 = arith.constant 0 : i32
      %dma_start3A_429 = arith.constant 0 : i32
      %dma_start3A_430 = arith.constant 0 : i32
      %dma_start3A_431 = tpu.memref_slice %arg13[%dma_start3A_427, %dma_start3A_429, %dma_start3A_430] : memref<2x80x128xf32, #tpu.memory_space<vmem>> -> memref<1x80x128xf32, #tpu.memory_space<vmem>>
      %dma_start3A_432 = tpu.memref_squeeze %dma_start3A_431 : memref<1x80x128xf32, #tpu.memory_space<vmem>> -> memref<80x128xf32, #tpu.memory_space<vmem>>
      %dma_start3A_433 = arith.constant 0 : i32
      %dma_start3A_434 = tpu.memref_slice %arg11[%rem3A_128, %dma_start3A_426, %dma_start3A_433] : memref<2x25x80xi32, #tpu.memory_space<vmem>> -> memref<1x1x80xi32, #tpu.memory_space<vmem>>
      %dma_start3A_435 = tpu.memref_squeeze %dma_start3A_434 : memref<1x1x80xi32, #tpu.memory_space<vmem>> -> memref<80xi32, #tpu.memory_space<vmem>>
      %dma_start3A_436 = arith.constant 0 : i32
      %dma_start3A_437 = arith.constant 0 : i32
      %dma_start3A_438 = tpu.memref_slice %arg5[%dma_start3A_436, %dma_start3A_437] : memref<10000x128xf32, #tpu.memory_space<hbm>> -> memref<10000x128xf32, #tpu.memory_space<hbm>>
      %dma_start3A_439 = tpu.memref_slice %arg20[%dma_start3A_428] : memref<2x!tpu.dma_semaphore, #tpu.memory_space<semaphore_mem>> -> memref<1x!tpu.dma_semaphore, #tpu.memory_space<semaphore_mem>>
      %dma_start3A_440 = tpu.memref_squeeze %dma_start3A_439 : memref<1x!tpu.dma_semaphore, #tpu.memory_space<semaphore_mem>> -> memref<!tpu.dma_semaphore, #tpu.memory_space<semaphore_mem>>
      tpu.enqueue_indirect_dma source(%dma_start3A_438 : memref<10000x128xf32, #tpu.memory_space<hbm>>) target(%dma_start3A_432 : memref<80x128xf32, #tpu.memory_space<vmem>>) offsets(%dma_start3A_435 : memref<80xi32, #tpu.memory_space<vmem>>) semaphore(%dma_start3A_440 : memref<!tpu.dma_semaphore, #tpu.memory_space<semaphore_mem>>)
      %dma_wait3A_441 = arith.constant 3 : i32
      %dma_wait3A_442 = arith.constant 1 : i32
      %dma_wait3A_443 = arith.constant 1 : i32
      %dma_wait3A_444 = arith.constant 0 : i32
      %dma_wait3A_445 = arith.constant 0 : i32
      %dma_wait3A_446 = tpu.memref_slice %arg13[%dma_wait3A_442, %dma_wait3A_444, %dma_wait3A_445] : memref<2x80x128xf32, #tpu.memory_space<vmem>> -> memref<1x80x128xf32, #tpu.memory_space<vmem>>
      %dma_wait3A_447 = tpu.memref_squeeze %dma_wait3A_446 : memref<1x80x128xf32, #tpu.memory_space<vmem>> -> memref<80x128xf32, #tpu.memory_space<vmem>>
      %dma_wait3A_448 = arith.constant 0 : i32
      %dma_wait3A_449 = tpu.memref_slice %arg11[%rem3A_128, %dma_wait3A_441, %dma_wait3A_448] : memref<2x25x80xi32, #tpu.memory_space<vmem>> -> memref<1x1x80xi32, #tpu.memory_space<vmem>>
      %dma_wait3A_450 = tpu.memref_squeeze %dma_wait3A_449 : memref<1x1x80xi32, #tpu.memory_space<vmem>> -> memref<80xi32, #tpu.memory_space<vmem>>
      %dma_wait3A_451 = arith.constant 0 : i32
      %dma_wait3A_452 = arith.constant 0 : i32
      %dma_wait3A_453 = tpu.memref_slice %arg5[%dma_wait3A_451, %dma_wait3A_452] : memref<10000x128xf32, #tpu.memory_space<hbm>> -> memref<10000x128xf32, #tpu.memory_space<hbm>>
      %dma_wait3A_454 = tpu.memref_slice %arg20[%dma_wait3A_443] : memref<2x!tpu.dma_semaphore, #tpu.memory_space<semaphore_mem>> -> memref<1x!tpu.dma_semaphore, #tpu.memory_space<semaphore_mem>>
      %dma_wait3A_455 = tpu.memref_squeeze %dma_wait3A_454 : memref<1x!tpu.dma_semaphore, #tpu.memory_space<semaphore_mem>> -> memref<!tpu.dma_semaphore, #tpu.memory_space<semaphore_mem>>
      tpu.wait_indirect_dma semaphore(%dma_wait3A_455 : memref<!tpu.dma_semaphore, #tpu.memory_space<semaphore_mem>>) src(%dma_wait3A_453 : memref<10000x128xf32, #tpu.memory_space<hbm>>) dst(%dma_wait3A_447 : memref<80x128xf32, #tpu.memory_space<vmem>>)
      %dma_start3A_456 = arith.constant 1 : i32
      %dma_start3A_457 = arith.constant 3 : i32
      %dma_start3A_458 = arith.constant 1 : i32
      %dma_start3A_459 = arith.constant 0 : i32
      %dma_start3A_460 = arith.constant 0 : i32
      %dma_start3A_461 = tpu.memref_slice %arg13[%dma_start3A_456, %dma_start3A_459, %dma_start3A_460] : memref<2x80x128xf32, #tpu.memory_space<vmem>> -> memref<1x80x128xf32, #tpu.memory_space<vmem>>
      %dma_start3A_462 = tpu.memref_squeeze %dma_start3A_461 : memref<1x80x128xf32, #tpu.memory_space<vmem>> -> memref<80x128xf32, #tpu.memory_space<vmem>>
      %dma_start3A_463 = arith.constant 0 : i32
      %dma_start3A_464 = tpu.memref_slice %arg12[%rem3A_128, %dma_start3A_457, %dma_start3A_463] : memref<2x25x80xi32, #tpu.memory_space<vmem>> -> memref<1x1x80xi32, #tpu.memory_space<vmem>>
      %dma_start3A_465 = tpu.memref_squeeze %dma_start3A_464 : memref<1x1x80xi32, #tpu.memory_space<vmem>> -> memref<80xi32, #tpu.memory_space<vmem>>
      %dma_start3A_466 = arith.constant 0 : i32
      %dma_start3A_467 = arith.constant 0 : i32
      %dma_start3A_468 = tpu.memref_slice %arg18[%dma_start3A_466, %dma_start3A_467] : memref<10000x128xf32, #tpu.memory_space<vmem_shared>> -> memref<10000x128xf32, #tpu.memory_space<vmem_shared>>
      %dma_start3A_469 = tpu.memref_slice %arg21[%dma_start3A_458] : memref<2x!tpu.dma_semaphore, #tpu.memory_space<semaphore_mem>> -> memref<1x!tpu.dma_semaphore, #tpu.memory_space<semaphore_mem>>
      %dma_start3A_470 = tpu.memref_squeeze %dma_start3A_469 : memref<1x!tpu.dma_semaphore, #tpu.memory_space<semaphore_mem>> -> memref<!tpu.dma_semaphore, #tpu.memory_space<semaphore_mem>>
      tpu.enqueue_indirect_dma source(%dma_start3A_462 : memref<80x128xf32, #tpu.memory_space<vmem>>) target(%dma_start3A_468 : memref<10000x128xf32, #tpu.memory_space<vmem_shared>>) offsets(%dma_start3A_465 : memref<80xi32, #tpu.memory_space<vmem>>) semaphore(%dma_start3A_470 : memref<!tpu.dma_semaphore, #tpu.memory_space<semaphore_mem>>) {add = true}
      %dma_start3A_471 = arith.constant 3 : i32
      %dma_start3A_472 = arith.constant 0 : i32
      %dma_start3A_473 = tpu.memref_slice %arg12[%rem3A_128, %dma_start3A_471, %dma_start3A_472] : memref<2x25x80xi32, #tpu.memory_space<vmem>> -> memref<1x1x80xi32, #tpu.memory_space<vmem>>
      %dma_start3A_474 = tpu.memref_squeeze %dma_start3A_473 : memref<1x1x80xi32, #tpu.memory_space<vmem>> -> memref<80xi32, #tpu.memory_space<vmem>>
      %dma_start3A_475 = arith.constant 0 : i32
      %dma_start3A_476 = tpu.memref_slice %arg19[%dma_start3A_475] : memref<10000xf32, #tpu.memory_space<vmem_shared>> -> memref<10000xf32, #tpu.memory_space<vmem_shared>>
      tpu.enqueue_indirect_dma source(%arg14 : memref<80xf32, #tpu.memory_space<vmem>>) target(%dma_start3A_476 : memref<10000xf32, #tpu.memory_space<vmem_shared>>) offsets(%dma_start3A_474 : memref<80xi32, #tpu.memory_space<vmem>>) semaphore(%arg22 : memref<!tpu.dma_semaphore, #tpu.memory_space<semaphore_mem>>) {add = true}
      %dma_wait3A_477 = arith.constant 1 : i32
      %dma_wait3A_478 = arith.constant 3 : i32
      %dma_wait3A_479 = arith.constant 1 : i32
      %dma_wait3A_480 = arith.constant 0 : i32
      %dma_wait3A_481 = arith.constant 0 : i32
      %dma_wait3A_482 = tpu.memref_slice %arg13[%dma_wait3A_477, %dma_wait3A_480, %dma_wait3A_481] : memref<2x80x128xf32, #tpu.memory_space<vmem>> -> memref<1x80x128xf32, #tpu.memory_space<vmem>>
      %dma_wait3A_483 = tpu.memref_squeeze %dma_wait3A_482 : memref<1x80x128xf32, #tpu.memory_space<vmem>> -> memref<80x128xf32, #tpu.memory_space<vmem>>
      %dma_wait3A_484 = arith.constant 0 : i32
      %dma_wait3A_485 = tpu.memref_slice %arg12[%rem3A_128, %dma_wait3A_478, %dma_wait3A_484] : memref<2x25x80xi32, #tpu.memory_space<vmem>> -> memref<1x1x80xi32, #tpu.memory_space<vmem>>
      %dma_wait3A_486 = tpu.memref_squeeze %dma_wait3A_485 : memref<1x1x80xi32, #tpu.memory_space<vmem>> -> memref<80xi32, #tpu.memory_space<vmem>>
      %dma_wait3A_487 = arith.constant 0 : i32
      %dma_wait3A_488 = arith.constant 0 : i32
      %dma_wait3A_489 = tpu.memref_slice %arg18[%dma_wait3A_487, %dma_wait3A_488] : memref<10000x128xf32, #tpu.memory_space<vmem_shared>> -> memref<10000x128xf32, #tpu.memory_space<vmem_shared>>
      %dma_wait3A_490 = tpu.memref_slice %arg21[%dma_wait3A_479] : memref<2x!tpu.dma_semaphore, #tpu.memory_space<semaphore_mem>> -> memref<1x!tpu.dma_semaphore, #tpu.memory_space<semaphore_mem>>
      %dma_wait3A_491 = tpu.memref_squeeze %dma_wait3A_490 : memref<1x!tpu.dma_semaphore, #tpu.memory_space<semaphore_mem>> -> memref<!tpu.dma_semaphore, #tpu.memory_space<semaphore_mem>>
      tpu.wait_indirect_dma semaphore(%dma_wait3A_491 : memref<!tpu.dma_semaphore, #tpu.memory_space<semaphore_mem>>) src(%dma_wait3A_483 : memref<80x128xf32, #tpu.memory_space<vmem>>) dst(%dma_wait3A_489 : memref<10000x128xf32, #tpu.memory_space<vmem_shared>>)
      %dma_start3A_492 = arith.constant 5 : i32
      %dma_start3A_493 = arith.constant 1 : i32
      %dma_start3A_494 = arith.constant 1 : i32
      %dma_start3A_495 = arith.constant 0 : i32
      %dma_start3A_496 = arith.constant 0 : i32
      %dma_start3A_497 = tpu.memref_slice %arg13[%dma_start3A_493, %dma_start3A_495, %dma_start3A_496] : memref<2x80x128xf32, #tpu.memory_space<vmem>> -> memref<1x80x128xf32, #tpu.memory_space<vmem>>
      %dma_start3A_498 = tpu.memref_squeeze %dma_start3A_497 : memref<1x80x128xf32, #tpu.memory_space<vmem>> -> memref<80x128xf32, #tpu.memory_space<vmem>>
      %dma_start3A_499 = arith.constant 0 : i32
      %dma_start3A_500 = tpu.memref_slice %arg11[%rem3A_128, %dma_start3A_492, %dma_start3A_499] : memref<2x25x80xi32, #tpu.memory_space<vmem>> -> memref<1x1x80xi32, #tpu.memory_space<vmem>>
      %dma_start3A_501 = tpu.memref_squeeze %dma_start3A_500 : memref<1x1x80xi32, #tpu.memory_space<vmem>> -> memref<80xi32, #tpu.memory_space<vmem>>
      %dma_start3A_502 = arith.constant 0 : i32
      %dma_start3A_503 = arith.constant 0 : i32
      %dma_start3A_504 = tpu.memref_slice %arg5[%dma_start3A_502, %dma_start3A_503] : memref<10000x128xf32, #tpu.memory_space<hbm>> -> memref<10000x128xf32, #tpu.memory_space<hbm>>
      %dma_start3A_505 = tpu.memref_slice %arg20[%dma_start3A_494] : memref<2x!tpu.dma_semaphore, #tpu.memory_space<semaphore_mem>> -> memref<1x!tpu.dma_semaphore, #tpu.memory_space<semaphore_mem>>
      %dma_start3A_506 = tpu.memref_squeeze %dma_start3A_505 : memref<1x!tpu.dma_semaphore, #tpu.memory_space<semaphore_mem>> -> memref<!tpu.dma_semaphore, #tpu.memory_space<semaphore_mem>>
      tpu.enqueue_indirect_dma source(%dma_start3A_504 : memref<10000x128xf32, #tpu.memory_space<hbm>>) target(%dma_start3A_498 : memref<80x128xf32, #tpu.memory_space<vmem>>) offsets(%dma_start3A_501 : memref<80xi32, #tpu.memory_space<vmem>>) semaphore(%dma_start3A_506 : memref<!tpu.dma_semaphore, #tpu.memory_space<semaphore_mem>>)
      %dma_wait3A_507 = arith.constant 4 : i32
      %dma_wait3A_508 = arith.constant 0 : i32
      %dma_wait3A_509 = arith.constant 0 : i32
      %dma_wait3A_510 = arith.constant 0 : i32
      %dma_wait3A_511 = arith.constant 0 : i32
      %dma_wait3A_512 = tpu.memref_slice %arg13[%dma_wait3A_508, %dma_wait3A_510, %dma_wait3A_511] : memref<2x80x128xf32, #tpu.memory_space<vmem>> -> memref<1x80x128xf32, #tpu.memory_space<vmem>>
      %dma_wait3A_513 = tpu.memref_squeeze %dma_wait3A_512 : memref<1x80x128xf32, #tpu.memory_space<vmem>> -> memref<80x128xf32, #tpu.memory_space<vmem>>
      %dma_wait3A_514 = arith.constant 0 : i32
      %dma_wait3A_515 = tpu.memref_slice %arg11[%rem3A_128, %dma_wait3A_507, %dma_wait3A_514] : memref<2x25x80xi32, #tpu.memory_space<vmem>> -> memref<1x1x80xi32, #tpu.memory_space<vmem>>
      %dma_wait3A_516 = tpu.memref_squeeze %dma_wait3A_515 : memref<1x1x80xi32, #tpu.memory_space<vmem>> -> memref<80xi32, #tpu.memory_space<vmem>>
      %dma_wait3A_517 = arith.constant 0 : i32
      %dma_wait3A_518 = arith.constant 0 : i32
      %dma_wait3A_519 = tpu.memref_slice %arg5[%dma_wait3A_517, %dma_wait3A_518] : memref<10000x128xf32, #tpu.memory_space<hbm>> -> memref<10000x128xf32, #tpu.memory_space<hbm>>
      %dma_wait3A_520 = tpu.memref_slice %arg20[%dma_wait3A_509] : memref<2x!tpu.dma_semaphore, #tpu.memory_space<semaphore_mem>> -> memref<1x!tpu.dma_semaphore, #tpu.memory_space<semaphore_mem>>
      %dma_wait3A_521 = tpu.memref_squeeze %dma_wait3A_520 : memref<1x!tpu.dma_semaphore, #tpu.memory_space<semaphore_mem>> -> memref<!tpu.dma_semaphore, #tpu.memory_space<semaphore_mem>>
      tpu.wait_indirect_dma semaphore(%dma_wait3A_521 : memref<!tpu.dma_semaphore, #tpu.memory_space<semaphore_mem>>) src(%dma_wait3A_519 : memref<10000x128xf32, #tpu.memory_space<hbm>>) dst(%dma_wait3A_513 : memref<80x128xf32, #tpu.memory_space<vmem>>)
      %dma_start3A_522 = arith.constant 0 : i32
      %dma_start3A_523 = arith.constant 4 : i32
      %dma_start3A_524 = arith.constant 0 : i32
      %dma_start3A_525 = arith.constant 0 : i32
      %dma_start3A_526 = arith.constant 0 : i32
      %dma_start3A_527 = tpu.memref_slice %arg13[%dma_start3A_522, %dma_start3A_525, %dma_start3A_526] : memref<2x80x128xf32, #tpu.memory_space<vmem>> -> memref<1x80x128xf32, #tpu.memory_space<vmem>>
      %dma_start3A_528 = tpu.memref_squeeze %dma_start3A_527 : memref<1x80x128xf32, #tpu.memory_space<vmem>> -> memref<80x128xf32, #tpu.memory_space<vmem>>
      %dma_start3A_529 = arith.constant 0 : i32
      %dma_start3A_530 = tpu.memref_slice %arg12[%rem3A_128, %dma_start3A_523, %dma_start3A_529] : memref<2x25x80xi32, #tpu.memory_space<vmem>> -> memref<1x1x80xi32, #tpu.memory_space<vmem>>
      %dma_start3A_531 = tpu.memref_squeeze %dma_start3A_530 : memref<1x1x80xi32, #tpu.memory_space<vmem>> -> memref<80xi32, #tpu.memory_space<vmem>>
      %dma_start3A_532 = arith.constant 0 : i32
      %dma_start3A_533 = arith.constant 0 : i32
      %dma_start3A_534 = tpu.memref_slice %arg18[%dma_start3A_532, %dma_start3A_533] : memref<10000x128xf32, #tpu.memory_space<vmem_shared>> -> memref<10000x128xf32, #tpu.memory_space<vmem_shared>>
      %dma_start3A_535 = tpu.memref_slice %arg21[%dma_start3A_524] : memref<2x!tpu.dma_semaphore, #tpu.memory_space<semaphore_mem>> -> memref<1x!tpu.dma_semaphore, #tpu.memory_space<semaphore_mem>>
      %dma_start3A_536 = tpu.memref_squeeze %dma_start3A_535 : memref<1x!tpu.dma_semaphore, #tpu.memory_space<semaphore_mem>> -> memref<!tpu.dma_semaphore, #tpu.memory_space<semaphore_mem>>
      tpu.enqueue_indirect_dma source(%dma_start3A_528 : memref<80x128xf32, #tpu.memory_space<vmem>>) target(%dma_start3A_534 : memref<10000x128xf32, #tpu.memory_space<vmem_shared>>) offsets(%dma_start3A_531 : memref<80xi32, #tpu.memory_space<vmem>>) semaphore(%dma_start3A_536 : memref<!tpu.dma_semaphore, #tpu.memory_space<semaphore_mem>>) {add = true}
      %dma_start3A_537 = arith.constant 4 : i32
      %dma_start3A_538 = arith.constant 0 : i32
      %dma_start3A_539 = tpu.memref_slice %arg12[%rem3A_128, %dma_start3A_537, %dma_start3A_538] : memref<2x25x80xi32, #tpu.memory_space<vmem>> -> memref<1x1x80xi32, #tpu.memory_space<vmem>>
      %dma_start3A_540 = tpu.memref_squeeze %dma_start3A_539 : memref<1x1x80xi32, #tpu.memory_space<vmem>> -> memref<80xi32, #tpu.memory_space<vmem>>
      %dma_start3A_541 = arith.constant 0 : i32
      %dma_start3A_542 = tpu.memref_slice %arg19[%dma_start3A_541] : memref<10000xf32, #tpu.memory_space<vmem_shared>> -> memref<10000xf32, #tpu.memory_space<vmem_shared>>
      tpu.enqueue_indirect_dma source(%arg14 : memref<80xf32, #tpu.memory_space<vmem>>) target(%dma_start3A_542 : memref<10000xf32, #tpu.memory_space<vmem_shared>>) offsets(%dma_start3A_540 : memref<80xi32, #tpu.memory_space<vmem>>) semaphore(%arg22 : memref<!tpu.dma_semaphore, #tpu.memory_space<semaphore_mem>>) {add = true}
      %dma_wait3A_543 = arith.constant 0 : i32
      %dma_wait3A_544 = arith.constant 4 : i32
      %dma_wait3A_545 = arith.constant 0 : i32
      %dma_wait3A_546 = arith.constant 0 : i32
      %dma_wait3A_547 = arith.constant 0 : i32
      %dma_wait3A_548 = tpu.memref_slice %arg13[%dma_wait3A_543, %dma_wait3A_546, %dma_wait3A_547] : memref<2x80x128xf32, #tpu.memory_space<vmem>> -> memref<1x80x128xf32, #tpu.memory_space<vmem>>
      %dma_wait3A_549 = tpu.memref_squeeze %dma_wait3A_548 : memref<1x80x128xf32, #tpu.memory_space<vmem>> -> memref<80x128xf32, #tpu.memory_space<vmem>>
      %dma_wait3A_550 = arith.constant 0 : i32
      %dma_wait3A_551 = tpu.memref_slice %arg12[%rem3A_128, %dma_wait3A_544, %dma_wait3A_550] : memref<2x25x80xi32, #tpu.memory_space<vmem>> -> memref<1x1x80xi32, #tpu.memory_space<vmem>>
      %dma_wait3A_552 = tpu.memref_squeeze %dma_wait3A_551 : memref<1x1x80xi32, #tpu.memory_space<vmem>> -> memref<80xi32, #tpu.memory_space<vmem>>
      %dma_wait3A_553 = arith.constant 0 : i32
      %dma_wait3A_554 = arith.constant 0 : i32
      %dma_wait3A_555 = tpu.memref_slice %arg18[%dma_wait3A_553, %dma_wait3A_554] : memref<10000x128xf32, #tpu.memory_space<vmem_shared>> -> memref<10000x128xf32, #tpu.memory_space<vmem_shared>>
      %dma_wait3A_556 = tpu.memref_slice %arg21[%dma_wait3A_545] : memref<2x!tpu.dma_semaphore, #tpu.memory_space<semaphore_mem>> -> memref<1x!tpu.dma_semaphore, #tpu.memory_space<semaphore_mem>>
      %dma_wait3A_557 = tpu.memref_squeeze %dma_wait3A_556 : memref<1x!tpu.dma_semaphore, #tpu.memory_space<semaphore_mem>> -> memref<!tpu.dma_semaphore, #tpu.memory_space<semaphore_mem>>
      tpu.wait_indirect_dma semaphore(%dma_wait3A_557 : memref<!tpu.dma_semaphore, #tpu.memory_space<semaphore_mem>>) src(%dma_wait3A_549 : memref<80x128xf32, #tpu.memory_space<vmem>>) dst(%dma_wait3A_555 : memref<10000x128xf32, #tpu.memory_space<vmem_shared>>)
      %dma_start3A_558 = arith.constant 6 : i32
      %dma_start3A_559 = arith.constant 0 : i32
      %dma_start3A_560 = arith.constant 0 : i32
      %dma_start3A_561 = arith.constant 0 : i32
      %dma_start3A_562 = arith.constant 0 : i32
      %dma_start3A_563 = tpu.memref_slice %arg13[%dma_start3A_559, %dma_start3A_561, %dma_start3A_562] : memref<2x80x128xf32, #tpu.memory_space<vmem>> -> memref<1x80x128xf32, #tpu.memory_space<vmem>>
      %dma_start3A_564 = tpu.memref_squeeze %dma_start3A_563 : memref<1x80x128xf32, #tpu.memory_space<vmem>> -> memref<80x128xf32, #tpu.memory_space<vmem>>
      %dma_start3A_565 = arith.constant 0 : i32
      %dma_start3A_566 = tpu.memref_slice %arg11[%rem3A_128, %dma_start3A_558, %dma_start3A_565] : memref<2x25x80xi32, #tpu.memory_space<vmem>> -> memref<1x1x80xi32, #tpu.memory_space<vmem>>
      %dma_start3A_567 = tpu.memref_squeeze %dma_start3A_566 : memref<1x1x80xi32, #tpu.memory_space<vmem>> -> memref<80xi32, #tpu.memory_space<vmem>>
      %dma_start3A_568 = arith.constant 0 : i32
      %dma_start3A_569 = arith.constant 0 : i32
      %dma_start3A_570 = tpu.memref_slice %arg5[%dma_start3A_568, %dma_start3A_569] : memref<10000x128xf32, #tpu.memory_space<hbm>> -> memref<10000x128xf32, #tpu.memory_space<hbm>>
      %dma_start3A_571 = tpu.memref_slice %arg20[%dma_start3A_560] : memref<2x!tpu.dma_semaphore, #tpu.memory_space<semaphore_mem>> -> memref<1x!tpu.dma_semaphore, #tpu.memory_space<semaphore_mem>>
      %dma_start3A_572 = tpu.memref_squeeze %dma_start3A_571 : memref<1x!tpu.dma_semaphore, #tpu.memory_space<semaphore_mem>> -> memref<!tpu.dma_semaphore, #tpu.memory_space<semaphore_mem>>
      tpu.enqueue_indirect_dma source(%dma_start3A_570 : memref<10000x128xf32, #tpu.memory_space<hbm>>) target(%dma_start3A_564 : memref<80x128xf32, #tpu.memory_space<vmem>>) offsets(%dma_start3A_567 : memref<80xi32, #tpu.memory_space<vmem>>) semaphore(%dma_start3A_572 : memref<!tpu.dma_semaphore, #tpu.memory_space<semaphore_mem>>)
      %dma_wait3A_573 = arith.constant 5 : i32
      %dma_wait3A_574 = arith.constant 1 : i32
      %dma_wait3A_575 = arith.constant 1 : i32
      %dma_wait3A_576 = arith.constant 0 : i32
      %dma_wait3A_577 = arith.constant 0 : i32
      %dma_wait3A_578 = tpu.memref_slice %arg13[%dma_wait3A_574, %dma_wait3A_576, %dma_wait3A_577] : memref<2x80x128xf32, #tpu.memory_space<vmem>> -> memref<1x80x128xf32, #tpu.memory_space<vmem>>
      %dma_wait3A_579 = tpu.memref_squeeze %dma_wait3A_578 : memref<1x80x128xf32, #tpu.memory_space<vmem>> -> memref<80x128xf32, #tpu.memory_space<vmem>>
      %dma_wait3A_580 = arith.constant 0 : i32
      %dma_wait3A_581 = tpu.memref_slice %arg11[%rem3A_128, %dma_wait3A_573, %dma_wait3A_580] : memref<2x25x80xi32, #tpu.memory_space<vmem>> -> memref<1x1x80xi32, #tpu.memory_space<vmem>>
      %dma_wait3A_582 = tpu.memref_squeeze %dma_wait3A_581 : memref<1x1x80xi32, #tpu.memory_space<vmem>> -> memref<80xi32, #tpu.memory_space<vmem>>
      %dma_wait3A_583 = arith.constant 0 : i32
      %dma_wait3A_584 = arith.constant 0 : i32
      %dma_wait3A_585 = tpu.memref_slice %arg5[%dma_wait3A_583, %dma_wait3A_584] : memref<10000x128xf32, #tpu.memory_space<hbm>> -> memref<10000x128xf32, #tpu.memory_space<hbm>>
      %dma_wait3A_586 = tpu.memref_slice %arg20[%dma_wait3A_575] : memref<2x!tpu.dma_semaphore, #tpu.memory_space<semaphore_mem>> -> memref<1x!tpu.dma_semaphore, #tpu.memory_space<semaphore_mem>>
      %dma_wait3A_587 = tpu.memref_squeeze %dma_wait3A_586 : memref<1x!tpu.dma_semaphore, #tpu.memory_space<semaphore_mem>> -> memref<!tpu.dma_semaphore, #tpu.memory_space<semaphore_mem>>
      tpu.wait_indirect_dma semaphore(%dma_wait3A_587 : memref<!tpu.dma_semaphore, #tpu.memory_space<semaphore_mem>>) src(%dma_wait3A_585 : memref<10000x128xf32, #tpu.memory_space<hbm>>) dst(%dma_wait3A_579 : memref<80x128xf32, #tpu.memory_space<vmem>>)
      %dma_start3A_588 = arith.constant 1 : i32
      %dma_start3A_589 = arith.constant 5 : i32
      %dma_start3A_590 = arith.constant 1 : i32
      %dma_start3A_591 = arith.constant 0 : i32
      %dma_start3A_592 = arith.constant 0 : i32
      %dma_start3A_593 = tpu.memref_slice %arg13[%dma_start3A_588, %dma_start3A_591, %dma_start3A_592] : memref<2x80x128xf32, #tpu.memory_space<vmem>> -> memref<1x80x128xf32, #tpu.memory_space<vmem>>
      %dma_start3A_594 = tpu.memref_squeeze %dma_start3A_593 : memref<1x80x128xf32, #tpu.memory_space<vmem>> -> memref<80x128xf32, #tpu.memory_space<vmem>>
      %dma_start3A_595 = arith.constant 0 : i32
      %dma_start3A_596 = tpu.memref_slice %arg12[%rem3A_128, %dma_start3A_589, %dma_start3A_595] : memref<2x25x80xi32, #tpu.memory_space<vmem>> -> memref<1x1x80xi32, #tpu.memory_space<vmem>>
      %dma_start3A_597 = tpu.memref_squeeze %dma_start3A_596 : memref<1x1x80xi32, #tpu.memory_space<vmem>> -> memref<80xi32, #tpu.memory_space<vmem>>
      %dma_start3A_598 = arith.constant 0 : i32
      %dma_start3A_599 = arith.constant 0 : i32
      %dma_start3A_600 = tpu.memref_slice %arg18[%dma_start3A_598, %dma_start3A_599] : memref<10000x128xf32, #tpu.memory_space<vmem_shared>> -> memref<10000x128xf32, #tpu.memory_space<vmem_shared>>
      %dma_start3A_601 = tpu.memref_slice %arg21[%dma_start3A_590] : memref<2x!tpu.dma_semaphore, #tpu.memory_space<semaphore_mem>> -> memref<1x!tpu.dma_semaphore, #tpu.memory_space<semaphore_mem>>
      %dma_start3A_602 = tpu.memref_squeeze %dma_start3A_601 : memref<1x!tpu.dma_semaphore, #tpu.memory_space<semaphore_mem>> -> memref<!tpu.dma_semaphore, #tpu.memory_space<semaphore_mem>>
      tpu.enqueue_indirect_dma source(%dma_start3A_594 : memref<80x128xf32, #tpu.memory_space<vmem>>) target(%dma_start3A_600 : memref<10000x128xf32, #tpu.memory_space<vmem_shared>>) offsets(%dma_start3A_597 : memref<80xi32, #tpu.memory_space<vmem>>) semaphore(%dma_start3A_602 : memref<!tpu.dma_semaphore, #tpu.memory_space<semaphore_mem>>) {add = true}
      %dma_start3A_603 = arith.constant 5 : i32
      %dma_start3A_604 = arith.constant 0 : i32
      %dma_start3A_605 = tpu.memref_slice %arg12[%rem3A_128, %dma_start3A_603, %dma_start3A_604] : memref<2x25x80xi32, #tpu.memory_space<vmem>> -> memref<1x1x80xi32, #tpu.memory_space<vmem>>
      %dma_start3A_606 = tpu.memref_squeeze %dma_start3A_605 : memref<1x1x80xi32, #tpu.memory_space<vmem>> -> memref<80xi32, #tpu.memory_space<vmem>>
      %dma_start3A_607 = arith.constant 0 : i32
      %dma_start3A_608 = tpu.memref_slice %arg19[%dma_start3A_607] : memref<10000xf32, #tpu.memory_space<vmem_shared>> -> memref<10000xf32, #tpu.memory_space<vmem_shared>>
      tpu.enqueue_indirect_dma source(%arg14 : memref<80xf32, #tpu.memory_space<vmem>>) target(%dma_start3A_608 : memref<10000xf32, #tpu.memory_space<vmem_shared>>) offsets(%dma_start3A_606 : memref<80xi32, #tpu.memory_space<vmem>>) semaphore(%arg22 : memref<!tpu.dma_semaphore, #tpu.memory_space<semaphore_mem>>) {add = true}
      %dma_wait3A_609 = arith.constant 1 : i32
      %dma_wait3A_610 = arith.constant 5 : i32
      %dma_wait3A_611 = arith.constant 1 : i32
      %dma_wait3A_612 = arith.constant 0 : i32
      %dma_wait3A_613 = arith.constant 0 : i32
      %dma_wait3A_614 = tpu.memref_slice %arg13[%dma_wait3A_609, %dma_wait3A_612, %dma_wait3A_613] : memref<2x80x128xf32, #tpu.memory_space<vmem>> -> memref<1x80x128xf32, #tpu.memory_space<vmem>>
      %dma_wait3A_615 = tpu.memref_squeeze %dma_wait3A_614 : memref<1x80x128xf32, #tpu.memory_space<vmem>> -> memref<80x128xf32, #tpu.memory_space<vmem>>
      %dma_wait3A_616 = arith.constant 0 : i32
      %dma_wait3A_617 = tpu.memref_slice %arg12[%rem3A_128, %dma_wait3A_610, %dma_wait3A_616] : memref<2x25x80xi32, #tpu.memory_space<vmem>> -> memref<1x1x80xi32, #tpu.memory_space<vmem>>
      %dma_wait3A_618 = tpu.memref_squeeze %dma_wait3A_617 : memref<1x1x80xi32, #tpu.memory_space<vmem>> -> memref<80xi32, #tpu.memory_space<vmem>>
      %dma_wait3A_619 = arith.constant 0 : i32
      %dma_wait3A_620 = arith.constant 0 : i32
      %dma_wait3A_621 = tpu.memref_slice %arg18[%dma_wait3A_619, %dma_wait3A_620] : memref<10000x128xf32, #tpu.memory_space<vmem_shared>> -> memref<10000x128xf32, #tpu.memory_space<vmem_shared>>
      %dma_wait3A_622 = tpu.memref_slice %arg21[%dma_wait3A_611] : memref<2x!tpu.dma_semaphore, #tpu.memory_space<semaphore_mem>> -> memref<1x!tpu.dma_semaphore, #tpu.memory_space<semaphore_mem>>
      %dma_wait3A_623 = tpu.memref_squeeze %dma_wait3A_622 : memref<1x!tpu.dma_semaphore, #tpu.memory_space<semaphore_mem>> -> memref<!tpu.dma_semaphore, #tpu.memory_space<semaphore_mem>>
      tpu.wait_indirect_dma semaphore(%dma_wait3A_623 : memref<!tpu.dma_semaphore, #tpu.memory_space<semaphore_mem>>) src(%dma_wait3A_615 : memref<80x128xf32, #tpu.memory_space<vmem>>) dst(%dma_wait3A_621 : memref<10000x128xf32, #tpu.memory_space<vmem_shared>>)
      %dma_start3A_624 = arith.constant 7 : i32
      %dma_start3A_625 = arith.constant 1 : i32
      %dma_start3A_626 = arith.constant 1 : i32
      %dma_start3A_627 = arith.constant 0 : i32
      %dma_start3A_628 = arith.constant 0 : i32
      %dma_start3A_629 = tpu.memref_slice %arg13[%dma_start3A_625, %dma_start3A_627, %dma_start3A_628] : memref<2x80x128xf32, #tpu.memory_space<vmem>> -> memref<1x80x128xf32, #tpu.memory_space<vmem>>
      %dma_start3A_630 = tpu.memref_squeeze %dma_start3A_629 : memref<1x80x128xf32, #tpu.memory_space<vmem>> -> memref<80x128xf32, #tpu.memory_space<vmem>>
      %dma_start3A_631 = arith.constant 0 : i32
      %dma_start3A_632 = tpu.memref_slice %arg11[%rem3A_128, %dma_start3A_624, %dma_start3A_631] : memref<2x25x80xi32, #tpu.memory_space<vmem>> -> memref<1x1x80xi32, #tpu.memory_space<vmem>>
      %dma_start3A_633 = tpu.memref_squeeze %dma_start3A_632 : memref<1x1x80xi32, #tpu.memory_space<vmem>> -> memref<80xi32, #tpu.memory_space<vmem>>
      %dma_start3A_634 = arith.constant 0 : i32
      %dma_start3A_635 = arith.constant 0 : i32
      %dma_start3A_636 = tpu.memref_slice %arg5[%dma_start3A_634, %dma_start3A_635] : memref<10000x128xf32, #tpu.memory_space<hbm>> -> memref<10000x128xf32, #tpu.memory_space<hbm>>
      %dma_start3A_637 = tpu.memref_slice %arg20[%dma_start3A_626] : memref<2x!tpu.dma_semaphore, #tpu.memory_space<semaphore_mem>> -> memref<1x!tpu.dma_semaphore, #tpu.memory_space<semaphore_mem>>
      %dma_start3A_638 = tpu.memref_squeeze %dma_start3A_637 : memref<1x!tpu.dma_semaphore, #tpu.memory_space<semaphore_mem>> -> memref<!tpu.dma_semaphore, #tpu.memory_space<semaphore_mem>>
      tpu.enqueue_indirect_dma source(%dma_start3A_636 : memref<10000x128xf32, #tpu.memory_space<hbm>>) target(%dma_start3A_630 : memref<80x128xf32, #tpu.memory_space<vmem>>) offsets(%dma_start3A_633 : memref<80xi32, #tpu.memory_space<vmem>>) semaphore(%dma_start3A_638 : memref<!tpu.dma_semaphore, #tpu.memory_space<semaphore_mem>>)
      %dma_wait3A_639 = arith.constant 6 : i32
      %dma_wait3A_640 = arith.constant 0 : i32
      %dma_wait3A_641 = arith.constant 0 : i32
      %dma_wait3A_642 = arith.constant 0 : i32
      %dma_wait3A_643 = arith.constant 0 : i32
      %dma_wait3A_644 = tpu.memref_slice %arg13[%dma_wait3A_640, %dma_wait3A_642, %dma_wait3A_643] : memref<2x80x128xf32, #tpu.memory_space<vmem>> -> memref<1x80x128xf32, #tpu.memory_space<vmem>>
      %dma_wait3A_645 = tpu.memref_squeeze %dma_wait3A_644 : memref<1x80x128xf32, #tpu.memory_space<vmem>> -> memref<80x128xf32, #tpu.memory_space<vmem>>
      %dma_wait3A_646 = arith.constant 0 : i32
      %dma_wait3A_647 = tpu.memref_slice %arg11[%rem3A_128, %dma_wait3A_639, %dma_wait3A_646] : memref<2x25x80xi32, #tpu.memory_space<vmem>> -> memref<1x1x80xi32, #tpu.memory_space<vmem>>
      %dma_wait3A_648 = tpu.memref_squeeze %dma_wait3A_647 : memref<1x1x80xi32, #tpu.memory_space<vmem>> -> memref<80xi32, #tpu.memory_space<vmem>>
      %dma_wait3A_649 = arith.constant 0 : i32
      %dma_wait3A_650 = arith.constant 0 : i32
      %dma_wait3A_651 = tpu.memref_slice %arg5[%dma_wait3A_649, %dma_wait3A_650] : memref<10000x128xf32, #tpu.memory_space<hbm>> -> memref<10000x128xf32, #tpu.memory_space<hbm>>
      %dma_wait3A_652 = tpu.memref_slice %arg20[%dma_wait3A_641] : memref<2x!tpu.dma_semaphore, #tpu.memory_space<semaphore_mem>> -> memref<1x!tpu.dma_semaphore, #tpu.memory_space<semaphore_mem>>
      %dma_wait3A_653 = tpu.memref_squeeze %dma_wait3A_652 : memref<1x!tpu.dma_semaphore, #tpu.memory_space<semaphore_mem>> -> memref<!tpu.dma_semaphore, #tpu.memory_space<semaphore_mem>>
      tpu.wait_indirect_dma semaphore(%dma_wait3A_653 : memref<!tpu.dma_semaphore, #tpu.memory_space<semaphore_mem>>) src(%dma_wait3A_651 : memref<10000x128xf32, #tpu.memory_space<hbm>>) dst(%dma_wait3A_645 : memref<80x128xf32, #tpu.memory_space<vmem>>)
      %dma_start3A_654 = arith.constant 0 : i32
      %dma_start3A_655 = arith.constant 6 : i32
      %dma_start3A_656 = arith.constant 0 : i32
      %dma_start3A_657 = arith.constant 0 : i32
      %dma_start3A_658 = arith.constant 0 : i32
      %dma_start3A_659 = tpu.memref_slice %arg13[%dma_start3A_654, %dma_start3A_657, %dma_start3A_658] : memref<2x80x128xf32, #tpu.memory_space<vmem>> -> memref<1x80x128xf32, #tpu.memory_space<vmem>>
      %dma_start3A_660 = tpu.memref_squeeze %dma_start3A_659 : memref<1x80x128xf32, #tpu.memory_space<vmem>> -> memref<80x128xf32, #tpu.memory_space<vmem>>
      %dma_start3A_661 = arith.constant 0 : i32
      %dma_start3A_662 = tpu.memref_slice %arg12[%rem3A_128, %dma_start3A_655, %dma_start3A_661] : memref<2x25x80xi32, #tpu.memory_space<vmem>> -> memref<1x1x80xi32, #tpu.memory_space<vmem>>
      %dma_start3A_663 = tpu.memref_squeeze %dma_start3A_662 : memref<1x1x80xi32, #tpu.memory_space<vmem>> -> memref<80xi32, #tpu.memory_space<vmem>>
      %dma_start3A_664 = arith.constant 0 : i32
      %dma_start3A_665 = arith.constant 0 : i32
      %dma_start3A_666 = tpu.memref_slice %arg18[%dma_start3A_664, %dma_start3A_665] : memref<10000x128xf32, #tpu.memory_space<vmem_shared>> -> memref<10000x128xf32, #tpu.memory_space<vmem_shared>>
      %dma_start3A_667 = tpu.memref_slice %arg21[%dma_start3A_656] : memref<2x!tpu.dma_semaphore, #tpu.memory_space<semaphore_mem>> -> memref<1x!tpu.dma_semaphore, #tpu.memory_space<semaphore_mem>>
      %dma_start3A_668 = tpu.memref_squeeze %dma_start3A_667 : memref<1x!tpu.dma_semaphore, #tpu.memory_space<semaphore_mem>> -> memref<!tpu.dma_semaphore, #tpu.memory_space<semaphore_mem>>
      tpu.enqueue_indirect_dma source(%dma_start3A_660 : memref<80x128xf32, #tpu.memory_space<vmem>>) target(%dma_start3A_666 : memref<10000x128xf32, #tpu.memory_space<vmem_shared>>) offsets(%dma_start3A_663 : memref<80xi32, #tpu.memory_space<vmem>>) semaphore(%dma_start3A_668 : memref<!tpu.dma_semaphore, #tpu.memory_space<semaphore_mem>>) {add = true}
      %dma_start3A_669 = arith.constant 6 : i32
      %dma_start3A_670 = arith.constant 0 : i32
      %dma_start3A_671 = tpu.memref_slice %arg12[%rem3A_128, %dma_start3A_669, %dma_start3A_670] : memref<2x25x80xi32, #tpu.memory_space<vmem>> -> memref<1x1x80xi32, #tpu.memory_space<vmem>>
      %dma_start3A_672 = tpu.memref_squeeze %dma_start3A_671 : memref<1x1x80xi32, #tpu.memory_space<vmem>> -> memref<80xi32, #tpu.memory_space<vmem>>
      %dma_start3A_673 = arith.constant 0 : i32
      %dma_start3A_674 = tpu.memref_slice %arg19[%dma_start3A_673] : memref<10000xf32, #tpu.memory_space<vmem_shared>> -> memref<10000xf32, #tpu.memory_space<vmem_shared>>
      tpu.enqueue_indirect_dma source(%arg14 : memref<80xf32, #tpu.memory_space<vmem>>) target(%dma_start3A_674 : memref<10000xf32, #tpu.memory_space<vmem_shared>>) offsets(%dma_start3A_672 : memref<80xi32, #tpu.memory_space<vmem>>) semaphore(%arg22 : memref<!tpu.dma_semaphore, #tpu.memory_space<semaphore_mem>>) {add = true}
      %dma_wait3A_675 = arith.constant 0 : i32
      %dma_wait3A_676 = arith.constant 6 : i32
      %dma_wait3A_677 = arith.constant 0 : i32
      %dma_wait3A_678 = arith.constant 0 : i32
      %dma_wait3A_679 = arith.constant 0 : i32
      %dma_wait3A_680 = tpu.memref_slice %arg13[%dma_wait3A_675, %dma_wait3A_678, %dma_wait3A_679] : memref<2x80x128xf32, #tpu.memory_space<vmem>> -> memref<1x80x128xf32, #tpu.memory_space<vmem>>
      %dma_wait3A_681 = tpu.memref_squeeze %dma_wait3A_680 : memref<1x80x128xf32, #tpu.memory_space<vmem>> -> memref<80x128xf32, #tpu.memory_space<vmem>>
      %dma_wait3A_682 = arith.constant 0 : i32
      %dma_wait3A_683 = tpu.memref_slice %arg12[%rem3A_128, %dma_wait3A_676, %dma_wait3A_682] : memref<2x25x80xi32, #tpu.memory_space<vmem>> -> memref<1x1x80xi32, #tpu.memory_space<vmem>>
      %dma_wait3A_684 = tpu.memref_squeeze %dma_wait3A_683 : memref<1x1x80xi32, #tpu.memory_space<vmem>> -> memref<80xi32, #tpu.memory_space<vmem>>
      %dma_wait3A_685 = arith.constant 0 : i32
      %dma_wait3A_686 = arith.constant 0 : i32
      %dma_wait3A_687 = tpu.memref_slice %arg18[%dma_wait3A_685, %dma_wait3A_686] : memref<10000x128xf32, #tpu.memory_space<vmem_shared>> -> memref<10000x128xf32, #tpu.memory_space<vmem_shared>>
      %dma_wait3A_688 = tpu.memref_slice %arg21[%dma_wait3A_677] : memref<2x!tpu.dma_semaphore, #tpu.memory_space<semaphore_mem>> -> memref<1x!tpu.dma_semaphore, #tpu.memory_space<semaphore_mem>>
      %dma_wait3A_689 = tpu.memref_squeeze %dma_wait3A_688 : memref<1x!tpu.dma_semaphore, #tpu.memory_space<semaphore_mem>> -> memref<!tpu.dma_semaphore, #tpu.memory_space<semaphore_mem>>
      tpu.wait_indirect_dma semaphore(%dma_wait3A_689 : memref<!tpu.dma_semaphore, #tpu.memory_space<semaphore_mem>>) src(%dma_wait3A_681 : memref<80x128xf32, #tpu.memory_space<vmem>>) dst(%dma_wait3A_687 : memref<10000x128xf32, #tpu.memory_space<vmem_shared>>)
      %dma_start3A_690 = arith.constant 8 : i32
      %dma_start3A_691 = arith.constant 0 : i32
      %dma_start3A_692 = arith.constant 0 : i32
      %dma_start3A_693 = arith.constant 0 : i32
      %dma_start3A_694 = arith.constant 0 : i32
      %dma_start3A_695 = tpu.memref_slice %arg13[%dma_start3A_691, %dma_start3A_693, %dma_start3A_694] : memref<2x80x128xf32, #tpu.memory_space<vmem>> -> memref<1x80x128xf32, #tpu.memory_space<vmem>>
      %dma_start3A_696 = tpu.memref_squeeze %dma_start3A_695 : memref<1x80x128xf32, #tpu.memory_space<vmem>> -> memref<80x128xf32, #tpu.memory_space<vmem>>
      %dma_start3A_697 = arith.constant 0 : i32
      %dma_start3A_698 = tpu.memref_slice %arg11[%rem3A_128, %dma_start3A_690, %dma_start3A_697] : memref<2x25x80xi32, #tpu.memory_space<vmem>> -> memref<1x1x80xi32, #tpu.memory_space<vmem>>
      %dma_start3A_699 = tpu.memref_squeeze %dma_start3A_698 : memref<1x1x80xi32, #tpu.memory_space<vmem>> -> memref<80xi32, #tpu.memory_space<vmem>>
      %dma_start3A_700 = arith.constant 0 : i32
      %dma_start3A_701 = arith.constant 0 : i32
      %dma_start3A_702 = tpu.memref_slice %arg5[%dma_start3A_700, %dma_start3A_701] : memref<10000x128xf32, #tpu.memory_space<hbm>> -> memref<10000x128xf32, #tpu.memory_space<hbm>>
      %dma_start3A_703 = tpu.memref_slice %arg20[%dma_start3A_692] : memref<2x!tpu.dma_semaphore, #tpu.memory_space<semaphore_mem>> -> memref<1x!tpu.dma_semaphore, #tpu.memory_space<semaphore_mem>>
      %dma_start3A_704 = tpu.memref_squeeze %dma_start3A_703 : memref<1x!tpu.dma_semaphore, #tpu.memory_space<semaphore_mem>> -> memref<!tpu.dma_semaphore, #tpu.memory_space<semaphore_mem>>
      tpu.enqueue_indirect_dma source(%dma_start3A_702 : memref<10000x128xf32, #tpu.memory_space<hbm>>) target(%dma_start3A_696 : memref<80x128xf32, #tpu.memory_space<vmem>>) offsets(%dma_start3A_699 : memref<80xi32, #tpu.memory_space<vmem>>) semaphore(%dma_start3A_704 : memref<!tpu.dma_semaphore, #tpu.memory_space<semaphore_mem>>)
      %dma_wait3A_705 = arith.constant 7 : i32
      %dma_wait3A_706 = arith.constant 1 : i32
      %dma_wait3A_707 = arith.constant 1 : i32
      %dma_wait3A_708 = arith.constant 0 : i32
      %dma_wait3A_709 = arith.constant 0 : i32
      %dma_wait3A_710 = tpu.memref_slice %arg13[%dma_wait3A_706, %dma_wait3A_708, %dma_wait3A_709] : memref<2x80x128xf32, #tpu.memory_space<vmem>> -> memref<1x80x128xf32, #tpu.memory_space<vmem>>
      %dma_wait3A_711 = tpu.memref_squeeze %dma_wait3A_710 : memref<1x80x128xf32, #tpu.memory_space<vmem>> -> memref<80x128xf32, #tpu.memory_space<vmem>>
      %dma_wait3A_712 = arith.constant 0 : i32
      %dma_wait3A_713 = tpu.memref_slice %arg11[%rem3A_128, %dma_wait3A_705, %dma_wait3A_712] : memref<2x25x80xi32, #tpu.memory_space<vmem>> -> memref<1x1x80xi32, #tpu.memory_space<vmem>>
      %dma_wait3A_714 = tpu.memref_squeeze %dma_wait3A_713 : memref<1x1x80xi32, #tpu.memory_space<vmem>> -> memref<80xi32, #tpu.memory_space<vmem>>
      %dma_wait3A_715 = arith.constant 0 : i32
      %dma_wait3A_716 = arith.constant 0 : i32
      %dma_wait3A_717 = tpu.memref_slice %arg5[%dma_wait3A_715, %dma_wait3A_716] : memref<10000x128xf32, #tpu.memory_space<hbm>> -> memref<10000x128xf32, #tpu.memory_space<hbm>>
      %dma_wait3A_718 = tpu.memref_slice %arg20[%dma_wait3A_707] : memref<2x!tpu.dma_semaphore, #tpu.memory_space<semaphore_mem>> -> memref<1x!tpu.dma_semaphore, #tpu.memory_space<semaphore_mem>>
      %dma_wait3A_719 = tpu.memref_squeeze %dma_wait3A_718 : memref<1x!tpu.dma_semaphore, #tpu.memory_space<semaphore_mem>> -> memref<!tpu.dma_semaphore, #tpu.memory_space<semaphore_mem>>
      tpu.wait_indirect_dma semaphore(%dma_wait3A_719 : memref<!tpu.dma_semaphore, #tpu.memory_space<semaphore_mem>>) src(%dma_wait3A_717 : memref<10000x128xf32, #tpu.memory_space<hbm>>) dst(%dma_wait3A_711 : memref<80x128xf32, #tpu.memory_space<vmem>>)
      %dma_start3A_720 = arith.constant 1 : i32
      %dma_start3A_721 = arith.constant 7 : i32
      %dma_start3A_722 = arith.constant 1 : i32
      %dma_start3A_723 = arith.constant 0 : i32
      %dma_start3A_724 = arith.constant 0 : i32
      %dma_start3A_725 = tpu.memref_slice %arg13[%dma_start3A_720, %dma_start3A_723, %dma_start3A_724] : memref<2x80x128xf32, #tpu.memory_space<vmem>> -> memref<1x80x128xf32, #tpu.memory_space<vmem>>
      %dma_start3A_726 = tpu.memref_squeeze %dma_start3A_725 : memref<1x80x128xf32, #tpu.memory_space<vmem>> -> memref<80x128xf32, #tpu.memory_space<vmem>>
      %dma_start3A_727 = arith.constant 0 : i32
      %dma_start3A_728 = tpu.memref_slice %arg12[%rem3A_128, %dma_start3A_721, %dma_start3A_727] : memref<2x25x80xi32, #tpu.memory_space<vmem>> -> memref<1x1x80xi32, #tpu.memory_space<vmem>>
      %dma_start3A_729 = tpu.memref_squeeze %dma_start3A_728 : memref<1x1x80xi32, #tpu.memory_space<vmem>> -> memref<80xi32, #tpu.memory_space<vmem>>
      %dma_start3A_730 = arith.constant 0 : i32
      %dma_start3A_731 = arith.constant 0 : i32
      %dma_start3A_732 = tpu.memref_slice %arg18[%dma_start3A_730, %dma_start3A_731] : memref<10000x128xf32, #tpu.memory_space<vmem_shared>> -> memref<10000x128xf32, #tpu.memory_space<vmem_shared>>
      %dma_start3A_733 = tpu.memref_slice %arg21[%dma_start3A_722] : memref<2x!tpu.dma_semaphore, #tpu.memory_space<semaphore_mem>> -> memref<1x!tpu.dma_semaphore, #tpu.memory_space<semaphore_mem>>
      %dma_start3A_734 = tpu.memref_squeeze %dma_start3A_733 : memref<1x!tpu.dma_semaphore, #tpu.memory_space<semaphore_mem>> -> memref<!tpu.dma_semaphore, #tpu.memory_space<semaphore_mem>>
      tpu.enqueue_indirect_dma source(%dma_start3A_726 : memref<80x128xf32, #tpu.memory_space<vmem>>) target(%dma_start3A_732 : memref<10000x128xf32, #tpu.memory_space<vmem_shared>>) offsets(%dma_start3A_729 : memref<80xi32, #tpu.memory_space<vmem>>) semaphore(%dma_start3A_734 : memref<!tpu.dma_semaphore, #tpu.memory_space<semaphore_mem>>) {add = true}
      %dma_start3A_735 = arith.constant 7 : i32
      %dma_start3A_736 = arith.constant 0 : i32
      %dma_start3A_737 = tpu.memref_slice %arg12[%rem3A_128, %dma_start3A_735, %dma_start3A_736] : memref<2x25x80xi32, #tpu.memory_space<vmem>> -> memref<1x1x80xi32, #tpu.memory_space<vmem>>
      %dma_start3A_738 = tpu.memref_squeeze %dma_start3A_737 : memref<1x1x80xi32, #tpu.memory_space<vmem>> -> memref<80xi32, #tpu.memory_space<vmem>>
      %dma_start3A_739 = arith.constant 0 : i32
      %dma_start3A_740 = tpu.memref_slice %arg19[%dma_start3A_739] : memref<10000xf32, #tpu.memory_space<vmem_shared>> -> memref<10000xf32, #tpu.memory_space<vmem_shared>>
      tpu.enqueue_indirect_dma source(%arg14 : memref<80xf32, #tpu.memory_space<vmem>>) target(%dma_start3A_740 : memref<10000xf32, #tpu.memory_space<vmem_shared>>) offsets(%dma_start3A_738 : memref<80xi32, #tpu.memory_space<vmem>>) semaphore(%arg22 : memref<!tpu.dma_semaphore, #tpu.memory_space<semaphore_mem>>) {add = true}
      %dma_wait3A_741 = arith.constant 1 : i32
      %dma_wait3A_742 = arith.constant 7 : i32
      %dma_wait3A_743 = arith.constant 1 : i32
      %dma_wait3A_744 = arith.constant 0 : i32
      %dma_wait3A_745 = arith.constant 0 : i32
      %dma_wait3A_746 = tpu.memref_slice %arg13[%dma_wait3A_741, %dma_wait3A_744, %dma_wait3A_745] : memref<2x80x128xf32, #tpu.memory_space<vmem>> -> memref<1x80x128xf32, #tpu.memory_space<vmem>>
      %dma_wait3A_747 = tpu.memref_squeeze %dma_wait3A_746 : memref<1x80x128xf32, #tpu.memory_space<vmem>> -> memref<80x128xf32, #tpu.memory_space<vmem>>
      %dma_wait3A_748 = arith.constant 0 : i32
      %dma_wait3A_749 = tpu.memref_slice %arg12[%rem3A_128, %dma_wait3A_742, %dma_wait3A_748] : memref<2x25x80xi32, #tpu.memory_space<vmem>> -> memref<1x1x80xi32, #tpu.memory_space<vmem>>
      %dma_wait3A_750 = tpu.memref_squeeze %dma_wait3A_749 : memref<1x1x80xi32, #tpu.memory_space<vmem>> -> memref<80xi32, #tpu.memory_space<vmem>>
      %dma_wait3A_751 = arith.constant 0 : i32
      %dma_wait3A_752 = arith.constant 0 : i32
      %dma_wait3A_753 = tpu.memref_slice %arg18[%dma_wait3A_751, %dma_wait3A_752] : memref<10000x128xf32, #tpu.memory_space<vmem_shared>> -> memref<10000x128xf32, #tpu.memory_space<vmem_shared>>
      %dma_wait3A_754 = tpu.memref_slice %arg21[%dma_wait3A_743] : memref<2x!tpu.dma_semaphore, #tpu.memory_space<semaphore_mem>> -> memref<1x!tpu.dma_semaphore, #tpu.memory_space<semaphore_mem>>
      %dma_wait3A_755 = tpu.memref_squeeze %dma_wait3A_754 : memref<1x!tpu.dma_semaphore, #tpu.memory_space<semaphore_mem>> -> memref<!tpu.dma_semaphore, #tpu.memory_space<semaphore_mem>>
      tpu.wait_indirect_dma semaphore(%dma_wait3A_755 : memref<!tpu.dma_semaphore, #tpu.memory_space<semaphore_mem>>) src(%dma_wait3A_747 : memref<80x128xf32, #tpu.memory_space<vmem>>) dst(%dma_wait3A_753 : memref<10000x128xf32, #tpu.memory_space<vmem_shared>>)
      %dma_start3A_756 = arith.constant 9 : i32
      %dma_start3A_757 = arith.constant 1 : i32
      %dma_start3A_758 = arith.constant 1 : i32
      %dma_start3A_759 = arith.constant 0 : i32
      %dma_start3A_760 = arith.constant 0 : i32
      %dma_start3A_761 = tpu.memref_slice %arg13[%dma_start3A_757, %dma_start3A_759, %dma_start3A_760] : memref<2x80x128xf32, #tpu.memory_space<vmem>> -> memref<1x80x128xf32, #tpu.memory_space<vmem>>
      %dma_start3A_762 = tpu.memref_squeeze %dma_start3A_761 : memref<1x80x128xf32, #tpu.memory_space<vmem>> -> memref<80x128xf32, #tpu.memory_space<vmem>>
      %dma_start3A_763 = arith.constant 0 : i32
      %dma_start3A_764 = tpu.memref_slice %arg11[%rem3A_128, %dma_start3A_756, %dma_start3A_763] : memref<2x25x80xi32, #tpu.memory_space<vmem>> -> memref<1x1x80xi32, #tpu.memory_space<vmem>>
      %dma_start3A_765 = tpu.memref_squeeze %dma_start3A_764 : memref<1x1x80xi32, #tpu.memory_space<vmem>> -> memref<80xi32, #tpu.memory_space<vmem>>
      %dma_start3A_766 = arith.constant 0 : i32
      %dma_start3A_767 = arith.constant 0 : i32
      %dma_start3A_768 = tpu.memref_slice %arg5[%dma_start3A_766, %dma_start3A_767] : memref<10000x128xf32, #tpu.memory_space<hbm>> -> memref<10000x128xf32, #tpu.memory_space<hbm>>
      %dma_start3A_769 = tpu.memref_slice %arg20[%dma_start3A_758] : memref<2x!tpu.dma_semaphore, #tpu.memory_space<semaphore_mem>> -> memref<1x!tpu.dma_semaphore, #tpu.memory_space<semaphore_mem>>
      %dma_start3A_770 = tpu.memref_squeeze %dma_start3A_769 : memref<1x!tpu.dma_semaphore, #tpu.memory_space<semaphore_mem>> -> memref<!tpu.dma_semaphore, #tpu.memory_space<semaphore_mem>>
      tpu.enqueue_indirect_dma source(%dma_start3A_768 : memref<10000x128xf32, #tpu.memory_space<hbm>>) target(%dma_start3A_762 : memref<80x128xf32, #tpu.memory_space<vmem>>) offsets(%dma_start3A_765 : memref<80xi32, #tpu.memory_space<vmem>>) semaphore(%dma_start3A_770 : memref<!tpu.dma_semaphore, #tpu.memory_space<semaphore_mem>>)
      %dma_wait3A_771 = arith.constant 8 : i32
      %dma_wait3A_772 = arith.constant 0 : i32
      %dma_wait3A_773 = arith.constant 0 : i32
      %dma_wait3A_774 = arith.constant 0 : i32
      %dma_wait3A_775 = arith.constant 0 : i32
      %dma_wait3A_776 = tpu.memref_slice %arg13[%dma_wait3A_772, %dma_wait3A_774, %dma_wait3A_775] : memref<2x80x128xf32, #tpu.memory_space<vmem>> -> memref<1x80x128xf32, #tpu.memory_space<vmem>>
      %dma_wait3A_777 = tpu.memref_squeeze %dma_wait3A_776 : memref<1x80x128xf32, #tpu.memory_space<vmem>> -> memref<80x128xf32, #tpu.memory_space<vmem>>
      %dma_wait3A_778 = arith.constant 0 : i32
      %dma_wait3A_779 = tpu.memref_slice %arg11[%rem3A_128, %dma_wait3A_771, %dma_wait3A_778] : memref<2x25x80xi32, #tpu.memory_space<vmem>> -> memref<1x1x80xi32, #tpu.memory_space<vmem>>
      %dma_wait3A_780 = tpu.memref_squeeze %dma_wait3A_779 : memref<1x1x80xi32, #tpu.memory_space<vmem>> -> memref<80xi32, #tpu.memory_space<vmem>>
      %dma_wait3A_781 = arith.constant 0 : i32
      %dma_wait3A_782 = arith.constant 0 : i32
      %dma_wait3A_783 = tpu.memref_slice %arg5[%dma_wait3A_781, %dma_wait3A_782] : memref<10000x128xf32, #tpu.memory_space<hbm>> -> memref<10000x128xf32, #tpu.memory_space<hbm>>
      %dma_wait3A_784 = tpu.memref_slice %arg20[%dma_wait3A_773] : memref<2x!tpu.dma_semaphore, #tpu.memory_space<semaphore_mem>> -> memref<1x!tpu.dma_semaphore, #tpu.memory_space<semaphore_mem>>
      %dma_wait3A_785 = tpu.memref_squeeze %dma_wait3A_784 : memref<1x!tpu.dma_semaphore, #tpu.memory_space<semaphore_mem>> -> memref<!tpu.dma_semaphore, #tpu.memory_space<semaphore_mem>>
      tpu.wait_indirect_dma semaphore(%dma_wait3A_785 : memref<!tpu.dma_semaphore, #tpu.memory_space<semaphore_mem>>) src(%dma_wait3A_783 : memref<10000x128xf32, #tpu.memory_space<hbm>>) dst(%dma_wait3A_777 : memref<80x128xf32, #tpu.memory_space<vmem>>)
      %dma_start3A_786 = arith.constant 0 : i32
      %dma_start3A_787 = arith.constant 8 : i32
      %dma_start3A_788 = arith.constant 0 : i32
      %dma_start3A_789 = arith.constant 0 : i32
      %dma_start3A_790 = arith.constant 0 : i32
      %dma_start3A_791 = tpu.memref_slice %arg13[%dma_start3A_786, %dma_start3A_789, %dma_start3A_790] : memref<2x80x128xf32, #tpu.memory_space<vmem>> -> memref<1x80x128xf32, #tpu.memory_space<vmem>>
      %dma_start3A_792 = tpu.memref_squeeze %dma_start3A_791 : memref<1x80x128xf32, #tpu.memory_space<vmem>> -> memref<80x128xf32, #tpu.memory_space<vmem>>
      %dma_start3A_793 = arith.constant 0 : i32
      %dma_start3A_794 = tpu.memref_slice %arg12[%rem3A_128, %dma_start3A_787, %dma_start3A_793] : memref<2x25x80xi32, #tpu.memory_space<vmem>> -> memref<1x1x80xi32, #tpu.memory_space<vmem>>
      %dma_start3A_795 = tpu.memref_squeeze %dma_start3A_794 : memref<1x1x80xi32, #tpu.memory_space<vmem>> -> memref<80xi32, #tpu.memory_space<vmem>>
      %dma_start3A_796 = arith.constant 0 : i32
      %dma_start3A_797 = arith.constant 0 : i32
      %dma_start3A_798 = tpu.memref_slice %arg18[%dma_start3A_796, %dma_start3A_797] : memref<10000x128xf32, #tpu.memory_space<vmem_shared>> -> memref<10000x128xf32, #tpu.memory_space<vmem_shared>>
      %dma_start3A_799 = tpu.memref_slice %arg21[%dma_start3A_788] : memref<2x!tpu.dma_semaphore, #tpu.memory_space<semaphore_mem>> -> memref<1x!tpu.dma_semaphore, #tpu.memory_space<semaphore_mem>>
      %dma_start3A_800 = tpu.memref_squeeze %dma_start3A_799 : memref<1x!tpu.dma_semaphore, #tpu.memory_space<semaphore_mem>> -> memref<!tpu.dma_semaphore, #tpu.memory_space<semaphore_mem>>
      tpu.enqueue_indirect_dma source(%dma_start3A_792 : memref<80x128xf32, #tpu.memory_space<vmem>>) target(%dma_start3A_798 : memref<10000x128xf32, #tpu.memory_space<vmem_shared>>) offsets(%dma_start3A_795 : memref<80xi32, #tpu.memory_space<vmem>>) semaphore(%dma_start3A_800 : memref<!tpu.dma_semaphore, #tpu.memory_space<semaphore_mem>>) {add = true}
      %dma_start3A_801 = arith.constant 8 : i32
      %dma_start3A_802 = arith.constant 0 : i32
      %dma_start3A_803 = tpu.memref_slice %arg12[%rem3A_128, %dma_start3A_801, %dma_start3A_802] : memref<2x25x80xi32, #tpu.memory_space<vmem>> -> memref<1x1x80xi32, #tpu.memory_space<vmem>>
      %dma_start3A_804 = tpu.memref_squeeze %dma_start3A_803 : memref<1x1x80xi32, #tpu.memory_space<vmem>> -> memref<80xi32, #tpu.memory_space<vmem>>
      %dma_start3A_805 = arith.constant 0 : i32
      %dma_start3A_806 = tpu.memref_slice %arg19[%dma_start3A_805] : memref<10000xf32, #tpu.memory_space<vmem_shared>> -> memref<10000xf32, #tpu.memory_space<vmem_shared>>
      tpu.enqueue_indirect_dma source(%arg14 : memref<80xf32, #tpu.memory_space<vmem>>) target(%dma_start3A_806 : memref<10000xf32, #tpu.memory_space<vmem_shared>>) offsets(%dma_start3A_804 : memref<80xi32, #tpu.memory_space<vmem>>) semaphore(%arg22 : memref<!tpu.dma_semaphore, #tpu.memory_space<semaphore_mem>>) {add = true}
      %dma_wait3A_807 = arith.constant 0 : i32
      %dma_wait3A_808 = arith.constant 8 : i32
      %dma_wait3A_809 = arith.constant 0 : i32
      %dma_wait3A_810 = arith.constant 0 : i32
      %dma_wait3A_811 = arith.constant 0 : i32
      %dma_wait3A_812 = tpu.memref_slice %arg13[%dma_wait3A_807, %dma_wait3A_810, %dma_wait3A_811] : memref<2x80x128xf32, #tpu.memory_space<vmem>> -> memref<1x80x128xf32, #tpu.memory_space<vmem>>
      %dma_wait3A_813 = tpu.memref_squeeze %dma_wait3A_812 : memref<1x80x128xf32, #tpu.memory_space<vmem>> -> memref<80x128xf32, #tpu.memory_space<vmem>>
      %dma_wait3A_814 = arith.constant 0 : i32
      %dma_wait3A_815 = tpu.memref_slice %arg12[%rem3A_128, %dma_wait3A_808, %dma_wait3A_814] : memref<2x25x80xi32, #tpu.memory_space<vmem>> -> memref<1x1x80xi32, #tpu.memory_space<vmem>>
      %dma_wait3A_816 = tpu.memref_squeeze %dma_wait3A_815 : memref<1x1x80xi32, #tpu.memory_space<vmem>> -> memref<80xi32, #tpu.memory_space<vmem>>
      %dma_wait3A_817 = arith.constant 0 : i32
      %dma_wait3A_818 = arith.constant 0 : i32
      %dma_wait3A_819 = tpu.memref_slice %arg18[%dma_wait3A_817, %dma_wait3A_818] : memref<10000x128xf32, #tpu.memory_space<vmem_shared>> -> memref<10000x128xf32, #tpu.memory_space<vmem_shared>>
      %dma_wait3A_820 = tpu.memref_slice %arg21[%dma_wait3A_809] : memref<2x!tpu.dma_semaphore, #tpu.memory_space<semaphore_mem>> -> memref<1x!tpu.dma_semaphore, #tpu.memory_space<semaphore_mem>>
      %dma_wait3A_821 = tpu.memref_squeeze %dma_wait3A_820 : memref<1x!tpu.dma_semaphore, #tpu.memory_space<semaphore_mem>> -> memref<!tpu.dma_semaphore, #tpu.memory_space<semaphore_mem>>
      tpu.wait_indirect_dma semaphore(%dma_wait3A_821 : memref<!tpu.dma_semaphore, #tpu.memory_space<semaphore_mem>>) src(%dma_wait3A_813 : memref<80x128xf32, #tpu.memory_space<vmem>>) dst(%dma_wait3A_819 : memref<10000x128xf32, #tpu.memory_space<vmem_shared>>)
      %dma_start3A_822 = arith.constant 10 : i32
      %dma_start3A_823 = arith.constant 0 : i32
      %dma_start3A_824 = arith.constant 0 : i32
      %dma_start3A_825 = arith.constant 0 : i32
      %dma_start3A_826 = arith.constant 0 : i32
      %dma_start3A_827 = tpu.memref_slice %arg13[%dma_start3A_823, %dma_start3A_825, %dma_start3A_826] : memref<2x80x128xf32, #tpu.memory_space<vmem>> -> memref<1x80x128xf32, #tpu.memory_space<vmem>>
      %dma_start3A_828 = tpu.memref_squeeze %dma_start3A_827 : memref<1x80x128xf32, #tpu.memory_space<vmem>> -> memref<80x128xf32, #tpu.memory_space<vmem>>
      %dma_start3A_829 = arith.constant 0 : i32
      %dma_start3A_830 = tpu.memref_slice %arg11[%rem3A_128, %dma_start3A_822, %dma_start3A_829] : memref<2x25x80xi32, #tpu.memory_space<vmem>> -> memref<1x1x80xi32, #tpu.memory_space<vmem>>
      %dma_start3A_831 = tpu.memref_squeeze %dma_start3A_830 : memref<1x1x80xi32, #tpu.memory_space<vmem>> -> memref<80xi32, #tpu.memory_space<vmem>>
      %dma_start3A_832 = arith.constant 0 : i32
      %dma_start3A_833 = arith.constant 0 : i32
      %dma_start3A_834 = tpu.memref_slice %arg5[%dma_start3A_832, %dma_start3A_833] : memref<10000x128xf32, #tpu.memory_space<hbm>> -> memref<10000x128xf32, #tpu.memory_space<hbm>>
      %dma_start3A_835 = tpu.memref_slice %arg20[%dma_start3A_824] : memref<2x!tpu.dma_semaphore, #tpu.memory_space<semaphore_mem>> -> memref<1x!tpu.dma_semaphore, #tpu.memory_space<semaphore_mem>>
      %dma_start3A_836 = tpu.memref_squeeze %dma_start3A_835 : memref<1x!tpu.dma_semaphore, #tpu.memory_space<semaphore_mem>> -> memref<!tpu.dma_semaphore, #tpu.memory_space<semaphore_mem>>
      tpu.enqueue_indirect_dma source(%dma_start3A_834 : memref<10000x128xf32, #tpu.memory_space<hbm>>) target(%dma_start3A_828 : memref<80x128xf32, #tpu.memory_space<vmem>>) offsets(%dma_start3A_831 : memref<80xi32, #tpu.memory_space<vmem>>) semaphore(%dma_start3A_836 : memref<!tpu.dma_semaphore, #tpu.memory_space<semaphore_mem>>)
      %dma_wait3A_837 = arith.constant 9 : i32
      %dma_wait3A_838 = arith.constant 1 : i32
      %dma_wait3A_839 = arith.constant 1 : i32
      %dma_wait3A_840 = arith.constant 0 : i32
      %dma_wait3A_841 = arith.constant 0 : i32
      %dma_wait3A_842 = tpu.memref_slice %arg13[%dma_wait3A_838, %dma_wait3A_840, %dma_wait3A_841] : memref<2x80x128xf32, #tpu.memory_space<vmem>> -> memref<1x80x128xf32, #tpu.memory_space<vmem>>
      %dma_wait3A_843 = tpu.memref_squeeze %dma_wait3A_842 : memref<1x80x128xf32, #tpu.memory_space<vmem>> -> memref<80x128xf32, #tpu.memory_space<vmem>>
      %dma_wait3A_844 = arith.constant 0 : i32
      %dma_wait3A_845 = tpu.memref_slice %arg11[%rem3A_128, %dma_wait3A_837, %dma_wait3A_844] : memref<2x25x80xi32, #tpu.memory_space<vmem>> -> memref<1x1x80xi32, #tpu.memory_space<vmem>>
      %dma_wait3A_846 = tpu.memref_squeeze %dma_wait3A_845 : memref<1x1x80xi32, #tpu.memory_space<vmem>> -> memref<80xi32, #tpu.memory_space<vmem>>
      %dma_wait3A_847 = arith.constant 0 : i32
      %dma_wait3A_848 = arith.constant 0 : i32
      %dma_wait3A_849 = tpu.memref_slice %arg5[%dma_wait3A_847, %dma_wait3A_848] : memref<10000x128xf32, #tpu.memory_space<hbm>> -> memref<10000x128xf32, #tpu.memory_space<hbm>>
      %dma_wait3A_850 = tpu.memref_slice %arg20[%dma_wait3A_839] : memref<2x!tpu.dma_semaphore, #tpu.memory_space<semaphore_mem>> -> memref<1x!tpu.dma_semaphore, #tpu.memory_space<semaphore_mem>>
      %dma_wait3A_851 = tpu.memref_squeeze %dma_wait3A_850 : memref<1x!tpu.dma_semaphore, #tpu.memory_space<semaphore_mem>> -> memref<!tpu.dma_semaphore, #tpu.memory_space<semaphore_mem>>
      tpu.wait_indirect_dma semaphore(%dma_wait3A_851 : memref<!tpu.dma_semaphore, #tpu.memory_space<semaphore_mem>>) src(%dma_wait3A_849 : memref<10000x128xf32, #tpu.memory_space<hbm>>) dst(%dma_wait3A_843 : memref<80x128xf32, #tpu.memory_space<vmem>>)
      %dma_start3A_852 = arith.constant 1 : i32
      %dma_start3A_853 = arith.constant 9 : i32
      %dma_start3A_854 = arith.constant 1 : i32
      %dma_start3A_855 = arith.constant 0 : i32
      %dma_start3A_856 = arith.constant 0 : i32
      %dma_start3A_857 = tpu.memref_slice %arg13[%dma_start3A_852, %dma_start3A_855, %dma_start3A_856] : memref<2x80x128xf32, #tpu.memory_space<vmem>> -> memref<1x80x128xf32, #tpu.memory_space<vmem>>
      %dma_start3A_858 = tpu.memref_squeeze %dma_start3A_857 : memref<1x80x128xf32, #tpu.memory_space<vmem>> -> memref<80x128xf32, #tpu.memory_space<vmem>>
      %dma_start3A_859 = arith.constant 0 : i32
      %dma_start3A_860 = tpu.memref_slice %arg12[%rem3A_128, %dma_start3A_853, %dma_start3A_859] : memref<2x25x80xi32, #tpu.memory_space<vmem>> -> memref<1x1x80xi32, #tpu.memory_space<vmem>>
      %dma_start3A_861 = tpu.memref_squeeze %dma_start3A_860 : memref<1x1x80xi32, #tpu.memory_space<vmem>> -> memref<80xi32, #tpu.memory_space<vmem>>
      %dma_start3A_862 = arith.constant 0 : i32
      %dma_start3A_863 = arith.constant 0 : i32
      %dma_start3A_864 = tpu.memref_slice %arg18[%dma_start3A_862, %dma_start3A_863] : memref<10000x128xf32, #tpu.memory_space<vmem_shared>> -> memref<10000x128xf32, #tpu.memory_space<vmem_shared>>
      %dma_start3A_865 = tpu.memref_slice %arg21[%dma_start3A_854] : memref<2x!tpu.dma_semaphore, #tpu.memory_space<semaphore_mem>> -> memref<1x!tpu.dma_semaphore, #tpu.memory_space<semaphore_mem>>
      %dma_start3A_866 = tpu.memref_squeeze %dma_start3A_865 : memref<1x!tpu.dma_semaphore, #tpu.memory_space<semaphore_mem>> -> memref<!tpu.dma_semaphore, #tpu.memory_space<semaphore_mem>>
      tpu.enqueue_indirect_dma source(%dma_start3A_858 : memref<80x128xf32, #tpu.memory_space<vmem>>) target(%dma_start3A_864 : memref<10000x128xf32, #tpu.memory_space<vmem_shared>>) offsets(%dma_start3A_861 : memref<80xi32, #tpu.memory_space<vmem>>) semaphore(%dma_start3A_866 : memref<!tpu.dma_semaphore, #tpu.memory_space<semaphore_mem>>) {add = true}
      %dma_start3A_867 = arith.constant 9 : i32
      %dma_start3A_868 = arith.constant 0 : i32
      %dma_start3A_869 = tpu.memref_slice %arg12[%rem3A_128, %dma_start3A_867, %dma_start3A_868] : memref<2x25x80xi32, #tpu.memory_space<vmem>> -> memref<1x1x80xi32, #tpu.memory_space<vmem>>
      %dma_start3A_870 = tpu.memref_squeeze %dma_start3A_869 : memref<1x1x80xi32, #tpu.memory_space<vmem>> -> memref<80xi32, #tpu.memory_space<vmem>>
      %dma_start3A_871 = arith.constant 0 : i32
      %dma_start3A_872 = tpu.memref_slice %arg19[%dma_start3A_871] : memref<10000xf32, #tpu.memory_space<vmem_shared>> -> memref<10000xf32, #tpu.memory_space<vmem_shared>>
      tpu.enqueue_indirect_dma source(%arg14 : memref<80xf32, #tpu.memory_space<vmem>>) target(%dma_start3A_872 : memref<10000xf32, #tpu.memory_space<vmem_shared>>) offsets(%dma_start3A_870 : memref<80xi32, #tpu.memory_space<vmem>>) semaphore(%arg22 : memref<!tpu.dma_semaphore, #tpu.memory_space<semaphore_mem>>) {add = true}
      %dma_wait3A_873 = arith.constant 1 : i32
      %dma_wait3A_874 = arith.constant 9 : i32
      %dma_wait3A_875 = arith.constant 1 : i32
      %dma_wait3A_876 = arith.constant 0 : i32
      %dma_wait3A_877 = arith.constant 0 : i32
      %dma_wait3A_878 = tpu.memref_slice %arg13[%dma_wait3A_873, %dma_wait3A_876, %dma_wait3A_877] : memref<2x80x128xf32, #tpu.memory_space<vmem>> -> memref<1x80x128xf32, #tpu.memory_space<vmem>>
      %dma_wait3A_879 = tpu.memref_squeeze %dma_wait3A_878 : memref<1x80x128xf32, #tpu.memory_space<vmem>> -> memref<80x128xf32, #tpu.memory_space<vmem>>
      %dma_wait3A_880 = arith.constant 0 : i32
      %dma_wait3A_881 = tpu.memref_slice %arg12[%rem3A_128, %dma_wait3A_874, %dma_wait3A_880] : memref<2x25x80xi32, #tpu.memory_space<vmem>> -> memref<1x1x80xi32, #tpu.memory_space<vmem>>
      %dma_wait3A_882 = tpu.memref_squeeze %dma_wait3A_881 : memref<1x1x80xi32, #tpu.memory_space<vmem>> -> memref<80xi32, #tpu.memory_space<vmem>>
      %dma_wait3A_883 = arith.constant 0 : i32
      %dma_wait3A_884 = arith.constant 0 : i32
      %dma_wait3A_885 = tpu.memref_slice %arg18[%dma_wait3A_883, %dma_wait3A_884] : memref<10000x128xf32, #tpu.memory_space<vmem_shared>> -> memref<10000x128xf32, #tpu.memory_space<vmem_shared>>
      %dma_wait3A_886 = tpu.memref_slice %arg21[%dma_wait3A_875] : memref<2x!tpu.dma_semaphore, #tpu.memory_space<semaphore_mem>> -> memref<1x!tpu.dma_semaphore, #tpu.memory_space<semaphore_mem>>
      %dma_wait3A_887 = tpu.memref_squeeze %dma_wait3A_886 : memref<1x!tpu.dma_semaphore, #tpu.memory_space<semaphore_mem>> -> memref<!tpu.dma_semaphore, #tpu.memory_space<semaphore_mem>>
      tpu.wait_indirect_dma semaphore(%dma_wait3A_887 : memref<!tpu.dma_semaphore, #tpu.memory_space<semaphore_mem>>) src(%dma_wait3A_879 : memref<80x128xf32, #tpu.memory_space<vmem>>) dst(%dma_wait3A_885 : memref<10000x128xf32, #tpu.memory_space<vmem_shared>>)
      %dma_start3A_888 = arith.constant 11 : i32
      %dma_start3A_889 = arith.constant 1 : i32
      %dma_start3A_890 = arith.constant 1 : i32
      %dma_start3A_891 = arith.constant 0 : i32
      %dma_start3A_892 = arith.constant 0 : i32
      %dma_start3A_893 = tpu.memref_slice %arg13[%dma_start3A_889, %dma_start3A_891, %dma_start3A_892] : memref<2x80x128xf32, #tpu.memory_space<vmem>> -> memref<1x80x128xf32, #tpu.memory_space<vmem>>
      %dma_start3A_894 = tpu.memref_squeeze %dma_start3A_893 : memref<1x80x128xf32, #tpu.memory_space<vmem>> -> memref<80x128xf32, #tpu.memory_space<vmem>>
      %dma_start3A_895 = arith.constant 0 : i32
      %dma_start3A_896 = tpu.memref_slice %arg11[%rem3A_128, %dma_start3A_888, %dma_start3A_895] : memref<2x25x80xi32, #tpu.memory_space<vmem>> -> memref<1x1x80xi32, #tpu.memory_space<vmem>>
      %dma_start3A_897 = tpu.memref_squeeze %dma_start3A_896 : memref<1x1x80xi32, #tpu.memory_space<vmem>> -> memref<80xi32, #tpu.memory_space<vmem>>
      %dma_start3A_898 = arith.constant 0 : i32
      %dma_start3A_899 = arith.constant 0 : i32
      %dma_start3A_900 = tpu.memref_slice %arg5[%dma_start3A_898, %dma_start3A_899] : memref<10000x128xf32, #tpu.memory_space<hbm>> -> memref<10000x128xf32, #tpu.memory_space<hbm>>
      %dma_start3A_901 = tpu.memref_slice %arg20[%dma_start3A_890] : memref<2x!tpu.dma_semaphore, #tpu.memory_space<semaphore_mem>> -> memref<1x!tpu.dma_semaphore, #tpu.memory_space<semaphore_mem>>
      %dma_start3A_902 = tpu.memref_squeeze %dma_start3A_901 : memref<1x!tpu.dma_semaphore, #tpu.memory_space<semaphore_mem>> -> memref<!tpu.dma_semaphore, #tpu.memory_space<semaphore_mem>>
      tpu.enqueue_indirect_dma source(%dma_start3A_900 : memref<10000x128xf32, #tpu.memory_space<hbm>>) target(%dma_start3A_894 : memref<80x128xf32, #tpu.memory_space<vmem>>) offsets(%dma_start3A_897 : memref<80xi32, #tpu.memory_space<vmem>>) semaphore(%dma_start3A_902 : memref<!tpu.dma_semaphore, #tpu.memory_space<semaphore_mem>>)
      %dma_wait3A_903 = arith.constant 10 : i32
      %dma_wait3A_904 = arith.constant 0 : i32
      %dma_wait3A_905 = arith.constant 0 : i32
      %dma_wait3A_906 = arith.constant 0 : i32
      %dma_wait3A_907 = arith.constant 0 : i32
      %dma_wait3A_908 = tpu.memref_slice %arg13[%dma_wait3A_904, %dma_wait3A_906, %dma_wait3A_907] : memref<2x80x128xf32, #tpu.memory_space<vmem>> -> memref<1x80x128xf32, #tpu.memory_space<vmem>>
      %dma_wait3A_909 = tpu.memref_squeeze %dma_wait3A_908 : memref<1x80x128xf32, #tpu.memory_space<vmem>> -> memref<80x128xf32, #tpu.memory_space<vmem>>
      %dma_wait3A_910 = arith.constant 0 : i32
      %dma_wait3A_911 = tpu.memref_slice %arg11[%rem3A_128, %dma_wait3A_903, %dma_wait3A_910] : memref<2x25x80xi32, #tpu.memory_space<vmem>> -> memref<1x1x80xi32, #tpu.memory_space<vmem>>
      %dma_wait3A_912 = tpu.memref_squeeze %dma_wait3A_911 : memref<1x1x80xi32, #tpu.memory_space<vmem>> -> memref<80xi32, #tpu.memory_space<vmem>>
      %dma_wait3A_913 = arith.constant 0 : i32
      %dma_wait3A_914 = arith.constant 0 : i32
      %dma_wait3A_915 = tpu.memref_slice %arg5[%dma_wait3A_913, %dma_wait3A_914] : memref<10000x128xf32, #tpu.memory_space<hbm>> -> memref<10000x128xf32, #tpu.memory_space<hbm>>
      %dma_wait3A_916 = tpu.memref_slice %arg20[%dma_wait3A_905] : memref<2x!tpu.dma_semaphore, #tpu.memory_space<semaphore_mem>> -> memref<1x!tpu.dma_semaphore, #tpu.memory_space<semaphore_mem>>
      %dma_wait3A_917 = tpu.memref_squeeze %dma_wait3A_916 : memref<1x!tpu.dma_semaphore, #tpu.memory_space<semaphore_mem>> -> memref<!tpu.dma_semaphore, #tpu.memory_space<semaphore_mem>>
      tpu.wait_indirect_dma semaphore(%dma_wait3A_917 : memref<!tpu.dma_semaphore, #tpu.memory_space<semaphore_mem>>) src(%dma_wait3A_915 : memref<10000x128xf32, #tpu.memory_space<hbm>>) dst(%dma_wait3A_909 : memref<80x128xf32, #tpu.memory_space<vmem>>)
      %dma_start3A_918 = arith.constant 0 : i32
      %dma_start3A_919 = arith.constant 10 : i32
      %dma_start3A_920 = arith.constant 0 : i32
      %dma_start3A_921 = arith.constant 0 : i32
      %dma_start3A_922 = arith.constant 0 : i32
      %dma_start3A_923 = tpu.memref_slice %arg13[%dma_start3A_918, %dma_start3A_921, %dma_start3A_922] : memref<2x80x128xf32, #tpu.memory_space<vmem>> -> memref<1x80x128xf32, #tpu.memory_space<vmem>>
      %dma_start3A_924 = tpu.memref_squeeze %dma_start3A_923 : memref<1x80x128xf32, #tpu.memory_space<vmem>> -> memref<80x128xf32, #tpu.memory_space<vmem>>
      %dma_start3A_925 = arith.constant 0 : i32
      %dma_start3A_926 = tpu.memref_slice %arg12[%rem3A_128, %dma_start3A_919, %dma_start3A_925] : memref<2x25x80xi32, #tpu.memory_space<vmem>> -> memref<1x1x80xi32, #tpu.memory_space<vmem>>
      %dma_start3A_927 = tpu.memref_squeeze %dma_start3A_926 : memref<1x1x80xi32, #tpu.memory_space<vmem>> -> memref<80xi32, #tpu.memory_space<vmem>>
      %dma_start3A_928 = arith.constant 0 : i32
      %dma_start3A_929 = arith.constant 0 : i32
      %dma_start3A_930 = tpu.memref_slice %arg18[%dma_start3A_928, %dma_start3A_929] : memref<10000x128xf32, #tpu.memory_space<vmem_shared>> -> memref<10000x128xf32, #tpu.memory_space<vmem_shared>>
      %dma_start3A_931 = tpu.memref_slice %arg21[%dma_start3A_920] : memref<2x!tpu.dma_semaphore, #tpu.memory_space<semaphore_mem>> -> memref<1x!tpu.dma_semaphore, #tpu.memory_space<semaphore_mem>>
      %dma_start3A_932 = tpu.memref_squeeze %dma_start3A_931 : memref<1x!tpu.dma_semaphore, #tpu.memory_space<semaphore_mem>> -> memref<!tpu.dma_semaphore, #tpu.memory_space<semaphore_mem>>
      tpu.enqueue_indirect_dma source(%dma_start3A_924 : memref<80x128xf32, #tpu.memory_space<vmem>>) target(%dma_start3A_930 : memref<10000x128xf32, #tpu.memory_space<vmem_shared>>) offsets(%dma_start3A_927 : memref<80xi32, #tpu.memory_space<vmem>>) semaphore(%dma_start3A_932 : memref<!tpu.dma_semaphore, #tpu.memory_space<semaphore_mem>>) {add = true}
      %dma_start3A_933 = arith.constant 10 : i32
      %dma_start3A_934 = arith.constant 0 : i32
      %dma_start3A_935 = tpu.memref_slice %arg12[%rem3A_128, %dma_start3A_933, %dma_start3A_934] : memref<2x25x80xi32, #tpu.memory_space<vmem>> -> memref<1x1x80xi32, #tpu.memory_space<vmem>>
      %dma_start3A_936 = tpu.memref_squeeze %dma_start3A_935 : memref<1x1x80xi32, #tpu.memory_space<vmem>> -> memref<80xi32, #tpu.memory_space<vmem>>
      %dma_start3A_937 = arith.constant 0 : i32
      %dma_start3A_938 = tpu.memref_slice %arg19[%dma_start3A_937] : memref<10000xf32, #tpu.memory_space<vmem_shared>> -> memref<10000xf32, #tpu.memory_space<vmem_shared>>
      tpu.enqueue_indirect_dma source(%arg14 : memref<80xf32, #tpu.memory_space<vmem>>) target(%dma_start3A_938 : memref<10000xf32, #tpu.memory_space<vmem_shared>>) offsets(%dma_start3A_936 : memref<80xi32, #tpu.memory_space<vmem>>) semaphore(%arg22 : memref<!tpu.dma_semaphore, #tpu.memory_space<semaphore_mem>>) {add = true}
      %dma_wait3A_939 = arith.constant 0 : i32
      %dma_wait3A_940 = arith.constant 10 : i32
      %dma_wait3A_941 = arith.constant 0 : i32
      %dma_wait3A_942 = arith.constant 0 : i32
      %dma_wait3A_943 = arith.constant 0 : i32
      %dma_wait3A_944 = tpu.memref_slice %arg13[%dma_wait3A_939, %dma_wait3A_942, %dma_wait3A_943] : memref<2x80x128xf32, #tpu.memory_space<vmem>> -> memref<1x80x128xf32, #tpu.memory_space<vmem>>
      %dma_wait3A_945 = tpu.memref_squeeze %dma_wait3A_944 : memref<1x80x128xf32, #tpu.memory_space<vmem>> -> memref<80x128xf32, #tpu.memory_space<vmem>>
      %dma_wait3A_946 = arith.constant 0 : i32
      %dma_wait3A_947 = tpu.memref_slice %arg12[%rem3A_128, %dma_wait3A_940, %dma_wait3A_946] : memref<2x25x80xi32, #tpu.memory_space<vmem>> -> memref<1x1x80xi32, #tpu.memory_space<vmem>>
      %dma_wait3A_948 = tpu.memref_squeeze %dma_wait3A_947 : memref<1x1x80xi32, #tpu.memory_space<vmem>> -> memref<80xi32, #tpu.memory_space<vmem>>
      %dma_wait3A_949 = arith.constant 0 : i32
      %dma_wait3A_950 = arith.constant 0 : i32
      %dma_wait3A_951 = tpu.memref_slice %arg18[%dma_wait3A_949, %dma_wait3A_950] : memref<10000x128xf32, #tpu.memory_space<vmem_shared>> -> memref<10000x128xf32, #tpu.memory_space<vmem_shared>>
      %dma_wait3A_952 = tpu.memref_slice %arg21[%dma_wait3A_941] : memref<2x!tpu.dma_semaphore, #tpu.memory_space<semaphore_mem>> -> memref<1x!tpu.dma_semaphore, #tpu.memory_space<semaphore_mem>>
      %dma_wait3A_953 = tpu.memref_squeeze %dma_wait3A_952 : memref<1x!tpu.dma_semaphore, #tpu.memory_space<semaphore_mem>> -> memref<!tpu.dma_semaphore, #tpu.memory_space<semaphore_mem>>
      tpu.wait_indirect_dma semaphore(%dma_wait3A_953 : memref<!tpu.dma_semaphore, #tpu.memory_space<semaphore_mem>>) src(%dma_wait3A_945 : memref<80x128xf32, #tpu.memory_space<vmem>>) dst(%dma_wait3A_951 : memref<10000x128xf32, #tpu.memory_space<vmem_shared>>)
      %dma_start3A_954 = arith.constant 12 : i32
      %dma_start3A_955 = arith.constant 0 : i32
      %dma_start3A_956 = arith.constant 0 : i32
      %dma_start3A_957 = arith.constant 0 : i32
      %dma_start3A_958 = arith.constant 0 : i32
      %dma_start3A_959 = tpu.memref_slice %arg13[%dma_start3A_955, %dma_start3A_957, %dma_start3A_958] : memref<2x80x128xf32, #tpu.memory_space<vmem>> -> memref<1x80x128xf32, #tpu.memory_space<vmem>>
      %dma_start3A_960 = tpu.memref_squeeze %dma_start3A_959 : memref<1x80x128xf32, #tpu.memory_space<vmem>> -> memref<80x128xf32, #tpu.memory_space<vmem>>
      %dma_start3A_961 = arith.constant 0 : i32
      %dma_start3A_962 = tpu.memref_slice %arg11[%rem3A_128, %dma_start3A_954, %dma_start3A_961] : memref<2x25x80xi32, #tpu.memory_space<vmem>> -> memref<1x1x80xi32, #tpu.memory_space<vmem>>
      %dma_start3A_963 = tpu.memref_squeeze %dma_start3A_962 : memref<1x1x80xi32, #tpu.memory_space<vmem>> -> memref<80xi32, #tpu.memory_space<vmem>>
      %dma_start3A_964 = arith.constant 0 : i32
      %dma_start3A_965 = arith.constant 0 : i32
      %dma_start3A_966 = tpu.memref_slice %arg5[%dma_start3A_964, %dma_start3A_965] : memref<10000x128xf32, #tpu.memory_space<hbm>> -> memref<10000x128xf32, #tpu.memory_space<hbm>>
      %dma_start3A_967 = tpu.memref_slice %arg20[%dma_start3A_956] : memref<2x!tpu.dma_semaphore, #tpu.memory_space<semaphore_mem>> -> memref<1x!tpu.dma_semaphore, #tpu.memory_space<semaphore_mem>>
      %dma_start3A_968 = tpu.memref_squeeze %dma_start3A_967 : memref<1x!tpu.dma_semaphore, #tpu.memory_space<semaphore_mem>> -> memref<!tpu.dma_semaphore, #tpu.memory_space<semaphore_mem>>
      tpu.enqueue_indirect_dma source(%dma_start3A_966 : memref<10000x128xf32, #tpu.memory_space<hbm>>) target(%dma_start3A_960 : memref<80x128xf32, #tpu.memory_space<vmem>>) offsets(%dma_start3A_963 : memref<80xi32, #tpu.memory_space<vmem>>) semaphore(%dma_start3A_968 : memref<!tpu.dma_semaphore, #tpu.memory_space<semaphore_mem>>)
      %dma_wait3A_969 = arith.constant 11 : i32
      %dma_wait3A_970 = arith.constant 1 : i32
      %dma_wait3A_971 = arith.constant 1 : i32
      %dma_wait3A_972 = arith.constant 0 : i32
      %dma_wait3A_973 = arith.constant 0 : i32
      %dma_wait3A_974 = tpu.memref_slice %arg13[%dma_wait3A_970, %dma_wait3A_972, %dma_wait3A_973] : memref<2x80x128xf32, #tpu.memory_space<vmem>> -> memref<1x80x128xf32, #tpu.memory_space<vmem>>
      %dma_wait3A_975 = tpu.memref_squeeze %dma_wait3A_974 : memref<1x80x128xf32, #tpu.memory_space<vmem>> -> memref<80x128xf32, #tpu.memory_space<vmem>>
      %dma_wait3A_976 = arith.constant 0 : i32
      %dma_wait3A_977 = tpu.memref_slice %arg11[%rem3A_128, %dma_wait3A_969, %dma_wait3A_976] : memref<2x25x80xi32, #tpu.memory_space<vmem>> -> memref<1x1x80xi32, #tpu.memory_space<vmem>>
      %dma_wait3A_978 = tpu.memref_squeeze %dma_wait3A_977 : memref<1x1x80xi32, #tpu.memory_space<vmem>> -> memref<80xi32, #tpu.memory_space<vmem>>
      %dma_wait3A_979 = arith.constant 0 : i32
      %dma_wait3A_980 = arith.constant 0 : i32
      %dma_wait3A_981 = tpu.memref_slice %arg5[%dma_wait3A_979, %dma_wait3A_980] : memref<10000x128xf32, #tpu.memory_space<hbm>> -> memref<10000x128xf32, #tpu.memory_space<hbm>>
      %dma_wait3A_982 = tpu.memref_slice %arg20[%dma_wait3A_971] : memref<2x!tpu.dma_semaphore, #tpu.memory_space<semaphore_mem>> -> memref<1x!tpu.dma_semaphore, #tpu.memory_space<semaphore_mem>>
      %dma_wait3A_983 = tpu.memref_squeeze %dma_wait3A_982 : memref<1x!tpu.dma_semaphore, #tpu.memory_space<semaphore_mem>> -> memref<!tpu.dma_semaphore, #tpu.memory_space<semaphore_mem>>
      tpu.wait_indirect_dma semaphore(%dma_wait3A_983 : memref<!tpu.dma_semaphore, #tpu.memory_space<semaphore_mem>>) src(%dma_wait3A_981 : memref<10000x128xf32, #tpu.memory_space<hbm>>) dst(%dma_wait3A_975 : memref<80x128xf32, #tpu.memory_space<vmem>>)
      %dma_start3A_984 = arith.constant 1 : i32
      %dma_start3A_985 = arith.constant 11 : i32
      %dma_start3A_986 = arith.constant 1 : i32
      %dma_start3A_987 = arith.constant 0 : i32
      %dma_start3A_988 = arith.constant 0 : i32
      %dma_start3A_989 = tpu.memref_slice %arg13[%dma_start3A_984, %dma_start3A_987, %dma_start3A_988] : memref<2x80x128xf32, #tpu.memory_space<vmem>> -> memref<1x80x128xf32, #tpu.memory_space<vmem>>
      %dma_start3A_990 = tpu.memref_squeeze %dma_start3A_989 : memref<1x80x128xf32, #tpu.memory_space<vmem>> -> memref<80x128xf32, #tpu.memory_space<vmem>>
      %dma_start3A_991 = arith.constant 0 : i32
      %dma_start3A_992 = tpu.memref_slice %arg12[%rem3A_128, %dma_start3A_985, %dma_start3A_991] : memref<2x25x80xi32, #tpu.memory_space<vmem>> -> memref<1x1x80xi32, #tpu.memory_space<vmem>>
      %dma_start3A_993 = tpu.memref_squeeze %dma_start3A_992 : memref<1x1x80xi32, #tpu.memory_space<vmem>> -> memref<80xi32, #tpu.memory_space<vmem>>
      %dma_start3A_994 = arith.constant 0 : i32
      %dma_start3A_995 = arith.constant 0 : i32
      %dma_start3A_996 = tpu.memref_slice %arg18[%dma_start3A_994, %dma_start3A_995] : memref<10000x128xf32, #tpu.memory_space<vmem_shared>> -> memref<10000x128xf32, #tpu.memory_space<vmem_shared>>
      %dma_start3A_997 = tpu.memref_slice %arg21[%dma_start3A_986] : memref<2x!tpu.dma_semaphore, #tpu.memory_space<semaphore_mem>> -> memref<1x!tpu.dma_semaphore, #tpu.memory_space<semaphore_mem>>
      %dma_start3A_998 = tpu.memref_squeeze %dma_start3A_997 : memref<1x!tpu.dma_semaphore, #tpu.memory_space<semaphore_mem>> -> memref<!tpu.dma_semaphore, #tpu.memory_space<semaphore_mem>>
      tpu.enqueue_indirect_dma source(%dma_start3A_990 : memref<80x128xf32, #tpu.memory_space<vmem>>) target(%dma_start3A_996 : memref<10000x128xf32, #tpu.memory_space<vmem_shared>>) offsets(%dma_start3A_993 : memref<80xi32, #tpu.memory_space<vmem>>) semaphore(%dma_start3A_998 : memref<!tpu.dma_semaphore, #tpu.memory_space<semaphore_mem>>) {add = true}
      %dma_start3A_999 = arith.constant 11 : i32
      %dma_start3A_1000 = arith.constant 0 : i32
      %dma_start3A_1001 = tpu.memref_slice %arg12[%rem3A_128, %dma_start3A_999, %dma_start3A_1000] : memref<2x25x80xi32, #tpu.memory_space<vmem>> -> memref<1x1x80xi32, #tpu.memory_space<vmem>>
      %dma_start3A_1002 = tpu.memref_squeeze %dma_start3A_1001 : memref<1x1x80xi32, #tpu.memory_space<vmem>> -> memref<80xi32, #tpu.memory_space<vmem>>
      %dma_start3A_1003 = arith.constant 0 : i32
      %dma_start3A_1004 = tpu.memref_slice %arg19[%dma_start3A_1003] : memref<10000xf32, #tpu.memory_space<vmem_shared>> -> memref<10000xf32, #tpu.memory_space<vmem_shared>>
      tpu.enqueue_indirect_dma source(%arg14 : memref<80xf32, #tpu.memory_space<vmem>>) target(%dma_start3A_1004 : memref<10000xf32, #tpu.memory_space<vmem_shared>>) offsets(%dma_start3A_1002 : memref<80xi32, #tpu.memory_space<vmem>>) semaphore(%arg22 : memref<!tpu.dma_semaphore, #tpu.memory_space<semaphore_mem>>) {add = true}
      %dma_wait3A_1005 = arith.constant 1 : i32
      %dma_wait3A_1006 = arith.constant 11 : i32
      %dma_wait3A_1007 = arith.constant 1 : i32
      %dma_wait3A_1008 = arith.constant 0 : i32
      %dma_wait3A_1009 = arith.constant 0 : i32
      %dma_wait3A_1010 = tpu.memref_slice %arg13[%dma_wait3A_1005, %dma_wait3A_1008, %dma_wait3A_1009] : memref<2x80x128xf32, #tpu.memory_space<vmem>> -> memref<1x80x128xf32, #tpu.memory_space<vmem>>
      %dma_wait3A_1011 = tpu.memref_squeeze %dma_wait3A_1010 : memref<1x80x128xf32, #tpu.memory_space<vmem>> -> memref<80x128xf32, #tpu.memory_space<vmem>>
      %dma_wait3A_1012 = arith.constant 0 : i32
      %dma_wait3A_1013 = tpu.memref_slice %arg12[%rem3A_128, %dma_wait3A_1006, %dma_wait3A_1012] : memref<2x25x80xi32, #tpu.memory_space<vmem>> -> memref<1x1x80xi32, #tpu.memory_space<vmem>>
      %dma_wait3A_1014 = tpu.memref_squeeze %dma_wait3A_1013 : memref<1x1x80xi32, #tpu.memory_space<vmem>> -> memref<80xi32, #tpu.memory_space<vmem>>
      %dma_wait3A_1015 = arith.constant 0 : i32
      %dma_wait3A_1016 = arith.constant 0 : i32
      %dma_wait3A_1017 = tpu.memref_slice %arg18[%dma_wait3A_1015, %dma_wait3A_1016] : memref<10000x128xf32, #tpu.memory_space<vmem_shared>> -> memref<10000x128xf32, #tpu.memory_space<vmem_shared>>
      %dma_wait3A_1018 = tpu.memref_slice %arg21[%dma_wait3A_1007] : memref<2x!tpu.dma_semaphore, #tpu.memory_space<semaphore_mem>> -> memref<1x!tpu.dma_semaphore, #tpu.memory_space<semaphore_mem>>
      %dma_wait3A_1019 = tpu.memref_squeeze %dma_wait3A_1018 : memref<1x!tpu.dma_semaphore, #tpu.memory_space<semaphore_mem>> -> memref<!tpu.dma_semaphore, #tpu.memory_space<semaphore_mem>>
      tpu.wait_indirect_dma semaphore(%dma_wait3A_1019 : memref<!tpu.dma_semaphore, #tpu.memory_space<semaphore_mem>>) src(%dma_wait3A_1011 : memref<80x128xf32, #tpu.memory_space<vmem>>) dst(%dma_wait3A_1017 : memref<10000x128xf32, #tpu.memory_space<vmem_shared>>)
      %dma_start3A_1020 = arith.constant 13 : i32
      %dma_start3A_1021 = arith.constant 1 : i32
      %dma_start3A_1022 = arith.constant 1 : i32
      %dma_start3A_1023 = arith.constant 0 : i32
      %dma_start3A_1024 = arith.constant 0 : i32
      %dma_start3A_1025 = tpu.memref_slice %arg13[%dma_start3A_1021, %dma_start3A_1023, %dma_start3A_1024] : memref<2x80x128xf32, #tpu.memory_space<vmem>> -> memref<1x80x128xf32, #tpu.memory_space<vmem>>
      %dma_start3A_1026 = tpu.memref_squeeze %dma_start3A_1025 : memref<1x80x128xf32, #tpu.memory_space<vmem>> -> memref<80x128xf32, #tpu.memory_space<vmem>>
      %dma_start3A_1027 = arith.constant 0 : i32
      %dma_start3A_1028 = tpu.memref_slice %arg11[%rem3A_128, %dma_start3A_1020, %dma_start3A_1027] : memref<2x25x80xi32, #tpu.memory_space<vmem>> -> memref<1x1x80xi32, #tpu.memory_space<vmem>>
      %dma_start3A_1029 = tpu.memref_squeeze %dma_start3A_1028 : memref<1x1x80xi32, #tpu.memory_space<vmem>> -> memref<80xi32, #tpu.memory_space<vmem>>
      %dma_start3A_1030 = arith.constant 0 : i32
      %dma_start3A_1031 = arith.constant 0 : i32
      %dma_start3A_1032 = tpu.memref_slice %arg5[%dma_start3A_1030, %dma_start3A_1031] : memref<10000x128xf32, #tpu.memory_space<hbm>> -> memref<10000x128xf32, #tpu.memory_space<hbm>>
      %dma_start3A_1033 = tpu.memref_slice %arg20[%dma_start3A_1022] : memref<2x!tpu.dma_semaphore, #tpu.memory_space<semaphore_mem>> -> memref<1x!tpu.dma_semaphore, #tpu.memory_space<semaphore_mem>>
      %dma_start3A_1034 = tpu.memref_squeeze %dma_start3A_1033 : memref<1x!tpu.dma_semaphore, #tpu.memory_space<semaphore_mem>> -> memref<!tpu.dma_semaphore, #tpu.memory_space<semaphore_mem>>
      tpu.enqueue_indirect_dma source(%dma_start3A_1032 : memref<10000x128xf32, #tpu.memory_space<hbm>>) target(%dma_start3A_1026 : memref<80x128xf32, #tpu.memory_space<vmem>>) offsets(%dma_start3A_1029 : memref<80xi32, #tpu.memory_space<vmem>>) semaphore(%dma_start3A_1034 : memref<!tpu.dma_semaphore, #tpu.memory_space<semaphore_mem>>)
      %dma_wait3A_1035 = arith.constant 12 : i32
      %dma_wait3A_1036 = arith.constant 0 : i32
      %dma_wait3A_1037 = arith.constant 0 : i32
      %dma_wait3A_1038 = arith.constant 0 : i32
      %dma_wait3A_1039 = arith.constant 0 : i32
      %dma_wait3A_1040 = tpu.memref_slice %arg13[%dma_wait3A_1036, %dma_wait3A_1038, %dma_wait3A_1039] : memref<2x80x128xf32, #tpu.memory_space<vmem>> -> memref<1x80x128xf32, #tpu.memory_space<vmem>>
      %dma_wait3A_1041 = tpu.memref_squeeze %dma_wait3A_1040 : memref<1x80x128xf32, #tpu.memory_space<vmem>> -> memref<80x128xf32, #tpu.memory_space<vmem>>
      %dma_wait3A_1042 = arith.constant 0 : i32
      %dma_wait3A_1043 = tpu.memref_slice %arg11[%rem3A_128, %dma_wait3A_1035, %dma_wait3A_1042] : memref<2x25x80xi32, #tpu.memory_space<vmem>> -> memref<1x1x80xi32, #tpu.memory_space<vmem>>
      %dma_wait3A_1044 = tpu.memref_squeeze %dma_wait3A_1043 : memref<1x1x80xi32, #tpu.memory_space<vmem>> -> memref<80xi32, #tpu.memory_space<vmem>>
      %dma_wait3A_1045 = arith.constant 0 : i32
      %dma_wait3A_1046 = arith.constant 0 : i32
      %dma_wait3A_1047 = tpu.memref_slice %arg5[%dma_wait3A_1045, %dma_wait3A_1046] : memref<10000x128xf32, #tpu.memory_space<hbm>> -> memref<10000x128xf32, #tpu.memory_space<hbm>>
      %dma_wait3A_1048 = tpu.memref_slice %arg20[%dma_wait3A_1037] : memref<2x!tpu.dma_semaphore, #tpu.memory_space<semaphore_mem>> -> memref<1x!tpu.dma_semaphore, #tpu.memory_space<semaphore_mem>>
      %dma_wait3A_1049 = tpu.memref_squeeze %dma_wait3A_1048 : memref<1x!tpu.dma_semaphore, #tpu.memory_space<semaphore_mem>> -> memref<!tpu.dma_semaphore, #tpu.memory_space<semaphore_mem>>
      tpu.wait_indirect_dma semaphore(%dma_wait3A_1049 : memref<!tpu.dma_semaphore, #tpu.memory_space<semaphore_mem>>) src(%dma_wait3A_1047 : memref<10000x128xf32, #tpu.memory_space<hbm>>) dst(%dma_wait3A_1041 : memref<80x128xf32, #tpu.memory_space<vmem>>)
      %dma_start3A_1050 = arith.constant 0 : i32
      %dma_start3A_1051 = arith.constant 12 : i32
      %dma_start3A_1052 = arith.constant 0 : i32
      %dma_start3A_1053 = arith.constant 0 : i32
      %dma_start3A_1054 = arith.constant 0 : i32
      %dma_start3A_1055 = tpu.memref_slice %arg13[%dma_start3A_1050, %dma_start3A_1053, %dma_start3A_1054] : memref<2x80x128xf32, #tpu.memory_space<vmem>> -> memref<1x80x128xf32, #tpu.memory_space<vmem>>
      %dma_start3A_1056 = tpu.memref_squeeze %dma_start3A_1055 : memref<1x80x128xf32, #tpu.memory_space<vmem>> -> memref<80x128xf32, #tpu.memory_space<vmem>>
      %dma_start3A_1057 = arith.constant 0 : i32
      %dma_start3A_1058 = tpu.memref_slice %arg12[%rem3A_128, %dma_start3A_1051, %dma_start3A_1057] : memref<2x25x80xi32, #tpu.memory_space<vmem>> -> memref<1x1x80xi32, #tpu.memory_space<vmem>>
      %dma_start3A_1059 = tpu.memref_squeeze %dma_start3A_1058 : memref<1x1x80xi32, #tpu.memory_space<vmem>> -> memref<80xi32, #tpu.memory_space<vmem>>
      %dma_start3A_1060 = arith.constant 0 : i32
      %dma_start3A_1061 = arith.constant 0 : i32
      %dma_start3A_1062 = tpu.memref_slice %arg18[%dma_start3A_1060, %dma_start3A_1061] : memref<10000x128xf32, #tpu.memory_space<vmem_shared>> -> memref<10000x128xf32, #tpu.memory_space<vmem_shared>>
      %dma_start3A_1063 = tpu.memref_slice %arg21[%dma_start3A_1052] : memref<2x!tpu.dma_semaphore, #tpu.memory_space<semaphore_mem>> -> memref<1x!tpu.dma_semaphore, #tpu.memory_space<semaphore_mem>>
      %dma_start3A_1064 = tpu.memref_squeeze %dma_start3A_1063 : memref<1x!tpu.dma_semaphore, #tpu.memory_space<semaphore_mem>> -> memref<!tpu.dma_semaphore, #tpu.memory_space<semaphore_mem>>
      tpu.enqueue_indirect_dma source(%dma_start3A_1056 : memref<80x128xf32, #tpu.memory_space<vmem>>) target(%dma_start3A_1062 : memref<10000x128xf32, #tpu.memory_space<vmem_shared>>) offsets(%dma_start3A_1059 : memref<80xi32, #tpu.memory_space<vmem>>) semaphore(%dma_start3A_1064 : memref<!tpu.dma_semaphore, #tpu.memory_space<semaphore_mem>>) {add = true}
      %dma_start3A_1065 = arith.constant 12 : i32
      %dma_start3A_1066 = arith.constant 0 : i32
      %dma_start3A_1067 = tpu.memref_slice %arg12[%rem3A_128, %dma_start3A_1065, %dma_start3A_1066] : memref<2x25x80xi32, #tpu.memory_space<vmem>> -> memref<1x1x80xi32, #tpu.memory_space<vmem>>
      %dma_start3A_1068 = tpu.memref_squeeze %dma_start3A_1067 : memref<1x1x80xi32, #tpu.memory_space<vmem>> -> memref<80xi32, #tpu.memory_space<vmem>>
      %dma_start3A_1069 = arith.constant 0 : i32
      %dma_start3A_1070 = tpu.memref_slice %arg19[%dma_start3A_1069] : memref<10000xf32, #tpu.memory_space<vmem_shared>> -> memref<10000xf32, #tpu.memory_space<vmem_shared>>
      tpu.enqueue_indirect_dma source(%arg14 : memref<80xf32, #tpu.memory_space<vmem>>) target(%dma_start3A_1070 : memref<10000xf32, #tpu.memory_space<vmem_shared>>) offsets(%dma_start3A_1068 : memref<80xi32, #tpu.memory_space<vmem>>) semaphore(%arg22 : memref<!tpu.dma_semaphore, #tpu.memory_space<semaphore_mem>>) {add = true}
      %dma_wait3A_1071 = arith.constant 0 : i32
      %dma_wait3A_1072 = arith.constant 12 : i32
      %dma_wait3A_1073 = arith.constant 0 : i32
      %dma_wait3A_1074 = arith.constant 0 : i32
      %dma_wait3A_1075 = arith.constant 0 : i32
      %dma_wait3A_1076 = tpu.memref_slice %arg13[%dma_wait3A_1071, %dma_wait3A_1074, %dma_wait3A_1075] : memref<2x80x128xf32, #tpu.memory_space<vmem>> -> memref<1x80x128xf32, #tpu.memory_space<vmem>>
      %dma_wait3A_1077 = tpu.memref_squeeze %dma_wait3A_1076 : memref<1x80x128xf32, #tpu.memory_space<vmem>> -> memref<80x128xf32, #tpu.memory_space<vmem>>
      %dma_wait3A_1078 = arith.constant 0 : i32
      %dma_wait3A_1079 = tpu.memref_slice %arg12[%rem3A_128, %dma_wait3A_1072, %dma_wait3A_1078] : memref<2x25x80xi32, #tpu.memory_space<vmem>> -> memref<1x1x80xi32, #tpu.memory_space<vmem>>
      %dma_wait3A_1080 = tpu.memref_squeeze %dma_wait3A_1079 : memref<1x1x80xi32, #tpu.memory_space<vmem>> -> memref<80xi32, #tpu.memory_space<vmem>>
      %dma_wait3A_1081 = arith.constant 0 : i32
      %dma_wait3A_1082 = arith.constant 0 : i32
      %dma_wait3A_1083 = tpu.memref_slice %arg18[%dma_wait3A_1081, %dma_wait3A_1082] : memref<10000x128xf32, #tpu.memory_space<vmem_shared>> -> memref<10000x128xf32, #tpu.memory_space<vmem_shared>>
      %dma_wait3A_1084 = tpu.memref_slice %arg21[%dma_wait3A_1073] : memref<2x!tpu.dma_semaphore, #tpu.memory_space<semaphore_mem>> -> memref<1x!tpu.dma_semaphore, #tpu.memory_space<semaphore_mem>>
      %dma_wait3A_1085 = tpu.memref_squeeze %dma_wait3A_1084 : memref<1x!tpu.dma_semaphore, #tpu.memory_space<semaphore_mem>> -> memref<!tpu.dma_semaphore, #tpu.memory_space<semaphore_mem>>
      tpu.wait_indirect_dma semaphore(%dma_wait3A_1085 : memref<!tpu.dma_semaphore, #tpu.memory_space<semaphore_mem>>) src(%dma_wait3A_1077 : memref<80x128xf32, #tpu.memory_space<vmem>>) dst(%dma_wait3A_1083 : memref<10000x128xf32, #tpu.memory_space<vmem_shared>>)
      %dma_start3A_1086 = arith.constant 14 : i32
      %dma_start3A_1087 = arith.constant 0 : i32
      %dma_start3A_1088 = arith.constant 0 : i32
      %dma_start3A_1089 = arith.constant 0 : i32
      %dma_start3A_1090 = arith.constant 0 : i32
      %dma_start3A_1091 = tpu.memref_slice %arg13[%dma_start3A_1087, %dma_start3A_1089, %dma_start3A_1090] : memref<2x80x128xf32, #tpu.memory_space<vmem>> -> memref<1x80x128xf32, #tpu.memory_space<vmem>>
      %dma_start3A_1092 = tpu.memref_squeeze %dma_start3A_1091 : memref<1x80x128xf32, #tpu.memory_space<vmem>> -> memref<80x128xf32, #tpu.memory_space<vmem>>
      %dma_start3A_1093 = arith.constant 0 : i32
      %dma_start3A_1094 = tpu.memref_slice %arg11[%rem3A_128, %dma_start3A_1086, %dma_start3A_1093] : memref<2x25x80xi32, #tpu.memory_space<vmem>> -> memref<1x1x80xi32, #tpu.memory_space<vmem>>
      %dma_start3A_1095 = tpu.memref_squeeze %dma_start3A_1094 : memref<1x1x80xi32, #tpu.memory_space<vmem>> -> memref<80xi32, #tpu.memory_space<vmem>>
      %dma_start3A_1096 = arith.constant 0 : i32
      %dma_start3A_1097 = arith.constant 0 : i32
      %dma_start3A_1098 = tpu.memref_slice %arg5[%dma_start3A_1096, %dma_start3A_1097] : memref<10000x128xf32, #tpu.memory_space<hbm>> -> memref<10000x128xf32, #tpu.memory_space<hbm>>
      %dma_start3A_1099 = tpu.memref_slice %arg20[%dma_start3A_1088] : memref<2x!tpu.dma_semaphore, #tpu.memory_space<semaphore_mem>> -> memref<1x!tpu.dma_semaphore, #tpu.memory_space<semaphore_mem>>
      %dma_start3A_1100 = tpu.memref_squeeze %dma_start3A_1099 : memref<1x!tpu.dma_semaphore, #tpu.memory_space<semaphore_mem>> -> memref<!tpu.dma_semaphore, #tpu.memory_space<semaphore_mem>>
      tpu.enqueue_indirect_dma source(%dma_start3A_1098 : memref<10000x128xf32, #tpu.memory_space<hbm>>) target(%dma_start3A_1092 : memref<80x128xf32, #tpu.memory_space<vmem>>) offsets(%dma_start3A_1095 : memref<80xi32, #tpu.memory_space<vmem>>) semaphore(%dma_start3A_1100 : memref<!tpu.dma_semaphore, #tpu.memory_space<semaphore_mem>>)
      %dma_wait3A_1101 = arith.constant 13 : i32
      %dma_wait3A_1102 = arith.constant 1 : i32
      %dma_wait3A_1103 = arith.constant 1 : i32
      %dma_wait3A_1104 = arith.constant 0 : i32
      %dma_wait3A_1105 = arith.constant 0 : i32
      %dma_wait3A_1106 = tpu.memref_slice %arg13[%dma_wait3A_1102, %dma_wait3A_1104, %dma_wait3A_1105] : memref<2x80x128xf32, #tpu.memory_space<vmem>> -> memref<1x80x128xf32, #tpu.memory_space<vmem>>
      %dma_wait3A_1107 = tpu.memref_squeeze %dma_wait3A_1106 : memref<1x80x128xf32, #tpu.memory_space<vmem>> -> memref<80x128xf32, #tpu.memory_space<vmem>>
      %dma_wait3A_1108 = arith.constant 0 : i32
      %dma_wait3A_1109 = tpu.memref_slice %arg11[%rem3A_128, %dma_wait3A_1101, %dma_wait3A_1108] : memref<2x25x80xi32, #tpu.memory_space<vmem>> -> memref<1x1x80xi32, #tpu.memory_space<vmem>>
      %dma_wait3A_1110 = tpu.memref_squeeze %dma_wait3A_1109 : memref<1x1x80xi32, #tpu.memory_space<vmem>> -> memref<80xi32, #tpu.memory_space<vmem>>
      %dma_wait3A_1111 = arith.constant 0 : i32
      %dma_wait3A_1112 = arith.constant 0 : i32
      %dma_wait3A_1113 = tpu.memref_slice %arg5[%dma_wait3A_1111, %dma_wait3A_1112] : memref<10000x128xf32, #tpu.memory_space<hbm>> -> memref<10000x128xf32, #tpu.memory_space<hbm>>
      %dma_wait3A_1114 = tpu.memref_slice %arg20[%dma_wait3A_1103] : memref<2x!tpu.dma_semaphore, #tpu.memory_space<semaphore_mem>> -> memref<1x!tpu.dma_semaphore, #tpu.memory_space<semaphore_mem>>
      %dma_wait3A_1115 = tpu.memref_squeeze %dma_wait3A_1114 : memref<1x!tpu.dma_semaphore, #tpu.memory_space<semaphore_mem>> -> memref<!tpu.dma_semaphore, #tpu.memory_space<semaphore_mem>>
      tpu.wait_indirect_dma semaphore(%dma_wait3A_1115 : memref<!tpu.dma_semaphore, #tpu.memory_space<semaphore_mem>>) src(%dma_wait3A_1113 : memref<10000x128xf32, #tpu.memory_space<hbm>>) dst(%dma_wait3A_1107 : memref<80x128xf32, #tpu.memory_space<vmem>>)
      %dma_start3A_1116 = arith.constant 1 : i32
      %dma_start3A_1117 = arith.constant 13 : i32
      %dma_start3A_1118 = arith.constant 1 : i32
      %dma_start3A_1119 = arith.constant 0 : i32
      %dma_start3A_1120 = arith.constant 0 : i32
      %dma_start3A_1121 = tpu.memref_slice %arg13[%dma_start3A_1116, %dma_start3A_1119, %dma_start3A_1120] : memref<2x80x128xf32, #tpu.memory_space<vmem>> -> memref<1x80x128xf32, #tpu.memory_space<vmem>>
      %dma_start3A_1122 = tpu.memref_squeeze %dma_start3A_1121 : memref<1x80x128xf32, #tpu.memory_space<vmem>> -> memref<80x128xf32, #tpu.memory_space<vmem>>
      %dma_start3A_1123 = arith.constant 0 : i32
      %dma_start3A_1124 = tpu.memref_slice %arg12[%rem3A_128, %dma_start3A_1117, %dma_start3A_1123] : memref<2x25x80xi32, #tpu.memory_space<vmem>> -> memref<1x1x80xi32, #tpu.memory_space<vmem>>
      %dma_start3A_1125 = tpu.memref_squeeze %dma_start3A_1124 : memref<1x1x80xi32, #tpu.memory_space<vmem>> -> memref<80xi32, #tpu.memory_space<vmem>>
      %dma_start3A_1126 = arith.constant 0 : i32
      %dma_start3A_1127 = arith.constant 0 : i32
      %dma_start3A_1128 = tpu.memref_slice %arg18[%dma_start3A_1126, %dma_start3A_1127] : memref<10000x128xf32, #tpu.memory_space<vmem_shared>> -> memref<10000x128xf32, #tpu.memory_space<vmem_shared>>
      %dma_start3A_1129 = tpu.memref_slice %arg21[%dma_start3A_1118] : memref<2x!tpu.dma_semaphore, #tpu.memory_space<semaphore_mem>> -> memref<1x!tpu.dma_semaphore, #tpu.memory_space<semaphore_mem>>
      %dma_start3A_1130 = tpu.memref_squeeze %dma_start3A_1129 : memref<1x!tpu.dma_semaphore, #tpu.memory_space<semaphore_mem>> -> memref<!tpu.dma_semaphore, #tpu.memory_space<semaphore_mem>>
      tpu.enqueue_indirect_dma source(%dma_start3A_1122 : memref<80x128xf32, #tpu.memory_space<vmem>>) target(%dma_start3A_1128 : memref<10000x128xf32, #tpu.memory_space<vmem_shared>>) offsets(%dma_start3A_1125 : memref<80xi32, #tpu.memory_space<vmem>>) semaphore(%dma_start3A_1130 : memref<!tpu.dma_semaphore, #tpu.memory_space<semaphore_mem>>) {add = true}
      %dma_start3A_1131 = arith.constant 13 : i32
      %dma_start3A_1132 = arith.constant 0 : i32
      %dma_start3A_1133 = tpu.memref_slice %arg12[%rem3A_128, %dma_start3A_1131, %dma_start3A_1132] : memref<2x25x80xi32, #tpu.memory_space<vmem>> -> memref<1x1x80xi32, #tpu.memory_space<vmem>>
      %dma_start3A_1134 = tpu.memref_squeeze %dma_start3A_1133 : memref<1x1x80xi32, #tpu.memory_space<vmem>> -> memref<80xi32, #tpu.memory_space<vmem>>
      %dma_start3A_1135 = arith.constant 0 : i32
      %dma_start3A_1136 = tpu.memref_slice %arg19[%dma_start3A_1135] : memref<10000xf32, #tpu.memory_space<vmem_shared>> -> memref<10000xf32, #tpu.memory_space<vmem_shared>>
      tpu.enqueue_indirect_dma source(%arg14 : memref<80xf32, #tpu.memory_space<vmem>>) target(%dma_start3A_1136 : memref<10000xf32, #tpu.memory_space<vmem_shared>>) offsets(%dma_start3A_1134 : memref<80xi32, #tpu.memory_space<vmem>>) semaphore(%arg22 : memref<!tpu.dma_semaphore, #tpu.memory_space<semaphore_mem>>) {add = true}
      %dma_wait3A_1137 = arith.constant 1 : i32
      %dma_wait3A_1138 = arith.constant 13 : i32
      %dma_wait3A_1139 = arith.constant 1 : i32
      %dma_wait3A_1140 = arith.constant 0 : i32
      %dma_wait3A_1141 = arith.constant 0 : i32
      %dma_wait3A_1142 = tpu.memref_slice %arg13[%dma_wait3A_1137, %dma_wait3A_1140, %dma_wait3A_1141] : memref<2x80x128xf32, #tpu.memory_space<vmem>> -> memref<1x80x128xf32, #tpu.memory_space<vmem>>
      %dma_wait3A_1143 = tpu.memref_squeeze %dma_wait3A_1142 : memref<1x80x128xf32, #tpu.memory_space<vmem>> -> memref<80x128xf32, #tpu.memory_space<vmem>>
      %dma_wait3A_1144 = arith.constant 0 : i32
      %dma_wait3A_1145 = tpu.memref_slice %arg12[%rem3A_128, %dma_wait3A_1138, %dma_wait3A_1144] : memref<2x25x80xi32, #tpu.memory_space<vmem>> -> memref<1x1x80xi32, #tpu.memory_space<vmem>>
      %dma_wait3A_1146 = tpu.memref_squeeze %dma_wait3A_1145 : memref<1x1x80xi32, #tpu.memory_space<vmem>> -> memref<80xi32, #tpu.memory_space<vmem>>
      %dma_wait3A_1147 = arith.constant 0 : i32
      %dma_wait3A_1148 = arith.constant 0 : i32
      %dma_wait3A_1149 = tpu.memref_slice %arg18[%dma_wait3A_1147, %dma_wait3A_1148] : memref<10000x128xf32, #tpu.memory_space<vmem_shared>> -> memref<10000x128xf32, #tpu.memory_space<vmem_shared>>
      %dma_wait3A_1150 = tpu.memref_slice %arg21[%dma_wait3A_1139] : memref<2x!tpu.dma_semaphore, #tpu.memory_space<semaphore_mem>> -> memref<1x!tpu.dma_semaphore, #tpu.memory_space<semaphore_mem>>
      %dma_wait3A_1151 = tpu.memref_squeeze %dma_wait3A_1150 : memref<1x!tpu.dma_semaphore, #tpu.memory_space<semaphore_mem>> -> memref<!tpu.dma_semaphore, #tpu.memory_space<semaphore_mem>>
      tpu.wait_indirect_dma semaphore(%dma_wait3A_1151 : memref<!tpu.dma_semaphore, #tpu.memory_space<semaphore_mem>>) src(%dma_wait3A_1143 : memref<80x128xf32, #tpu.memory_space<vmem>>) dst(%dma_wait3A_1149 : memref<10000x128xf32, #tpu.memory_space<vmem_shared>>)
      %dma_start3A_1152 = arith.constant 15 : i32
      %dma_start3A_1153 = arith.constant 1 : i32
      %dma_start3A_1154 = arith.constant 1 : i32
      %dma_start3A_1155 = arith.constant 0 : i32
      %dma_start3A_1156 = arith.constant 0 : i32
      %dma_start3A_1157 = tpu.memref_slice %arg13[%dma_start3A_1153, %dma_start3A_1155, %dma_start3A_1156] : memref<2x80x128xf32, #tpu.memory_space<vmem>> -> memref<1x80x128xf32, #tpu.memory_space<vmem>>
      %dma_start3A_1158 = tpu.memref_squeeze %dma_start3A_1157 : memref<1x80x128xf32, #tpu.memory_space<vmem>> -> memref<80x128xf32, #tpu.memory_space<vmem>>
      %dma_start3A_1159 = arith.constant 0 : i32
      %dma_start3A_1160 = tpu.memref_slice %arg11[%rem3A_128, %dma_start3A_1152, %dma_start3A_1159] : memref<2x25x80xi32, #tpu.memory_space<vmem>> -> memref<1x1x80xi32, #tpu.memory_space<vmem>>
      %dma_start3A_1161 = tpu.memref_squeeze %dma_start3A_1160 : memref<1x1x80xi32, #tpu.memory_space<vmem>> -> memref<80xi32, #tpu.memory_space<vmem>>
      %dma_start3A_1162 = arith.constant 0 : i32
      %dma_start3A_1163 = arith.constant 0 : i32
      %dma_start3A_1164 = tpu.memref_slice %arg5[%dma_start3A_1162, %dma_start3A_1163] : memref<10000x128xf32, #tpu.memory_space<hbm>> -> memref<10000x128xf32, #tpu.memory_space<hbm>>
      %dma_start3A_1165 = tpu.memref_slice %arg20[%dma_start3A_1154] : memref<2x!tpu.dma_semaphore, #tpu.memory_space<semaphore_mem>> -> memref<1x!tpu.dma_semaphore, #tpu.memory_space<semaphore_mem>>
      %dma_start3A_1166 = tpu.memref_squeeze %dma_start3A_1165 : memref<1x!tpu.dma_semaphore, #tpu.memory_space<semaphore_mem>> -> memref<!tpu.dma_semaphore, #tpu.memory_space<semaphore_mem>>
      tpu.enqueue_indirect_dma source(%dma_start3A_1164 : memref<10000x128xf32, #tpu.memory_space<hbm>>) target(%dma_start3A_1158 : memref<80x128xf32, #tpu.memory_space<vmem>>) offsets(%dma_start3A_1161 : memref<80xi32, #tpu.memory_space<vmem>>) semaphore(%dma_start3A_1166 : memref<!tpu.dma_semaphore, #tpu.memory_space<semaphore_mem>>)
      %dma_wait3A_1167 = arith.constant 14 : i32
      %dma_wait3A_1168 = arith.constant 0 : i32
      %dma_wait3A_1169 = arith.constant 0 : i32
      %dma_wait3A_1170 = arith.constant 0 : i32
      %dma_wait3A_1171 = arith.constant 0 : i32
      %dma_wait3A_1172 = tpu.memref_slice %arg13[%dma_wait3A_1168, %dma_wait3A_1170, %dma_wait3A_1171] : memref<2x80x128xf32, #tpu.memory_space<vmem>> -> memref<1x80x128xf32, #tpu.memory_space<vmem>>
      %dma_wait3A_1173 = tpu.memref_squeeze %dma_wait3A_1172 : memref<1x80x128xf32, #tpu.memory_space<vmem>> -> memref<80x128xf32, #tpu.memory_space<vmem>>
      %dma_wait3A_1174 = arith.constant 0 : i32
      %dma_wait3A_1175 = tpu.memref_slice %arg11[%rem3A_128, %dma_wait3A_1167, %dma_wait3A_1174] : memref<2x25x80xi32, #tpu.memory_space<vmem>> -> memref<1x1x80xi32, #tpu.memory_space<vmem>>
      %dma_wait3A_1176 = tpu.memref_squeeze %dma_wait3A_1175 : memref<1x1x80xi32, #tpu.memory_space<vmem>> -> memref<80xi32, #tpu.memory_space<vmem>>
      %dma_wait3A_1177 = arith.constant 0 : i32
      %dma_wait3A_1178 = arith.constant 0 : i32
      %dma_wait3A_1179 = tpu.memref_slice %arg5[%dma_wait3A_1177, %dma_wait3A_1178] : memref<10000x128xf32, #tpu.memory_space<hbm>> -> memref<10000x128xf32, #tpu.memory_space<hbm>>
      %dma_wait3A_1180 = tpu.memref_slice %arg20[%dma_wait3A_1169] : memref<2x!tpu.dma_semaphore, #tpu.memory_space<semaphore_mem>> -> memref<1x!tpu.dma_semaphore, #tpu.memory_space<semaphore_mem>>
      %dma_wait3A_1181 = tpu.memref_squeeze %dma_wait3A_1180 : memref<1x!tpu.dma_semaphore, #tpu.memory_space<semaphore_mem>> -> memref<!tpu.dma_semaphore, #tpu.memory_space<semaphore_mem>>
      tpu.wait_indirect_dma semaphore(%dma_wait3A_1181 : memref<!tpu.dma_semaphore, #tpu.memory_space<semaphore_mem>>) src(%dma_wait3A_1179 : memref<10000x128xf32, #tpu.memory_space<hbm>>) dst(%dma_wait3A_1173 : memref<80x128xf32, #tpu.memory_space<vmem>>)
      %dma_start3A_1182 = arith.constant 0 : i32
      %dma_start3A_1183 = arith.constant 14 : i32
      %dma_start3A_1184 = arith.constant 0 : i32
      %dma_start3A_1185 = arith.constant 0 : i32
      %dma_start3A_1186 = arith.constant 0 : i32
      %dma_start3A_1187 = tpu.memref_slice %arg13[%dma_start3A_1182, %dma_start3A_1185, %dma_start3A_1186] : memref<2x80x128xf32, #tpu.memory_space<vmem>> -> memref<1x80x128xf32, #tpu.memory_space<vmem>>
      %dma_start3A_1188 = tpu.memref_squeeze %dma_start3A_1187 : memref<1x80x128xf32, #tpu.memory_space<vmem>> -> memref<80x128xf32, #tpu.memory_space<vmem>>
      %dma_start3A_1189 = arith.constant 0 : i32
      %dma_start3A_1190 = tpu.memref_slice %arg12[%rem3A_128, %dma_start3A_1183, %dma_start3A_1189] : memref<2x25x80xi32, #tpu.memory_space<vmem>> -> memref<1x1x80xi32, #tpu.memory_space<vmem>>
      %dma_start3A_1191 = tpu.memref_squeeze %dma_start3A_1190 : memref<1x1x80xi32, #tpu.memory_space<vmem>> -> memref<80xi32, #tpu.memory_space<vmem>>
      %dma_start3A_1192 = arith.constant 0 : i32
      %dma_start3A_1193 = arith.constant 0 : i32
      %dma_start3A_1194 = tpu.memref_slice %arg18[%dma_start3A_1192, %dma_start3A_1193] : memref<10000x128xf32, #tpu.memory_space<vmem_shared>> -> memref<10000x128xf32, #tpu.memory_space<vmem_shared>>
      %dma_start3A_1195 = tpu.memref_slice %arg21[%dma_start3A_1184] : memref<2x!tpu.dma_semaphore, #tpu.memory_space<semaphore_mem>> -> memref<1x!tpu.dma_semaphore, #tpu.memory_space<semaphore_mem>>
      %dma_start3A_1196 = tpu.memref_squeeze %dma_start3A_1195 : memref<1x!tpu.dma_semaphore, #tpu.memory_space<semaphore_mem>> -> memref<!tpu.dma_semaphore, #tpu.memory_space<semaphore_mem>>
      tpu.enqueue_indirect_dma source(%dma_start3A_1188 : memref<80x128xf32, #tpu.memory_space<vmem>>) target(%dma_start3A_1194 : memref<10000x128xf32, #tpu.memory_space<vmem_shared>>) offsets(%dma_start3A_1191 : memref<80xi32, #tpu.memory_space<vmem>>) semaphore(%dma_start3A_1196 : memref<!tpu.dma_semaphore, #tpu.memory_space<semaphore_mem>>) {add = true}
      %dma_start3A_1197 = arith.constant 14 : i32
      %dma_start3A_1198 = arith.constant 0 : i32
      %dma_start3A_1199 = tpu.memref_slice %arg12[%rem3A_128, %dma_start3A_1197, %dma_start3A_1198] : memref<2x25x80xi32, #tpu.memory_space<vmem>> -> memref<1x1x80xi32, #tpu.memory_space<vmem>>
      %dma_start3A_1200 = tpu.memref_squeeze %dma_start3A_1199 : memref<1x1x80xi32, #tpu.memory_space<vmem>> -> memref<80xi32, #tpu.memory_space<vmem>>
      %dma_start3A_1201 = arith.constant 0 : i32
      %dma_start3A_1202 = tpu.memref_slice %arg19[%dma_start3A_1201] : memref<10000xf32, #tpu.memory_space<vmem_shared>> -> memref<10000xf32, #tpu.memory_space<vmem_shared>>
      tpu.enqueue_indirect_dma source(%arg14 : memref<80xf32, #tpu.memory_space<vmem>>) target(%dma_start3A_1202 : memref<10000xf32, #tpu.memory_space<vmem_shared>>) offsets(%dma_start3A_1200 : memref<80xi32, #tpu.memory_space<vmem>>) semaphore(%arg22 : memref<!tpu.dma_semaphore, #tpu.memory_space<semaphore_mem>>) {add = true}
      %dma_wait3A_1203 = arith.constant 0 : i32
      %dma_wait3A_1204 = arith.constant 14 : i32
      %dma_wait3A_1205 = arith.constant 0 : i32
      %dma_wait3A_1206 = arith.constant 0 : i32
      %dma_wait3A_1207 = arith.constant 0 : i32
      %dma_wait3A_1208 = tpu.memref_slice %arg13[%dma_wait3A_1203, %dma_wait3A_1206, %dma_wait3A_1207] : memref<2x80x128xf32, #tpu.memory_space<vmem>> -> memref<1x80x128xf32, #tpu.memory_space<vmem>>
      %dma_wait3A_1209 = tpu.memref_squeeze %dma_wait3A_1208 : memref<1x80x128xf32, #tpu.memory_space<vmem>> -> memref<80x128xf32, #tpu.memory_space<vmem>>
      %dma_wait3A_1210 = arith.constant 0 : i32
      %dma_wait3A_1211 = tpu.memref_slice %arg12[%rem3A_128, %dma_wait3A_1204, %dma_wait3A_1210] : memref<2x25x80xi32, #tpu.memory_space<vmem>> -> memref<1x1x80xi32, #tpu.memory_space<vmem>>
      %dma_wait3A_1212 = tpu.memref_squeeze %dma_wait3A_1211 : memref<1x1x80xi32, #tpu.memory_space<vmem>> -> memref<80xi32, #tpu.memory_space<vmem>>
      %dma_wait3A_1213 = arith.constant 0 : i32
      %dma_wait3A_1214 = arith.constant 0 : i32
      %dma_wait3A_1215 = tpu.memref_slice %arg18[%dma_wait3A_1213, %dma_wait3A_1214] : memref<10000x128xf32, #tpu.memory_space<vmem_shared>> -> memref<10000x128xf32, #tpu.memory_space<vmem_shared>>
      %dma_wait3A_1216 = tpu.memref_slice %arg21[%dma_wait3A_1205] : memref<2x!tpu.dma_semaphore, #tpu.memory_space<semaphore_mem>> -> memref<1x!tpu.dma_semaphore, #tpu.memory_space<semaphore_mem>>
      %dma_wait3A_1217 = tpu.memref_squeeze %dma_wait3A_1216 : memref<1x!tpu.dma_semaphore, #tpu.memory_space<semaphore_mem>> -> memref<!tpu.dma_semaphore, #tpu.memory_space<semaphore_mem>>
      tpu.wait_indirect_dma semaphore(%dma_wait3A_1217 : memref<!tpu.dma_semaphore, #tpu.memory_space<semaphore_mem>>) src(%dma_wait3A_1209 : memref<80x128xf32, #tpu.memory_space<vmem>>) dst(%dma_wait3A_1215 : memref<10000x128xf32, #tpu.memory_space<vmem_shared>>)
      %dma_start3A_1218 = arith.constant 16 : i32
      %dma_start3A_1219 = arith.constant 0 : i32
      %dma_start3A_1220 = arith.constant 0 : i32
      %dma_start3A_1221 = arith.constant 0 : i32
      %dma_start3A_1222 = arith.constant 0 : i32
      %dma_start3A_1223 = tpu.memref_slice %arg13[%dma_start3A_1219, %dma_start3A_1221, %dma_start3A_1222] : memref<2x80x128xf32, #tpu.memory_space<vmem>> -> memref<1x80x128xf32, #tpu.memory_space<vmem>>
      %dma_start3A_1224 = tpu.memref_squeeze %dma_start3A_1223 : memref<1x80x128xf32, #tpu.memory_space<vmem>> -> memref<80x128xf32, #tpu.memory_space<vmem>>
      %dma_start3A_1225 = arith.constant 0 : i32
      %dma_start3A_1226 = tpu.memref_slice %arg11[%rem3A_128, %dma_start3A_1218, %dma_start3A_1225] : memref<2x25x80xi32, #tpu.memory_space<vmem>> -> memref<1x1x80xi32, #tpu.memory_space<vmem>>
      %dma_start3A_1227 = tpu.memref_squeeze %dma_start3A_1226 : memref<1x1x80xi32, #tpu.memory_space<vmem>> -> memref<80xi32, #tpu.memory_space<vmem>>
      %dma_start3A_1228 = arith.constant 0 : i32
      %dma_start3A_1229 = arith.constant 0 : i32
      %dma_start3A_1230 = tpu.memref_slice %arg5[%dma_start3A_1228, %dma_start3A_1229] : memref<10000x128xf32, #tpu.memory_space<hbm>> -> memref<10000x128xf32, #tpu.memory_space<hbm>>
      %dma_start3A_1231 = tpu.memref_slice %arg20[%dma_start3A_1220] : memref<2x!tpu.dma_semaphore, #tpu.memory_space<semaphore_mem>> -> memref<1x!tpu.dma_semaphore, #tpu.memory_space<semaphore_mem>>
      %dma_start3A_1232 = tpu.memref_squeeze %dma_start3A_1231 : memref<1x!tpu.dma_semaphore, #tpu.memory_space<semaphore_mem>> -> memref<!tpu.dma_semaphore, #tpu.memory_space<semaphore_mem>>
      tpu.enqueue_indirect_dma source(%dma_start3A_1230 : memref<10000x128xf32, #tpu.memory_space<hbm>>) target(%dma_start3A_1224 : memref<80x128xf32, #tpu.memory_space<vmem>>) offsets(%dma_start3A_1227 : memref<80xi32, #tpu.memory_space<vmem>>) semaphore(%dma_start3A_1232 : memref<!tpu.dma_semaphore, #tpu.memory_space<semaphore_mem>>)
      %dma_wait3A_1233 = arith.constant 15 : i32
      %dma_wait3A_1234 = arith.constant 1 : i32
      %dma_wait3A_1235 = arith.constant 1 : i32
      %dma_wait3A_1236 = arith.constant 0 : i32
      %dma_wait3A_1237 = arith.constant 0 : i32
      %dma_wait3A_1238 = tpu.memref_slice %arg13[%dma_wait3A_1234, %dma_wait3A_1236, %dma_wait3A_1237] : memref<2x80x128xf32, #tpu.memory_space<vmem>> -> memref<1x80x128xf32, #tpu.memory_space<vmem>>
      %dma_wait3A_1239 = tpu.memref_squeeze %dma_wait3A_1238 : memref<1x80x128xf32, #tpu.memory_space<vmem>> -> memref<80x128xf32, #tpu.memory_space<vmem>>
      %dma_wait3A_1240 = arith.constant 0 : i32
      %dma_wait3A_1241 = tpu.memref_slice %arg11[%rem3A_128, %dma_wait3A_1233, %dma_wait3A_1240] : memref<2x25x80xi32, #tpu.memory_space<vmem>> -> memref<1x1x80xi32, #tpu.memory_space<vmem>>
      %dma_wait3A_1242 = tpu.memref_squeeze %dma_wait3A_1241 : memref<1x1x80xi32, #tpu.memory_space<vmem>> -> memref<80xi32, #tpu.memory_space<vmem>>
      %dma_wait3A_1243 = arith.constant 0 : i32
      %dma_wait3A_1244 = arith.constant 0 : i32
      %dma_wait3A_1245 = tpu.memref_slice %arg5[%dma_wait3A_1243, %dma_wait3A_1244] : memref<10000x128xf32, #tpu.memory_space<hbm>> -> memref<10000x128xf32, #tpu.memory_space<hbm>>
      %dma_wait3A_1246 = tpu.memref_slice %arg20[%dma_wait3A_1235] : memref<2x!tpu.dma_semaphore, #tpu.memory_space<semaphore_mem>> -> memref<1x!tpu.dma_semaphore, #tpu.memory_space<semaphore_mem>>
      %dma_wait3A_1247 = tpu.memref_squeeze %dma_wait3A_1246 : memref<1x!tpu.dma_semaphore, #tpu.memory_space<semaphore_mem>> -> memref<!tpu.dma_semaphore, #tpu.memory_space<semaphore_mem>>
      tpu.wait_indirect_dma semaphore(%dma_wait3A_1247 : memref<!tpu.dma_semaphore, #tpu.memory_space<semaphore_mem>>) src(%dma_wait3A_1245 : memref<10000x128xf32, #tpu.memory_space<hbm>>) dst(%dma_wait3A_1239 : memref<80x128xf32, #tpu.memory_space<vmem>>)
      %dma_start3A_1248 = arith.constant 1 : i32
      %dma_start3A_1249 = arith.constant 15 : i32
      %dma_start3A_1250 = arith.constant 1 : i32
      %dma_start3A_1251 = arith.constant 0 : i32
      %dma_start3A_1252 = arith.constant 0 : i32
      %dma_start3A_1253 = tpu.memref_slice %arg13[%dma_start3A_1248, %dma_start3A_1251, %dma_start3A_1252] : memref<2x80x128xf32, #tpu.memory_space<vmem>> -> memref<1x80x128xf32, #tpu.memory_space<vmem>>
      %dma_start3A_1254 = tpu.memref_squeeze %dma_start3A_1253 : memref<1x80x128xf32, #tpu.memory_space<vmem>> -> memref<80x128xf32, #tpu.memory_space<vmem>>
      %dma_start3A_1255 = arith.constant 0 : i32
      %dma_start3A_1256 = tpu.memref_slice %arg12[%rem3A_128, %dma_start3A_1249, %dma_start3A_1255] : memref<2x25x80xi32, #tpu.memory_space<vmem>> -> memref<1x1x80xi32, #tpu.memory_space<vmem>>
      %dma_start3A_1257 = tpu.memref_squeeze %dma_start3A_1256 : memref<1x1x80xi32, #tpu.memory_space<vmem>> -> memref<80xi32, #tpu.memory_space<vmem>>
      %dma_start3A_1258 = arith.constant 0 : i32
      %dma_start3A_1259 = arith.constant 0 : i32
      %dma_start3A_1260 = tpu.memref_slice %arg18[%dma_start3A_1258, %dma_start3A_1259] : memref<10000x128xf32, #tpu.memory_space<vmem_shared>> -> memref<10000x128xf32, #tpu.memory_space<vmem_shared>>
      %dma_start3A_1261 = tpu.memref_slice %arg21[%dma_start3A_1250] : memref<2x!tpu.dma_semaphore, #tpu.memory_space<semaphore_mem>> -> memref<1x!tpu.dma_semaphore, #tpu.memory_space<semaphore_mem>>
      %dma_start3A_1262 = tpu.memref_squeeze %dma_start3A_1261 : memref<1x!tpu.dma_semaphore, #tpu.memory_space<semaphore_mem>> -> memref<!tpu.dma_semaphore, #tpu.memory_space<semaphore_mem>>
      tpu.enqueue_indirect_dma source(%dma_start3A_1254 : memref<80x128xf32, #tpu.memory_space<vmem>>) target(%dma_start3A_1260 : memref<10000x128xf32, #tpu.memory_space<vmem_shared>>) offsets(%dma_start3A_1257 : memref<80xi32, #tpu.memory_space<vmem>>) semaphore(%dma_start3A_1262 : memref<!tpu.dma_semaphore, #tpu.memory_space<semaphore_mem>>) {add = true}
      %dma_start3A_1263 = arith.constant 15 : i32
      %dma_start3A_1264 = arith.constant 0 : i32
      %dma_start3A_1265 = tpu.memref_slice %arg12[%rem3A_128, %dma_start3A_1263, %dma_start3A_1264] : memref<2x25x80xi32, #tpu.memory_space<vmem>> -> memref<1x1x80xi32, #tpu.memory_space<vmem>>
      %dma_start3A_1266 = tpu.memref_squeeze %dma_start3A_1265 : memref<1x1x80xi32, #tpu.memory_space<vmem>> -> memref<80xi32, #tpu.memory_space<vmem>>
      %dma_start3A_1267 = arith.constant 0 : i32
      %dma_start3A_1268 = tpu.memref_slice %arg19[%dma_start3A_1267] : memref<10000xf32, #tpu.memory_space<vmem_shared>> -> memref<10000xf32, #tpu.memory_space<vmem_shared>>
      tpu.enqueue_indirect_dma source(%arg14 : memref<80xf32, #tpu.memory_space<vmem>>) target(%dma_start3A_1268 : memref<10000xf32, #tpu.memory_space<vmem_shared>>) offsets(%dma_start3A_1266 : memref<80xi32, #tpu.memory_space<vmem>>) semaphore(%arg22 : memref<!tpu.dma_semaphore, #tpu.memory_space<semaphore_mem>>) {add = true}
      %dma_wait3A_1269 = arith.constant 1 : i32
      %dma_wait3A_1270 = arith.constant 15 : i32
      %dma_wait3A_1271 = arith.constant 1 : i32
      %dma_wait3A_1272 = arith.constant 0 : i32
      %dma_wait3A_1273 = arith.constant 0 : i32
      %dma_wait3A_1274 = tpu.memref_slice %arg13[%dma_wait3A_1269, %dma_wait3A_1272, %dma_wait3A_1273] : memref<2x80x128xf32, #tpu.memory_space<vmem>> -> memref<1x80x128xf32, #tpu.memory_space<vmem>>
      %dma_wait3A_1275 = tpu.memref_squeeze %dma_wait3A_1274 : memref<1x80x128xf32, #tpu.memory_space<vmem>> -> memref<80x128xf32, #tpu.memory_space<vmem>>
      %dma_wait3A_1276 = arith.constant 0 : i32
      %dma_wait3A_1277 = tpu.memref_slice %arg12[%rem3A_128, %dma_wait3A_1270, %dma_wait3A_1276] : memref<2x25x80xi32, #tpu.memory_space<vmem>> -> memref<1x1x80xi32, #tpu.memory_space<vmem>>
      %dma_wait3A_1278 = tpu.memref_squeeze %dma_wait3A_1277 : memref<1x1x80xi32, #tpu.memory_space<vmem>> -> memref<80xi32, #tpu.memory_space<vmem>>
      %dma_wait3A_1279 = arith.constant 0 : i32
      %dma_wait3A_1280 = arith.constant 0 : i32
      %dma_wait3A_1281 = tpu.memref_slice %arg18[%dma_wait3A_1279, %dma_wait3A_1280] : memref<10000x128xf32, #tpu.memory_space<vmem_shared>> -> memref<10000x128xf32, #tpu.memory_space<vmem_shared>>
      %dma_wait3A_1282 = tpu.memref_slice %arg21[%dma_wait3A_1271] : memref<2x!tpu.dma_semaphore, #tpu.memory_space<semaphore_mem>> -> memref<1x!tpu.dma_semaphore, #tpu.memory_space<semaphore_mem>>
      %dma_wait3A_1283 = tpu.memref_squeeze %dma_wait3A_1282 : memref<1x!tpu.dma_semaphore, #tpu.memory_space<semaphore_mem>> -> memref<!tpu.dma_semaphore, #tpu.memory_space<semaphore_mem>>
      tpu.wait_indirect_dma semaphore(%dma_wait3A_1283 : memref<!tpu.dma_semaphore, #tpu.memory_space<semaphore_mem>>) src(%dma_wait3A_1275 : memref<80x128xf32, #tpu.memory_space<vmem>>) dst(%dma_wait3A_1281 : memref<10000x128xf32, #tpu.memory_space<vmem_shared>>)
      %dma_start3A_1284 = arith.constant 17 : i32
      %dma_start3A_1285 = arith.constant 1 : i32
      %dma_start3A_1286 = arith.constant 1 : i32
      %dma_start3A_1287 = arith.constant 0 : i32
      %dma_start3A_1288 = arith.constant 0 : i32
      %dma_start3A_1289 = tpu.memref_slice %arg13[%dma_start3A_1285, %dma_start3A_1287, %dma_start3A_1288] : memref<2x80x128xf32, #tpu.memory_space<vmem>> -> memref<1x80x128xf32, #tpu.memory_space<vmem>>
      %dma_start3A_1290 = tpu.memref_squeeze %dma_start3A_1289 : memref<1x80x128xf32, #tpu.memory_space<vmem>> -> memref<80x128xf32, #tpu.memory_space<vmem>>
      %dma_start3A_1291 = arith.constant 0 : i32
      %dma_start3A_1292 = tpu.memref_slice %arg11[%rem3A_128, %dma_start3A_1284, %dma_start3A_1291] : memref<2x25x80xi32, #tpu.memory_space<vmem>> -> memref<1x1x80xi32, #tpu.memory_space<vmem>>
      %dma_start3A_1293 = tpu.memref_squeeze %dma_start3A_1292 : memref<1x1x80xi32, #tpu.memory_space<vmem>> -> memref<80xi32, #tpu.memory_space<vmem>>
      %dma_start3A_1294 = arith.constant 0 : i32
      %dma_start3A_1295 = arith.constant 0 : i32
      %dma_start3A_1296 = tpu.memref_slice %arg5[%dma_start3A_1294, %dma_start3A_1295] : memref<10000x128xf32, #tpu.memory_space<hbm>> -> memref<10000x128xf32, #tpu.memory_space<hbm>>
      %dma_start3A_1297 = tpu.memref_slice %arg20[%dma_start3A_1286] : memref<2x!tpu.dma_semaphore, #tpu.memory_space<semaphore_mem>> -> memref<1x!tpu.dma_semaphore, #tpu.memory_space<semaphore_mem>>
      %dma_start3A_1298 = tpu.memref_squeeze %dma_start3A_1297 : memref<1x!tpu.dma_semaphore, #tpu.memory_space<semaphore_mem>> -> memref<!tpu.dma_semaphore, #tpu.memory_space<semaphore_mem>>
      tpu.enqueue_indirect_dma source(%dma_start3A_1296 : memref<10000x128xf32, #tpu.memory_space<hbm>>) target(%dma_start3A_1290 : memref<80x128xf32, #tpu.memory_space<vmem>>) offsets(%dma_start3A_1293 : memref<80xi32, #tpu.memory_space<vmem>>) semaphore(%dma_start3A_1298 : memref<!tpu.dma_semaphore, #tpu.memory_space<semaphore_mem>>)
      %dma_wait3A_1299 = arith.constant 16 : i32
      %dma_wait3A_1300 = arith.constant 0 : i32
      %dma_wait3A_1301 = arith.constant 0 : i32
      %dma_wait3A_1302 = arith.constant 0 : i32
      %dma_wait3A_1303 = arith.constant 0 : i32
      %dma_wait3A_1304 = tpu.memref_slice %arg13[%dma_wait3A_1300, %dma_wait3A_1302, %dma_wait3A_1303] : memref<2x80x128xf32, #tpu.memory_space<vmem>> -> memref<1x80x128xf32, #tpu.memory_space<vmem>>
      %dma_wait3A_1305 = tpu.memref_squeeze %dma_wait3A_1304 : memref<1x80x128xf32, #tpu.memory_space<vmem>> -> memref<80x128xf32, #tpu.memory_space<vmem>>
      %dma_wait3A_1306 = arith.constant 0 : i32
      %dma_wait3A_1307 = tpu.memref_slice %arg11[%rem3A_128, %dma_wait3A_1299, %dma_wait3A_1306] : memref<2x25x80xi32, #tpu.memory_space<vmem>> -> memref<1x1x80xi32, #tpu.memory_space<vmem>>
      %dma_wait3A_1308 = tpu.memref_squeeze %dma_wait3A_1307 : memref<1x1x80xi32, #tpu.memory_space<vmem>> -> memref<80xi32, #tpu.memory_space<vmem>>
      %dma_wait3A_1309 = arith.constant 0 : i32
      %dma_wait3A_1310 = arith.constant 0 : i32
      %dma_wait3A_1311 = tpu.memref_slice %arg5[%dma_wait3A_1309, %dma_wait3A_1310] : memref<10000x128xf32, #tpu.memory_space<hbm>> -> memref<10000x128xf32, #tpu.memory_space<hbm>>
      %dma_wait3A_1312 = tpu.memref_slice %arg20[%dma_wait3A_1301] : memref<2x!tpu.dma_semaphore, #tpu.memory_space<semaphore_mem>> -> memref<1x!tpu.dma_semaphore, #tpu.memory_space<semaphore_mem>>
      %dma_wait3A_1313 = tpu.memref_squeeze %dma_wait3A_1312 : memref<1x!tpu.dma_semaphore, #tpu.memory_space<semaphore_mem>> -> memref<!tpu.dma_semaphore, #tpu.memory_space<semaphore_mem>>
      tpu.wait_indirect_dma semaphore(%dma_wait3A_1313 : memref<!tpu.dma_semaphore, #tpu.memory_space<semaphore_mem>>) src(%dma_wait3A_1311 : memref<10000x128xf32, #tpu.memory_space<hbm>>) dst(%dma_wait3A_1305 : memref<80x128xf32, #tpu.memory_space<vmem>>)
      %dma_start3A_1314 = arith.constant 0 : i32
      %dma_start3A_1315 = arith.constant 16 : i32
      %dma_start3A_1316 = arith.constant 0 : i32
      %dma_start3A_1317 = arith.constant 0 : i32
      %dma_start3A_1318 = arith.constant 0 : i32
      %dma_start3A_1319 = tpu.memref_slice %arg13[%dma_start3A_1314, %dma_start3A_1317, %dma_start3A_1318] : memref<2x80x128xf32, #tpu.memory_space<vmem>> -> memref<1x80x128xf32, #tpu.memory_space<vmem>>
      %dma_start3A_1320 = tpu.memref_squeeze %dma_start3A_1319 : memref<1x80x128xf32, #tpu.memory_space<vmem>> -> memref<80x128xf32, #tpu.memory_space<vmem>>
      %dma_start3A_1321 = arith.constant 0 : i32
      %dma_start3A_1322 = tpu.memref_slice %arg12[%rem3A_128, %dma_start3A_1315, %dma_start3A_1321] : memref<2x25x80xi32, #tpu.memory_space<vmem>> -> memref<1x1x80xi32, #tpu.memory_space<vmem>>
      %dma_start3A_1323 = tpu.memref_squeeze %dma_start3A_1322 : memref<1x1x80xi32, #tpu.memory_space<vmem>> -> memref<80xi32, #tpu.memory_space<vmem>>
      %dma_start3A_1324 = arith.constant 0 : i32
      %dma_start3A_1325 = arith.constant 0 : i32
      %dma_start3A_1326 = tpu.memref_slice %arg18[%dma_start3A_1324, %dma_start3A_1325] : memref<10000x128xf32, #tpu.memory_space<vmem_shared>> -> memref<10000x128xf32, #tpu.memory_space<vmem_shared>>
      %dma_start3A_1327 = tpu.memref_slice %arg21[%dma_start3A_1316] : memref<2x!tpu.dma_semaphore, #tpu.memory_space<semaphore_mem>> -> memref<1x!tpu.dma_semaphore, #tpu.memory_space<semaphore_mem>>
      %dma_start3A_1328 = tpu.memref_squeeze %dma_start3A_1327 : memref<1x!tpu.dma_semaphore, #tpu.memory_space<semaphore_mem>> -> memref<!tpu.dma_semaphore, #tpu.memory_space<semaphore_mem>>
      tpu.enqueue_indirect_dma source(%dma_start3A_1320 : memref<80x128xf32, #tpu.memory_space<vmem>>) target(%dma_start3A_1326 : memref<10000x128xf32, #tpu.memory_space<vmem_shared>>) offsets(%dma_start3A_1323 : memref<80xi32, #tpu.memory_space<vmem>>) semaphore(%dma_start3A_1328 : memref<!tpu.dma_semaphore, #tpu.memory_space<semaphore_mem>>) {add = true}
      %dma_start3A_1329 = arith.constant 16 : i32
      %dma_start3A_1330 = arith.constant 0 : i32
      %dma_start3A_1331 = tpu.memref_slice %arg12[%rem3A_128, %dma_start3A_1329, %dma_start3A_1330] : memref<2x25x80xi32, #tpu.memory_space<vmem>> -> memref<1x1x80xi32, #tpu.memory_space<vmem>>
      %dma_start3A_1332 = tpu.memref_squeeze %dma_start3A_1331 : memref<1x1x80xi32, #tpu.memory_space<vmem>> -> memref<80xi32, #tpu.memory_space<vmem>>
      %dma_start3A_1333 = arith.constant 0 : i32
      %dma_start3A_1334 = tpu.memref_slice %arg19[%dma_start3A_1333] : memref<10000xf32, #tpu.memory_space<vmem_shared>> -> memref<10000xf32, #tpu.memory_space<vmem_shared>>
      tpu.enqueue_indirect_dma source(%arg14 : memref<80xf32, #tpu.memory_space<vmem>>) target(%dma_start3A_1334 : memref<10000xf32, #tpu.memory_space<vmem_shared>>) offsets(%dma_start3A_1332 : memref<80xi32, #tpu.memory_space<vmem>>) semaphore(%arg22 : memref<!tpu.dma_semaphore, #tpu.memory_space<semaphore_mem>>) {add = true}
      %dma_wait3A_1335 = arith.constant 0 : i32
      %dma_wait3A_1336 = arith.constant 16 : i32
      %dma_wait3A_1337 = arith.constant 0 : i32
      %dma_wait3A_1338 = arith.constant 0 : i32
      %dma_wait3A_1339 = arith.constant 0 : i32
      %dma_wait3A_1340 = tpu.memref_slice %arg13[%dma_wait3A_1335, %dma_wait3A_1338, %dma_wait3A_1339] : memref<2x80x128xf32, #tpu.memory_space<vmem>> -> memref<1x80x128xf32, #tpu.memory_space<vmem>>
      %dma_wait3A_1341 = tpu.memref_squeeze %dma_wait3A_1340 : memref<1x80x128xf32, #tpu.memory_space<vmem>> -> memref<80x128xf32, #tpu.memory_space<vmem>>
      %dma_wait3A_1342 = arith.constant 0 : i32
      %dma_wait3A_1343 = tpu.memref_slice %arg12[%rem3A_128, %dma_wait3A_1336, %dma_wait3A_1342] : memref<2x25x80xi32, #tpu.memory_space<vmem>> -> memref<1x1x80xi32, #tpu.memory_space<vmem>>
      %dma_wait3A_1344 = tpu.memref_squeeze %dma_wait3A_1343 : memref<1x1x80xi32, #tpu.memory_space<vmem>> -> memref<80xi32, #tpu.memory_space<vmem>>
      %dma_wait3A_1345 = arith.constant 0 : i32
      %dma_wait3A_1346 = arith.constant 0 : i32
      %dma_wait3A_1347 = tpu.memref_slice %arg18[%dma_wait3A_1345, %dma_wait3A_1346] : memref<10000x128xf32, #tpu.memory_space<vmem_shared>> -> memref<10000x128xf32, #tpu.memory_space<vmem_shared>>
      %dma_wait3A_1348 = tpu.memref_slice %arg21[%dma_wait3A_1337] : memref<2x!tpu.dma_semaphore, #tpu.memory_space<semaphore_mem>> -> memref<1x!tpu.dma_semaphore, #tpu.memory_space<semaphore_mem>>
      %dma_wait3A_1349 = tpu.memref_squeeze %dma_wait3A_1348 : memref<1x!tpu.dma_semaphore, #tpu.memory_space<semaphore_mem>> -> memref<!tpu.dma_semaphore, #tpu.memory_space<semaphore_mem>>
      tpu.wait_indirect_dma semaphore(%dma_wait3A_1349 : memref<!tpu.dma_semaphore, #tpu.memory_space<semaphore_mem>>) src(%dma_wait3A_1341 : memref<80x128xf32, #tpu.memory_space<vmem>>) dst(%dma_wait3A_1347 : memref<10000x128xf32, #tpu.memory_space<vmem_shared>>)
      %dma_start3A_1350 = arith.constant 18 : i32
      %dma_start3A_1351 = arith.constant 0 : i32
      %dma_start3A_1352 = arith.constant 0 : i32
      %dma_start3A_1353 = arith.constant 0 : i32
      %dma_start3A_1354 = arith.constant 0 : i32
      %dma_start3A_1355 = tpu.memref_slice %arg13[%dma_start3A_1351, %dma_start3A_1353, %dma_start3A_1354] : memref<2x80x128xf32, #tpu.memory_space<vmem>> -> memref<1x80x128xf32, #tpu.memory_space<vmem>>
      %dma_start3A_1356 = tpu.memref_squeeze %dma_start3A_1355 : memref<1x80x128xf32, #tpu.memory_space<vmem>> -> memref<80x128xf32, #tpu.memory_space<vmem>>
      %dma_start3A_1357 = arith.constant 0 : i32
      %dma_start3A_1358 = tpu.memref_slice %arg11[%rem3A_128, %dma_start3A_1350, %dma_start3A_1357] : memref<2x25x80xi32, #tpu.memory_space<vmem>> -> memref<1x1x80xi32, #tpu.memory_space<vmem>>
      %dma_start3A_1359 = tpu.memref_squeeze %dma_start3A_1358 : memref<1x1x80xi32, #tpu.memory_space<vmem>> -> memref<80xi32, #tpu.memory_space<vmem>>
      %dma_start3A_1360 = arith.constant 0 : i32
      %dma_start3A_1361 = arith.constant 0 : i32
      %dma_start3A_1362 = tpu.memref_slice %arg5[%dma_start3A_1360, %dma_start3A_1361] : memref<10000x128xf32, #tpu.memory_space<hbm>> -> memref<10000x128xf32, #tpu.memory_space<hbm>>
      %dma_start3A_1363 = tpu.memref_slice %arg20[%dma_start3A_1352] : memref<2x!tpu.dma_semaphore, #tpu.memory_space<semaphore_mem>> -> memref<1x!tpu.dma_semaphore, #tpu.memory_space<semaphore_mem>>
      %dma_start3A_1364 = tpu.memref_squeeze %dma_start3A_1363 : memref<1x!tpu.dma_semaphore, #tpu.memory_space<semaphore_mem>> -> memref<!tpu.dma_semaphore, #tpu.memory_space<semaphore_mem>>
      tpu.enqueue_indirect_dma source(%dma_start3A_1362 : memref<10000x128xf32, #tpu.memory_space<hbm>>) target(%dma_start3A_1356 : memref<80x128xf32, #tpu.memory_space<vmem>>) offsets(%dma_start3A_1359 : memref<80xi32, #tpu.memory_space<vmem>>) semaphore(%dma_start3A_1364 : memref<!tpu.dma_semaphore, #tpu.memory_space<semaphore_mem>>)
      %dma_wait3A_1365 = arith.constant 17 : i32
      %dma_wait3A_1366 = arith.constant 1 : i32
      %dma_wait3A_1367 = arith.constant 1 : i32
      %dma_wait3A_1368 = arith.constant 0 : i32
      %dma_wait3A_1369 = arith.constant 0 : i32
      %dma_wait3A_1370 = tpu.memref_slice %arg13[%dma_wait3A_1366, %dma_wait3A_1368, %dma_wait3A_1369] : memref<2x80x128xf32, #tpu.memory_space<vmem>> -> memref<1x80x128xf32, #tpu.memory_space<vmem>>
      %dma_wait3A_1371 = tpu.memref_squeeze %dma_wait3A_1370 : memref<1x80x128xf32, #tpu.memory_space<vmem>> -> memref<80x128xf32, #tpu.memory_space<vmem>>
      %dma_wait3A_1372 = arith.constant 0 : i32
      %dma_wait3A_1373 = tpu.memref_slice %arg11[%rem3A_128, %dma_wait3A_1365, %dma_wait3A_1372] : memref<2x25x80xi32, #tpu.memory_space<vmem>> -> memref<1x1x80xi32, #tpu.memory_space<vmem>>
      %dma_wait3A_1374 = tpu.memref_squeeze %dma_wait3A_1373 : memref<1x1x80xi32, #tpu.memory_space<vmem>> -> memref<80xi32, #tpu.memory_space<vmem>>
      %dma_wait3A_1375 = arith.constant 0 : i32
      %dma_wait3A_1376 = arith.constant 0 : i32
      %dma_wait3A_1377 = tpu.memref_slice %arg5[%dma_wait3A_1375, %dma_wait3A_1376] : memref<10000x128xf32, #tpu.memory_space<hbm>> -> memref<10000x128xf32, #tpu.memory_space<hbm>>
      %dma_wait3A_1378 = tpu.memref_slice %arg20[%dma_wait3A_1367] : memref<2x!tpu.dma_semaphore, #tpu.memory_space<semaphore_mem>> -> memref<1x!tpu.dma_semaphore, #tpu.memory_space<semaphore_mem>>
      %dma_wait3A_1379 = tpu.memref_squeeze %dma_wait3A_1378 : memref<1x!tpu.dma_semaphore, #tpu.memory_space<semaphore_mem>> -> memref<!tpu.dma_semaphore, #tpu.memory_space<semaphore_mem>>
      tpu.wait_indirect_dma semaphore(%dma_wait3A_1379 : memref<!tpu.dma_semaphore, #tpu.memory_space<semaphore_mem>>) src(%dma_wait3A_1377 : memref<10000x128xf32, #tpu.memory_space<hbm>>) dst(%dma_wait3A_1371 : memref<80x128xf32, #tpu.memory_space<vmem>>)
      %dma_start3A_1380 = arith.constant 1 : i32
      %dma_start3A_1381 = arith.constant 17 : i32
      %dma_start3A_1382 = arith.constant 1 : i32
      %dma_start3A_1383 = arith.constant 0 : i32
      %dma_start3A_1384 = arith.constant 0 : i32
      %dma_start3A_1385 = tpu.memref_slice %arg13[%dma_start3A_1380, %dma_start3A_1383, %dma_start3A_1384] : memref<2x80x128xf32, #tpu.memory_space<vmem>> -> memref<1x80x128xf32, #tpu.memory_space<vmem>>
      %dma_start3A_1386 = tpu.memref_squeeze %dma_start3A_1385 : memref<1x80x128xf32, #tpu.memory_space<vmem>> -> memref<80x128xf32, #tpu.memory_space<vmem>>
      %dma_start3A_1387 = arith.constant 0 : i32
      %dma_start3A_1388 = tpu.memref_slice %arg12[%rem3A_128, %dma_start3A_1381, %dma_start3A_1387] : memref<2x25x80xi32, #tpu.memory_space<vmem>> -> memref<1x1x80xi32, #tpu.memory_space<vmem>>
      %dma_start3A_1389 = tpu.memref_squeeze %dma_start3A_1388 : memref<1x1x80xi32, #tpu.memory_space<vmem>> -> memref<80xi32, #tpu.memory_space<vmem>>
      %dma_start3A_1390 = arith.constant 0 : i32
      %dma_start3A_1391 = arith.constant 0 : i32
      %dma_start3A_1392 = tpu.memref_slice %arg18[%dma_start3A_1390, %dma_start3A_1391] : memref<10000x128xf32, #tpu.memory_space<vmem_shared>> -> memref<10000x128xf32, #tpu.memory_space<vmem_shared>>
      %dma_start3A_1393 = tpu.memref_slice %arg21[%dma_start3A_1382] : memref<2x!tpu.dma_semaphore, #tpu.memory_space<semaphore_mem>> -> memref<1x!tpu.dma_semaphore, #tpu.memory_space<semaphore_mem>>
      %dma_start3A_1394 = tpu.memref_squeeze %dma_start3A_1393 : memref<1x!tpu.dma_semaphore, #tpu.memory_space<semaphore_mem>> -> memref<!tpu.dma_semaphore, #tpu.memory_space<semaphore_mem>>
      tpu.enqueue_indirect_dma source(%dma_start3A_1386 : memref<80x128xf32, #tpu.memory_space<vmem>>) target(%dma_start3A_1392 : memref<10000x128xf32, #tpu.memory_space<vmem_shared>>) offsets(%dma_start3A_1389 : memref<80xi32, #tpu.memory_space<vmem>>) semaphore(%dma_start3A_1394 : memref<!tpu.dma_semaphore, #tpu.memory_space<semaphore_mem>>) {add = true}
      %dma_start3A_1395 = arith.constant 17 : i32
      %dma_start3A_1396 = arith.constant 0 : i32
      %dma_start3A_1397 = tpu.memref_slice %arg12[%rem3A_128, %dma_start3A_1395, %dma_start3A_1396] : memref<2x25x80xi32, #tpu.memory_space<vmem>> -> memref<1x1x80xi32, #tpu.memory_space<vmem>>
      %dma_start3A_1398 = tpu.memref_squeeze %dma_start3A_1397 : memref<1x1x80xi32, #tpu.memory_space<vmem>> -> memref<80xi32, #tpu.memory_space<vmem>>
      %dma_start3A_1399 = arith.constant 0 : i32
      %dma_start3A_1400 = tpu.memref_slice %arg19[%dma_start3A_1399] : memref<10000xf32, #tpu.memory_space<vmem_shared>> -> memref<10000xf32, #tpu.memory_space<vmem_shared>>
      tpu.enqueue_indirect_dma source(%arg14 : memref<80xf32, #tpu.memory_space<vmem>>) target(%dma_start3A_1400 : memref<10000xf32, #tpu.memory_space<vmem_shared>>) offsets(%dma_start3A_1398 : memref<80xi32, #tpu.memory_space<vmem>>) semaphore(%arg22 : memref<!tpu.dma_semaphore, #tpu.memory_space<semaphore_mem>>) {add = true}
      %dma_wait3A_1401 = arith.constant 1 : i32
      %dma_wait3A_1402 = arith.constant 17 : i32
      %dma_wait3A_1403 = arith.constant 1 : i32
      %dma_wait3A_1404 = arith.constant 0 : i32
      %dma_wait3A_1405 = arith.constant 0 : i32
      %dma_wait3A_1406 = tpu.memref_slice %arg13[%dma_wait3A_1401, %dma_wait3A_1404, %dma_wait3A_1405] : memref<2x80x128xf32, #tpu.memory_space<vmem>> -> memref<1x80x128xf32, #tpu.memory_space<vmem>>
      %dma_wait3A_1407 = tpu.memref_squeeze %dma_wait3A_1406 : memref<1x80x128xf32, #tpu.memory_space<vmem>> -> memref<80x128xf32, #tpu.memory_space<vmem>>
      %dma_wait3A_1408 = arith.constant 0 : i32
      %dma_wait3A_1409 = tpu.memref_slice %arg12[%rem3A_128, %dma_wait3A_1402, %dma_wait3A_1408] : memref<2x25x80xi32, #tpu.memory_space<vmem>> -> memref<1x1x80xi32, #tpu.memory_space<vmem>>
      %dma_wait3A_1410 = tpu.memref_squeeze %dma_wait3A_1409 : memref<1x1x80xi32, #tpu.memory_space<vmem>> -> memref<80xi32, #tpu.memory_space<vmem>>
      %dma_wait3A_1411 = arith.constant 0 : i32
      %dma_wait3A_1412 = arith.constant 0 : i32
      %dma_wait3A_1413 = tpu.memref_slice %arg18[%dma_wait3A_1411, %dma_wait3A_1412] : memref<10000x128xf32, #tpu.memory_space<vmem_shared>> -> memref<10000x128xf32, #tpu.memory_space<vmem_shared>>
      %dma_wait3A_1414 = tpu.memref_slice %arg21[%dma_wait3A_1403] : memref<2x!tpu.dma_semaphore, #tpu.memory_space<semaphore_mem>> -> memref<1x!tpu.dma_semaphore, #tpu.memory_space<semaphore_mem>>
      %dma_wait3A_1415 = tpu.memref_squeeze %dma_wait3A_1414 : memref<1x!tpu.dma_semaphore, #tpu.memory_space<semaphore_mem>> -> memref<!tpu.dma_semaphore, #tpu.memory_space<semaphore_mem>>
      tpu.wait_indirect_dma semaphore(%dma_wait3A_1415 : memref<!tpu.dma_semaphore, #tpu.memory_space<semaphore_mem>>) src(%dma_wait3A_1407 : memref<80x128xf32, #tpu.memory_space<vmem>>) dst(%dma_wait3A_1413 : memref<10000x128xf32, #tpu.memory_space<vmem_shared>>)
      %dma_start3A_1416 = arith.constant 19 : i32
      %dma_start3A_1417 = arith.constant 1 : i32
      %dma_start3A_1418 = arith.constant 1 : i32
      %dma_start3A_1419 = arith.constant 0 : i32
      %dma_start3A_1420 = arith.constant 0 : i32
      %dma_start3A_1421 = tpu.memref_slice %arg13[%dma_start3A_1417, %dma_start3A_1419, %dma_start3A_1420] : memref<2x80x128xf32, #tpu.memory_space<vmem>> -> memref<1x80x128xf32, #tpu.memory_space<vmem>>
      %dma_start3A_1422 = tpu.memref_squeeze %dma_start3A_1421 : memref<1x80x128xf32, #tpu.memory_space<vmem>> -> memref<80x128xf32, #tpu.memory_space<vmem>>
      %dma_start3A_1423 = arith.constant 0 : i32
      %dma_start3A_1424 = tpu.memref_slice %arg11[%rem3A_128, %dma_start3A_1416, %dma_start3A_1423] : memref<2x25x80xi32, #tpu.memory_space<vmem>> -> memref<1x1x80xi32, #tpu.memory_space<vmem>>
      %dma_start3A_1425 = tpu.memref_squeeze %dma_start3A_1424 : memref<1x1x80xi32, #tpu.memory_space<vmem>> -> memref<80xi32, #tpu.memory_space<vmem>>
      %dma_start3A_1426 = arith.constant 0 : i32
      %dma_start3A_1427 = arith.constant 0 : i32
      %dma_start3A_1428 = tpu.memref_slice %arg5[%dma_start3A_1426, %dma_start3A_1427] : memref<10000x128xf32, #tpu.memory_space<hbm>> -> memref<10000x128xf32, #tpu.memory_space<hbm>>
      %dma_start3A_1429 = tpu.memref_slice %arg20[%dma_start3A_1418] : memref<2x!tpu.dma_semaphore, #tpu.memory_space<semaphore_mem>> -> memref<1x!tpu.dma_semaphore, #tpu.memory_space<semaphore_mem>>
      %dma_start3A_1430 = tpu.memref_squeeze %dma_start3A_1429 : memref<1x!tpu.dma_semaphore, #tpu.memory_space<semaphore_mem>> -> memref<!tpu.dma_semaphore, #tpu.memory_space<semaphore_mem>>
      tpu.enqueue_indirect_dma source(%dma_start3A_1428 : memref<10000x128xf32, #tpu.memory_space<hbm>>) target(%dma_start3A_1422 : memref<80x128xf32, #tpu.memory_space<vmem>>) offsets(%dma_start3A_1425 : memref<80xi32, #tpu.memory_space<vmem>>) semaphore(%dma_start3A_1430 : memref<!tpu.dma_semaphore, #tpu.memory_space<semaphore_mem>>)
      %dma_wait3A_1431 = arith.constant 18 : i32
      %dma_wait3A_1432 = arith.constant 0 : i32
      %dma_wait3A_1433 = arith.constant 0 : i32
      %dma_wait3A_1434 = arith.constant 0 : i32
      %dma_wait3A_1435 = arith.constant 0 : i32
      %dma_wait3A_1436 = tpu.memref_slice %arg13[%dma_wait3A_1432, %dma_wait3A_1434, %dma_wait3A_1435] : memref<2x80x128xf32, #tpu.memory_space<vmem>> -> memref<1x80x128xf32, #tpu.memory_space<vmem>>
      %dma_wait3A_1437 = tpu.memref_squeeze %dma_wait3A_1436 : memref<1x80x128xf32, #tpu.memory_space<vmem>> -> memref<80x128xf32, #tpu.memory_space<vmem>>
      %dma_wait3A_1438 = arith.constant 0 : i32
      %dma_wait3A_1439 = tpu.memref_slice %arg11[%rem3A_128, %dma_wait3A_1431, %dma_wait3A_1438] : memref<2x25x80xi32, #tpu.memory_space<vmem>> -> memref<1x1x80xi32, #tpu.memory_space<vmem>>
      %dma_wait3A_1440 = tpu.memref_squeeze %dma_wait3A_1439 : memref<1x1x80xi32, #tpu.memory_space<vmem>> -> memref<80xi32, #tpu.memory_space<vmem>>
      %dma_wait3A_1441 = arith.constant 0 : i32
      %dma_wait3A_1442 = arith.constant 0 : i32
      %dma_wait3A_1443 = tpu.memref_slice %arg5[%dma_wait3A_1441, %dma_wait3A_1442] : memref<10000x128xf32, #tpu.memory_space<hbm>> -> memref<10000x128xf32, #tpu.memory_space<hbm>>
      %dma_wait3A_1444 = tpu.memref_slice %arg20[%dma_wait3A_1433] : memref<2x!tpu.dma_semaphore, #tpu.memory_space<semaphore_mem>> -> memref<1x!tpu.dma_semaphore, #tpu.memory_space<semaphore_mem>>
      %dma_wait3A_1445 = tpu.memref_squeeze %dma_wait3A_1444 : memref<1x!tpu.dma_semaphore, #tpu.memory_space<semaphore_mem>> -> memref<!tpu.dma_semaphore, #tpu.memory_space<semaphore_mem>>
      tpu.wait_indirect_dma semaphore(%dma_wait3A_1445 : memref<!tpu.dma_semaphore, #tpu.memory_space<semaphore_mem>>) src(%dma_wait3A_1443 : memref<10000x128xf32, #tpu.memory_space<hbm>>) dst(%dma_wait3A_1437 : memref<80x128xf32, #tpu.memory_space<vmem>>)
      %dma_start3A_1446 = arith.constant 0 : i32
      %dma_start3A_1447 = arith.constant 18 : i32
      %dma_start3A_1448 = arith.constant 0 : i32
      %dma_start3A_1449 = arith.constant 0 : i32
      %dma_start3A_1450 = arith.constant 0 : i32
      %dma_start3A_1451 = tpu.memref_slice %arg13[%dma_start3A_1446, %dma_start3A_1449, %dma_start3A_1450] : memref<2x80x128xf32, #tpu.memory_space<vmem>> -> memref<1x80x128xf32, #tpu.memory_space<vmem>>
      %dma_start3A_1452 = tpu.memref_squeeze %dma_start3A_1451 : memref<1x80x128xf32, #tpu.memory_space<vmem>> -> memref<80x128xf32, #tpu.memory_space<vmem>>
      %dma_start3A_1453 = arith.constant 0 : i32
      %dma_start3A_1454 = tpu.memref_slice %arg12[%rem3A_128, %dma_start3A_1447, %dma_start3A_1453] : memref<2x25x80xi32, #tpu.memory_space<vmem>> -> memref<1x1x80xi32, #tpu.memory_space<vmem>>
      %dma_start3A_1455 = tpu.memref_squeeze %dma_start3A_1454 : memref<1x1x80xi32, #tpu.memory_space<vmem>> -> memref<80xi32, #tpu.memory_space<vmem>>
      %dma_start3A_1456 = arith.constant 0 : i32
      %dma_start3A_1457 = arith.constant 0 : i32
      %dma_start3A_1458 = tpu.memref_slice %arg18[%dma_start3A_1456, %dma_start3A_1457] : memref<10000x128xf32, #tpu.memory_space<vmem_shared>> -> memref<10000x128xf32, #tpu.memory_space<vmem_shared>>
      %dma_start3A_1459 = tpu.memref_slice %arg21[%dma_start3A_1448] : memref<2x!tpu.dma_semaphore, #tpu.memory_space<semaphore_mem>> -> memref<1x!tpu.dma_semaphore, #tpu.memory_space<semaphore_mem>>
      %dma_start3A_1460 = tpu.memref_squeeze %dma_start3A_1459 : memref<1x!tpu.dma_semaphore, #tpu.memory_space<semaphore_mem>> -> memref<!tpu.dma_semaphore, #tpu.memory_space<semaphore_mem>>
      tpu.enqueue_indirect_dma source(%dma_start3A_1452 : memref<80x128xf32, #tpu.memory_space<vmem>>) target(%dma_start3A_1458 : memref<10000x128xf32, #tpu.memory_space<vmem_shared>>) offsets(%dma_start3A_1455 : memref<80xi32, #tpu.memory_space<vmem>>) semaphore(%dma_start3A_1460 : memref<!tpu.dma_semaphore, #tpu.memory_space<semaphore_mem>>) {add = true}
      %dma_start3A_1461 = arith.constant 18 : i32
      %dma_start3A_1462 = arith.constant 0 : i32
      %dma_start3A_1463 = tpu.memref_slice %arg12[%rem3A_128, %dma_start3A_1461, %dma_start3A_1462] : memref<2x25x80xi32, #tpu.memory_space<vmem>> -> memref<1x1x80xi32, #tpu.memory_space<vmem>>
      %dma_start3A_1464 = tpu.memref_squeeze %dma_start3A_1463 : memref<1x1x80xi32, #tpu.memory_space<vmem>> -> memref<80xi32, #tpu.memory_space<vmem>>
      %dma_start3A_1465 = arith.constant 0 : i32
      %dma_start3A_1466 = tpu.memref_slice %arg19[%dma_start3A_1465] : memref<10000xf32, #tpu.memory_space<vmem_shared>> -> memref<10000xf32, #tpu.memory_space<vmem_shared>>
      tpu.enqueue_indirect_dma source(%arg14 : memref<80xf32, #tpu.memory_space<vmem>>) target(%dma_start3A_1466 : memref<10000xf32, #tpu.memory_space<vmem_shared>>) offsets(%dma_start3A_1464 : memref<80xi32, #tpu.memory_space<vmem>>) semaphore(%arg22 : memref<!tpu.dma_semaphore, #tpu.memory_space<semaphore_mem>>) {add = true}
      %dma_wait3A_1467 = arith.constant 0 : i32
      %dma_wait3A_1468 = arith.constant 18 : i32
      %dma_wait3A_1469 = arith.constant 0 : i32
      %dma_wait3A_1470 = arith.constant 0 : i32
      %dma_wait3A_1471 = arith.constant 0 : i32
      %dma_wait3A_1472 = tpu.memref_slice %arg13[%dma_wait3A_1467, %dma_wait3A_1470, %dma_wait3A_1471] : memref<2x80x128xf32, #tpu.memory_space<vmem>> -> memref<1x80x128xf32, #tpu.memory_space<vmem>>
      %dma_wait3A_1473 = tpu.memref_squeeze %dma_wait3A_1472 : memref<1x80x128xf32, #tpu.memory_space<vmem>> -> memref<80x128xf32, #tpu.memory_space<vmem>>
      %dma_wait3A_1474 = arith.constant 0 : i32
      %dma_wait3A_1475 = tpu.memref_slice %arg12[%rem3A_128, %dma_wait3A_1468, %dma_wait3A_1474] : memref<2x25x80xi32, #tpu.memory_space<vmem>> -> memref<1x1x80xi32, #tpu.memory_space<vmem>>
      %dma_wait3A_1476 = tpu.memref_squeeze %dma_wait3A_1475 : memref<1x1x80xi32, #tpu.memory_space<vmem>> -> memref<80xi32, #tpu.memory_space<vmem>>
      %dma_wait3A_1477 = arith.constant 0 : i32
      %dma_wait3A_1478 = arith.constant 0 : i32
      %dma_wait3A_1479 = tpu.memref_slice %arg18[%dma_wait3A_1477, %dma_wait3A_1478] : memref<10000x128xf32, #tpu.memory_space<vmem_shared>> -> memref<10000x128xf32, #tpu.memory_space<vmem_shared>>
      %dma_wait3A_1480 = tpu.memref_slice %arg21[%dma_wait3A_1469] : memref<2x!tpu.dma_semaphore, #tpu.memory_space<semaphore_mem>> -> memref<1x!tpu.dma_semaphore, #tpu.memory_space<semaphore_mem>>
      %dma_wait3A_1481 = tpu.memref_squeeze %dma_wait3A_1480 : memref<1x!tpu.dma_semaphore, #tpu.memory_space<semaphore_mem>> -> memref<!tpu.dma_semaphore, #tpu.memory_space<semaphore_mem>>
      tpu.wait_indirect_dma semaphore(%dma_wait3A_1481 : memref<!tpu.dma_semaphore, #tpu.memory_space<semaphore_mem>>) src(%dma_wait3A_1473 : memref<80x128xf32, #tpu.memory_space<vmem>>) dst(%dma_wait3A_1479 : memref<10000x128xf32, #tpu.memory_space<vmem_shared>>)
      %dma_start3A_1482 = arith.constant 20 : i32
      %dma_start3A_1483 = arith.constant 0 : i32
      %dma_start3A_1484 = arith.constant 0 : i32
      %dma_start3A_1485 = arith.constant 0 : i32
      %dma_start3A_1486 = arith.constant 0 : i32
      %dma_start3A_1487 = tpu.memref_slice %arg13[%dma_start3A_1483, %dma_start3A_1485, %dma_start3A_1486] : memref<2x80x128xf32, #tpu.memory_space<vmem>> -> memref<1x80x128xf32, #tpu.memory_space<vmem>>
      %dma_start3A_1488 = tpu.memref_squeeze %dma_start3A_1487 : memref<1x80x128xf32, #tpu.memory_space<vmem>> -> memref<80x128xf32, #tpu.memory_space<vmem>>
      %dma_start3A_1489 = arith.constant 0 : i32
      %dma_start3A_1490 = tpu.memref_slice %arg11[%rem3A_128, %dma_start3A_1482, %dma_start3A_1489] : memref<2x25x80xi32, #tpu.memory_space<vmem>> -> memref<1x1x80xi32, #tpu.memory_space<vmem>>
      %dma_start3A_1491 = tpu.memref_squeeze %dma_start3A_1490 : memref<1x1x80xi32, #tpu.memory_space<vmem>> -> memref<80xi32, #tpu.memory_space<vmem>>
      %dma_start3A_1492 = arith.constant 0 : i32
      %dma_start3A_1493 = arith.constant 0 : i32
      %dma_start3A_1494 = tpu.memref_slice %arg5[%dma_start3A_1492, %dma_start3A_1493] : memref<10000x128xf32, #tpu.memory_space<hbm>> -> memref<10000x128xf32, #tpu.memory_space<hbm>>
      %dma_start3A_1495 = tpu.memref_slice %arg20[%dma_start3A_1484] : memref<2x!tpu.dma_semaphore, #tpu.memory_space<semaphore_mem>> -> memref<1x!tpu.dma_semaphore, #tpu.memory_space<semaphore_mem>>
      %dma_start3A_1496 = tpu.memref_squeeze %dma_start3A_1495 : memref<1x!tpu.dma_semaphore, #tpu.memory_space<semaphore_mem>> -> memref<!tpu.dma_semaphore, #tpu.memory_space<semaphore_mem>>
      tpu.enqueue_indirect_dma source(%dma_start3A_1494 : memref<10000x128xf32, #tpu.memory_space<hbm>>) target(%dma_start3A_1488 : memref<80x128xf32, #tpu.memory_space<vmem>>) offsets(%dma_start3A_1491 : memref<80xi32, #tpu.memory_space<vmem>>) semaphore(%dma_start3A_1496 : memref<!tpu.dma_semaphore, #tpu.memory_space<semaphore_mem>>)
      %dma_wait3A_1497 = arith.constant 19 : i32
      %dma_wait3A_1498 = arith.constant 1 : i32
      %dma_wait3A_1499 = arith.constant 1 : i32
      %dma_wait3A_1500 = arith.constant 0 : i32
      %dma_wait3A_1501 = arith.constant 0 : i32
      %dma_wait3A_1502 = tpu.memref_slice %arg13[%dma_wait3A_1498, %dma_wait3A_1500, %dma_wait3A_1501] : memref<2x80x128xf32, #tpu.memory_space<vmem>> -> memref<1x80x128xf32, #tpu.memory_space<vmem>>
      %dma_wait3A_1503 = tpu.memref_squeeze %dma_wait3A_1502 : memref<1x80x128xf32, #tpu.memory_space<vmem>> -> memref<80x128xf32, #tpu.memory_space<vmem>>
      %dma_wait3A_1504 = arith.constant 0 : i32
      %dma_wait3A_1505 = tpu.memref_slice %arg11[%rem3A_128, %dma_wait3A_1497, %dma_wait3A_1504] : memref<2x25x80xi32, #tpu.memory_space<vmem>> -> memref<1x1x80xi32, #tpu.memory_space<vmem>>
      %dma_wait3A_1506 = tpu.memref_squeeze %dma_wait3A_1505 : memref<1x1x80xi32, #tpu.memory_space<vmem>> -> memref<80xi32, #tpu.memory_space<vmem>>
      %dma_wait3A_1507 = arith.constant 0 : i32
      %dma_wait3A_1508 = arith.constant 0 : i32
      %dma_wait3A_1509 = tpu.memref_slice %arg5[%dma_wait3A_1507, %dma_wait3A_1508] : memref<10000x128xf32, #tpu.memory_space<hbm>> -> memref<10000x128xf32, #tpu.memory_space<hbm>>
      %dma_wait3A_1510 = tpu.memref_slice %arg20[%dma_wait3A_1499] : memref<2x!tpu.dma_semaphore, #tpu.memory_space<semaphore_mem>> -> memref<1x!tpu.dma_semaphore, #tpu.memory_space<semaphore_mem>>
      %dma_wait3A_1511 = tpu.memref_squeeze %dma_wait3A_1510 : memref<1x!tpu.dma_semaphore, #tpu.memory_space<semaphore_mem>> -> memref<!tpu.dma_semaphore, #tpu.memory_space<semaphore_mem>>
      tpu.wait_indirect_dma semaphore(%dma_wait3A_1511 : memref<!tpu.dma_semaphore, #tpu.memory_space<semaphore_mem>>) src(%dma_wait3A_1509 : memref<10000x128xf32, #tpu.memory_space<hbm>>) dst(%dma_wait3A_1503 : memref<80x128xf32, #tpu.memory_space<vmem>>)
      %dma_start3A_1512 = arith.constant 1 : i32
      %dma_start3A_1513 = arith.constant 19 : i32
      %dma_start3A_1514 = arith.constant 1 : i32
      %dma_start3A_1515 = arith.constant 0 : i32
      %dma_start3A_1516 = arith.constant 0 : i32
      %dma_start3A_1517 = tpu.memref_slice %arg13[%dma_start3A_1512, %dma_start3A_1515, %dma_start3A_1516] : memref<2x80x128xf32, #tpu.memory_space<vmem>> -> memref<1x80x128xf32, #tpu.memory_space<vmem>>
      %dma_start3A_1518 = tpu.memref_squeeze %dma_start3A_1517 : memref<1x80x128xf32, #tpu.memory_space<vmem>> -> memref<80x128xf32, #tpu.memory_space<vmem>>
      %dma_start3A_1519 = arith.constant 0 : i32
      %dma_start3A_1520 = tpu.memref_slice %arg12[%rem3A_128, %dma_start3A_1513, %dma_start3A_1519] : memref<2x25x80xi32, #tpu.memory_space<vmem>> -> memref<1x1x80xi32, #tpu.memory_space<vmem>>
      %dma_start3A_1521 = tpu.memref_squeeze %dma_start3A_1520 : memref<1x1x80xi32, #tpu.memory_space<vmem>> -> memref<80xi32, #tpu.memory_space<vmem>>
      %dma_start3A_1522 = arith.constant 0 : i32
      %dma_start3A_1523 = arith.constant 0 : i32
      %dma_start3A_1524 = tpu.memref_slice %arg18[%dma_start3A_1522, %dma_start3A_1523] : memref<10000x128xf32, #tpu.memory_space<vmem_shared>> -> memref<10000x128xf32, #tpu.memory_space<vmem_shared>>
      %dma_start3A_1525 = tpu.memref_slice %arg21[%dma_start3A_1514] : memref<2x!tpu.dma_semaphore, #tpu.memory_space<semaphore_mem>> -> memref<1x!tpu.dma_semaphore, #tpu.memory_space<semaphore_mem>>
      %dma_start3A_1526 = tpu.memref_squeeze %dma_start3A_1525 : memref<1x!tpu.dma_semaphore, #tpu.memory_space<semaphore_mem>> -> memref<!tpu.dma_semaphore, #tpu.memory_space<semaphore_mem>>
      tpu.enqueue_indirect_dma source(%dma_start3A_1518 : memref<80x128xf32, #tpu.memory_space<vmem>>) target(%dma_start3A_1524 : memref<10000x128xf32, #tpu.memory_space<vmem_shared>>) offsets(%dma_start3A_1521 : memref<80xi32, #tpu.memory_space<vmem>>) semaphore(%dma_start3A_1526 : memref<!tpu.dma_semaphore, #tpu.memory_space<semaphore_mem>>) {add = true}
      %dma_start3A_1527 = arith.constant 19 : i32
      %dma_start3A_1528 = arith.constant 0 : i32
      %dma_start3A_1529 = tpu.memref_slice %arg12[%rem3A_128, %dma_start3A_1527, %dma_start3A_1528] : memref<2x25x80xi32, #tpu.memory_space<vmem>> -> memref<1x1x80xi32, #tpu.memory_space<vmem>>
      %dma_start3A_1530 = tpu.memref_squeeze %dma_start3A_1529 : memref<1x1x80xi32, #tpu.memory_space<vmem>> -> memref<80xi32, #tpu.memory_space<vmem>>
      %dma_start3A_1531 = arith.constant 0 : i32
      %dma_start3A_1532 = tpu.memref_slice %arg19[%dma_start3A_1531] : memref<10000xf32, #tpu.memory_space<vmem_shared>> -> memref<10000xf32, #tpu.memory_space<vmem_shared>>
      tpu.enqueue_indirect_dma source(%arg14 : memref<80xf32, #tpu.memory_space<vmem>>) target(%dma_start3A_1532 : memref<10000xf32, #tpu.memory_space<vmem_shared>>) offsets(%dma_start3A_1530 : memref<80xi32, #tpu.memory_space<vmem>>) semaphore(%arg22 : memref<!tpu.dma_semaphore, #tpu.memory_space<semaphore_mem>>) {add = true}
      %dma_wait3A_1533 = arith.constant 1 : i32
      %dma_wait3A_1534 = arith.constant 19 : i32
      %dma_wait3A_1535 = arith.constant 1 : i32
      %dma_wait3A_1536 = arith.constant 0 : i32
      %dma_wait3A_1537 = arith.constant 0 : i32
      %dma_wait3A_1538 = tpu.memref_slice %arg13[%dma_wait3A_1533, %dma_wait3A_1536, %dma_wait3A_1537] : memref<2x80x128xf32, #tpu.memory_space<vmem>> -> memref<1x80x128xf32, #tpu.memory_space<vmem>>
      %dma_wait3A_1539 = tpu.memref_squeeze %dma_wait3A_1538 : memref<1x80x128xf32, #tpu.memory_space<vmem>> -> memref<80x128xf32, #tpu.memory_space<vmem>>
      %dma_wait3A_1540 = arith.constant 0 : i32
      %dma_wait3A_1541 = tpu.memref_slice %arg12[%rem3A_128, %dma_wait3A_1534, %dma_wait3A_1540] : memref<2x25x80xi32, #tpu.memory_space<vmem>> -> memref<1x1x80xi32, #tpu.memory_space<vmem>>
      %dma_wait3A_1542 = tpu.memref_squeeze %dma_wait3A_1541 : memref<1x1x80xi32, #tpu.memory_space<vmem>> -> memref<80xi32, #tpu.memory_space<vmem>>
      %dma_wait3A_1543 = arith.constant 0 : i32
      %dma_wait3A_1544 = arith.constant 0 : i32
      %dma_wait3A_1545 = tpu.memref_slice %arg18[%dma_wait3A_1543, %dma_wait3A_1544] : memref<10000x128xf32, #tpu.memory_space<vmem_shared>> -> memref<10000x128xf32, #tpu.memory_space<vmem_shared>>
      %dma_wait3A_1546 = tpu.memref_slice %arg21[%dma_wait3A_1535] : memref<2x!tpu.dma_semaphore, #tpu.memory_space<semaphore_mem>> -> memref<1x!tpu.dma_semaphore, #tpu.memory_space<semaphore_mem>>
      %dma_wait3A_1547 = tpu.memref_squeeze %dma_wait3A_1546 : memref<1x!tpu.dma_semaphore, #tpu.memory_space<semaphore_mem>> -> memref<!tpu.dma_semaphore, #tpu.memory_space<semaphore_mem>>
      tpu.wait_indirect_dma semaphore(%dma_wait3A_1547 : memref<!tpu.dma_semaphore, #tpu.memory_space<semaphore_mem>>) src(%dma_wait3A_1539 : memref<80x128xf32, #tpu.memory_space<vmem>>) dst(%dma_wait3A_1545 : memref<10000x128xf32, #tpu.memory_space<vmem_shared>>)
      %dma_start3A_1548 = arith.constant 21 : i32
      %dma_start3A_1549 = arith.constant 1 : i32
      %dma_start3A_1550 = arith.constant 1 : i32
      %dma_start3A_1551 = arith.constant 0 : i32
      %dma_start3A_1552 = arith.constant 0 : i32
      %dma_start3A_1553 = tpu.memref_slice %arg13[%dma_start3A_1549, %dma_start3A_1551, %dma_start3A_1552] : memref<2x80x128xf32, #tpu.memory_space<vmem>> -> memref<1x80x128xf32, #tpu.memory_space<vmem>>
      %dma_start3A_1554 = tpu.memref_squeeze %dma_start3A_1553 : memref<1x80x128xf32, #tpu.memory_space<vmem>> -> memref<80x128xf32, #tpu.memory_space<vmem>>
      %dma_start3A_1555 = arith.constant 0 : i32
      %dma_start3A_1556 = tpu.memref_slice %arg11[%rem3A_128, %dma_start3A_1548, %dma_start3A_1555] : memref<2x25x80xi32, #tpu.memory_space<vmem>> -> memref<1x1x80xi32, #tpu.memory_space<vmem>>
      %dma_start3A_1557 = tpu.memref_squeeze %dma_start3A_1556 : memref<1x1x80xi32, #tpu.memory_space<vmem>> -> memref<80xi32, #tpu.memory_space<vmem>>
      %dma_start3A_1558 = arith.constant 0 : i32
      %dma_start3A_1559 = arith.constant 0 : i32
      %dma_start3A_1560 = tpu.memref_slice %arg5[%dma_start3A_1558, %dma_start3A_1559] : memref<10000x128xf32, #tpu.memory_space<hbm>> -> memref<10000x128xf32, #tpu.memory_space<hbm>>
      %dma_start3A_1561 = tpu.memref_slice %arg20[%dma_start3A_1550] : memref<2x!tpu.dma_semaphore, #tpu.memory_space<semaphore_mem>> -> memref<1x!tpu.dma_semaphore, #tpu.memory_space<semaphore_mem>>
      %dma_start3A_1562 = tpu.memref_squeeze %dma_start3A_1561 : memref<1x!tpu.dma_semaphore, #tpu.memory_space<semaphore_mem>> -> memref<!tpu.dma_semaphore, #tpu.memory_space<semaphore_mem>>
      tpu.enqueue_indirect_dma source(%dma_start3A_1560 : memref<10000x128xf32, #tpu.memory_space<hbm>>) target(%dma_start3A_1554 : memref<80x128xf32, #tpu.memory_space<vmem>>) offsets(%dma_start3A_1557 : memref<80xi32, #tpu.memory_space<vmem>>) semaphore(%dma_start3A_1562 : memref<!tpu.dma_semaphore, #tpu.memory_space<semaphore_mem>>)
      %dma_wait3A_1563 = arith.constant 20 : i32
      %dma_wait3A_1564 = arith.constant 0 : i32
      %dma_wait3A_1565 = arith.constant 0 : i32
      %dma_wait3A_1566 = arith.constant 0 : i32
      %dma_wait3A_1567 = arith.constant 0 : i32
      %dma_wait3A_1568 = tpu.memref_slice %arg13[%dma_wait3A_1564, %dma_wait3A_1566, %dma_wait3A_1567] : memref<2x80x128xf32, #tpu.memory_space<vmem>> -> memref<1x80x128xf32, #tpu.memory_space<vmem>>
      %dma_wait3A_1569 = tpu.memref_squeeze %dma_wait3A_1568 : memref<1x80x128xf32, #tpu.memory_space<vmem>> -> memref<80x128xf32, #tpu.memory_space<vmem>>
      %dma_wait3A_1570 = arith.constant 0 : i32
      %dma_wait3A_1571 = tpu.memref_slice %arg11[%rem3A_128, %dma_wait3A_1563, %dma_wait3A_1570] : memref<2x25x80xi32, #tpu.memory_space<vmem>> -> memref<1x1x80xi32, #tpu.memory_space<vmem>>
      %dma_wait3A_1572 = tpu.memref_squeeze %dma_wait3A_1571 : memref<1x1x80xi32, #tpu.memory_space<vmem>> -> memref<80xi32, #tpu.memory_space<vmem>>
      %dma_wait3A_1573 = arith.constant 0 : i32
      %dma_wait3A_1574 = arith.constant 0 : i32
      %dma_wait3A_1575 = tpu.memref_slice %arg5[%dma_wait3A_1573, %dma_wait3A_1574] : memref<10000x128xf32, #tpu.memory_space<hbm>> -> memref<10000x128xf32, #tpu.memory_space<hbm>>
      %dma_wait3A_1576 = tpu.memref_slice %arg20[%dma_wait3A_1565] : memref<2x!tpu.dma_semaphore, #tpu.memory_space<semaphore_mem>> -> memref<1x!tpu.dma_semaphore, #tpu.memory_space<semaphore_mem>>
      %dma_wait3A_1577 = tpu.memref_squeeze %dma_wait3A_1576 : memref<1x!tpu.dma_semaphore, #tpu.memory_space<semaphore_mem>> -> memref<!tpu.dma_semaphore, #tpu.memory_space<semaphore_mem>>
      tpu.wait_indirect_dma semaphore(%dma_wait3A_1577 : memref<!tpu.dma_semaphore, #tpu.memory_space<semaphore_mem>>) src(%dma_wait3A_1575 : memref<10000x128xf32, #tpu.memory_space<hbm>>) dst(%dma_wait3A_1569 : memref<80x128xf32, #tpu.memory_space<vmem>>)
      %dma_start3A_1578 = arith.constant 0 : i32
      %dma_start3A_1579 = arith.constant 20 : i32
      %dma_start3A_1580 = arith.constant 0 : i32
      %dma_start3A_1581 = arith.constant 0 : i32
      %dma_start3A_1582 = arith.constant 0 : i32
      %dma_start3A_1583 = tpu.memref_slice %arg13[%dma_start3A_1578, %dma_start3A_1581, %dma_start3A_1582] : memref<2x80x128xf32, #tpu.memory_space<vmem>> -> memref<1x80x128xf32, #tpu.memory_space<vmem>>
      %dma_start3A_1584 = tpu.memref_squeeze %dma_start3A_1583 : memref<1x80x128xf32, #tpu.memory_space<vmem>> -> memref<80x128xf32, #tpu.memory_space<vmem>>
      %dma_start3A_1585 = arith.constant 0 : i32
      %dma_start3A_1586 = tpu.memref_slice %arg12[%rem3A_128, %dma_start3A_1579, %dma_start3A_1585] : memref<2x25x80xi32, #tpu.memory_space<vmem>> -> memref<1x1x80xi32, #tpu.memory_space<vmem>>
      %dma_start3A_1587 = tpu.memref_squeeze %dma_start3A_1586 : memref<1x1x80xi32, #tpu.memory_space<vmem>> -> memref<80xi32, #tpu.memory_space<vmem>>
      %dma_start3A_1588 = arith.constant 0 : i32
      %dma_start3A_1589 = arith.constant 0 : i32
      %dma_start3A_1590 = tpu.memref_slice %arg18[%dma_start3A_1588, %dma_start3A_1589] : memref<10000x128xf32, #tpu.memory_space<vmem_shared>> -> memref<10000x128xf32, #tpu.memory_space<vmem_shared>>
      %dma_start3A_1591 = tpu.memref_slice %arg21[%dma_start3A_1580] : memref<2x!tpu.dma_semaphore, #tpu.memory_space<semaphore_mem>> -> memref<1x!tpu.dma_semaphore, #tpu.memory_space<semaphore_mem>>
      %dma_start3A_1592 = tpu.memref_squeeze %dma_start3A_1591 : memref<1x!tpu.dma_semaphore, #tpu.memory_space<semaphore_mem>> -> memref<!tpu.dma_semaphore, #tpu.memory_space<semaphore_mem>>
      tpu.enqueue_indirect_dma source(%dma_start3A_1584 : memref<80x128xf32, #tpu.memory_space<vmem>>) target(%dma_start3A_1590 : memref<10000x128xf32, #tpu.memory_space<vmem_shared>>) offsets(%dma_start3A_1587 : memref<80xi32, #tpu.memory_space<vmem>>) semaphore(%dma_start3A_1592 : memref<!tpu.dma_semaphore, #tpu.memory_space<semaphore_mem>>) {add = true}
      %dma_start3A_1593 = arith.constant 20 : i32
      %dma_start3A_1594 = arith.constant 0 : i32
      %dma_start3A_1595 = tpu.memref_slice %arg12[%rem3A_128, %dma_start3A_1593, %dma_start3A_1594] : memref<2x25x80xi32, #tpu.memory_space<vmem>> -> memref<1x1x80xi32, #tpu.memory_space<vmem>>
      %dma_start3A_1596 = tpu.memref_squeeze %dma_start3A_1595 : memref<1x1x80xi32, #tpu.memory_space<vmem>> -> memref<80xi32, #tpu.memory_space<vmem>>
      %dma_start3A_1597 = arith.constant 0 : i32
      %dma_start3A_1598 = tpu.memref_slice %arg19[%dma_start3A_1597] : memref<10000xf32, #tpu.memory_space<vmem_shared>> -> memref<10000xf32, #tpu.memory_space<vmem_shared>>
      tpu.enqueue_indirect_dma source(%arg14 : memref<80xf32, #tpu.memory_space<vmem>>) target(%dma_start3A_1598 : memref<10000xf32, #tpu.memory_space<vmem_shared>>) offsets(%dma_start3A_1596 : memref<80xi32, #tpu.memory_space<vmem>>) semaphore(%arg22 : memref<!tpu.dma_semaphore, #tpu.memory_space<semaphore_mem>>) {add = true}
      %dma_wait3A_1599 = arith.constant 0 : i32
      %dma_wait3A_1600 = arith.constant 20 : i32
      %dma_wait3A_1601 = arith.constant 0 : i32
      %dma_wait3A_1602 = arith.constant 0 : i32
      %dma_wait3A_1603 = arith.constant 0 : i32
      %dma_wait3A_1604 = tpu.memref_slice %arg13[%dma_wait3A_1599, %dma_wait3A_1602, %dma_wait3A_1603] : memref<2x80x128xf32, #tpu.memory_space<vmem>> -> memref<1x80x128xf32, #tpu.memory_space<vmem>>
      %dma_wait3A_1605 = tpu.memref_squeeze %dma_wait3A_1604 : memref<1x80x128xf32, #tpu.memory_space<vmem>> -> memref<80x128xf32, #tpu.memory_space<vmem>>
      %dma_wait3A_1606 = arith.constant 0 : i32
      %dma_wait3A_1607 = tpu.memref_slice %arg12[%rem3A_128, %dma_wait3A_1600, %dma_wait3A_1606] : memref<2x25x80xi32, #tpu.memory_space<vmem>> -> memref<1x1x80xi32, #tpu.memory_space<vmem>>
      %dma_wait3A_1608 = tpu.memref_squeeze %dma_wait3A_1607 : memref<1x1x80xi32, #tpu.memory_space<vmem>> -> memref<80xi32, #tpu.memory_space<vmem>>
      %dma_wait3A_1609 = arith.constant 0 : i32
      %dma_wait3A_1610 = arith.constant 0 : i32
      %dma_wait3A_1611 = tpu.memref_slice %arg18[%dma_wait3A_1609, %dma_wait3A_1610] : memref<10000x128xf32, #tpu.memory_space<vmem_shared>> -> memref<10000x128xf32, #tpu.memory_space<vmem_shared>>
      %dma_wait3A_1612 = tpu.memref_slice %arg21[%dma_wait3A_1601] : memref<2x!tpu.dma_semaphore, #tpu.memory_space<semaphore_mem>> -> memref<1x!tpu.dma_semaphore, #tpu.memory_space<semaphore_mem>>
      %dma_wait3A_1613 = tpu.memref_squeeze %dma_wait3A_1612 : memref<1x!tpu.dma_semaphore, #tpu.memory_space<semaphore_mem>> -> memref<!tpu.dma_semaphore, #tpu.memory_space<semaphore_mem>>
      tpu.wait_indirect_dma semaphore(%dma_wait3A_1613 : memref<!tpu.dma_semaphore, #tpu.memory_space<semaphore_mem>>) src(%dma_wait3A_1605 : memref<80x128xf32, #tpu.memory_space<vmem>>) dst(%dma_wait3A_1611 : memref<10000x128xf32, #tpu.memory_space<vmem_shared>>)
      %dma_start3A_1614 = arith.constant 22 : i32
      %dma_start3A_1615 = arith.constant 0 : i32
      %dma_start3A_1616 = arith.constant 0 : i32
      %dma_start3A_1617 = arith.constant 0 : i32
      %dma_start3A_1618 = arith.constant 0 : i32
      %dma_start3A_1619 = tpu.memref_slice %arg13[%dma_start3A_1615, %dma_start3A_1617, %dma_start3A_1618] : memref<2x80x128xf32, #tpu.memory_space<vmem>> -> memref<1x80x128xf32, #tpu.memory_space<vmem>>
      %dma_start3A_1620 = tpu.memref_squeeze %dma_start3A_1619 : memref<1x80x128xf32, #tpu.memory_space<vmem>> -> memref<80x128xf32, #tpu.memory_space<vmem>>
      %dma_start3A_1621 = arith.constant 0 : i32
      %dma_start3A_1622 = tpu.memref_slice %arg11[%rem3A_128, %dma_start3A_1614, %dma_start3A_1621] : memref<2x25x80xi32, #tpu.memory_space<vmem>> -> memref<1x1x80xi32, #tpu.memory_space<vmem>>
      %dma_start3A_1623 = tpu.memref_squeeze %dma_start3A_1622 : memref<1x1x80xi32, #tpu.memory_space<vmem>> -> memref<80xi32, #tpu.memory_space<vmem>>
      %dma_start3A_1624 = arith.constant 0 : i32
      %dma_start3A_1625 = arith.constant 0 : i32
      %dma_start3A_1626 = tpu.memref_slice %arg5[%dma_start3A_1624, %dma_start3A_1625] : memref<10000x128xf32, #tpu.memory_space<hbm>> -> memref<10000x128xf32, #tpu.memory_space<hbm>>
      %dma_start3A_1627 = tpu.memref_slice %arg20[%dma_start3A_1616] : memref<2x!tpu.dma_semaphore, #tpu.memory_space<semaphore_mem>> -> memref<1x!tpu.dma_semaphore, #tpu.memory_space<semaphore_mem>>
      %dma_start3A_1628 = tpu.memref_squeeze %dma_start3A_1627 : memref<1x!tpu.dma_semaphore, #tpu.memory_space<semaphore_mem>> -> memref<!tpu.dma_semaphore, #tpu.memory_space<semaphore_mem>>
      tpu.enqueue_indirect_dma source(%dma_start3A_1626 : memref<10000x128xf32, #tpu.memory_space<hbm>>) target(%dma_start3A_1620 : memref<80x128xf32, #tpu.memory_space<vmem>>) offsets(%dma_start3A_1623 : memref<80xi32, #tpu.memory_space<vmem>>) semaphore(%dma_start3A_1628 : memref<!tpu.dma_semaphore, #tpu.memory_space<semaphore_mem>>)
      %dma_wait3A_1629 = arith.constant 21 : i32
      %dma_wait3A_1630 = arith.constant 1 : i32
      %dma_wait3A_1631 = arith.constant 1 : i32
      %dma_wait3A_1632 = arith.constant 0 : i32
      %dma_wait3A_1633 = arith.constant 0 : i32
      %dma_wait3A_1634 = tpu.memref_slice %arg13[%dma_wait3A_1630, %dma_wait3A_1632, %dma_wait3A_1633] : memref<2x80x128xf32, #tpu.memory_space<vmem>> -> memref<1x80x128xf32, #tpu.memory_space<vmem>>
      %dma_wait3A_1635 = tpu.memref_squeeze %dma_wait3A_1634 : memref<1x80x128xf32, #tpu.memory_space<vmem>> -> memref<80x128xf32, #tpu.memory_space<vmem>>
      %dma_wait3A_1636 = arith.constant 0 : i32
      %dma_wait3A_1637 = tpu.memref_slice %arg11[%rem3A_128, %dma_wait3A_1629, %dma_wait3A_1636] : memref<2x25x80xi32, #tpu.memory_space<vmem>> -> memref<1x1x80xi32, #tpu.memory_space<vmem>>
      %dma_wait3A_1638 = tpu.memref_squeeze %dma_wait3A_1637 : memref<1x1x80xi32, #tpu.memory_space<vmem>> -> memref<80xi32, #tpu.memory_space<vmem>>
      %dma_wait3A_1639 = arith.constant 0 : i32
      %dma_wait3A_1640 = arith.constant 0 : i32
      %dma_wait3A_1641 = tpu.memref_slice %arg5[%dma_wait3A_1639, %dma_wait3A_1640] : memref<10000x128xf32, #tpu.memory_space<hbm>> -> memref<10000x128xf32, #tpu.memory_space<hbm>>
      %dma_wait3A_1642 = tpu.memref_slice %arg20[%dma_wait3A_1631] : memref<2x!tpu.dma_semaphore, #tpu.memory_space<semaphore_mem>> -> memref<1x!tpu.dma_semaphore, #tpu.memory_space<semaphore_mem>>
      %dma_wait3A_1643 = tpu.memref_squeeze %dma_wait3A_1642 : memref<1x!tpu.dma_semaphore, #tpu.memory_space<semaphore_mem>> -> memref<!tpu.dma_semaphore, #tpu.memory_space<semaphore_mem>>
      tpu.wait_indirect_dma semaphore(%dma_wait3A_1643 : memref<!tpu.dma_semaphore, #tpu.memory_space<semaphore_mem>>) src(%dma_wait3A_1641 : memref<10000x128xf32, #tpu.memory_space<hbm>>) dst(%dma_wait3A_1635 : memref<80x128xf32, #tpu.memory_space<vmem>>)
      %dma_start3A_1644 = arith.constant 1 : i32
      %dma_start3A_1645 = arith.constant 21 : i32
      %dma_start3A_1646 = arith.constant 1 : i32
      %dma_start3A_1647 = arith.constant 0 : i32
      %dma_start3A_1648 = arith.constant 0 : i32
      %dma_start3A_1649 = tpu.memref_slice %arg13[%dma_start3A_1644, %dma_start3A_1647, %dma_start3A_1648] : memref<2x80x128xf32, #tpu.memory_space<vmem>> -> memref<1x80x128xf32, #tpu.memory_space<vmem>>
      %dma_start3A_1650 = tpu.memref_squeeze %dma_start3A_1649 : memref<1x80x128xf32, #tpu.memory_space<vmem>> -> memref<80x128xf32, #tpu.memory_space<vmem>>
      %dma_start3A_1651 = arith.constant 0 : i32
      %dma_start3A_1652 = tpu.memref_slice %arg12[%rem3A_128, %dma_start3A_1645, %dma_start3A_1651] : memref<2x25x80xi32, #tpu.memory_space<vmem>> -> memref<1x1x80xi32, #tpu.memory_space<vmem>>
      %dma_start3A_1653 = tpu.memref_squeeze %dma_start3A_1652 : memref<1x1x80xi32, #tpu.memory_space<vmem>> -> memref<80xi32, #tpu.memory_space<vmem>>
      %dma_start3A_1654 = arith.constant 0 : i32
      %dma_start3A_1655 = arith.constant 0 : i32
      %dma_start3A_1656 = tpu.memref_slice %arg18[%dma_start3A_1654, %dma_start3A_1655] : memref<10000x128xf32, #tpu.memory_space<vmem_shared>> -> memref<10000x128xf32, #tpu.memory_space<vmem_shared>>
      %dma_start3A_1657 = tpu.memref_slice %arg21[%dma_start3A_1646] : memref<2x!tpu.dma_semaphore, #tpu.memory_space<semaphore_mem>> -> memref<1x!tpu.dma_semaphore, #tpu.memory_space<semaphore_mem>>
      %dma_start3A_1658 = tpu.memref_squeeze %dma_start3A_1657 : memref<1x!tpu.dma_semaphore, #tpu.memory_space<semaphore_mem>> -> memref<!tpu.dma_semaphore, #tpu.memory_space<semaphore_mem>>
      tpu.enqueue_indirect_dma source(%dma_start3A_1650 : memref<80x128xf32, #tpu.memory_space<vmem>>) target(%dma_start3A_1656 : memref<10000x128xf32, #tpu.memory_space<vmem_shared>>) offsets(%dma_start3A_1653 : memref<80xi32, #tpu.memory_space<vmem>>) semaphore(%dma_start3A_1658 : memref<!tpu.dma_semaphore, #tpu.memory_space<semaphore_mem>>) {add = true}
      %dma_start3A_1659 = arith.constant 21 : i32
      %dma_start3A_1660 = arith.constant 0 : i32
      %dma_start3A_1661 = tpu.memref_slice %arg12[%rem3A_128, %dma_start3A_1659, %dma_start3A_1660] : memref<2x25x80xi32, #tpu.memory_space<vmem>> -> memref<1x1x80xi32, #tpu.memory_space<vmem>>
      %dma_start3A_1662 = tpu.memref_squeeze %dma_start3A_1661 : memref<1x1x80xi32, #tpu.memory_space<vmem>> -> memref<80xi32, #tpu.memory_space<vmem>>
      %dma_start3A_1663 = arith.constant 0 : i32
      %dma_start3A_1664 = tpu.memref_slice %arg19[%dma_start3A_1663] : memref<10000xf32, #tpu.memory_space<vmem_shared>> -> memref<10000xf32, #tpu.memory_space<vmem_shared>>
      tpu.enqueue_indirect_dma source(%arg14 : memref<80xf32, #tpu.memory_space<vmem>>) target(%dma_start3A_1664 : memref<10000xf32, #tpu.memory_space<vmem_shared>>) offsets(%dma_start3A_1662 : memref<80xi32, #tpu.memory_space<vmem>>) semaphore(%arg22 : memref<!tpu.dma_semaphore, #tpu.memory_space<semaphore_mem>>) {add = true}
      %dma_wait3A_1665 = arith.constant 1 : i32
      %dma_wait3A_1666 = arith.constant 21 : i32
      %dma_wait3A_1667 = arith.constant 1 : i32
      %dma_wait3A_1668 = arith.constant 0 : i32
      %dma_wait3A_1669 = arith.constant 0 : i32
      %dma_wait3A_1670 = tpu.memref_slice %arg13[%dma_wait3A_1665, %dma_wait3A_1668, %dma_wait3A_1669] : memref<2x80x128xf32, #tpu.memory_space<vmem>> -> memref<1x80x128xf32, #tpu.memory_space<vmem>>
      %dma_wait3A_1671 = tpu.memref_squeeze %dma_wait3A_1670 : memref<1x80x128xf32, #tpu.memory_space<vmem>> -> memref<80x128xf32, #tpu.memory_space<vmem>>
      %dma_wait3A_1672 = arith.constant 0 : i32
      %dma_wait3A_1673 = tpu.memref_slice %arg12[%rem3A_128, %dma_wait3A_1666, %dma_wait3A_1672] : memref<2x25x80xi32, #tpu.memory_space<vmem>> -> memref<1x1x80xi32, #tpu.memory_space<vmem>>
      %dma_wait3A_1674 = tpu.memref_squeeze %dma_wait3A_1673 : memref<1x1x80xi32, #tpu.memory_space<vmem>> -> memref<80xi32, #tpu.memory_space<vmem>>
      %dma_wait3A_1675 = arith.constant 0 : i32
      %dma_wait3A_1676 = arith.constant 0 : i32
      %dma_wait3A_1677 = tpu.memref_slice %arg18[%dma_wait3A_1675, %dma_wait3A_1676] : memref<10000x128xf32, #tpu.memory_space<vmem_shared>> -> memref<10000x128xf32, #tpu.memory_space<vmem_shared>>
      %dma_wait3A_1678 = tpu.memref_slice %arg21[%dma_wait3A_1667] : memref<2x!tpu.dma_semaphore, #tpu.memory_space<semaphore_mem>> -> memref<1x!tpu.dma_semaphore, #tpu.memory_space<semaphore_mem>>
      %dma_wait3A_1679 = tpu.memref_squeeze %dma_wait3A_1678 : memref<1x!tpu.dma_semaphore, #tpu.memory_space<semaphore_mem>> -> memref<!tpu.dma_semaphore, #tpu.memory_space<semaphore_mem>>
      tpu.wait_indirect_dma semaphore(%dma_wait3A_1679 : memref<!tpu.dma_semaphore, #tpu.memory_space<semaphore_mem>>) src(%dma_wait3A_1671 : memref<80x128xf32, #tpu.memory_space<vmem>>) dst(%dma_wait3A_1677 : memref<10000x128xf32, #tpu.memory_space<vmem_shared>>)
      %dma_start3A_1680 = arith.constant 23 : i32
      %dma_start3A_1681 = arith.constant 1 : i32
      %dma_start3A_1682 = arith.constant 1 : i32
      %dma_start3A_1683 = arith.constant 0 : i32
      %dma_start3A_1684 = arith.constant 0 : i32
      %dma_start3A_1685 = tpu.memref_slice %arg13[%dma_start3A_1681, %dma_start3A_1683, %dma_start3A_1684] : memref<2x80x128xf32, #tpu.memory_space<vmem>> -> memref<1x80x128xf32, #tpu.memory_space<vmem>>
      %dma_start3A_1686 = tpu.memref_squeeze %dma_start3A_1685 : memref<1x80x128xf32, #tpu.memory_space<vmem>> -> memref<80x128xf32, #tpu.memory_space<vmem>>
      %dma_start3A_1687 = arith.constant 0 : i32
      %dma_start3A_1688 = tpu.memref_slice %arg11[%rem3A_128, %dma_start3A_1680, %dma_start3A_1687] : memref<2x25x80xi32, #tpu.memory_space<vmem>> -> memref<1x1x80xi32, #tpu.memory_space<vmem>>
      %dma_start3A_1689 = tpu.memref_squeeze %dma_start3A_1688 : memref<1x1x80xi32, #tpu.memory_space<vmem>> -> memref<80xi32, #tpu.memory_space<vmem>>
      %dma_start3A_1690 = arith.constant 0 : i32
      %dma_start3A_1691 = arith.constant 0 : i32
      %dma_start3A_1692 = tpu.memref_slice %arg5[%dma_start3A_1690, %dma_start3A_1691] : memref<10000x128xf32, #tpu.memory_space<hbm>> -> memref<10000x128xf32, #tpu.memory_space<hbm>>
      %dma_start3A_1693 = tpu.memref_slice %arg20[%dma_start3A_1682] : memref<2x!tpu.dma_semaphore, #tpu.memory_space<semaphore_mem>> -> memref<1x!tpu.dma_semaphore, #tpu.memory_space<semaphore_mem>>
      %dma_start3A_1694 = tpu.memref_squeeze %dma_start3A_1693 : memref<1x!tpu.dma_semaphore, #tpu.memory_space<semaphore_mem>> -> memref<!tpu.dma_semaphore, #tpu.memory_space<semaphore_mem>>
      tpu.enqueue_indirect_dma source(%dma_start3A_1692 : memref<10000x128xf32, #tpu.memory_space<hbm>>) target(%dma_start3A_1686 : memref<80x128xf32, #tpu.memory_space<vmem>>) offsets(%dma_start3A_1689 : memref<80xi32, #tpu.memory_space<vmem>>) semaphore(%dma_start3A_1694 : memref<!tpu.dma_semaphore, #tpu.memory_space<semaphore_mem>>)
      %dma_wait3A_1695 = arith.constant 22 : i32
      %dma_wait3A_1696 = arith.constant 0 : i32
      %dma_wait3A_1697 = arith.constant 0 : i32
      %dma_wait3A_1698 = arith.constant 0 : i32
      %dma_wait3A_1699 = arith.constant 0 : i32
      %dma_wait3A_1700 = tpu.memref_slice %arg13[%dma_wait3A_1696, %dma_wait3A_1698, %dma_wait3A_1699] : memref<2x80x128xf32, #tpu.memory_space<vmem>> -> memref<1x80x128xf32, #tpu.memory_space<vmem>>
      %dma_wait3A_1701 = tpu.memref_squeeze %dma_wait3A_1700 : memref<1x80x128xf32, #tpu.memory_space<vmem>> -> memref<80x128xf32, #tpu.memory_space<vmem>>
      %dma_wait3A_1702 = arith.constant 0 : i32
      %dma_wait3A_1703 = tpu.memref_slice %arg11[%rem3A_128, %dma_wait3A_1695, %dma_wait3A_1702] : memref<2x25x80xi32, #tpu.memory_space<vmem>> -> memref<1x1x80xi32, #tpu.memory_space<vmem>>
      %dma_wait3A_1704 = tpu.memref_squeeze %dma_wait3A_1703 : memref<1x1x80xi32, #tpu.memory_space<vmem>> -> memref<80xi32, #tpu.memory_space<vmem>>
      %dma_wait3A_1705 = arith.constant 0 : i32
      %dma_wait3A_1706 = arith.constant 0 : i32
      %dma_wait3A_1707 = tpu.memref_slice %arg5[%dma_wait3A_1705, %dma_wait3A_1706] : memref<10000x128xf32, #tpu.memory_space<hbm>> -> memref<10000x128xf32, #tpu.memory_space<hbm>>
      %dma_wait3A_1708 = tpu.memref_slice %arg20[%dma_wait3A_1697] : memref<2x!tpu.dma_semaphore, #tpu.memory_space<semaphore_mem>> -> memref<1x!tpu.dma_semaphore, #tpu.memory_space<semaphore_mem>>
      %dma_wait3A_1709 = tpu.memref_squeeze %dma_wait3A_1708 : memref<1x!tpu.dma_semaphore, #tpu.memory_space<semaphore_mem>> -> memref<!tpu.dma_semaphore, #tpu.memory_space<semaphore_mem>>
      tpu.wait_indirect_dma semaphore(%dma_wait3A_1709 : memref<!tpu.dma_semaphore, #tpu.memory_space<semaphore_mem>>) src(%dma_wait3A_1707 : memref<10000x128xf32, #tpu.memory_space<hbm>>) dst(%dma_wait3A_1701 : memref<80x128xf32, #tpu.memory_space<vmem>>)
      %dma_start3A_1710 = arith.constant 0 : i32
      %dma_start3A_1711 = arith.constant 22 : i32
      %dma_start3A_1712 = arith.constant 0 : i32
      %dma_start3A_1713 = arith.constant 0 : i32
      %dma_start3A_1714 = arith.constant 0 : i32
      %dma_start3A_1715 = tpu.memref_slice %arg13[%dma_start3A_1710, %dma_start3A_1713, %dma_start3A_1714] : memref<2x80x128xf32, #tpu.memory_space<vmem>> -> memref<1x80x128xf32, #tpu.memory_space<vmem>>
      %dma_start3A_1716 = tpu.memref_squeeze %dma_start3A_1715 : memref<1x80x128xf32, #tpu.memory_space<vmem>> -> memref<80x128xf32, #tpu.memory_space<vmem>>
      %dma_start3A_1717 = arith.constant 0 : i32
      %dma_start3A_1718 = tpu.memref_slice %arg12[%rem3A_128, %dma_start3A_1711, %dma_start3A_1717] : memref<2x25x80xi32, #tpu.memory_space<vmem>> -> memref<1x1x80xi32, #tpu.memory_space<vmem>>
      %dma_start3A_1719 = tpu.memref_squeeze %dma_start3A_1718 : memref<1x1x80xi32, #tpu.memory_space<vmem>> -> memref<80xi32, #tpu.memory_space<vmem>>
      %dma_start3A_1720 = arith.constant 0 : i32
      %dma_start3A_1721 = arith.constant 0 : i32
      %dma_start3A_1722 = tpu.memref_slice %arg18[%dma_start3A_1720, %dma_start3A_1721] : memref<10000x128xf32, #tpu.memory_space<vmem_shared>> -> memref<10000x128xf32, #tpu.memory_space<vmem_shared>>
      %dma_start3A_1723 = tpu.memref_slice %arg21[%dma_start3A_1712] : memref<2x!tpu.dma_semaphore, #tpu.memory_space<semaphore_mem>> -> memref<1x!tpu.dma_semaphore, #tpu.memory_space<semaphore_mem>>
      %dma_start3A_1724 = tpu.memref_squeeze %dma_start3A_1723 : memref<1x!tpu.dma_semaphore, #tpu.memory_space<semaphore_mem>> -> memref<!tpu.dma_semaphore, #tpu.memory_space<semaphore_mem>>
      tpu.enqueue_indirect_dma source(%dma_start3A_1716 : memref<80x128xf32, #tpu.memory_space<vmem>>) target(%dma_start3A_1722 : memref<10000x128xf32, #tpu.memory_space<vmem_shared>>) offsets(%dma_start3A_1719 : memref<80xi32, #tpu.memory_space<vmem>>) semaphore(%dma_start3A_1724 : memref<!tpu.dma_semaphore, #tpu.memory_space<semaphore_mem>>) {add = true}
      %dma_start3A_1725 = arith.constant 22 : i32
      %dma_start3A_1726 = arith.constant 0 : i32
      %dma_start3A_1727 = tpu.memref_slice %arg12[%rem3A_128, %dma_start3A_1725, %dma_start3A_1726] : memref<2x25x80xi32, #tpu.memory_space<vmem>> -> memref<1x1x80xi32, #tpu.memory_space<vmem>>
      %dma_start3A_1728 = tpu.memref_squeeze %dma_start3A_1727 : memref<1x1x80xi32, #tpu.memory_space<vmem>> -> memref<80xi32, #tpu.memory_space<vmem>>
      %dma_start3A_1729 = arith.constant 0 : i32
      %dma_start3A_1730 = tpu.memref_slice %arg19[%dma_start3A_1729] : memref<10000xf32, #tpu.memory_space<vmem_shared>> -> memref<10000xf32, #tpu.memory_space<vmem_shared>>
      tpu.enqueue_indirect_dma source(%arg14 : memref<80xf32, #tpu.memory_space<vmem>>) target(%dma_start3A_1730 : memref<10000xf32, #tpu.memory_space<vmem_shared>>) offsets(%dma_start3A_1728 : memref<80xi32, #tpu.memory_space<vmem>>) semaphore(%arg22 : memref<!tpu.dma_semaphore, #tpu.memory_space<semaphore_mem>>) {add = true}
      %dma_wait3A_1731 = arith.constant 0 : i32
      %dma_wait3A_1732 = arith.constant 22 : i32
      %dma_wait3A_1733 = arith.constant 0 : i32
      %dma_wait3A_1734 = arith.constant 0 : i32
      %dma_wait3A_1735 = arith.constant 0 : i32
      %dma_wait3A_1736 = tpu.memref_slice %arg13[%dma_wait3A_1731, %dma_wait3A_1734, %dma_wait3A_1735] : memref<2x80x128xf32, #tpu.memory_space<vmem>> -> memref<1x80x128xf32, #tpu.memory_space<vmem>>
      %dma_wait3A_1737 = tpu.memref_squeeze %dma_wait3A_1736 : memref<1x80x128xf32, #tpu.memory_space<vmem>> -> memref<80x128xf32, #tpu.memory_space<vmem>>
      %dma_wait3A_1738 = arith.constant 0 : i32
      %dma_wait3A_1739 = tpu.memref_slice %arg12[%rem3A_128, %dma_wait3A_1732, %dma_wait3A_1738] : memref<2x25x80xi32, #tpu.memory_space<vmem>> -> memref<1x1x80xi32, #tpu.memory_space<vmem>>
      %dma_wait3A_1740 = tpu.memref_squeeze %dma_wait3A_1739 : memref<1x1x80xi32, #tpu.memory_space<vmem>> -> memref<80xi32, #tpu.memory_space<vmem>>
      %dma_wait3A_1741 = arith.constant 0 : i32
      %dma_wait3A_1742 = arith.constant 0 : i32
      %dma_wait3A_1743 = tpu.memref_slice %arg18[%dma_wait3A_1741, %dma_wait3A_1742] : memref<10000x128xf32, #tpu.memory_space<vmem_shared>> -> memref<10000x128xf32, #tpu.memory_space<vmem_shared>>
      %dma_wait3A_1744 = tpu.memref_slice %arg21[%dma_wait3A_1733] : memref<2x!tpu.dma_semaphore, #tpu.memory_space<semaphore_mem>> -> memref<1x!tpu.dma_semaphore, #tpu.memory_space<semaphore_mem>>
      %dma_wait3A_1745 = tpu.memref_squeeze %dma_wait3A_1744 : memref<1x!tpu.dma_semaphore, #tpu.memory_space<semaphore_mem>> -> memref<!tpu.dma_semaphore, #tpu.memory_space<semaphore_mem>>
      tpu.wait_indirect_dma semaphore(%dma_wait3A_1745 : memref<!tpu.dma_semaphore, #tpu.memory_space<semaphore_mem>>) src(%dma_wait3A_1737 : memref<80x128xf32, #tpu.memory_space<vmem>>) dst(%dma_wait3A_1743 : memref<10000x128xf32, #tpu.memory_space<vmem_shared>>)
      %dma_start3A_1746 = arith.constant 24 : i32
      %dma_start3A_1747 = arith.constant 0 : i32
      %dma_start3A_1748 = arith.constant 0 : i32
      %dma_start3A_1749 = arith.constant 0 : i32
      %dma_start3A_1750 = arith.constant 0 : i32
      %dma_start3A_1751 = tpu.memref_slice %arg13[%dma_start3A_1747, %dma_start3A_1749, %dma_start3A_1750] : memref<2x80x128xf32, #tpu.memory_space<vmem>> -> memref<1x80x128xf32, #tpu.memory_space<vmem>>
      %dma_start3A_1752 = tpu.memref_squeeze %dma_start3A_1751 : memref<1x80x128xf32, #tpu.memory_space<vmem>> -> memref<80x128xf32, #tpu.memory_space<vmem>>
      %dma_start3A_1753 = arith.constant 0 : i32
      %dma_start3A_1754 = tpu.memref_slice %arg11[%rem3A_128, %dma_start3A_1746, %dma_start3A_1753] : memref<2x25x80xi32, #tpu.memory_space<vmem>> -> memref<1x1x80xi32, #tpu.memory_space<vmem>>
      %dma_start3A_1755 = tpu.memref_squeeze %dma_start3A_1754 : memref<1x1x80xi32, #tpu.memory_space<vmem>> -> memref<80xi32, #tpu.memory_space<vmem>>
      %dma_start3A_1756 = arith.constant 0 : i32
      %dma_start3A_1757 = arith.constant 0 : i32
      %dma_start3A_1758 = tpu.memref_slice %arg5[%dma_start3A_1756, %dma_start3A_1757] : memref<10000x128xf32, #tpu.memory_space<hbm>> -> memref<10000x128xf32, #tpu.memory_space<hbm>>
      %dma_start3A_1759 = tpu.memref_slice %arg20[%dma_start3A_1748] : memref<2x!tpu.dma_semaphore, #tpu.memory_space<semaphore_mem>> -> memref<1x!tpu.dma_semaphore, #tpu.memory_space<semaphore_mem>>
      %dma_start3A_1760 = tpu.memref_squeeze %dma_start3A_1759 : memref<1x!tpu.dma_semaphore, #tpu.memory_space<semaphore_mem>> -> memref<!tpu.dma_semaphore, #tpu.memory_space<semaphore_mem>>
      tpu.enqueue_indirect_dma source(%dma_start3A_1758 : memref<10000x128xf32, #tpu.memory_space<hbm>>) target(%dma_start3A_1752 : memref<80x128xf32, #tpu.memory_space<vmem>>) offsets(%dma_start3A_1755 : memref<80xi32, #tpu.memory_space<vmem>>) semaphore(%dma_start3A_1760 : memref<!tpu.dma_semaphore, #tpu.memory_space<semaphore_mem>>)
      %dma_wait3A_1761 = arith.constant 23 : i32
      %dma_wait3A_1762 = arith.constant 1 : i32
      %dma_wait3A_1763 = arith.constant 1 : i32
      %dma_wait3A_1764 = arith.constant 0 : i32
      %dma_wait3A_1765 = arith.constant 0 : i32
      %dma_wait3A_1766 = tpu.memref_slice %arg13[%dma_wait3A_1762, %dma_wait3A_1764, %dma_wait3A_1765] : memref<2x80x128xf32, #tpu.memory_space<vmem>> -> memref<1x80x128xf32, #tpu.memory_space<vmem>>
      %dma_wait3A_1767 = tpu.memref_squeeze %dma_wait3A_1766 : memref<1x80x128xf32, #tpu.memory_space<vmem>> -> memref<80x128xf32, #tpu.memory_space<vmem>>
      %dma_wait3A_1768 = arith.constant 0 : i32
      %dma_wait3A_1769 = tpu.memref_slice %arg11[%rem3A_128, %dma_wait3A_1761, %dma_wait3A_1768] : memref<2x25x80xi32, #tpu.memory_space<vmem>> -> memref<1x1x80xi32, #tpu.memory_space<vmem>>
      %dma_wait3A_1770 = tpu.memref_squeeze %dma_wait3A_1769 : memref<1x1x80xi32, #tpu.memory_space<vmem>> -> memref<80xi32, #tpu.memory_space<vmem>>
      %dma_wait3A_1771 = arith.constant 0 : i32
      %dma_wait3A_1772 = arith.constant 0 : i32
      %dma_wait3A_1773 = tpu.memref_slice %arg5[%dma_wait3A_1771, %dma_wait3A_1772] : memref<10000x128xf32, #tpu.memory_space<hbm>> -> memref<10000x128xf32, #tpu.memory_space<hbm>>
      %dma_wait3A_1774 = tpu.memref_slice %arg20[%dma_wait3A_1763] : memref<2x!tpu.dma_semaphore, #tpu.memory_space<semaphore_mem>> -> memref<1x!tpu.dma_semaphore, #tpu.memory_space<semaphore_mem>>
      %dma_wait3A_1775 = tpu.memref_squeeze %dma_wait3A_1774 : memref<1x!tpu.dma_semaphore, #tpu.memory_space<semaphore_mem>> -> memref<!tpu.dma_semaphore, #tpu.memory_space<semaphore_mem>>
      tpu.wait_indirect_dma semaphore(%dma_wait3A_1775 : memref<!tpu.dma_semaphore, #tpu.memory_space<semaphore_mem>>) src(%dma_wait3A_1773 : memref<10000x128xf32, #tpu.memory_space<hbm>>) dst(%dma_wait3A_1767 : memref<80x128xf32, #tpu.memory_space<vmem>>)
      %dma_start3A_1776 = arith.constant 1 : i32
      %dma_start3A_1777 = arith.constant 23 : i32
      %dma_start3A_1778 = arith.constant 1 : i32
      %dma_start3A_1779 = arith.constant 0 : i32
      %dma_start3A_1780 = arith.constant 0 : i32
      %dma_start3A_1781 = tpu.memref_slice %arg13[%dma_start3A_1776, %dma_start3A_1779, %dma_start3A_1780] : memref<2x80x128xf32, #tpu.memory_space<vmem>> -> memref<1x80x128xf32, #tpu.memory_space<vmem>>
      %dma_start3A_1782 = tpu.memref_squeeze %dma_start3A_1781 : memref<1x80x128xf32, #tpu.memory_space<vmem>> -> memref<80x128xf32, #tpu.memory_space<vmem>>
      %dma_start3A_1783 = arith.constant 0 : i32
      %dma_start3A_1784 = tpu.memref_slice %arg12[%rem3A_128, %dma_start3A_1777, %dma_start3A_1783] : memref<2x25x80xi32, #tpu.memory_space<vmem>> -> memref<1x1x80xi32, #tpu.memory_space<vmem>>
      %dma_start3A_1785 = tpu.memref_squeeze %dma_start3A_1784 : memref<1x1x80xi32, #tpu.memory_space<vmem>> -> memref<80xi32, #tpu.memory_space<vmem>>
      %dma_start3A_1786 = arith.constant 0 : i32
      %dma_start3A_1787 = arith.constant 0 : i32
      %dma_start3A_1788 = tpu.memref_slice %arg18[%dma_start3A_1786, %dma_start3A_1787] : memref<10000x128xf32, #tpu.memory_space<vmem_shared>> -> memref<10000x128xf32, #tpu.memory_space<vmem_shared>>
      %dma_start3A_1789 = tpu.memref_slice %arg21[%dma_start3A_1778] : memref<2x!tpu.dma_semaphore, #tpu.memory_space<semaphore_mem>> -> memref<1x!tpu.dma_semaphore, #tpu.memory_space<semaphore_mem>>
      %dma_start3A_1790 = tpu.memref_squeeze %dma_start3A_1789 : memref<1x!tpu.dma_semaphore, #tpu.memory_space<semaphore_mem>> -> memref<!tpu.dma_semaphore, #tpu.memory_space<semaphore_mem>>
      tpu.enqueue_indirect_dma source(%dma_start3A_1782 : memref<80x128xf32, #tpu.memory_space<vmem>>) target(%dma_start3A_1788 : memref<10000x128xf32, #tpu.memory_space<vmem_shared>>) offsets(%dma_start3A_1785 : memref<80xi32, #tpu.memory_space<vmem>>) semaphore(%dma_start3A_1790 : memref<!tpu.dma_semaphore, #tpu.memory_space<semaphore_mem>>) {add = true}
      %dma_start3A_1791 = arith.constant 23 : i32
      %dma_start3A_1792 = arith.constant 0 : i32
      %dma_start3A_1793 = tpu.memref_slice %arg12[%rem3A_128, %dma_start3A_1791, %dma_start3A_1792] : memref<2x25x80xi32, #tpu.memory_space<vmem>> -> memref<1x1x80xi32, #tpu.memory_space<vmem>>
      %dma_start3A_1794 = tpu.memref_squeeze %dma_start3A_1793 : memref<1x1x80xi32, #tpu.memory_space<vmem>> -> memref<80xi32, #tpu.memory_space<vmem>>
      %dma_start3A_1795 = arith.constant 0 : i32
      %dma_start3A_1796 = tpu.memref_slice %arg19[%dma_start3A_1795] : memref<10000xf32, #tpu.memory_space<vmem_shared>> -> memref<10000xf32, #tpu.memory_space<vmem_shared>>
      tpu.enqueue_indirect_dma source(%arg14 : memref<80xf32, #tpu.memory_space<vmem>>) target(%dma_start3A_1796 : memref<10000xf32, #tpu.memory_space<vmem_shared>>) offsets(%dma_start3A_1794 : memref<80xi32, #tpu.memory_space<vmem>>) semaphore(%arg22 : memref<!tpu.dma_semaphore, #tpu.memory_space<semaphore_mem>>) {add = true}
      %dma_wait3A_1797 = arith.constant 24 : i32
      %dma_wait3A_1798 = arith.constant 0 : i32
      %dma_wait3A_1799 = arith.constant 0 : i32
      %dma_wait3A_1800 = arith.constant 0 : i32
      %dma_wait3A_1801 = arith.constant 0 : i32
      %dma_wait3A_1802 = tpu.memref_slice %arg13[%dma_wait3A_1798, %dma_wait3A_1800, %dma_wait3A_1801] : memref<2x80x128xf32, #tpu.memory_space<vmem>> -> memref<1x80x128xf32, #tpu.memory_space<vmem>>
      %dma_wait3A_1803 = tpu.memref_squeeze %dma_wait3A_1802 : memref<1x80x128xf32, #tpu.memory_space<vmem>> -> memref<80x128xf32, #tpu.memory_space<vmem>>
      %dma_wait3A_1804 = arith.constant 0 : i32
      %dma_wait3A_1805 = tpu.memref_slice %arg11[%rem3A_128, %dma_wait3A_1797, %dma_wait3A_1804] : memref<2x25x80xi32, #tpu.memory_space<vmem>> -> memref<1x1x80xi32, #tpu.memory_space<vmem>>
      %dma_wait3A_1806 = tpu.memref_squeeze %dma_wait3A_1805 : memref<1x1x80xi32, #tpu.memory_space<vmem>> -> memref<80xi32, #tpu.memory_space<vmem>>
      %dma_wait3A_1807 = arith.constant 0 : i32
      %dma_wait3A_1808 = arith.constant 0 : i32
      %dma_wait3A_1809 = tpu.memref_slice %arg5[%dma_wait3A_1807, %dma_wait3A_1808] : memref<10000x128xf32, #tpu.memory_space<hbm>> -> memref<10000x128xf32, #tpu.memory_space<hbm>>
      %dma_wait3A_1810 = tpu.memref_slice %arg20[%dma_wait3A_1799] : memref<2x!tpu.dma_semaphore, #tpu.memory_space<semaphore_mem>> -> memref<1x!tpu.dma_semaphore, #tpu.memory_space<semaphore_mem>>
      %dma_wait3A_1811 = tpu.memref_squeeze %dma_wait3A_1810 : memref<1x!tpu.dma_semaphore, #tpu.memory_space<semaphore_mem>> -> memref<!tpu.dma_semaphore, #tpu.memory_space<semaphore_mem>>
      tpu.wait_indirect_dma semaphore(%dma_wait3A_1811 : memref<!tpu.dma_semaphore, #tpu.memory_space<semaphore_mem>>) src(%dma_wait3A_1809 : memref<10000x128xf32, #tpu.memory_space<hbm>>) dst(%dma_wait3A_1803 : memref<80x128xf32, #tpu.memory_space<vmem>>)
      %dma_start3A_1812 = arith.constant 0 : i32
      %dma_start3A_1813 = arith.constant 24 : i32
      %dma_start3A_1814 = arith.constant 0 : i32
      %dma_start3A_1815 = arith.constant 0 : i32
      %dma_start3A_1816 = arith.constant 0 : i32
      %dma_start3A_1817 = tpu.memref_slice %arg13[%dma_start3A_1812, %dma_start3A_1815, %dma_start3A_1816] : memref<2x80x128xf32, #tpu.memory_space<vmem>> -> memref<1x80x128xf32, #tpu.memory_space<vmem>>
      %dma_start3A_1818 = tpu.memref_squeeze %dma_start3A_1817 : memref<1x80x128xf32, #tpu.memory_space<vmem>> -> memref<80x128xf32, #tpu.memory_space<vmem>>
      %dma_start3A_1819 = arith.constant 0 : i32
      %dma_start3A_1820 = tpu.memref_slice %arg12[%rem3A_128, %dma_start3A_1813, %dma_start3A_1819] : memref<2x25x80xi32, #tpu.memory_space<vmem>> -> memref<1x1x80xi32, #tpu.memory_space<vmem>>
      %dma_start3A_1821 = tpu.memref_squeeze %dma_start3A_1820 : memref<1x1x80xi32, #tpu.memory_space<vmem>> -> memref<80xi32, #tpu.memory_space<vmem>>
      %dma_start3A_1822 = arith.constant 0 : i32
      %dma_start3A_1823 = arith.constant 0 : i32
      %dma_start3A_1824 = tpu.memref_slice %arg18[%dma_start3A_1822, %dma_start3A_1823] : memref<10000x128xf32, #tpu.memory_space<vmem_shared>> -> memref<10000x128xf32, #tpu.memory_space<vmem_shared>>
      %dma_start3A_1825 = tpu.memref_slice %arg21[%dma_start3A_1814] : memref<2x!tpu.dma_semaphore, #tpu.memory_space<semaphore_mem>> -> memref<1x!tpu.dma_semaphore, #tpu.memory_space<semaphore_mem>>
      %dma_start3A_1826 = tpu.memref_squeeze %dma_start3A_1825 : memref<1x!tpu.dma_semaphore, #tpu.memory_space<semaphore_mem>> -> memref<!tpu.dma_semaphore, #tpu.memory_space<semaphore_mem>>
      tpu.enqueue_indirect_dma source(%dma_start3A_1818 : memref<80x128xf32, #tpu.memory_space<vmem>>) target(%dma_start3A_1824 : memref<10000x128xf32, #tpu.memory_space<vmem_shared>>) offsets(%dma_start3A_1821 : memref<80xi32, #tpu.memory_space<vmem>>) semaphore(%dma_start3A_1826 : memref<!tpu.dma_semaphore, #tpu.memory_space<semaphore_mem>>) {add = true}
      %dma_start3A_1827 = arith.constant 24 : i32
      %dma_start3A_1828 = arith.constant 0 : i32
      %dma_start3A_1829 = tpu.memref_slice %arg12[%rem3A_128, %dma_start3A_1827, %dma_start3A_1828] : memref<2x25x80xi32, #tpu.memory_space<vmem>> -> memref<1x1x80xi32, #tpu.memory_space<vmem>>
      %dma_start3A_1830 = tpu.memref_squeeze %dma_start3A_1829 : memref<1x1x80xi32, #tpu.memory_space<vmem>> -> memref<80xi32, #tpu.memory_space<vmem>>
      %dma_start3A_1831 = arith.constant 0 : i32
      %dma_start3A_1832 = tpu.memref_slice %arg19[%dma_start3A_1831] : memref<10000xf32, #tpu.memory_space<vmem_shared>> -> memref<10000xf32, #tpu.memory_space<vmem_shared>>
      tpu.enqueue_indirect_dma source(%arg14 : memref<80xf32, #tpu.memory_space<vmem>>) target(%dma_start3A_1832 : memref<10000xf32, #tpu.memory_space<vmem_shared>>) offsets(%dma_start3A_1830 : memref<80xi32, #tpu.memory_space<vmem>>) semaphore(%arg22 : memref<!tpu.dma_semaphore, #tpu.memory_space<semaphore_mem>>) {add = true}
      %dma_wait3A_1833 = arith.constant 1 : i32
      %dma_wait3A_1834 = arith.constant 23 : i32
      %dma_wait3A_1835 = arith.constant 1 : i32
      %dma_wait3A_1836 = arith.constant 0 : i32
      %dma_wait3A_1837 = arith.constant 0 : i32
      %dma_wait3A_1838 = tpu.memref_slice %arg13[%dma_wait3A_1833, %dma_wait3A_1836, %dma_wait3A_1837] : memref<2x80x128xf32, #tpu.memory_space<vmem>> -> memref<1x80x128xf32, #tpu.memory_space<vmem>>
      %dma_wait3A_1839 = tpu.memref_squeeze %dma_wait3A_1838 : memref<1x80x128xf32, #tpu.memory_space<vmem>> -> memref<80x128xf32, #tpu.memory_space<vmem>>
      %dma_wait3A_1840 = arith.constant 0 : i32
      %dma_wait3A_1841 = tpu.memref_slice %arg12[%rem3A_128, %dma_wait3A_1834, %dma_wait3A_1840] : memref<2x25x80xi32, #tpu.memory_space<vmem>> -> memref<1x1x80xi32, #tpu.memory_space<vmem>>
      %dma_wait3A_1842 = tpu.memref_squeeze %dma_wait3A_1841 : memref<1x1x80xi32, #tpu.memory_space<vmem>> -> memref<80xi32, #tpu.memory_space<vmem>>
      %dma_wait3A_1843 = arith.constant 0 : i32
      %dma_wait3A_1844 = arith.constant 0 : i32
      %dma_wait3A_1845 = tpu.memref_slice %arg18[%dma_wait3A_1843, %dma_wait3A_1844] : memref<10000x128xf32, #tpu.memory_space<vmem_shared>> -> memref<10000x128xf32, #tpu.memory_space<vmem_shared>>
      %dma_wait3A_1846 = tpu.memref_slice %arg21[%dma_wait3A_1835] : memref<2x!tpu.dma_semaphore, #tpu.memory_space<semaphore_mem>> -> memref<1x!tpu.dma_semaphore, #tpu.memory_space<semaphore_mem>>
      %dma_wait3A_1847 = tpu.memref_squeeze %dma_wait3A_1846 : memref<1x!tpu.dma_semaphore, #tpu.memory_space<semaphore_mem>> -> memref<!tpu.dma_semaphore, #tpu.memory_space<semaphore_mem>>
      tpu.wait_indirect_dma semaphore(%dma_wait3A_1847 : memref<!tpu.dma_semaphore, #tpu.memory_space<semaphore_mem>>) src(%dma_wait3A_1839 : memref<80x128xf32, #tpu.memory_space<vmem>>) dst(%dma_wait3A_1845 : memref<10000x128xf32, #tpu.memory_space<vmem_shared>>)
      %dma_wait3A_1848 = arith.constant 0 : i32
      %dma_wait3A_1849 = arith.constant 24 : i32
      %dma_wait3A_1850 = arith.constant 0 : i32
      %dma_wait3A_1851 = arith.constant 0 : i32
      %dma_wait3A_1852 = arith.constant 0 : i32
      %dma_wait3A_1853 = tpu.memref_slice %arg13[%dma_wait3A_1848, %dma_wait3A_1851, %dma_wait3A_1852] : memref<2x80x128xf32, #tpu.memory_space<vmem>> -> memref<1x80x128xf32, #tpu.memory_space<vmem>>
      %dma_wait3A_1854 = tpu.memref_squeeze %dma_wait3A_1853 : memref<1x80x128xf32, #tpu.memory_space<vmem>> -> memref<80x128xf32, #tpu.memory_space<vmem>>
      %dma_wait3A_1855 = arith.constant 0 : i32
      %dma_wait3A_1856 = tpu.memref_slice %arg12[%rem3A_128, %dma_wait3A_1849, %dma_wait3A_1855] : memref<2x25x80xi32, #tpu.memory_space<vmem>> -> memref<1x1x80xi32, #tpu.memory_space<vmem>>
      %dma_wait3A_1857 = tpu.memref_squeeze %dma_wait3A_1856 : memref<1x1x80xi32, #tpu.memory_space<vmem>> -> memref<80xi32, #tpu.memory_space<vmem>>
      %dma_wait3A_1858 = arith.constant 0 : i32
      %dma_wait3A_1859 = arith.constant 0 : i32
      %dma_wait3A_1860 = tpu.memref_slice %arg18[%dma_wait3A_1858, %dma_wait3A_1859] : memref<10000x128xf32, #tpu.memory_space<vmem_shared>> -> memref<10000x128xf32, #tpu.memory_space<vmem_shared>>
      %dma_wait3A_1861 = tpu.memref_slice %arg21[%dma_wait3A_1850] : memref<2x!tpu.dma_semaphore, #tpu.memory_space<semaphore_mem>> -> memref<1x!tpu.dma_semaphore, #tpu.memory_space<semaphore_mem>>
      %dma_wait3A_1862 = tpu.memref_squeeze %dma_wait3A_1861 : memref<1x!tpu.dma_semaphore, #tpu.memory_space<semaphore_mem>> -> memref<!tpu.dma_semaphore, #tpu.memory_space<semaphore_mem>>
      tpu.wait_indirect_dma semaphore(%dma_wait3A_1862 : memref<!tpu.dma_semaphore, #tpu.memory_space<semaphore_mem>>) src(%dma_wait3A_1854 : memref<80x128xf32, #tpu.memory_space<vmem>>) dst(%dma_wait3A_1860 : memref<10000x128xf32, #tpu.memory_space<vmem_shared>>)
      %dma_wait3A_1863 = arith.constant 0 : i32
      %dma_wait3A_1864 = arith.constant 0 : i32
      %dma_wait3A_1865 = tpu.memref_slice %arg12[%rem3A_128, %dma_wait3A_1863, %dma_wait3A_1864] : memref<2x25x80xi32, #tpu.memory_space<vmem>> -> memref<1x1x80xi32, #tpu.memory_space<vmem>>
      %dma_wait3A_1866 = tpu.memref_squeeze %dma_wait3A_1865 : memref<1x1x80xi32, #tpu.memory_space<vmem>> -> memref<80xi32, #tpu.memory_space<vmem>>
      %dma_wait3A_1867 = arith.constant 0 : i32
      %dma_wait3A_1868 = tpu.memref_slice %arg19[%dma_wait3A_1867] : memref<10000xf32, #tpu.memory_space<vmem_shared>> -> memref<10000xf32, #tpu.memory_space<vmem_shared>>
      tpu.wait_indirect_dma semaphore(%arg22 : memref<!tpu.dma_semaphore, #tpu.memory_space<semaphore_mem>>) src(%arg14 : memref<80xf32, #tpu.memory_space<vmem>>) dst(%dma_wait3A_1868 : memref<10000xf32, #tpu.memory_space<vmem_shared>>)
      %dma_wait3A_1869 = arith.constant 1 : i32
      %dma_wait3A_1870 = arith.constant 0 : i32
      %dma_wait3A_1871 = tpu.memref_slice %arg12[%rem3A_128, %dma_wait3A_1869, %dma_wait3A_1870] : memref<2x25x80xi32, #tpu.memory_space<vmem>> -> memref<1x1x80xi32, #tpu.memory_space<vmem>>
      %dma_wait3A_1872 = tpu.memref_squeeze %dma_wait3A_1871 : memref<1x1x80xi32, #tpu.memory_space<vmem>> -> memref<80xi32, #tpu.memory_space<vmem>>
      %dma_wait3A_1873 = arith.constant 0 : i32
      %dma_wait3A_1874 = tpu.memref_slice %arg19[%dma_wait3A_1873] : memref<10000xf32, #tpu.memory_space<vmem_shared>> -> memref<10000xf32, #tpu.memory_space<vmem_shared>>
      tpu.wait_indirect_dma semaphore(%arg22 : memref<!tpu.dma_semaphore, #tpu.memory_space<semaphore_mem>>) src(%arg14 : memref<80xf32, #tpu.memory_space<vmem>>) dst(%dma_wait3A_1874 : memref<10000xf32, #tpu.memory_space<vmem_shared>>)
      %dma_wait3A_1875 = arith.constant 2 : i32
      %dma_wait3A_1876 = arith.constant 0 : i32
      %dma_wait3A_1877 = tpu.memref_slice %arg12[%rem3A_128, %dma_wait3A_1875, %dma_wait3A_1876] : memref<2x25x80xi32, #tpu.memory_space<vmem>> -> memref<1x1x80xi32, #tpu.memory_space<vmem>>
      %dma_wait3A_1878 = tpu.memref_squeeze %dma_wait3A_1877 : memref<1x1x80xi32, #tpu.memory_space<vmem>> -> memref<80xi32, #tpu.memory_space<vmem>>
      %dma_wait3A_1879 = arith.constant 0 : i32
      %dma_wait3A_1880 = tpu.memref_slice %arg19[%dma_wait3A_1879] : memref<10000xf32, #tpu.memory_space<vmem_shared>> -> memref<10000xf32, #tpu.memory_space<vmem_shared>>
      tpu.wait_indirect_dma semaphore(%arg22 : memref<!tpu.dma_semaphore, #tpu.memory_space<semaphore_mem>>) src(%arg14 : memref<80xf32, #tpu.memory_space<vmem>>) dst(%dma_wait3A_1880 : memref<10000xf32, #tpu.memory_space<vmem_shared>>)
      %dma_wait3A_1881 = arith.constant 3 : i32
      %dma_wait3A_1882 = arith.constant 0 : i32
      %dma_wait3A_1883 = tpu.memref_slice %arg12[%rem3A_128, %dma_wait3A_1881, %dma_wait3A_1882] : memref<2x25x80xi32, #tpu.memory_space<vmem>> -> memref<1x1x80xi32, #tpu.memory_space<vmem>>
      %dma_wait3A_1884 = tpu.memref_squeeze %dma_wait3A_1883 : memref<1x1x80xi32, #tpu.memory_space<vmem>> -> memref<80xi32, #tpu.memory_space<vmem>>
      %dma_wait3A_1885 = arith.constant 0 : i32
      %dma_wait3A_1886 = tpu.memref_slice %arg19[%dma_wait3A_1885] : memref<10000xf32, #tpu.memory_space<vmem_shared>> -> memref<10000xf32, #tpu.memory_space<vmem_shared>>
      tpu.wait_indirect_dma semaphore(%arg22 : memref<!tpu.dma_semaphore, #tpu.memory_space<semaphore_mem>>) src(%arg14 : memref<80xf32, #tpu.memory_space<vmem>>) dst(%dma_wait3A_1886 : memref<10000xf32, #tpu.memory_space<vmem_shared>>)
      %dma_wait3A_1887 = arith.constant 4 : i32
      %dma_wait3A_1888 = arith.constant 0 : i32
      %dma_wait3A_1889 = tpu.memref_slice %arg12[%rem3A_128, %dma_wait3A_1887, %dma_wait3A_1888] : memref<2x25x80xi32, #tpu.memory_space<vmem>> -> memref<1x1x80xi32, #tpu.memory_space<vmem>>
      %dma_wait3A_1890 = tpu.memref_squeeze %dma_wait3A_1889 : memref<1x1x80xi32, #tpu.memory_space<vmem>> -> memref<80xi32, #tpu.memory_space<vmem>>
      %dma_wait3A_1891 = arith.constant 0 : i32
      %dma_wait3A_1892 = tpu.memref_slice %arg19[%dma_wait3A_1891] : memref<10000xf32, #tpu.memory_space<vmem_shared>> -> memref<10000xf32, #tpu.memory_space<vmem_shared>>
      tpu.wait_indirect_dma semaphore(%arg22 : memref<!tpu.dma_semaphore, #tpu.memory_space<semaphore_mem>>) src(%arg14 : memref<80xf32, #tpu.memory_space<vmem>>) dst(%dma_wait3A_1892 : memref<10000xf32, #tpu.memory_space<vmem_shared>>)
      %dma_wait3A_1893 = arith.constant 5 : i32
      %dma_wait3A_1894 = arith.constant 0 : i32
      %dma_wait3A_1895 = tpu.memref_slice %arg12[%rem3A_128, %dma_wait3A_1893, %dma_wait3A_1894] : memref<2x25x80xi32, #tpu.memory_space<vmem>> -> memref<1x1x80xi32, #tpu.memory_space<vmem>>
      %dma_wait3A_1896 = tpu.memref_squeeze %dma_wait3A_1895 : memref<1x1x80xi32, #tpu.memory_space<vmem>> -> memref<80xi32, #tpu.memory_space<vmem>>
      %dma_wait3A_1897 = arith.constant 0 : i32
      %dma_wait3A_1898 = tpu.memref_slice %arg19[%dma_wait3A_1897] : memref<10000xf32, #tpu.memory_space<vmem_shared>> -> memref<10000xf32, #tpu.memory_space<vmem_shared>>
      tpu.wait_indirect_dma semaphore(%arg22 : memref<!tpu.dma_semaphore, #tpu.memory_space<semaphore_mem>>) src(%arg14 : memref<80xf32, #tpu.memory_space<vmem>>) dst(%dma_wait3A_1898 : memref<10000xf32, #tpu.memory_space<vmem_shared>>)
      %dma_wait3A_1899 = arith.constant 6 : i32
      %dma_wait3A_1900 = arith.constant 0 : i32
      %dma_wait3A_1901 = tpu.memref_slice %arg12[%rem3A_128, %dma_wait3A_1899, %dma_wait3A_1900] : memref<2x25x80xi32, #tpu.memory_space<vmem>> -> memref<1x1x80xi32, #tpu.memory_space<vmem>>
      %dma_wait3A_1902 = tpu.memref_squeeze %dma_wait3A_1901 : memref<1x1x80xi32, #tpu.memory_space<vmem>> -> memref<80xi32, #tpu.memory_space<vmem>>
      %dma_wait3A_1903 = arith.constant 0 : i32
      %dma_wait3A_1904 = tpu.memref_slice %arg19[%dma_wait3A_1903] : memref<10000xf32, #tpu.memory_space<vmem_shared>> -> memref<10000xf32, #tpu.memory_space<vmem_shared>>
      tpu.wait_indirect_dma semaphore(%arg22 : memref<!tpu.dma_semaphore, #tpu.memory_space<semaphore_mem>>) src(%arg14 : memref<80xf32, #tpu.memory_space<vmem>>) dst(%dma_wait3A_1904 : memref<10000xf32, #tpu.memory_space<vmem_shared>>)
      %dma_wait3A_1905 = arith.constant 7 : i32
      %dma_wait3A_1906 = arith.constant 0 : i32
      %dma_wait3A_1907 = tpu.memref_slice %arg12[%rem3A_128, %dma_wait3A_1905, %dma_wait3A_1906] : memref<2x25x80xi32, #tpu.memory_space<vmem>> -> memref<1x1x80xi32, #tpu.memory_space<vmem>>
      %dma_wait3A_1908 = tpu.memref_squeeze %dma_wait3A_1907 : memref<1x1x80xi32, #tpu.memory_space<vmem>> -> memref<80xi32, #tpu.memory_space<vmem>>
      %dma_wait3A_1909 = arith.constant 0 : i32
      %dma_wait3A_1910 = tpu.memref_slice %arg19[%dma_wait3A_1909] : memref<10000xf32, #tpu.memory_space<vmem_shared>> -> memref<10000xf32, #tpu.memory_space<vmem_shared>>
      tpu.wait_indirect_dma semaphore(%arg22 : memref<!tpu.dma_semaphore, #tpu.memory_space<semaphore_mem>>) src(%arg14 : memref<80xf32, #tpu.memory_space<vmem>>) dst(%dma_wait3A_1910 : memref<10000xf32, #tpu.memory_space<vmem_shared>>)
      %dma_wait3A_1911 = arith.constant 8 : i32
      %dma_wait3A_1912 = arith.constant 0 : i32
      %dma_wait3A_1913 = tpu.memref_slice %arg12[%rem3A_128, %dma_wait3A_1911, %dma_wait3A_1912] : memref<2x25x80xi32, #tpu.memory_space<vmem>> -> memref<1x1x80xi32, #tpu.memory_space<vmem>>
      %dma_wait3A_1914 = tpu.memref_squeeze %dma_wait3A_1913 : memref<1x1x80xi32, #tpu.memory_space<vmem>> -> memref<80xi32, #tpu.memory_space<vmem>>
      %dma_wait3A_1915 = arith.constant 0 : i32
      %dma_wait3A_1916 = tpu.memref_slice %arg19[%dma_wait3A_1915] : memref<10000xf32, #tpu.memory_space<vmem_shared>> -> memref<10000xf32, #tpu.memory_space<vmem_shared>>
      tpu.wait_indirect_dma semaphore(%arg22 : memref<!tpu.dma_semaphore, #tpu.memory_space<semaphore_mem>>) src(%arg14 : memref<80xf32, #tpu.memory_space<vmem>>) dst(%dma_wait3A_1916 : memref<10000xf32, #tpu.memory_space<vmem_shared>>)
      %dma_wait3A_1917 = arith.constant 9 : i32
      %dma_wait3A_1918 = arith.constant 0 : i32
      %dma_wait3A_1919 = tpu.memref_slice %arg12[%rem3A_128, %dma_wait3A_1917, %dma_wait3A_1918] : memref<2x25x80xi32, #tpu.memory_space<vmem>> -> memref<1x1x80xi32, #tpu.memory_space<vmem>>
      %dma_wait3A_1920 = tpu.memref_squeeze %dma_wait3A_1919 : memref<1x1x80xi32, #tpu.memory_space<vmem>> -> memref<80xi32, #tpu.memory_space<vmem>>
      %dma_wait3A_1921 = arith.constant 0 : i32
      %dma_wait3A_1922 = tpu.memref_slice %arg19[%dma_wait3A_1921] : memref<10000xf32, #tpu.memory_space<vmem_shared>> -> memref<10000xf32, #tpu.memory_space<vmem_shared>>
      tpu.wait_indirect_dma semaphore(%arg22 : memref<!tpu.dma_semaphore, #tpu.memory_space<semaphore_mem>>) src(%arg14 : memref<80xf32, #tpu.memory_space<vmem>>) dst(%dma_wait3A_1922 : memref<10000xf32, #tpu.memory_space<vmem_shared>>)
      %dma_wait3A_1923 = arith.constant 10 : i32
      %dma_wait3A_1924 = arith.constant 0 : i32
      %dma_wait3A_1925 = tpu.memref_slice %arg12[%rem3A_128, %dma_wait3A_1923, %dma_wait3A_1924] : memref<2x25x80xi32, #tpu.memory_space<vmem>> -> memref<1x1x80xi32, #tpu.memory_space<vmem>>
      %dma_wait3A_1926 = tpu.memref_squeeze %dma_wait3A_1925 : memref<1x1x80xi32, #tpu.memory_space<vmem>> -> memref<80xi32, #tpu.memory_space<vmem>>
      %dma_wait3A_1927 = arith.constant 0 : i32
      %dma_wait3A_1928 = tpu.memref_slice %arg19[%dma_wait3A_1927] : memref<10000xf32, #tpu.memory_space<vmem_shared>> -> memref<10000xf32, #tpu.memory_space<vmem_shared>>
      tpu.wait_indirect_dma semaphore(%arg22 : memref<!tpu.dma_semaphore, #tpu.memory_space<semaphore_mem>>) src(%arg14 : memref<80xf32, #tpu.memory_space<vmem>>) dst(%dma_wait3A_1928 : memref<10000xf32, #tpu.memory_space<vmem_shared>>)
      %dma_wait3A_1929 = arith.constant 11 : i32
      %dma_wait3A_1930 = arith.constant 0 : i32
      %dma_wait3A_1931 = tpu.memref_slice %arg12[%rem3A_128, %dma_wait3A_1929, %dma_wait3A_1930] : memref<2x25x80xi32, #tpu.memory_space<vmem>> -> memref<1x1x80xi32, #tpu.memory_space<vmem>>
      %dma_wait3A_1932 = tpu.memref_squeeze %dma_wait3A_1931 : memref<1x1x80xi32, #tpu.memory_space<vmem>> -> memref<80xi32, #tpu.memory_space<vmem>>
      %dma_wait3A_1933 = arith.constant 0 : i32
      %dma_wait3A_1934 = tpu.memref_slice %arg19[%dma_wait3A_1933] : memref<10000xf32, #tpu.memory_space<vmem_shared>> -> memref<10000xf32, #tpu.memory_space<vmem_shared>>
      tpu.wait_indirect_dma semaphore(%arg22 : memref<!tpu.dma_semaphore, #tpu.memory_space<semaphore_mem>>) src(%arg14 : memref<80xf32, #tpu.memory_space<vmem>>) dst(%dma_wait3A_1934 : memref<10000xf32, #tpu.memory_space<vmem_shared>>)
      %dma_wait3A_1935 = arith.constant 12 : i32
      %dma_wait3A_1936 = arith.constant 0 : i32
      %dma_wait3A_1937 = tpu.memref_slice %arg12[%rem3A_128, %dma_wait3A_1935, %dma_wait3A_1936] : memref<2x25x80xi32, #tpu.memory_space<vmem>> -> memref<1x1x80xi32, #tpu.memory_space<vmem>>
      %dma_wait3A_1938 = tpu.memref_squeeze %dma_wait3A_1937 : memref<1x1x80xi32, #tpu.memory_space<vmem>> -> memref<80xi32, #tpu.memory_space<vmem>>
      %dma_wait3A_1939 = arith.constant 0 : i32
      %dma_wait3A_1940 = tpu.memref_slice %arg19[%dma_wait3A_1939] : memref<10000xf32, #tpu.memory_space<vmem_shared>> -> memref<10000xf32, #tpu.memory_space<vmem_shared>>
      tpu.wait_indirect_dma semaphore(%arg22 : memref<!tpu.dma_semaphore, #tpu.memory_space<semaphore_mem>>) src(%arg14 : memref<80xf32, #tpu.memory_space<vmem>>) dst(%dma_wait3A_1940 : memref<10000xf32, #tpu.memory_space<vmem_shared>>)
      %dma_wait3A_1941 = arith.constant 13 : i32
      %dma_wait3A_1942 = arith.constant 0 : i32
      %dma_wait3A_1943 = tpu.memref_slice %arg12[%rem3A_128, %dma_wait3A_1941, %dma_wait3A_1942] : memref<2x25x80xi32, #tpu.memory_space<vmem>> -> memref<1x1x80xi32, #tpu.memory_space<vmem>>
      %dma_wait3A_1944 = tpu.memref_squeeze %dma_wait3A_1943 : memref<1x1x80xi32, #tpu.memory_space<vmem>> -> memref<80xi32, #tpu.memory_space<vmem>>
      %dma_wait3A_1945 = arith.constant 0 : i32
      %dma_wait3A_1946 = tpu.memref_slice %arg19[%dma_wait3A_1945] : memref<10000xf32, #tpu.memory_space<vmem_shared>> -> memref<10000xf32, #tpu.memory_space<vmem_shared>>
      tpu.wait_indirect_dma semaphore(%arg22 : memref<!tpu.dma_semaphore, #tpu.memory_space<semaphore_mem>>) src(%arg14 : memref<80xf32, #tpu.memory_space<vmem>>) dst(%dma_wait3A_1946 : memref<10000xf32, #tpu.memory_space<vmem_shared>>)
      %dma_wait3A_1947 = arith.constant 14 : i32
      %dma_wait3A_1948 = arith.constant 0 : i32
      %dma_wait3A_1949 = tpu.memref_slice %arg12[%rem3A_128, %dma_wait3A_1947, %dma_wait3A_1948] : memref<2x25x80xi32, #tpu.memory_space<vmem>> -> memref<1x1x80xi32, #tpu.memory_space<vmem>>
      %dma_wait3A_1950 = tpu.memref_squeeze %dma_wait3A_1949 : memref<1x1x80xi32, #tpu.memory_space<vmem>> -> memref<80xi32, #tpu.memory_space<vmem>>
      %dma_wait3A_1951 = arith.constant 0 : i32
      %dma_wait3A_1952 = tpu.memref_slice %arg19[%dma_wait3A_1951] : memref<10000xf32, #tpu.memory_space<vmem_shared>> -> memref<10000xf32, #tpu.memory_space<vmem_shared>>
      tpu.wait_indirect_dma semaphore(%arg22 : memref<!tpu.dma_semaphore, #tpu.memory_space<semaphore_mem>>) src(%arg14 : memref<80xf32, #tpu.memory_space<vmem>>) dst(%dma_wait3A_1952 : memref<10000xf32, #tpu.memory_space<vmem_shared>>)
      %dma_wait3A_1953 = arith.constant 15 : i32
      %dma_wait3A_1954 = arith.constant 0 : i32
      %dma_wait3A_1955 = tpu.memref_slice %arg12[%rem3A_128, %dma_wait3A_1953, %dma_wait3A_1954] : memref<2x25x80xi32, #tpu.memory_space<vmem>> -> memref<1x1x80xi32, #tpu.memory_space<vmem>>
      %dma_wait3A_1956 = tpu.memref_squeeze %dma_wait3A_1955 : memref<1x1x80xi32, #tpu.memory_space<vmem>> -> memref<80xi32, #tpu.memory_space<vmem>>
      %dma_wait3A_1957 = arith.constant 0 : i32
      %dma_wait3A_1958 = tpu.memref_slice %arg19[%dma_wait3A_1957] : memref<10000xf32, #tpu.memory_space<vmem_shared>> -> memref<10000xf32, #tpu.memory_space<vmem_shared>>
      tpu.wait_indirect_dma semaphore(%arg22 : memref<!tpu.dma_semaphore, #tpu.memory_space<semaphore_mem>>) src(%arg14 : memref<80xf32, #tpu.memory_space<vmem>>) dst(%dma_wait3A_1958 : memref<10000xf32, #tpu.memory_space<vmem_shared>>)
      %dma_wait3A_1959 = arith.constant 16 : i32
      %dma_wait3A_1960 = arith.constant 0 : i32
      %dma_wait3A_1961 = tpu.memref_slice %arg12[%rem3A_128, %dma_wait3A_1959, %dma_wait3A_1960] : memref<2x25x80xi32, #tpu.memory_space<vmem>> -> memref<1x1x80xi32, #tpu.memory_space<vmem>>
      %dma_wait3A_1962 = tpu.memref_squeeze %dma_wait3A_1961 : memref<1x1x80xi32, #tpu.memory_space<vmem>> -> memref<80xi32, #tpu.memory_space<vmem>>
      %dma_wait3A_1963 = arith.constant 0 : i32
      %dma_wait3A_1964 = tpu.memref_slice %arg19[%dma_wait3A_1963] : memref<10000xf32, #tpu.memory_space<vmem_shared>> -> memref<10000xf32, #tpu.memory_space<vmem_shared>>
      tpu.wait_indirect_dma semaphore(%arg22 : memref<!tpu.dma_semaphore, #tpu.memory_space<semaphore_mem>>) src(%arg14 : memref<80xf32, #tpu.memory_space<vmem>>) dst(%dma_wait3A_1964 : memref<10000xf32, #tpu.memory_space<vmem_shared>>)
      %dma_wait3A_1965 = arith.constant 17 : i32
      %dma_wait3A_1966 = arith.constant 0 : i32
      %dma_wait3A_1967 = tpu.memref_slice %arg12[%rem3A_128, %dma_wait3A_1965, %dma_wait3A_1966] : memref<2x25x80xi32, #tpu.memory_space<vmem>> -> memref<1x1x80xi32, #tpu.memory_space<vmem>>
      %dma_wait3A_1968 = tpu.memref_squeeze %dma_wait3A_1967 : memref<1x1x80xi32, #tpu.memory_space<vmem>> -> memref<80xi32, #tpu.memory_space<vmem>>
      %dma_wait3A_1969 = arith.constant 0 : i32
      %dma_wait3A_1970 = tpu.memref_slice %arg19[%dma_wait3A_1969] : memref<10000xf32, #tpu.memory_space<vmem_shared>> -> memref<10000xf32, #tpu.memory_space<vmem_shared>>
      tpu.wait_indirect_dma semaphore(%arg22 : memref<!tpu.dma_semaphore, #tpu.memory_space<semaphore_mem>>) src(%arg14 : memref<80xf32, #tpu.memory_space<vmem>>) dst(%dma_wait3A_1970 : memref<10000xf32, #tpu.memory_space<vmem_shared>>)
      %dma_wait3A_1971 = arith.constant 18 : i32
      %dma_wait3A_1972 = arith.constant 0 : i32
      %dma_wait3A_1973 = tpu.memref_slice %arg12[%rem3A_128, %dma_wait3A_1971, %dma_wait3A_1972] : memref<2x25x80xi32, #tpu.memory_space<vmem>> -> memref<1x1x80xi32, #tpu.memory_space<vmem>>
      %dma_wait3A_1974 = tpu.memref_squeeze %dma_wait3A_1973 : memref<1x1x80xi32, #tpu.memory_space<vmem>> -> memref<80xi32, #tpu.memory_space<vmem>>
      %dma_wait3A_1975 = arith.constant 0 : i32
      %dma_wait3A_1976 = tpu.memref_slice %arg19[%dma_wait3A_1975] : memref<10000xf32, #tpu.memory_space<vmem_shared>> -> memref<10000xf32, #tpu.memory_space<vmem_shared>>
      tpu.wait_indirect_dma semaphore(%arg22 : memref<!tpu.dma_semaphore, #tpu.memory_space<semaphore_mem>>) src(%arg14 : memref<80xf32, #tpu.memory_space<vmem>>) dst(%dma_wait3A_1976 : memref<10000xf32, #tpu.memory_space<vmem_shared>>)
      %dma_wait3A_1977 = arith.constant 19 : i32
      %dma_wait3A_1978 = arith.constant 0 : i32
      %dma_wait3A_1979 = tpu.memref_slice %arg12[%rem3A_128, %dma_wait3A_1977, %dma_wait3A_1978] : memref<2x25x80xi32, #tpu.memory_space<vmem>> -> memref<1x1x80xi32, #tpu.memory_space<vmem>>
      %dma_wait3A_1980 = tpu.memref_squeeze %dma_wait3A_1979 : memref<1x1x80xi32, #tpu.memory_space<vmem>> -> memref<80xi32, #tpu.memory_space<vmem>>
      %dma_wait3A_1981 = arith.constant 0 : i32
      %dma_wait3A_1982 = tpu.memref_slice %arg19[%dma_wait3A_1981] : memref<10000xf32, #tpu.memory_space<vmem_shared>> -> memref<10000xf32, #tpu.memory_space<vmem_shared>>
      tpu.wait_indirect_dma semaphore(%arg22 : memref<!tpu.dma_semaphore, #tpu.memory_space<semaphore_mem>>) src(%arg14 : memref<80xf32, #tpu.memory_space<vmem>>) dst(%dma_wait3A_1982 : memref<10000xf32, #tpu.memory_space<vmem_shared>>)
      %dma_wait3A_1983 = arith.constant 20 : i32
      %dma_wait3A_1984 = arith.constant 0 : i32
      %dma_wait3A_1985 = tpu.memref_slice %arg12[%rem3A_128, %dma_wait3A_1983, %dma_wait3A_1984] : memref<2x25x80xi32, #tpu.memory_space<vmem>> -> memref<1x1x80xi32, #tpu.memory_space<vmem>>
      %dma_wait3A_1986 = tpu.memref_squeeze %dma_wait3A_1985 : memref<1x1x80xi32, #tpu.memory_space<vmem>> -> memref<80xi32, #tpu.memory_space<vmem>>
      %dma_wait3A_1987 = arith.constant 0 : i32
      %dma_wait3A_1988 = tpu.memref_slice %arg19[%dma_wait3A_1987] : memref<10000xf32, #tpu.memory_space<vmem_shared>> -> memref<10000xf32, #tpu.memory_space<vmem_shared>>
      tpu.wait_indirect_dma semaphore(%arg22 : memref<!tpu.dma_semaphore, #tpu.memory_space<semaphore_mem>>) src(%arg14 : memref<80xf32, #tpu.memory_space<vmem>>) dst(%dma_wait3A_1988 : memref<10000xf32, #tpu.memory_space<vmem_shared>>)
      %dma_wait3A_1989 = arith.constant 21 : i32
      %dma_wait3A_1990 = arith.constant 0 : i32
      %dma_wait3A_1991 = tpu.memref_slice %arg12[%rem3A_128, %dma_wait3A_1989, %dma_wait3A_1990] : memref<2x25x80xi32, #tpu.memory_space<vmem>> -> memref<1x1x80xi32, #tpu.memory_space<vmem>>
      %dma_wait3A_1992 = tpu.memref_squeeze %dma_wait3A_1991 : memref<1x1x80xi32, #tpu.memory_space<vmem>> -> memref<80xi32, #tpu.memory_space<vmem>>
      %dma_wait3A_1993 = arith.constant 0 : i32
      %dma_wait3A_1994 = tpu.memref_slice %arg19[%dma_wait3A_1993] : memref<10000xf32, #tpu.memory_space<vmem_shared>> -> memref<10000xf32, #tpu.memory_space<vmem_shared>>
      tpu.wait_indirect_dma semaphore(%arg22 : memref<!tpu.dma_semaphore, #tpu.memory_space<semaphore_mem>>) src(%arg14 : memref<80xf32, #tpu.memory_space<vmem>>) dst(%dma_wait3A_1994 : memref<10000xf32, #tpu.memory_space<vmem_shared>>)
      %dma_wait3A_1995 = arith.constant 22 : i32
      %dma_wait3A_1996 = arith.constant 0 : i32
      %dma_wait3A_1997 = tpu.memref_slice %arg12[%rem3A_128, %dma_wait3A_1995, %dma_wait3A_1996] : memref<2x25x80xi32, #tpu.memory_space<vmem>> -> memref<1x1x80xi32, #tpu.memory_space<vmem>>
      %dma_wait3A_1998 = tpu.memref_squeeze %dma_wait3A_1997 : memref<1x1x80xi32, #tpu.memory_space<vmem>> -> memref<80xi32, #tpu.memory_space<vmem>>
      %dma_wait3A_1999 = arith.constant 0 : i32
      %dma_wait3A_2000 = tpu.memref_slice %arg19[%dma_wait3A_1999] : memref<10000xf32, #tpu.memory_space<vmem_shared>> -> memref<10000xf32, #tpu.memory_space<vmem_shared>>
      tpu.wait_indirect_dma semaphore(%arg22 : memref<!tpu.dma_semaphore, #tpu.memory_space<semaphore_mem>>) src(%arg14 : memref<80xf32, #tpu.memory_space<vmem>>) dst(%dma_wait3A_2000 : memref<10000xf32, #tpu.memory_space<vmem_shared>>)
      %dma_wait3A_2001 = arith.constant 23 : i32
      %dma_wait3A_2002 = arith.constant 0 : i32
      %dma_wait3A_2003 = tpu.memref_slice %arg12[%rem3A_128, %dma_wait3A_2001, %dma_wait3A_2002] : memref<2x25x80xi32, #tpu.memory_space<vmem>> -> memref<1x1x80xi32, #tpu.memory_space<vmem>>
      %dma_wait3A_2004 = tpu.memref_squeeze %dma_wait3A_2003 : memref<1x1x80xi32, #tpu.memory_space<vmem>> -> memref<80xi32, #tpu.memory_space<vmem>>
      %dma_wait3A_2005 = arith.constant 0 : i32
      %dma_wait3A_2006 = tpu.memref_slice %arg19[%dma_wait3A_2005] : memref<10000xf32, #tpu.memory_space<vmem_shared>> -> memref<10000xf32, #tpu.memory_space<vmem_shared>>
      tpu.wait_indirect_dma semaphore(%arg22 : memref<!tpu.dma_semaphore, #tpu.memory_space<semaphore_mem>>) src(%arg14 : memref<80xf32, #tpu.memory_space<vmem>>) dst(%dma_wait3A_2006 : memref<10000xf32, #tpu.memory_space<vmem_shared>>)
      %dma_wait3A_2007 = arith.constant 24 : i32
      %dma_wait3A_2008 = arith.constant 0 : i32
      %dma_wait3A_2009 = tpu.memref_slice %arg12[%rem3A_128, %dma_wait3A_2007, %dma_wait3A_2008] : memref<2x25x80xi32, #tpu.memory_space<vmem>> -> memref<1x1x80xi32, #tpu.memory_space<vmem>>
      %dma_wait3A_2010 = tpu.memref_squeeze %dma_wait3A_2009 : memref<1x1x80xi32, #tpu.memory_space<vmem>> -> memref<80xi32, #tpu.memory_space<vmem>>
      %dma_wait3A_2011 = arith.constant 0 : i32
      %dma_wait3A_2012 = tpu.memref_slice %arg19[%dma_wait3A_2011] : memref<10000xf32, #tpu.memory_space<vmem_shared>> -> memref<10000xf32, #tpu.memory_space<vmem_shared>>
      tpu.wait_indirect_dma semaphore(%arg22 : memref<!tpu.dma_semaphore, #tpu.memory_space<semaphore_mem>>) src(%arg14 : memref<80xf32, #tpu.memory_space<vmem>>) dst(%dma_wait3A_2012 : memref<10000xf32, #tpu.memory_space<vmem_shared>>)
      %scan3A_2013 = arith.constant 0 : i32
      scf.yield %scan3A_2013 : i32
    }
    %scan3A_65 = arith.constant 5 : i32
    %dma_wait3A = arith.constant 0 : i32
    %dma_wait3A_66 = arith.constant 1 : i32
    %dma_wait3A_67 = arith.constant 1 : i32
    %dma_wait3A_68 = arith.constant 0 : i32
    %dma_wait3A_69 = arith.constant 0 : i32
    %dma_wait3A_70 = tpu.memref_slice %arg11[%dma_wait3A_66, %dma_wait3A_68, %dma_wait3A_69] : memref<2x25x80xi32, #tpu.memory_space<vmem>> -> memref<1x25x80xi32, #tpu.memory_space<vmem>>
    %dma_wait3A_71 = tpu.memref_squeeze %dma_wait3A_70 : memref<1x25x80xi32, #tpu.memory_space<vmem>> -> memref<25x80xi32, #tpu.memory_space<vmem>>
    %dma_wait3A_72 = arith.constant 0 : i32
    %dma_wait3A_73 = arith.constant 0 : i32
    %dma_wait3A_74 = tpu.memref_slice %arg2[%add3A, %dma_wait3A, %dma_wait3A_72, %dma_wait3A_73] : memref<32x5x25x80xi32, #tpu.memory_space<hbm>> -> memref<1x1x25x80xi32, #tpu.memory_space<hbm>>
    %dma_wait3A_75 = tpu.memref_squeeze %dma_wait3A_74 : memref<1x1x25x80xi32, #tpu.memory_space<hbm>> -> memref<25x80xi32, #tpu.memory_space<hbm>>
    %dma_wait3A_76 = tpu.memref_slice %arg26[%dma_wait3A_67] : memref<2x!tpu.dma_semaphore, #tpu.memory_space<semaphore_mem>> -> memref<1x!tpu.dma_semaphore, #tpu.memory_space<semaphore_mem>>
    %dma_wait3A_77 = tpu.memref_squeeze %dma_wait3A_76 : memref<1x!tpu.dma_semaphore, #tpu.memory_space<semaphore_mem>> -> memref<!tpu.dma_semaphore, #tpu.memory_space<semaphore_mem>>
    %dma_wait3A_78 = arith.constant 0 : i32
    %dma_wait3A_79 = arith.constant 0 : i32
    %dma_wait3A_80 = tpu.memref_slice %arg11[%dma_wait3A_66, %dma_wait3A_78, %dma_wait3A_79] : memref<2x25x80xi32, #tpu.memory_space<vmem>> -> memref<1x25x80xi32, #tpu.memory_space<vmem>>
    %dma_wait3A_81 = tpu.memref_squeeze %dma_wait3A_80 : memref<1x25x80xi32, #tpu.memory_space<vmem>> -> memref<25x80xi32, #tpu.memory_space<vmem>>
    %dma_wait3A_82 = arith.constant 0 : i32
    %dma_wait3A_83 = arith.constant 0 : i32
    %dma_wait3A_84 = tpu.memref_slice %arg2[%add3A, %dma_wait3A, %dma_wait3A_82, %dma_wait3A_83] : memref<32x5x25x80xi32, #tpu.memory_space<hbm>> -> memref<1x1x25x80xi32, #tpu.memory_space<hbm>>
    %dma_wait3A_85 = tpu.memref_squeeze %dma_wait3A_84 : memref<1x1x25x80xi32, #tpu.memory_space<hbm>> -> memref<25x80xi32, #tpu.memory_space<hbm>>
    tpu.wait_dma2 semaphore(%dma_wait3A_77 : memref<!tpu.dma_semaphore, #tpu.memory_space<semaphore_mem>>) src(%dma_wait3A_85 : memref<25x80xi32, #tpu.memory_space<hbm>>) dst(%dma_wait3A_81 : memref<25x80xi32, #tpu.memory_space<vmem>>)
    %dma_wait3A_86 = arith.constant 0 : i32
    %dma_wait3A_87 = arith.constant 1 : i32
    %dma_wait3A_88 = arith.constant 1 : i32
    %dma_wait3A_89 = arith.constant 0 : i32
    %dma_wait3A_90 = arith.constant 0 : i32
    %dma_wait3A_91 = tpu.memref_slice %arg12[%dma_wait3A_87, %dma_wait3A_89, %dma_wait3A_90] : memref<2x25x80xi32, #tpu.memory_space<vmem>> -> memref<1x25x80xi32, #tpu.memory_space<vmem>>
    %dma_wait3A_92 = tpu.memref_squeeze %dma_wait3A_91 : memref<1x25x80xi32, #tpu.memory_space<vmem>> -> memref<25x80xi32, #tpu.memory_space<vmem>>
    %dma_wait3A_93 = arith.constant 0 : i32
    %dma_wait3A_94 = arith.constant 0 : i32
    %dma_wait3A_95 = tpu.memref_slice %arg3[%add3A, %dma_wait3A_86, %dma_wait3A_93, %dma_wait3A_94] : memref<32x5x25x80xi32, #tpu.memory_space<hbm>> -> memref<1x1x25x80xi32, #tpu.memory_space<hbm>>
    %dma_wait3A_96 = tpu.memref_squeeze %dma_wait3A_95 : memref<1x1x25x80xi32, #tpu.memory_space<hbm>> -> memref<25x80xi32, #tpu.memory_space<hbm>>
    %dma_wait3A_97 = tpu.memref_slice %arg27[%dma_wait3A_88] : memref<2x!tpu.dma_semaphore, #tpu.memory_space<semaphore_mem>> -> memref<1x!tpu.dma_semaphore, #tpu.memory_space<semaphore_mem>>
    %dma_wait3A_98 = tpu.memref_squeeze %dma_wait3A_97 : memref<1x!tpu.dma_semaphore, #tpu.memory_space<semaphore_mem>> -> memref<!tpu.dma_semaphore, #tpu.memory_space<semaphore_mem>>
    %dma_wait3A_99 = arith.constant 0 : i32
    %dma_wait3A_100 = arith.constant 0 : i32
    %dma_wait3A_101 = tpu.memref_slice %arg12[%dma_wait3A_87, %dma_wait3A_99, %dma_wait3A_100] : memref<2x25x80xi32, #tpu.memory_space<vmem>> -> memref<1x25x80xi32, #tpu.memory_space<vmem>>
    %dma_wait3A_102 = tpu.memref_squeeze %dma_wait3A_101 : memref<1x25x80xi32, #tpu.memory_space<vmem>> -> memref<25x80xi32, #tpu.memory_space<vmem>>
    %dma_wait3A_103 = arith.constant 0 : i32
    %dma_wait3A_104 = arith.constant 0 : i32
    %dma_wait3A_105 = tpu.memref_slice %arg3[%add3A, %dma_wait3A_86, %dma_wait3A_103, %dma_wait3A_104] : memref<32x5x25x80xi32, #tpu.memory_space<hbm>> -> memref<1x1x25x80xi32, #tpu.memory_space<hbm>>
    %dma_wait3A_106 = tpu.memref_squeeze %dma_wait3A_105 : memref<1x1x25x80xi32, #tpu.memory_space<hbm>> -> memref<25x80xi32, #tpu.memory_space<hbm>>
    tpu.wait_dma2 semaphore(%dma_wait3A_98 : memref<!tpu.dma_semaphore, #tpu.memory_space<semaphore_mem>>) src(%dma_wait3A_106 : memref<25x80xi32, #tpu.memory_space<hbm>>) dst(%dma_wait3A_102 : memref<25x80xi32, #tpu.memory_space<vmem>>)
    %barrier3A_107 = arith.constant 0 : index
    tpu.barrier barrier_id(%barrier3A_107)
    %mul3A_108 = arith.constant 8 : i32
    %mul3A_109 = arith.muli %arg1, %mul3A_108 : i32
    "tpu.region"() ({
      %run_scoped3A = tpu.sem_alloc : memref<!tpu.dma_semaphore, #tpu.memory_space<semaphore_mem>>
      %dma_start3A_126 = arith.constant 0 : i32
      %dma_start3A_127 = tpu.memref_slice %arg4[%mul3A_109, %dma_start3A_126] : memref<128x80xi32, #tpu.memory_space<hbm>> -> memref<8x80xi32, #tpu.memory_space<hbm>>
      %dma_start3A_128 = arith.constant 0 : i32
      %dma_start3A_129 = tpu.memref_slice %arg4[%mul3A_109, %dma_start3A_128] : memref<128x80xi32, #tpu.memory_space<hbm>> -> memref<8x80xi32, #tpu.memory_space<hbm>>
      tpu.enqueue_dma source(%dma_start3A_129 : memref<8x80xi32, #tpu.memory_space<hbm>>) target(%arg15 : memref<8x80xi32, #tpu.memory_space<vmem>>) target_semaphore(%run_scoped3A : memref<!tpu.dma_semaphore, #tpu.memory_space<semaphore_mem>>)
      %dma_wait3A_130 = arith.constant 0 : i32
      %dma_wait3A_131 = tpu.memref_slice %arg4[%mul3A_109, %dma_wait3A_130] : memref<128x80xi32, #tpu.memory_space<hbm>> -> memref<8x80xi32, #tpu.memory_space<hbm>>
      %dma_wait3A_132 = arith.constant 0 : i32
      %dma_wait3A_133 = tpu.memref_slice %arg4[%mul3A_109, %dma_wait3A_132] : memref<128x80xi32, #tpu.memory_space<hbm>> -> memref<8x80xi32, #tpu.memory_space<hbm>>
      tpu.wait_dma2 semaphore(%run_scoped3A : memref<!tpu.dma_semaphore, #tpu.memory_space<semaphore_mem>>) src(%dma_wait3A_133 : memref<8x80xi32, #tpu.memory_space<hbm>>) dst(%arg15 : memref<8x80xi32, #tpu.memory_space<vmem>>)
      tpu.yield
    }) : () -> ()
    %scan3A_110 = arith.constant 0 : i32
    %scan3A_111 = arith.constant 0 : i32
    %scan3A_112 = arith.constant 4 : i32
    %scan3A_113 = arith.addi %scan3A_111, %scan3A_112 : i32
    %scan3A_114 = arith.constant 1 : i32
    %scan3A_115 = scf.for %scan3A_126 = %scan3A_111 to %scan3A_113 step %scan3A_114 iter_args(%scan3A_127 = %scan3A_110) -> (i32)  : i32 {
      %mul3A_128 = arith.constant 2 : i32
      %mul3A_129 = arith.muli %mul3A_128, %scan3A_126 : i32
      %add3A_130 = arith.addi %mul3A_109, %mul3A_129 : i32
      %mul3A_131 = arith.constant 80 : i32
      %mul3A_132 = arith.muli %add3A_130, %mul3A_131 : i32
      %dma_start3A_133 = arith.constant 0 : i32
      %dma_start3A_134 = arith.constant 0 : i32
      %dma_start3A_135 = arith.constant 0 : i32
      %dma_start3A_136 = arith.constant 0 : i32
      %dma_start3A_137 = tpu.memref_slice %arg13[%dma_start3A_133, %dma_start3A_135, %dma_start3A_136] : memref<2x80x128xf32, #tpu.memory_space<vmem>> -> memref<1x80x128xf32, #tpu.memory_space<vmem>>
      %dma_start3A_138 = tpu.memref_squeeze %dma_start3A_137 : memref<1x80x128xf32, #tpu.memory_space<vmem>> -> memref<80x128xf32, #tpu.memory_space<vmem>>
      %dma_start3A_139 = arith.constant 0 : i32
      %dma_start3A_140 = tpu.memref_slice %arg15[%mul3A_129, %dma_start3A_139] : memref<8x80xi32, #tpu.memory_space<vmem>> -> memref<1x80xi32, #tpu.memory_space<vmem>>
      %dma_start3A_141 = tpu.memref_squeeze %dma_start3A_140 : memref<1x80xi32, #tpu.memory_space<vmem>> -> memref<80xi32, #tpu.memory_space<vmem>>
      %dma_start3A_142 = arith.constant 0 : i32
      %dma_start3A_143 = arith.constant 0 : i32
      %dma_start3A_144 = tpu.memref_slice %arg18[%dma_start3A_142, %dma_start3A_143] : memref<10000x128xf32, #tpu.memory_space<vmem_shared>> -> memref<10000x128xf32, #tpu.memory_space<vmem_shared>>
      %dma_start3A_145 = tpu.memref_slice %arg20[%dma_start3A_134] : memref<2x!tpu.dma_semaphore, #tpu.memory_space<semaphore_mem>> -> memref<1x!tpu.dma_semaphore, #tpu.memory_space<semaphore_mem>>
      %dma_start3A_146 = tpu.memref_squeeze %dma_start3A_145 : memref<1x!tpu.dma_semaphore, #tpu.memory_space<semaphore_mem>> -> memref<!tpu.dma_semaphore, #tpu.memory_space<semaphore_mem>>
      tpu.enqueue_indirect_dma source(%dma_start3A_144 : memref<10000x128xf32, #tpu.memory_space<vmem_shared>>) target(%dma_start3A_138 : memref<80x128xf32, #tpu.memory_space<vmem>>) offsets(%dma_start3A_141 : memref<80xi32, #tpu.memory_space<vmem>>) semaphore(%dma_start3A_146 : memref<!tpu.dma_semaphore, #tpu.memory_space<semaphore_mem>>)
      %dma_start3A_147 = arith.constant 0 : i32
      %dma_start3A_148 = arith.constant 0 : i32
      %dma_start3A_149 = tpu.memref_slice %arg16[%dma_start3A_147, %dma_start3A_148] : memref<2x80xf32, #tpu.memory_space<vmem>> -> memref<1x80xf32, #tpu.memory_space<vmem>>
      %dma_start3A_150 = tpu.memref_squeeze %dma_start3A_149 : memref<1x80xf32, #tpu.memory_space<vmem>> -> memref<80xf32, #tpu.memory_space<vmem>>
      %dma_start3A_151 = arith.constant 0 : i32
      %dma_start3A_152 = tpu.memref_slice %arg15[%mul3A_129, %dma_start3A_151] : memref<8x80xi32, #tpu.memory_space<vmem>> -> memref<1x80xi32, #tpu.memory_space<vmem>>
      %dma_start3A_153 = tpu.memref_squeeze %dma_start3A_152 : memref<1x80xi32, #tpu.memory_space<vmem>> -> memref<80xi32, #tpu.memory_space<vmem>>
      %dma_start3A_154 = arith.constant 0 : i32
      %dma_start3A_155 = tpu.memref_slice %arg19[%dma_start3A_154] : memref<10000xf32, #tpu.memory_space<vmem_shared>> -> memref<10000xf32, #tpu.memory_space<vmem_shared>>
      tpu.enqueue_indirect_dma source(%dma_start3A_155 : memref<10000xf32, #tpu.memory_space<vmem_shared>>) target(%dma_start3A_150 : memref<80xf32, #tpu.memory_space<vmem>>) offsets(%dma_start3A_153 : memref<80xi32, #tpu.memory_space<vmem>>) semaphore(%arg22 : memref<!tpu.dma_semaphore, #tpu.memory_space<semaphore_mem>>)
      %add3A_156 = arith.constant 1 : i32
      %add3A_157 = arith.addi %mul3A_129, %add3A_156 : i32
      %dma_start3A_158 = arith.constant 1 : i32
      %dma_start3A_159 = arith.constant 1 : i32
      %dma_start3A_160 = arith.constant 0 : i32
      %dma_start3A_161 = arith.constant 0 : i32
      %dma_start3A_162 = tpu.memref_slice %arg13[%dma_start3A_158, %dma_start3A_160, %dma_start3A_161] : memref<2x80x128xf32, #tpu.memory_space<vmem>> -> memref<1x80x128xf32, #tpu.memory_space<vmem>>
      %dma_start3A_163 = tpu.memref_squeeze %dma_start3A_162 : memref<1x80x128xf32, #tpu.memory_space<vmem>> -> memref<80x128xf32, #tpu.memory_space<vmem>>
      %dma_start3A_164 = arith.constant 0 : i32
      %dma_start3A_165 = tpu.memref_slice %arg15[%add3A_157, %dma_start3A_164] : memref<8x80xi32, #tpu.memory_space<vmem>> -> memref<1x80xi32, #tpu.memory_space<vmem>>
      %dma_start3A_166 = tpu.memref_squeeze %dma_start3A_165 : memref<1x80xi32, #tpu.memory_space<vmem>> -> memref<80xi32, #tpu.memory_space<vmem>>
      %dma_start3A_167 = arith.constant 0 : i32
      %dma_start3A_168 = arith.constant 0 : i32
      %dma_start3A_169 = tpu.memref_slice %arg18[%dma_start3A_167, %dma_start3A_168] : memref<10000x128xf32, #tpu.memory_space<vmem_shared>> -> memref<10000x128xf32, #tpu.memory_space<vmem_shared>>
      %dma_start3A_170 = tpu.memref_slice %arg20[%dma_start3A_159] : memref<2x!tpu.dma_semaphore, #tpu.memory_space<semaphore_mem>> -> memref<1x!tpu.dma_semaphore, #tpu.memory_space<semaphore_mem>>
      %dma_start3A_171 = tpu.memref_squeeze %dma_start3A_170 : memref<1x!tpu.dma_semaphore, #tpu.memory_space<semaphore_mem>> -> memref<!tpu.dma_semaphore, #tpu.memory_space<semaphore_mem>>
      tpu.enqueue_indirect_dma source(%dma_start3A_169 : memref<10000x128xf32, #tpu.memory_space<vmem_shared>>) target(%dma_start3A_163 : memref<80x128xf32, #tpu.memory_space<vmem>>) offsets(%dma_start3A_166 : memref<80xi32, #tpu.memory_space<vmem>>) semaphore(%dma_start3A_171 : memref<!tpu.dma_semaphore, #tpu.memory_space<semaphore_mem>>)
      %add3A_172 = arith.constant 1 : i32
      %add3A_173 = arith.addi %mul3A_129, %add3A_172 : i32
      %dma_start3A_174 = arith.constant 1 : i32
      %dma_start3A_175 = arith.constant 0 : i32
      %dma_start3A_176 = tpu.memref_slice %arg16[%dma_start3A_174, %dma_start3A_175] : memref<2x80xf32, #tpu.memory_space<vmem>> -> memref<1x80xf32, #tpu.memory_space<vmem>>
      %dma_start3A_177 = tpu.memref_squeeze %dma_start3A_176 : memref<1x80xf32, #tpu.memory_space<vmem>> -> memref<80xf32, #tpu.memory_space<vmem>>
      %dma_start3A_178 = arith.constant 0 : i32
      %dma_start3A_179 = tpu.memref_slice %arg15[%add3A_173, %dma_start3A_178] : memref<8x80xi32, #tpu.memory_space<vmem>> -> memref<1x80xi32, #tpu.memory_space<vmem>>
      %dma_start3A_180 = tpu.memref_squeeze %dma_start3A_179 : memref<1x80xi32, #tpu.memory_space<vmem>> -> memref<80xi32, #tpu.memory_space<vmem>>
      %dma_start3A_181 = arith.constant 0 : i32
      %dma_start3A_182 = tpu.memref_slice %arg19[%dma_start3A_181] : memref<10000xf32, #tpu.memory_space<vmem_shared>> -> memref<10000xf32, #tpu.memory_space<vmem_shared>>
      tpu.enqueue_indirect_dma source(%dma_start3A_182 : memref<10000xf32, #tpu.memory_space<vmem_shared>>) target(%dma_start3A_177 : memref<80xf32, #tpu.memory_space<vmem>>) offsets(%dma_start3A_180 : memref<80xi32, #tpu.memory_space<vmem>>) semaphore(%arg24 : memref<!tpu.dma_semaphore, #tpu.memory_space<semaphore_mem>>)
      %dma_wait3A_183 = arith.constant 0 : i32
      %dma_wait3A_184 = arith.constant 0 : i32
      %dma_wait3A_185 = arith.constant 0 : i32
      %dma_wait3A_186 = arith.constant 0 : i32
      %dma_wait3A_187 = tpu.memref_slice %arg13[%dma_wait3A_183, %dma_wait3A_185, %dma_wait3A_186] : memref<2x80x128xf32, #tpu.memory_space<vmem>> -> memref<1x80x128xf32, #tpu.memory_space<vmem>>
      %dma_wait3A_188 = tpu.memref_squeeze %dma_wait3A_187 : memref<1x80x128xf32, #tpu.memory_space<vmem>> -> memref<80x128xf32, #tpu.memory_space<vmem>>
      %dma_wait3A_189 = arith.constant 0 : i32
      %dma_wait3A_190 = tpu.memref_slice %arg15[%mul3A_129, %dma_wait3A_189] : memref<8x80xi32, #tpu.memory_space<vmem>> -> memref<1x80xi32, #tpu.memory_space<vmem>>
      %dma_wait3A_191 = tpu.memref_squeeze %dma_wait3A_190 : memref<1x80xi32, #tpu.memory_space<vmem>> -> memref<80xi32, #tpu.memory_space<vmem>>
      %dma_wait3A_192 = arith.constant 0 : i32
      %dma_wait3A_193 = arith.constant 0 : i32
      %dma_wait3A_194 = tpu.memref_slice %arg18[%dma_wait3A_192, %dma_wait3A_193] : memref<10000x128xf32, #tpu.memory_space<vmem_shared>> -> memref<10000x128xf32, #tpu.memory_space<vmem_shared>>
      %dma_wait3A_195 = tpu.memref_slice %arg20[%dma_wait3A_184] : memref<2x!tpu.dma_semaphore, #tpu.memory_space<semaphore_mem>> -> memref<1x!tpu.dma_semaphore, #tpu.memory_space<semaphore_mem>>
      %dma_wait3A_196 = tpu.memref_squeeze %dma_wait3A_195 : memref<1x!tpu.dma_semaphore, #tpu.memory_space<semaphore_mem>> -> memref<!tpu.dma_semaphore, #tpu.memory_space<semaphore_mem>>
      tpu.wait_indirect_dma semaphore(%dma_wait3A_196 : memref<!tpu.dma_semaphore, #tpu.memory_space<semaphore_mem>>) src(%dma_wait3A_194 : memref<10000x128xf32, #tpu.memory_space<vmem_shared>>) dst(%dma_wait3A_188 : memref<80x128xf32, #tpu.memory_space<vmem>>)
      %dma_start3A_197 = arith.constant 0 : i32
      %dma_start3A_198 = arith.constant 0 : i32
      %dma_start3A_199 = arith.constant 0 : i32
      %dma_start3A_200 = tpu.memref_slice %arg13[%dma_start3A_197, %dma_start3A_198, %dma_start3A_199] : memref<2x80x128xf32, #tpu.memory_space<vmem>> -> memref<1x80x128xf32, #tpu.memory_space<vmem>>
      %dma_start3A_201 = tpu.memref_squeeze %dma_start3A_200 : memref<1x80x128xf32, #tpu.memory_space<vmem>> -> memref<80x128xf32, #tpu.memory_space<vmem>>
      %dma_start3A_202 = arith.constant 0 : i32
      %dma_start3A_203 = tpu.memref_slice %arg8[%arg0, %mul3A_132, %dma_start3A_202] : memref<2x10240x128xf32, #tpu.memory_space<hbm>> -> memref<1x80x128xf32, #tpu.memory_space<hbm>>
      %dma_start3A_204 = tpu.memref_squeeze %dma_start3A_203 : memref<1x80x128xf32, #tpu.memory_space<hbm>> -> memref<80x128xf32, #tpu.memory_space<hbm>>
      %dma_start3A_205 = arith.constant 0 : i32
      %dma_start3A_206 = tpu.memref_slice %arg8[%arg0, %mul3A_132, %dma_start3A_205] : memref<2x10240x128xf32, #tpu.memory_space<hbm>> -> memref<1x80x128xf32, #tpu.memory_space<hbm>>
      %dma_start3A_207 = tpu.memref_squeeze %dma_start3A_206 : memref<1x80x128xf32, #tpu.memory_space<hbm>> -> memref<80x128xf32, #tpu.memory_space<hbm>>
      %dma_start3A_208 = arith.constant 0 : i32
      %dma_start3A_209 = arith.constant 0 : i32
      %dma_start3A_210 = tpu.memref_slice %arg13[%dma_start3A_197, %dma_start3A_208, %dma_start3A_209] : memref<2x80x128xf32, #tpu.memory_space<vmem>> -> memref<1x80x128xf32, #tpu.memory_space<vmem>>
      %dma_start3A_211 = tpu.memref_squeeze %dma_start3A_210 : memref<1x80x128xf32, #tpu.memory_space<vmem>> -> memref<80x128xf32, #tpu.memory_space<vmem>>
      tpu.enqueue_dma source(%dma_start3A_211 : memref<80x128xf32, #tpu.memory_space<vmem>>) target(%dma_start3A_207 : memref<80x128xf32, #tpu.memory_space<hbm>>) target_semaphore(%arg23 : memref<!tpu.dma_semaphore, #tpu.memory_space<semaphore_mem>>)
      %dma_wait3A_212 = arith.constant 1 : i32
      %dma_wait3A_213 = arith.constant 1 : i32
      %dma_wait3A_214 = arith.constant 0 : i32
      %dma_wait3A_215 = arith.constant 0 : i32
      %dma_wait3A_216 = tpu.memref_slice %arg13[%dma_wait3A_212, %dma_wait3A_214, %dma_wait3A_215] : memref<2x80x128xf32, #tpu.memory_space<vmem>> -> memref<1x80x128xf32, #tpu.memory_space<vmem>>
      %dma_wait3A_217 = tpu.memref_squeeze %dma_wait3A_216 : memref<1x80x128xf32, #tpu.memory_space<vmem>> -> memref<80x128xf32, #tpu.memory_space<vmem>>
      %dma_wait3A_218 = arith.constant 0 : i32
      %dma_wait3A_219 = tpu.memref_slice %arg15[%add3A_157, %dma_wait3A_218] : memref<8x80xi32, #tpu.memory_space<vmem>> -> memref<1x80xi32, #tpu.memory_space<vmem>>
      %dma_wait3A_220 = tpu.memref_squeeze %dma_wait3A_219 : memref<1x80xi32, #tpu.memory_space<vmem>> -> memref<80xi32, #tpu.memory_space<vmem>>
      %dma_wait3A_221 = arith.constant 0 : i32
      %dma_wait3A_222 = arith.constant 0 : i32
      %dma_wait3A_223 = tpu.memref_slice %arg18[%dma_wait3A_221, %dma_wait3A_222] : memref<10000x128xf32, #tpu.memory_space<vmem_shared>> -> memref<10000x128xf32, #tpu.memory_space<vmem_shared>>
      %dma_wait3A_224 = tpu.memref_slice %arg20[%dma_wait3A_213] : memref<2x!tpu.dma_semaphore, #tpu.memory_space<semaphore_mem>> -> memref<1x!tpu.dma_semaphore, #tpu.memory_space<semaphore_mem>>
      %dma_wait3A_225 = tpu.memref_squeeze %dma_wait3A_224 : memref<1x!tpu.dma_semaphore, #tpu.memory_space<semaphore_mem>> -> memref<!tpu.dma_semaphore, #tpu.memory_space<semaphore_mem>>
      tpu.wait_indirect_dma semaphore(%dma_wait3A_225 : memref<!tpu.dma_semaphore, #tpu.memory_space<semaphore_mem>>) src(%dma_wait3A_223 : memref<10000x128xf32, #tpu.memory_space<vmem_shared>>) dst(%dma_wait3A_217 : memref<80x128xf32, #tpu.memory_space<vmem>>)
      %add3A_226 = arith.constant 80 : i32
      %add3A_227 = arith.addi %mul3A_132, %add3A_226 : i32
      %dma_start3A_228 = arith.constant 1 : i32
      %dma_start3A_229 = arith.constant 0 : i32
      %dma_start3A_230 = arith.constant 0 : i32
      %dma_start3A_231 = tpu.memref_slice %arg13[%dma_start3A_228, %dma_start3A_229, %dma_start3A_230] : memref<2x80x128xf32, #tpu.memory_space<vmem>> -> memref<1x80x128xf32, #tpu.memory_space<vmem>>
      %dma_start3A_232 = tpu.memref_squeeze %dma_start3A_231 : memref<1x80x128xf32, #tpu.memory_space<vmem>> -> memref<80x128xf32, #tpu.memory_space<vmem>>
      %dma_start3A_233 = arith.constant 0 : i32
      %dma_start3A_234 = tpu.memref_slice %arg8[%arg0, %add3A_227, %dma_start3A_233] : memref<2x10240x128xf32, #tpu.memory_space<hbm>> -> memref<1x80x128xf32, #tpu.memory_space<hbm>>
      %dma_start3A_235 = tpu.memref_squeeze %dma_start3A_234 : memref<1x80x128xf32, #tpu.memory_space<hbm>> -> memref<80x128xf32, #tpu.memory_space<hbm>>
      %dma_start3A_236 = arith.constant 0 : i32
      %dma_start3A_237 = tpu.memref_slice %arg8[%arg0, %add3A_227, %dma_start3A_236] : memref<2x10240x128xf32, #tpu.memory_space<hbm>> -> memref<1x80x128xf32, #tpu.memory_space<hbm>>
      %dma_start3A_238 = tpu.memref_squeeze %dma_start3A_237 : memref<1x80x128xf32, #tpu.memory_space<hbm>> -> memref<80x128xf32, #tpu.memory_space<hbm>>
      %dma_start3A_239 = arith.constant 0 : i32
      %dma_start3A_240 = arith.constant 0 : i32
      %dma_start3A_241 = tpu.memref_slice %arg13[%dma_start3A_228, %dma_start3A_239, %dma_start3A_240] : memref<2x80x128xf32, #tpu.memory_space<vmem>> -> memref<1x80x128xf32, #tpu.memory_space<vmem>>
      %dma_start3A_242 = tpu.memref_squeeze %dma_start3A_241 : memref<1x80x128xf32, #tpu.memory_space<vmem>> -> memref<80x128xf32, #tpu.memory_space<vmem>>
      tpu.enqueue_dma source(%dma_start3A_242 : memref<80x128xf32, #tpu.memory_space<vmem>>) target(%dma_start3A_238 : memref<80x128xf32, #tpu.memory_space<hbm>>) target_semaphore(%arg23 : memref<!tpu.dma_semaphore, #tpu.memory_space<semaphore_mem>>)
      %dma_wait3A_243 = arith.constant 0 : i32
      %dma_wait3A_244 = arith.constant 0 : i32
      %dma_wait3A_245 = tpu.memref_slice %arg16[%dma_wait3A_243, %dma_wait3A_244] : memref<2x80xf32, #tpu.memory_space<vmem>> -> memref<1x80xf32, #tpu.memory_space<vmem>>
      %dma_wait3A_246 = tpu.memref_squeeze %dma_wait3A_245 : memref<1x80xf32, #tpu.memory_space<vmem>> -> memref<80xf32, #tpu.memory_space<vmem>>
      %dma_wait3A_247 = arith.constant 0 : i32
      %dma_wait3A_248 = tpu.memref_slice %arg15[%mul3A_129, %dma_wait3A_247] : memref<8x80xi32, #tpu.memory_space<vmem>> -> memref<1x80xi32, #tpu.memory_space<vmem>>
      %dma_wait3A_249 = tpu.memref_squeeze %dma_wait3A_248 : memref<1x80xi32, #tpu.memory_space<vmem>> -> memref<80xi32, #tpu.memory_space<vmem>>
      %dma_wait3A_250 = arith.constant 0 : i32
      %dma_wait3A_251 = tpu.memref_slice %arg19[%dma_wait3A_250] : memref<10000xf32, #tpu.memory_space<vmem_shared>> -> memref<10000xf32, #tpu.memory_space<vmem_shared>>
      tpu.wait_indirect_dma semaphore(%arg22 : memref<!tpu.dma_semaphore, #tpu.memory_space<semaphore_mem>>) src(%dma_wait3A_251 : memref<10000xf32, #tpu.memory_space<vmem_shared>>) dst(%dma_wait3A_246 : memref<80xf32, #tpu.memory_space<vmem>>)
      %dma_wait3A_252 = arith.constant 1 : i32
      %dma_wait3A_253 = arith.constant 0 : i32
      %dma_wait3A_254 = tpu.memref_slice %arg16[%dma_wait3A_252, %dma_wait3A_253] : memref<2x80xf32, #tpu.memory_space<vmem>> -> memref<1x80xf32, #tpu.memory_space<vmem>>
      %dma_wait3A_255 = tpu.memref_squeeze %dma_wait3A_254 : memref<1x80xf32, #tpu.memory_space<vmem>> -> memref<80xf32, #tpu.memory_space<vmem>>
      %dma_wait3A_256 = arith.constant 0 : i32
      %dma_wait3A_257 = tpu.memref_slice %arg15[%add3A_173, %dma_wait3A_256] : memref<8x80xi32, #tpu.memory_space<vmem>> -> memref<1x80xi32, #tpu.memory_space<vmem>>
      %dma_wait3A_258 = tpu.memref_squeeze %dma_wait3A_257 : memref<1x80xi32, #tpu.memory_space<vmem>> -> memref<80xi32, #tpu.memory_space<vmem>>
      %dma_wait3A_259 = arith.constant 0 : i32
      %dma_wait3A_260 = tpu.memref_slice %arg19[%dma_wait3A_259] : memref<10000xf32, #tpu.memory_space<vmem_shared>> -> memref<10000xf32, #tpu.memory_space<vmem_shared>>
      tpu.wait_indirect_dma semaphore(%arg24 : memref<!tpu.dma_semaphore, #tpu.memory_space<semaphore_mem>>) src(%dma_wait3A_260 : memref<10000xf32, #tpu.memory_space<vmem_shared>>) dst(%dma_wait3A_255 : memref<80xf32, #tpu.memory_space<vmem>>)
      %eq3A_261 = arith.constant 0 : i32
      %eq3A_262 = arith.cmpi eq, %arg0, %eq3A_261 : i32
      %convert_element_type3A_263 = arith.extui %eq3A_262 : i1 to i32
      %cond3A_264 = arith.constant 0 : i32
      %cond3A_265 = arith.cmpi ne, %convert_element_type3A_263, %cond3A_264 : i32
      scf.if %cond3A_265 {
        %run_scoped3A = arith.constant 0 : i32
        "tpu.region"() ({
          %run_scoped3A_305 = tpu.sem_alloc : memref<!tpu.dma_semaphore, #tpu.memory_space<semaphore_mem>>
          %dma_start3A_306 = arith.constant 0 : i32
          %dma_start3A_307 = tpu.memref_slice %arg16[%run_scoped3A, %dma_start3A_306] : memref<2x80xf32, #tpu.memory_space<vmem>> -> memref<1x80xf32, #tpu.memory_space<vmem>>
          %dma_start3A_308 = tpu.memref_squeeze %dma_start3A_307 : memref<1x80xf32, #tpu.memory_space<vmem>> -> memref<80xf32, #tpu.memory_space<vmem>>
          %dma_start3A_309 = tpu.memref_slice %arg9[%mul3A_132] : memref<10240xf32, #tpu.memory_space<hbm>> -> memref<80xf32, #tpu.memory_space<hbm>>
          %dma_start3A_310 = tpu.memref_slice %arg9[%mul3A_132] : memref<10240xf32, #tpu.memory_space<hbm>> -> memref<80xf32, #tpu.memory_space<hbm>>
          %dma_start3A_311 = arith.constant 0 : i32
          %dma_start3A_312 = tpu.memref_slice %arg16[%run_scoped3A, %dma_start3A_311] : memref<2x80xf32, #tpu.memory_space<vmem>> -> memref<1x80xf32, #tpu.memory_space<vmem>>
          %dma_start3A_313 = tpu.memref_squeeze %dma_start3A_312 : memref<1x80xf32, #tpu.memory_space<vmem>> -> memref<80xf32, #tpu.memory_space<vmem>>
          tpu.enqueue_dma source(%dma_start3A_313 : memref<80xf32, #tpu.memory_space<vmem>>) target(%dma_start3A_310 : memref<80xf32, #tpu.memory_space<hbm>>) target_semaphore(%run_scoped3A_305 : memref<!tpu.dma_semaphore, #tpu.memory_space<semaphore_mem>>)
          %dma_wait3A_314 = arith.constant 0 : i32
          %dma_wait3A_315 = tpu.memref_slice %arg16[%run_scoped3A, %dma_wait3A_314] : memref<2x80xf32, #tpu.memory_space<vmem>> -> memref<1x80xf32, #tpu.memory_space<vmem>>
          %dma_wait3A_316 = tpu.memref_squeeze %dma_wait3A_315 : memref<1x80xf32, #tpu.memory_space<vmem>> -> memref<80xf32, #tpu.memory_space<vmem>>
          %dma_wait3A_317 = tpu.memref_slice %arg9[%mul3A_132] : memref<10240xf32, #tpu.memory_space<hbm>> -> memref<80xf32, #tpu.memory_space<hbm>>
          %dma_wait3A_318 = tpu.memref_slice %arg9[%mul3A_132] : memref<10240xf32, #tpu.memory_space<hbm>> -> memref<80xf32, #tpu.memory_space<hbm>>
          %dma_wait3A_319 = arith.constant 0 : i32
          %dma_wait3A_320 = tpu.memref_slice %arg16[%run_scoped3A, %dma_wait3A_319] : memref<2x80xf32, #tpu.memory_space<vmem>> -> memref<1x80xf32, #tpu.memory_space<vmem>>
          %dma_wait3A_321 = tpu.memref_squeeze %dma_wait3A_320 : memref<1x80xf32, #tpu.memory_space<vmem>> -> memref<80xf32, #tpu.memory_space<vmem>>
          tpu.wait_dma2 semaphore(%run_scoped3A_305 : memref<!tpu.dma_semaphore, #tpu.memory_space<semaphore_mem>>) src(%dma_wait3A_321 : memref<80xf32, #tpu.memory_space<vmem>>) dst(%dma_wait3A_318 : memref<80xf32, #tpu.memory_space<hbm>>)
          tpu.yield
        }) : () -> ()
        %add3A_302 = arith.constant 80 : i32
        %add3A_303 = arith.addi %mul3A_132, %add3A_302 : i32
        %run_scoped3A_304 = arith.constant 1 : i32
        "tpu.region"() ({
          %run_scoped3A_305 = tpu.sem_alloc : memref<!tpu.dma_semaphore, #tpu.memory_space<semaphore_mem>>
          %dma_start3A_306 = arith.constant 0 : i32
          %dma_start3A_307 = tpu.memref_slice %arg16[%run_scoped3A_304, %dma_start3A_306] : memref<2x80xf32, #tpu.memory_space<vmem>> -> memref<1x80xf32, #tpu.memory_space<vmem>>
          %dma_start3A_308 = tpu.memref_squeeze %dma_start3A_307 : memref<1x80xf32, #tpu.memory_space<vmem>> -> memref<80xf32, #tpu.memory_space<vmem>>
          %dma_start3A_309 = tpu.memref_slice %arg9[%add3A_303] : memref<10240xf32, #tpu.memory_space<hbm>> -> memref<80xf32, #tpu.memory_space<hbm>>
          %dma_start3A_310 = tpu.memref_slice %arg9[%add3A_303] : memref<10240xf32, #tpu.memory_space<hbm>> -> memref<80xf32, #tpu.memory_space<hbm>>
          %dma_start3A_311 = arith.constant 0 : i32
          %dma_start3A_312 = tpu.memref_slice %arg16[%run_scoped3A_304, %dma_start3A_311] : memref<2x80xf32, #tpu.memory_space<vmem>> -> memref<1x80xf32, #tpu.memory_space<vmem>>
          %dma_start3A_313 = tpu.memref_squeeze %dma_start3A_312 : memref<1x80xf32, #tpu.memory_space<vmem>> -> memref<80xf32, #tpu.memory_space<vmem>>
          tpu.enqueue_dma source(%dma_start3A_313 : memref<80xf32, #tpu.memory_space<vmem>>) target(%dma_start3A_310 : memref<80xf32, #tpu.memory_space<hbm>>) target_semaphore(%run_scoped3A_305 : memref<!tpu.dma_semaphore, #tpu.memory_space<semaphore_mem>>)
          %dma_wait3A_314 = arith.constant 0 : i32
          %dma_wait3A_315 = tpu.memref_slice %arg16[%run_scoped3A_304, %dma_wait3A_314] : memref<2x80xf32, #tpu.memory_space<vmem>> -> memref<1x80xf32, #tpu.memory_space<vmem>>
          %dma_wait3A_316 = tpu.memref_squeeze %dma_wait3A_315 : memref<1x80xf32, #tpu.memory_space<vmem>> -> memref<80xf32, #tpu.memory_space<vmem>>
          %dma_wait3A_317 = tpu.memref_slice %arg9[%add3A_303] : memref<10240xf32, #tpu.memory_space<hbm>> -> memref<80xf32, #tpu.memory_space<hbm>>
          %dma_wait3A_318 = tpu.memref_slice %arg9[%add3A_303] : memref<10240xf32, #tpu.memory_space<hbm>> -> memref<80xf32, #tpu.memory_space<hbm>>
          %dma_wait3A_319 = arith.constant 0 : i32
          %dma_wait3A_320 = tpu.memref_slice %arg16[%run_scoped3A_304, %dma_wait3A_319] : memref<2x80xf32, #tpu.memory_space<vmem>> -> memref<1x80xf32, #tpu.memory_space<vmem>>
          %dma_wait3A_321 = tpu.memref_squeeze %dma_wait3A_320 : memref<1x80xf32, #tpu.memory_space<vmem>> -> memref<80xf32, #tpu.memory_space<vmem>>
          tpu.wait_dma2 semaphore(%run_scoped3A_305 : memref<!tpu.dma_semaphore, #tpu.memory_space<semaphore_mem>>) src(%dma_wait3A_321 : memref<80xf32, #tpu.memory_space<vmem>>) dst(%dma_wait3A_318 : memref<80xf32, #tpu.memory_space<hbm>>)
          tpu.yield
        }) : () -> ()
      } else {
      }
      %eq3A_266 = arith.constant 1 : i32
      %eq3A_267 = arith.cmpi eq, %arg0, %eq3A_266 : i32
      %convert_element_type3A_268 = arith.extui %eq3A_267 : i1 to i32
      %cond3A_269 = arith.constant 0 : i32
      %cond3A_270 = arith.cmpi ne, %convert_element_type3A_268, %cond3A_269 : i32
      scf.if %cond3A_270 {
        %run_scoped3A = arith.constant 0 : i32
        "tpu.region"() ({
          %run_scoped3A_305 = tpu.sem_alloc : memref<!tpu.dma_semaphore, #tpu.memory_space<semaphore_mem>>
          %dma_start3A_306 = arith.constant 0 : i32
          %dma_start3A_307 = tpu.memref_slice %arg16[%run_scoped3A, %dma_start3A_306] : memref<2x80xf32, #tpu.memory_space<vmem>> -> memref<1x80xf32, #tpu.memory_space<vmem>>
          %dma_start3A_308 = tpu.memref_squeeze %dma_start3A_307 : memref<1x80xf32, #tpu.memory_space<vmem>> -> memref<80xf32, #tpu.memory_space<vmem>>
          %dma_start3A_309 = tpu.memref_slice %arg10[%mul3A_132] : memref<10240xf32, #tpu.memory_space<hbm>> -> memref<80xf32, #tpu.memory_space<hbm>>
          %dma_start3A_310 = tpu.memref_slice %arg10[%mul3A_132] : memref<10240xf32, #tpu.memory_space<hbm>> -> memref<80xf32, #tpu.memory_space<hbm>>
          %dma_start3A_311 = arith.constant 0 : i32
          %dma_start3A_312 = tpu.memref_slice %arg16[%run_scoped3A, %dma_start3A_311] : memref<2x80xf32, #tpu.memory_space<vmem>> -> memref<1x80xf32, #tpu.memory_space<vmem>>
          %dma_start3A_313 = tpu.memref_squeeze %dma_start3A_312 : memref<1x80xf32, #tpu.memory_space<vmem>> -> memref<80xf32, #tpu.memory_space<vmem>>
          tpu.enqueue_dma source(%dma_start3A_313 : memref<80xf32, #tpu.memory_space<vmem>>) target(%dma_start3A_310 : memref<80xf32, #tpu.memory_space<hbm>>) target_semaphore(%run_scoped3A_305 : memref<!tpu.dma_semaphore, #tpu.memory_space<semaphore_mem>>)
          %dma_wait3A_314 = arith.constant 0 : i32
          %dma_wait3A_315 = tpu.memref_slice %arg16[%run_scoped3A, %dma_wait3A_314] : memref<2x80xf32, #tpu.memory_space<vmem>> -> memref<1x80xf32, #tpu.memory_space<vmem>>
          %dma_wait3A_316 = tpu.memref_squeeze %dma_wait3A_315 : memref<1x80xf32, #tpu.memory_space<vmem>> -> memref<80xf32, #tpu.memory_space<vmem>>
          %dma_wait3A_317 = tpu.memref_slice %arg10[%mul3A_132] : memref<10240xf32, #tpu.memory_space<hbm>> -> memref<80xf32, #tpu.memory_space<hbm>>
          %dma_wait3A_318 = tpu.memref_slice %arg10[%mul3A_132] : memref<10240xf32, #tpu.memory_space<hbm>> -> memref<80xf32, #tpu.memory_space<hbm>>
          %dma_wait3A_319 = arith.constant 0 : i32
          %dma_wait3A_320 = tpu.memref_slice %arg16[%run_scoped3A, %dma_wait3A_319] : memref<2x80xf32, #tpu.memory_space<vmem>> -> memref<1x80xf32, #tpu.memory_space<vmem>>
          %dma_wait3A_321 = tpu.memref_squeeze %dma_wait3A_320 : memref<1x80xf32, #tpu.memory_space<vmem>> -> memref<80xf32, #tpu.memory_space<vmem>>
          tpu.wait_dma2 semaphore(%run_scoped3A_305 : memref<!tpu.dma_semaphore, #tpu.memory_space<semaphore_mem>>) src(%dma_wait3A_321 : memref<80xf32, #tpu.memory_space<vmem>>) dst(%dma_wait3A_318 : memref<80xf32, #tpu.memory_space<hbm>>)
          tpu.yield
        }) : () -> ()
        %add3A_302 = arith.constant 80 : i32
        %add3A_303 = arith.addi %mul3A_132, %add3A_302 : i32
        %run_scoped3A_304 = arith.constant 1 : i32
        "tpu.region"() ({
          %run_scoped3A_305 = tpu.sem_alloc : memref<!tpu.dma_semaphore, #tpu.memory_space<semaphore_mem>>
          %dma_start3A_306 = arith.constant 0 : i32
          %dma_start3A_307 = tpu.memref_slice %arg16[%run_scoped3A_304, %dma_start3A_306] : memref<2x80xf32, #tpu.memory_space<vmem>> -> memref<1x80xf32, #tpu.memory_space<vmem>>
          %dma_start3A_308 = tpu.memref_squeeze %dma_start3A_307 : memref<1x80xf32, #tpu.memory_space<vmem>> -> memref<80xf32, #tpu.memory_space<vmem>>
          %dma_start3A_309 = tpu.memref_slice %arg10[%add3A_303] : memref<10240xf32, #tpu.memory_space<hbm>> -> memref<80xf32, #tpu.memory_space<hbm>>
          %dma_start3A_310 = tpu.memref_slice %arg10[%add3A_303] : memref<10240xf32, #tpu.memory_space<hbm>> -> memref<80xf32, #tpu.memory_space<hbm>>
          %dma_start3A_311 = arith.constant 0 : i32
          %dma_start3A_312 = tpu.memref_slice %arg16[%run_scoped3A_304, %dma_start3A_311] : memref<2x80xf32, #tpu.memory_space<vmem>> -> memref<1x80xf32, #tpu.memory_space<vmem>>
          %dma_start3A_313 = tpu.memref_squeeze %dma_start3A_312 : memref<1x80xf32, #tpu.memory_space<vmem>> -> memref<80xf32, #tpu.memory_space<vmem>>
          tpu.enqueue_dma source(%dma_start3A_313 : memref<80xf32, #tpu.memory_space<vmem>>) target(%dma_start3A_310 : memref<80xf32, #tpu.memory_space<hbm>>) target_semaphore(%run_scoped3A_305 : memref<!tpu.dma_semaphore, #tpu.memory_space<semaphore_mem>>)
          %dma_wait3A_314 = arith.constant 0 : i32
          %dma_wait3A_315 = tpu.memref_slice %arg16[%run_scoped3A_304, %dma_wait3A_314] : memref<2x80xf32, #tpu.memory_space<vmem>> -> memref<1x80xf32, #tpu.memory_space<vmem>>
          %dma_wait3A_316 = tpu.memref_squeeze %dma_wait3A_315 : memref<1x80xf32, #tpu.memory_space<vmem>> -> memref<80xf32, #tpu.memory_space<vmem>>
          %dma_wait3A_317 = tpu.memref_slice %arg10[%add3A_303] : memref<10240xf32, #tpu.memory_space<hbm>> -> memref<80xf32, #tpu.memory_space<hbm>>
          %dma_wait3A_318 = tpu.memref_slice %arg10[%add3A_303] : memref<10240xf32, #tpu.memory_space<hbm>> -> memref<80xf32, #tpu.memory_space<hbm>>
          %dma_wait3A_319 = arith.constant 0 : i32
          %dma_wait3A_320 = tpu.memref_slice %arg16[%run_scoped3A_304, %dma_wait3A_319] : memref<2x80xf32, #tpu.memory_space<vmem>> -> memref<1x80xf32, #tpu.memory_space<vmem>>
          %dma_wait3A_321 = tpu.memref_squeeze %dma_wait3A_320 : memref<1x80xf32, #tpu.memory_space<vmem>> -> memref<80xf32, #tpu.memory_space<vmem>>
          tpu.wait_dma2 semaphore(%run_scoped3A_305 : memref<!tpu.dma_semaphore, #tpu.memory_space<semaphore_mem>>) src(%dma_wait3A_321 : memref<80xf32, #tpu.memory_space<vmem>>) dst(%dma_wait3A_318 : memref<80xf32, #tpu.memory_space<hbm>>)
          tpu.yield
        }) : () -> ()
      } else {
      }
      %dma_wait3A_271 = arith.constant 0 : i32
      %dma_wait3A_272 = arith.constant 0 : i32
      %dma_wait3A_273 = arith.constant 0 : i32
      %dma_wait3A_274 = tpu.memref_slice %arg13[%dma_wait3A_271, %dma_wait3A_272, %dma_wait3A_273] : memref<2x80x128xf32, #tpu.memory_space<vmem>> -> memref<1x80x128xf32, #tpu.memory_space<vmem>>
      %dma_wait3A_275 = tpu.memref_squeeze %dma_wait3A_274 : memref<1x80x128xf32, #tpu.memory_space<vmem>> -> memref<80x128xf32, #tpu.memory_space<vmem>>
      %dma_wait3A_276 = arith.constant 0 : i32
      %dma_wait3A_277 = tpu.memref_slice %arg8[%arg0, %mul3A_132, %dma_wait3A_276] : memref<2x10240x128xf32, #tpu.memory_space<hbm>> -> memref<1x80x128xf32, #tpu.memory_space<hbm>>
      %dma_wait3A_278 = tpu.memref_squeeze %dma_wait3A_277 : memref<1x80x128xf32, #tpu.memory_space<hbm>> -> memref<80x128xf32, #tpu.memory_space<hbm>>
      %dma_wait3A_279 = arith.constant 0 : i32
      %dma_wait3A_280 = tpu.memref_slice %arg8[%arg0, %mul3A_132, %dma_wait3A_279] : memref<2x10240x128xf32, #tpu.memory_space<hbm>> -> memref<1x80x128xf32, #tpu.memory_space<hbm>>
      %dma_wait3A_281 = tpu.memref_squeeze %dma_wait3A_280 : memref<1x80x128xf32, #tpu.memory_space<hbm>> -> memref<80x128xf32, #tpu.memory_space<hbm>>
      %dma_wait3A_282 = arith.constant 0 : i32
      %dma_wait3A_283 = arith.constant 0 : i32
      %dma_wait3A_284 = tpu.memref_slice %arg13[%dma_wait3A_271, %dma_wait3A_282, %dma_wait3A_283] : memref<2x80x128xf32, #tpu.memory_space<vmem>> -> memref<1x80x128xf32, #tpu.memory_space<vmem>>
      %dma_wait3A_285 = tpu.memref_squeeze %dma_wait3A_284 : memref<1x80x128xf32, #tpu.memory_space<vmem>> -> memref<80x128xf32, #tpu.memory_space<vmem>>
      tpu.wait_dma2 semaphore(%arg23 : memref<!tpu.dma_semaphore, #tpu.memory_space<semaphore_mem>>) src(%dma_wait3A_285 : memref<80x128xf32, #tpu.memory_space<vmem>>) dst(%dma_wait3A_281 : memref<80x128xf32, #tpu.memory_space<hbm>>)
      %dma_wait3A_286 = arith.constant 1 : i32
      %dma_wait3A_287 = arith.constant 0 : i32
      %dma_wait3A_288 = arith.constant 0 : i32
      %dma_wait3A_289 = tpu.memref_slice %arg13[%dma_wait3A_286, %dma_wait3A_287, %dma_wait3A_288] : memref<2x80x128xf32, #tpu.memory_space<vmem>> -> memref<1x80x128xf32, #tpu.memory_space<vmem>>
      %dma_wait3A_290 = tpu.memref_squeeze %dma_wait3A_289 : memref<1x80x128xf32, #tpu.memory_space<vmem>> -> memref<80x128xf32, #tpu.memory_space<vmem>>
      %dma_wait3A_291 = arith.constant 0 : i32
      %dma_wait3A_292 = tpu.memref_slice %arg8[%arg0, %add3A_227, %dma_wait3A_291] : memref<2x10240x128xf32, #tpu.memory_space<hbm>> -> memref<1x80x128xf32, #tpu.memory_space<hbm>>
      %dma_wait3A_293 = tpu.memref_squeeze %dma_wait3A_292 : memref<1x80x128xf32, #tpu.memory_space<hbm>> -> memref<80x128xf32, #tpu.memory_space<hbm>>
      %dma_wait3A_294 = arith.constant 0 : i32
      %dma_wait3A_295 = tpu.memref_slice %arg8[%arg0, %add3A_227, %dma_wait3A_294] : memref<2x10240x128xf32, #tpu.memory_space<hbm>> -> memref<1x80x128xf32, #tpu.memory_space<hbm>>
      %dma_wait3A_296 = tpu.memref_squeeze %dma_wait3A_295 : memref<1x80x128xf32, #tpu.memory_space<hbm>> -> memref<80x128xf32, #tpu.memory_space<hbm>>
      %dma_wait3A_297 = arith.constant 0 : i32
      %dma_wait3A_298 = arith.constant 0 : i32
      %dma_wait3A_299 = tpu.memref_slice %arg13[%dma_wait3A_286, %dma_wait3A_297, %dma_wait3A_298] : memref<2x80x128xf32, #tpu.memory_space<vmem>> -> memref<1x80x128xf32, #tpu.memory_space<vmem>>
      %dma_wait3A_300 = tpu.memref_squeeze %dma_wait3A_299 : memref<1x80x128xf32, #tpu.memory_space<vmem>> -> memref<80x128xf32, #tpu.memory_space<vmem>>
      tpu.wait_dma2 semaphore(%arg23 : memref<!tpu.dma_semaphore, #tpu.memory_space<semaphore_mem>>) src(%dma_wait3A_300 : memref<80x128xf32, #tpu.memory_space<vmem>>) dst(%dma_wait3A_296 : memref<80x128xf32, #tpu.memory_space<hbm>>)
      %scan3A_301 = arith.constant 0 : i32
      scf.yield %scan3A_301 : i32
    }
    %scan3A_116 = arith.constant 4 : i32
    %mul3A_117 = arith.constant 4 : i32
    %mul3A_118 = arith.muli %add3A, %mul3A_117 : i32
    "tpu.region"() ({
      %run_scoped3A = tpu.sem_alloc : memref<!tpu.dma_semaphore, #tpu.memory_space<semaphore_mem>>
      %dma_start3A_126 = arith.constant 0 : i32
      %dma_start3A_127 = arith.constant 0 : i32
      %dma_start3A_128 = tpu.memref_slice %arg15[%dma_start3A_126, %dma_start3A_127] : memref<8x80xi32, #tpu.memory_space<vmem>> -> memref<4x80xi32, #tpu.memory_space<vmem>>
      %dma_start3A_129 = arith.constant 0 : i32
      %dma_start3A_130 = tpu.memref_slice %arg4[%mul3A_118, %dma_start3A_129] : memref<128x80xi32, #tpu.memory_space<hbm>> -> memref<4x80xi32, #tpu.memory_space<hbm>>
      %dma_start3A_131 = arith.constant 0 : i32
      %dma_start3A_132 = arith.constant 0 : i32
      %dma_start3A_133 = tpu.memref_slice %arg15[%dma_start3A_131, %dma_start3A_132] : memref<8x80xi32, #tpu.memory_space<vmem>> -> memref<4x80xi32, #tpu.memory_space<vmem>>
      %dma_start3A_134 = arith.constant 0 : i32
      %dma_start3A_135 = tpu.memref_slice %arg4[%mul3A_118, %dma_start3A_134] : memref<128x80xi32, #tpu.memory_space<hbm>> -> memref<4x80xi32, #tpu.memory_space<hbm>>
      tpu.enqueue_dma source(%dma_start3A_135 : memref<4x80xi32, #tpu.memory_space<hbm>>) target(%dma_start3A_133 : memref<4x80xi32, #tpu.memory_space<vmem>>) target_semaphore(%run_scoped3A : memref<!tpu.dma_semaphore, #tpu.memory_space<semaphore_mem>>)
      %dma_wait3A_136 = arith.constant 0 : i32
      %dma_wait3A_137 = arith.constant 0 : i32
      %dma_wait3A_138 = tpu.memref_slice %arg15[%dma_wait3A_136, %dma_wait3A_137] : memref<8x80xi32, #tpu.memory_space<vmem>> -> memref<4x80xi32, #tpu.memory_space<vmem>>
      %dma_wait3A_139 = arith.constant 0 : i32
      %dma_wait3A_140 = tpu.memref_slice %arg4[%mul3A_118, %dma_wait3A_139] : memref<128x80xi32, #tpu.memory_space<hbm>> -> memref<4x80xi32, #tpu.memory_space<hbm>>
      %dma_wait3A_141 = arith.constant 0 : i32
      %dma_wait3A_142 = arith.constant 0 : i32
      %dma_wait3A_143 = tpu.memref_slice %arg15[%dma_wait3A_141, %dma_wait3A_142] : memref<8x80xi32, #tpu.memory_space<vmem>> -> memref<4x80xi32, #tpu.memory_space<vmem>>
      %dma_wait3A_144 = arith.constant 0 : i32
      %dma_wait3A_145 = tpu.memref_slice %arg4[%mul3A_118, %dma_wait3A_144] : memref<128x80xi32, #tpu.memory_space<hbm>> -> memref<4x80xi32, #tpu.memory_space<hbm>>
      tpu.wait_dma2 semaphore(%run_scoped3A : memref<!tpu.dma_semaphore, #tpu.memory_space<semaphore_mem>>) src(%dma_wait3A_145 : memref<4x80xi32, #tpu.memory_space<hbm>>) dst(%dma_wait3A_143 : memref<4x80xi32, #tpu.memory_space<vmem>>)
      tpu.yield
    }) : () -> ()
    %scan3A_119 = arith.constant 0 : i32
    %scan3A_120 = arith.constant 0 : i32
    %scan3A_121 = arith.constant 2 : i32
    %scan3A_122 = arith.addi %scan3A_120, %scan3A_121 : i32
    %scan3A_123 = arith.constant 1 : i32
    %scan3A_124 = scf.for %scan3A_126 = %scan3A_120 to %scan3A_122 step %scan3A_123 iter_args(%scan3A_127 = %scan3A_119) -> (i32)  : i32 {
      %mul3A_128 = arith.constant 2 : i32
      %mul3A_129 = arith.muli %mul3A_128, %scan3A_126 : i32
      %add3A_130 = arith.addi %mul3A_118, %mul3A_129 : i32
      %mul3A_131 = arith.constant 80 : i32
      %mul3A_132 = arith.muli %add3A_130, %mul3A_131 : i32
      %dma_start3A_133 = arith.constant 0 : i32
      %dma_start3A_134 = arith.constant 0 : i32
      %dma_start3A_135 = arith.constant 0 : i32
      %dma_start3A_136 = arith.constant 0 : i32
      %dma_start3A_137 = tpu.memref_slice %arg13[%dma_start3A_133, %dma_start3A_135, %dma_start3A_136] : memref<2x80x128xf32, #tpu.memory_space<vmem>> -> memref<1x80x128xf32, #tpu.memory_space<vmem>>
      %dma_start3A_138 = tpu.memref_squeeze %dma_start3A_137 : memref<1x80x128xf32, #tpu.memory_space<vmem>> -> memref<80x128xf32, #tpu.memory_space<vmem>>
      %dma_start3A_139 = arith.constant 0 : i32
      %dma_start3A_140 = tpu.memref_slice %arg15[%mul3A_129, %dma_start3A_139] : memref<8x80xi32, #tpu.memory_space<vmem>> -> memref<1x80xi32, #tpu.memory_space<vmem>>
      %dma_start3A_141 = tpu.memref_squeeze %dma_start3A_140 : memref<1x80xi32, #tpu.memory_space<vmem>> -> memref<80xi32, #tpu.memory_space<vmem>>
      %dma_start3A_142 = arith.constant 0 : i32
      %dma_start3A_143 = arith.constant 0 : i32
      %dma_start3A_144 = tpu.memref_slice %arg5[%dma_start3A_142, %dma_start3A_143] : memref<10000x128xf32, #tpu.memory_space<hbm>> -> memref<10000x128xf32, #tpu.memory_space<hbm>>
      %dma_start3A_145 = tpu.memref_slice %arg20[%dma_start3A_134] : memref<2x!tpu.dma_semaphore, #tpu.memory_space<semaphore_mem>> -> memref<1x!tpu.dma_semaphore, #tpu.memory_space<semaphore_mem>>
      %dma_start3A_146 = tpu.memref_squeeze %dma_start3A_145 : memref<1x!tpu.dma_semaphore, #tpu.memory_space<semaphore_mem>> -> memref<!tpu.dma_semaphore, #tpu.memory_space<semaphore_mem>>
      tpu.enqueue_indirect_dma source(%dma_start3A_144 : memref<10000x128xf32, #tpu.memory_space<hbm>>) target(%dma_start3A_138 : memref<80x128xf32, #tpu.memory_space<vmem>>) offsets(%dma_start3A_141 : memref<80xi32, #tpu.memory_space<vmem>>) semaphore(%dma_start3A_146 : memref<!tpu.dma_semaphore, #tpu.memory_space<semaphore_mem>>)
      %add3A_147 = arith.constant 1 : i32
      %add3A_148 = arith.addi %mul3A_129, %add3A_147 : i32
      %dma_start3A_149 = arith.constant 1 : i32
      %dma_start3A_150 = arith.constant 1 : i32
      %dma_start3A_151 = arith.constant 0 : i32
      %dma_start3A_152 = arith.constant 0 : i32
      %dma_start3A_153 = tpu.memref_slice %arg13[%dma_start3A_149, %dma_start3A_151, %dma_start3A_152] : memref<2x80x128xf32, #tpu.memory_space<vmem>> -> memref<1x80x128xf32, #tpu.memory_space<vmem>>
      %dma_start3A_154 = tpu.memref_squeeze %dma_start3A_153 : memref<1x80x128xf32, #tpu.memory_space<vmem>> -> memref<80x128xf32, #tpu.memory_space<vmem>>
      %dma_start3A_155 = arith.constant 0 : i32
      %dma_start3A_156 = tpu.memref_slice %arg15[%add3A_148, %dma_start3A_155] : memref<8x80xi32, #tpu.memory_space<vmem>> -> memref<1x80xi32, #tpu.memory_space<vmem>>
      %dma_start3A_157 = tpu.memref_squeeze %dma_start3A_156 : memref<1x80xi32, #tpu.memory_space<vmem>> -> memref<80xi32, #tpu.memory_space<vmem>>
      %dma_start3A_158 = arith.constant 0 : i32
      %dma_start3A_159 = arith.constant 0 : i32
      %dma_start3A_160 = tpu.memref_slice %arg5[%dma_start3A_158, %dma_start3A_159] : memref<10000x128xf32, #tpu.memory_space<hbm>> -> memref<10000x128xf32, #tpu.memory_space<hbm>>
      %dma_start3A_161 = tpu.memref_slice %arg20[%dma_start3A_150] : memref<2x!tpu.dma_semaphore, #tpu.memory_space<semaphore_mem>> -> memref<1x!tpu.dma_semaphore, #tpu.memory_space<semaphore_mem>>
      %dma_start3A_162 = tpu.memref_squeeze %dma_start3A_161 : memref<1x!tpu.dma_semaphore, #tpu.memory_space<semaphore_mem>> -> memref<!tpu.dma_semaphore, #tpu.memory_space<semaphore_mem>>
      tpu.enqueue_indirect_dma source(%dma_start3A_160 : memref<10000x128xf32, #tpu.memory_space<hbm>>) target(%dma_start3A_154 : memref<80x128xf32, #tpu.memory_space<vmem>>) offsets(%dma_start3A_157 : memref<80xi32, #tpu.memory_space<vmem>>) semaphore(%dma_start3A_162 : memref<!tpu.dma_semaphore, #tpu.memory_space<semaphore_mem>>)
      %dma_wait3A_163 = arith.constant 0 : i32
      %dma_wait3A_164 = arith.constant 0 : i32
      %dma_wait3A_165 = arith.constant 0 : i32
      %dma_wait3A_166 = arith.constant 0 : i32
      %dma_wait3A_167 = tpu.memref_slice %arg13[%dma_wait3A_163, %dma_wait3A_165, %dma_wait3A_166] : memref<2x80x128xf32, #tpu.memory_space<vmem>> -> memref<1x80x128xf32, #tpu.memory_space<vmem>>
      %dma_wait3A_168 = tpu.memref_squeeze %dma_wait3A_167 : memref<1x80x128xf32, #tpu.memory_space<vmem>> -> memref<80x128xf32, #tpu.memory_space<vmem>>
      %dma_wait3A_169 = arith.constant 0 : i32
      %dma_wait3A_170 = tpu.memref_slice %arg15[%mul3A_129, %dma_wait3A_169] : memref<8x80xi32, #tpu.memory_space<vmem>> -> memref<1x80xi32, #tpu.memory_space<vmem>>
      %dma_wait3A_171 = tpu.memref_squeeze %dma_wait3A_170 : memref<1x80xi32, #tpu.memory_space<vmem>> -> memref<80xi32, #tpu.memory_space<vmem>>
      %dma_wait3A_172 = arith.constant 0 : i32
      %dma_wait3A_173 = arith.constant 0 : i32
      %dma_wait3A_174 = tpu.memref_slice %arg5[%dma_wait3A_172, %dma_wait3A_173] : memref<10000x128xf32, #tpu.memory_space<hbm>> -> memref<10000x128xf32, #tpu.memory_space<hbm>>
      %dma_wait3A_175 = tpu.memref_slice %arg20[%dma_wait3A_164] : memref<2x!tpu.dma_semaphore, #tpu.memory_space<semaphore_mem>> -> memref<1x!tpu.dma_semaphore, #tpu.memory_space<semaphore_mem>>
      %dma_wait3A_176 = tpu.memref_squeeze %dma_wait3A_175 : memref<1x!tpu.dma_semaphore, #tpu.memory_space<semaphore_mem>> -> memref<!tpu.dma_semaphore, #tpu.memory_space<semaphore_mem>>
      tpu.wait_indirect_dma semaphore(%dma_wait3A_176 : memref<!tpu.dma_semaphore, #tpu.memory_space<semaphore_mem>>) src(%dma_wait3A_174 : memref<10000x128xf32, #tpu.memory_space<hbm>>) dst(%dma_wait3A_168 : memref<80x128xf32, #tpu.memory_space<vmem>>)
      %dma_start3A_177 = arith.constant 0 : i32
      %dma_start3A_178 = arith.constant 0 : i32
      %dma_start3A_179 = arith.constant 0 : i32
      %dma_start3A_180 = tpu.memref_slice %arg13[%dma_start3A_177, %dma_start3A_178, %dma_start3A_179] : memref<2x80x128xf32, #tpu.memory_space<vmem>> -> memref<1x80x128xf32, #tpu.memory_space<vmem>>
      %dma_start3A_181 = tpu.memref_squeeze %dma_start3A_180 : memref<1x80x128xf32, #tpu.memory_space<vmem>> -> memref<80x128xf32, #tpu.memory_space<vmem>>
      %dma_start3A_182 = arith.constant 0 : i32
      %dma_start3A_183 = tpu.memref_slice %arg7[%mul3A_132, %dma_start3A_182] : memref<10240x128xf32, #tpu.memory_space<hbm>> -> memref<80x128xf32, #tpu.memory_space<hbm>>
      %dma_start3A_184 = arith.constant 0 : i32
      %dma_start3A_185 = tpu.memref_slice %arg7[%mul3A_132, %dma_start3A_184] : memref<10240x128xf32, #tpu.memory_space<hbm>> -> memref<80x128xf32, #tpu.memory_space<hbm>>
      %dma_start3A_186 = arith.constant 0 : i32
      %dma_start3A_187 = arith.constant 0 : i32
      %dma_start3A_188 = tpu.memref_slice %arg13[%dma_start3A_177, %dma_start3A_186, %dma_start3A_187] : memref<2x80x128xf32, #tpu.memory_space<vmem>> -> memref<1x80x128xf32, #tpu.memory_space<vmem>>
      %dma_start3A_189 = tpu.memref_squeeze %dma_start3A_188 : memref<1x80x128xf32, #tpu.memory_space<vmem>> -> memref<80x128xf32, #tpu.memory_space<vmem>>
      tpu.enqueue_dma source(%dma_start3A_189 : memref<80x128xf32, #tpu.memory_space<vmem>>) target(%dma_start3A_185 : memref<80x128xf32, #tpu.memory_space<hbm>>) target_semaphore(%arg23 : memref<!tpu.dma_semaphore, #tpu.memory_space<semaphore_mem>>)
      %dma_wait3A_190 = arith.constant 1 : i32
      %dma_wait3A_191 = arith.constant 1 : i32
      %dma_wait3A_192 = arith.constant 0 : i32
      %dma_wait3A_193 = arith.constant 0 : i32
      %dma_wait3A_194 = tpu.memref_slice %arg13[%dma_wait3A_190, %dma_wait3A_192, %dma_wait3A_193] : memref<2x80x128xf32, #tpu.memory_space<vmem>> -> memref<1x80x128xf32, #tpu.memory_space<vmem>>
      %dma_wait3A_195 = tpu.memref_squeeze %dma_wait3A_194 : memref<1x80x128xf32, #tpu.memory_space<vmem>> -> memref<80x128xf32, #tpu.memory_space<vmem>>
      %dma_wait3A_196 = arith.constant 0 : i32
      %dma_wait3A_197 = tpu.memref_slice %arg15[%add3A_148, %dma_wait3A_196] : memref<8x80xi32, #tpu.memory_space<vmem>> -> memref<1x80xi32, #tpu.memory_space<vmem>>
      %dma_wait3A_198 = tpu.memref_squeeze %dma_wait3A_197 : memref<1x80xi32, #tpu.memory_space<vmem>> -> memref<80xi32, #tpu.memory_space<vmem>>
      %dma_wait3A_199 = arith.constant 0 : i32
      %dma_wait3A_200 = arith.constant 0 : i32
      %dma_wait3A_201 = tpu.memref_slice %arg5[%dma_wait3A_199, %dma_wait3A_200] : memref<10000x128xf32, #tpu.memory_space<hbm>> -> memref<10000x128xf32, #tpu.memory_space<hbm>>
      %dma_wait3A_202 = tpu.memref_slice %arg20[%dma_wait3A_191] : memref<2x!tpu.dma_semaphore, #tpu.memory_space<semaphore_mem>> -> memref<1x!tpu.dma_semaphore, #tpu.memory_space<semaphore_mem>>
      %dma_wait3A_203 = tpu.memref_squeeze %dma_wait3A_202 : memref<1x!tpu.dma_semaphore, #tpu.memory_space<semaphore_mem>> -> memref<!tpu.dma_semaphore, #tpu.memory_space<semaphore_mem>>
      tpu.wait_indirect_dma semaphore(%dma_wait3A_203 : memref<!tpu.dma_semaphore, #tpu.memory_space<semaphore_mem>>) src(%dma_wait3A_201 : memref<10000x128xf32, #tpu.memory_space<hbm>>) dst(%dma_wait3A_195 : memref<80x128xf32, #tpu.memory_space<vmem>>)
      %add3A_204 = arith.constant 80 : i32
      %add3A_205 = arith.addi %mul3A_132, %add3A_204 : i32
      %dma_start3A_206 = arith.constant 1 : i32
      %dma_start3A_207 = arith.constant 0 : i32
      %dma_start3A_208 = arith.constant 0 : i32
      %dma_start3A_209 = tpu.memref_slice %arg13[%dma_start3A_206, %dma_start3A_207, %dma_start3A_208] : memref<2x80x128xf32, #tpu.memory_space<vmem>> -> memref<1x80x128xf32, #tpu.memory_space<vmem>>
      %dma_start3A_210 = tpu.memref_squeeze %dma_start3A_209 : memref<1x80x128xf32, #tpu.memory_space<vmem>> -> memref<80x128xf32, #tpu.memory_space<vmem>>
      %dma_start3A_211 = arith.constant 0 : i32
      %dma_start3A_212 = tpu.memref_slice %arg7[%add3A_205, %dma_start3A_211] : memref<10240x128xf32, #tpu.memory_space<hbm>> -> memref<80x128xf32, #tpu.memory_space<hbm>>
      %dma_start3A_213 = arith.constant 0 : i32
      %dma_start3A_214 = tpu.memref_slice %arg7[%add3A_205, %dma_start3A_213] : memref<10240x128xf32, #tpu.memory_space<hbm>> -> memref<80x128xf32, #tpu.memory_space<hbm>>
      %dma_start3A_215 = arith.constant 0 : i32
      %dma_start3A_216 = arith.constant 0 : i32
      %dma_start3A_217 = tpu.memref_slice %arg13[%dma_start3A_206, %dma_start3A_215, %dma_start3A_216] : memref<2x80x128xf32, #tpu.memory_space<vmem>> -> memref<1x80x128xf32, #tpu.memory_space<vmem>>
      %dma_start3A_218 = tpu.memref_squeeze %dma_start3A_217 : memref<1x80x128xf32, #tpu.memory_space<vmem>> -> memref<80x128xf32, #tpu.memory_space<vmem>>
      tpu.enqueue_dma source(%dma_start3A_218 : memref<80x128xf32, #tpu.memory_space<vmem>>) target(%dma_start3A_214 : memref<80x128xf32, #tpu.memory_space<hbm>>) target_semaphore(%arg23 : memref<!tpu.dma_semaphore, #tpu.memory_space<semaphore_mem>>)
      %dma_wait3A_219 = arith.constant 0 : i32
      %dma_wait3A_220 = arith.constant 0 : i32
      %dma_wait3A_221 = arith.constant 0 : i32
      %dma_wait3A_222 = tpu.memref_slice %arg13[%dma_wait3A_219, %dma_wait3A_220, %dma_wait3A_221] : memref<2x80x128xf32, #tpu.memory_space<vmem>> -> memref<1x80x128xf32, #tpu.memory_space<vmem>>
      %dma_wait3A_223 = tpu.memref_squeeze %dma_wait3A_222 : memref<1x80x128xf32, #tpu.memory_space<vmem>> -> memref<80x128xf32, #tpu.memory_space<vmem>>
      %dma_wait3A_224 = arith.constant 0 : i32
      %dma_wait3A_225 = tpu.memref_slice %arg7[%mul3A_132, %dma_wait3A_224] : memref<10240x128xf32, #tpu.memory_space<hbm>> -> memref<80x128xf32, #tpu.memory_space<hbm>>
      %dma_wait3A_226 = arith.constant 0 : i32
      %dma_wait3A_227 = tpu.memref_slice %arg7[%mul3A_132, %dma_wait3A_226] : memref<10240x128xf32, #tpu.memory_space<hbm>> -> memref<80x128xf32, #tpu.memory_space<hbm>>
      %dma_wait3A_228 = arith.constant 0 : i32
      %dma_wait3A_229 = arith.constant 0 : i32
      %dma_wait3A_230 = tpu.memref_slice %arg13[%dma_wait3A_219, %dma_wait3A_228, %dma_wait3A_229] : memref<2x80x128xf32, #tpu.memory_space<vmem>> -> memref<1x80x128xf32, #tpu.memory_space<vmem>>
      %dma_wait3A_231 = tpu.memref_squeeze %dma_wait3A_230 : memref<1x80x128xf32, #tpu.memory_space<vmem>> -> memref<80x128xf32, #tpu.memory_space<vmem>>
      tpu.wait_dma2 semaphore(%arg23 : memref<!tpu.dma_semaphore, #tpu.memory_space<semaphore_mem>>) src(%dma_wait3A_231 : memref<80x128xf32, #tpu.memory_space<vmem>>) dst(%dma_wait3A_227 : memref<80x128xf32, #tpu.memory_space<hbm>>)
      %dma_wait3A_232 = arith.constant 1 : i32
      %dma_wait3A_233 = arith.constant 0 : i32
      %dma_wait3A_234 = arith.constant 0 : i32
      %dma_wait3A_235 = tpu.memref_slice %arg13[%dma_wait3A_232, %dma_wait3A_233, %dma_wait3A_234] : memref<2x80x128xf32, #tpu.memory_space<vmem>> -> memref<1x80x128xf32, #tpu.memory_space<vmem>>
      %dma_wait3A_236 = tpu.memref_squeeze %dma_wait3A_235 : memref<1x80x128xf32, #tpu.memory_space<vmem>> -> memref<80x128xf32, #tpu.memory_space<vmem>>
      %dma_wait3A_237 = arith.constant 0 : i32
      %dma_wait3A_238 = tpu.memref_slice %arg7[%add3A_205, %dma_wait3A_237] : memref<10240x128xf32, #tpu.memory_space<hbm>> -> memref<80x128xf32, #tpu.memory_space<hbm>>
      %dma_wait3A_239 = arith.constant 0 : i32
      %dma_wait3A_240 = tpu.memref_slice %arg7[%add3A_205, %dma_wait3A_239] : memref<10240x128xf32, #tpu.memory_space<hbm>> -> memref<80x128xf32, #tpu.memory_space<hbm>>
      %dma_wait3A_241 = arith.constant 0 : i32
      %dma_wait3A_242 = arith.constant 0 : i32
      %dma_wait3A_243 = tpu.memref_slice %arg13[%dma_wait3A_232, %dma_wait3A_241, %dma_wait3A_242] : memref<2x80x128xf32, #tpu.memory_space<vmem>> -> memref<1x80x128xf32, #tpu.memory_space<vmem>>
      %dma_wait3A_244 = tpu.memref_squeeze %dma_wait3A_243 : memref<1x80x128xf32, #tpu.memory_space<vmem>> -> memref<80x128xf32, #tpu.memory_space<vmem>>
      tpu.wait_dma2 semaphore(%arg23 : memref<!tpu.dma_semaphore, #tpu.memory_space<semaphore_mem>>) src(%dma_wait3A_244 : memref<80x128xf32, #tpu.memory_space<vmem>>) dst(%dma_wait3A_240 : memref<80x128xf32, #tpu.memory_space<hbm>>)
      %scan3A_245 = arith.constant 0 : i32
      scf.yield %scan3A_245 : i32
    }
    %scan3A_125 = arith.constant 2 : i32
    return
  }
}

module attributes {stable_mosaic.version = 14 : i64} {
  func.func @_mlp_body(%arg0: i32, %arg1: memref<1024x128xf32, #tpu.memory_space<vmem>>, %arg2: memref<2x1024x128xf32, #tpu.memory_space<vmem>>, %arg3: memref<1x1024xf32, #tpu.memory_space<vmem>>, %arg4: memref<1x1024xf32, #tpu.memory_space<vmem>>, %arg5: memref<128x128xf32, #tpu.memory_space<vmem>>, %arg6: memref<128x128xf32, #tpu.memory_space<vmem>>, %arg7: memref<1x128xf32, #tpu.memory_space<vmem>>, %arg8: memref<128x128xf32, #tpu.memory_space<vmem>>, %arg9: memref<1x128xf32, #tpu.memory_space<vmem>>, %arg10: memref<1024x128xf32, #tpu.memory_space<vmem>>) attributes {dimension_semantics = [#tpu.dimension_semantics<arbitrary>], iteration_bounds = array<i64: 10>, scalar_prefetch = 0 : i64, scratch_operands = 0 : i64, tpu.core_type = #tpu.core_type<tc>, window_params = [{transform_indices = @transform_0, window_bounds = array<i64: 1024, 128>}, {transform_indices = @transform_1, window_bounds = array<i64: 2, 1024, 128>}, {transform_indices = @transform_2, window_bounds = array<i64: 1, 1024>}, {transform_indices = @transform_3, window_bounds = array<i64: 1, 1024>}, {pipeline_mode = #tpu.pipeline_mode<synchronous>, transform_indices = @transform_4, window_bounds = array<i64: 128, 128>}, {pipeline_mode = #tpu.pipeline_mode<synchronous>, transform_indices = @transform_5, window_bounds = array<i64: 128, 128>}, {pipeline_mode = #tpu.pipeline_mode<synchronous>, transform_indices = @transform_6, window_bounds = array<i64: 1, 128>}, {pipeline_mode = #tpu.pipeline_mode<synchronous>, transform_indices = @transform_7, window_bounds = array<i64: 128, 128>}, {pipeline_mode = #tpu.pipeline_mode<synchronous>, transform_indices = @transform_8, window_bounds = array<i64: 1, 128>}, {transform_indices = @transform_9, window_bounds = array<i64: 1024, 128>}]} {
    %get3A = arith.constant 0 : index
    %get3A_0 = arith.constant 0 : index
    %get3A_1 = vector.load %arg1[%get3A, %get3A_0] : memref<1024x128xf32, #tpu.memory_space<vmem>>, vector<1024x128xf32>
    %get3A_2 = arith.constant 0 : index
    %get3A_3 = arith.constant 0 : index
    %get3A_4 = arith.constant 0 : index
    %get3A_5 = vector.load %arg2[%get3A_2, %get3A_3, %get3A_4] : memref<2x1024x128xf32, #tpu.memory_space<vmem>>, vector<1x1024x128xf32>
    %get3A_6 = vector.shape_cast %get3A_5 : vector<1x1024x128xf32> to vector<1024x128xf32>
    %get3A_7 = arith.constant 1 : index
    %get3A_8 = arith.constant 0 : index
    %get3A_9 = arith.constant 0 : index
    %get3A_10 = vector.load %arg2[%get3A_7, %get3A_8, %get3A_9] : memref<2x1024x128xf32, #tpu.memory_space<vmem>>, vector<1x1024x128xf32>
    %get3A_11 = vector.shape_cast %get3A_10 : vector<1x1024x128xf32> to vector<1024x128xf32>
    %add3A = arith.addf %get3A_6, %get3A_11 : vector<1024x128xf32>
    %get3A_12 = arith.constant 0 : index
    %get3A_13 = arith.constant 0 : index
    %get3A_14 = vector.load %arg3[%get3A_12, %get3A_13] : memref<1x1024xf32, #tpu.memory_space<vmem>>, vector<1x1024xf32>
    %get3A_15 = vector.shape_cast %get3A_14 : vector<1x1024xf32> to vector<1024xf32>
    %get3A_16 = arith.constant 0 : index
    %get3A_17 = arith.constant 0 : index
    %get3A_18 = vector.load %arg4[%get3A_16, %get3A_17] : memref<1x1024xf32, #tpu.memory_space<vmem>>, vector<1x1024xf32>
    %get3A_19 = vector.shape_cast %get3A_18 : vector<1x1024xf32> to vector<1024xf32>
    %add3A_20 = arith.addf %get3A_15, %get3A_19 : vector<1024xf32>
    %reshape3A = vector.shape_cast %add3A_20 : vector<1024xf32> to vector<1024x1xf32>
    %max3A = arith.constant 1.000000e+00 : f32
    %max3A_21 = vector.broadcast %max3A : f32 to vector<1024x1xf32>
    %max3A_22 = arith.maximumf %reshape3A, %max3A_21 : vector<1024x1xf32>
    %div3A = vector.broadcast %max3A_22 : vector<1024x1xf32> to vector<1024x128xf32>
    %div3A_23 = arith.divf %add3A, %div3A : vector<1024x128xf32>
    %get3A_24 = arith.constant 0 : index
    %get3A_25 = arith.constant 0 : index
    %get3A_26 = vector.load %arg5[%get3A_24, %get3A_25] : memref<128x128xf32, #tpu.memory_space<vmem>>, vector<128x128xf32>
    %dot_general3A = arith.constant dense<0.000000e+00> : vector<1024x128xf32>
    %dot_general3A_27 = tpu.matmul %get3A_1, %get3A_26, %dot_general3A {dimension_numbers = #tpu.dot_dimension_numbers<[1], [0], [0], [1], [0, 0, 1, 1], [], []>, transpose_lhs_hint = false} : vector<1024x128xf32>, vector<128x128xf32>, vector<1024x128xf32> -> vector<1024x128xf32>
    %get3A_28 = arith.constant 0 : index
    %get3A_29 = arith.constant 0 : index
    %get3A_30 = vector.load %arg6[%get3A_28, %get3A_29] : memref<128x128xf32, #tpu.memory_space<vmem>>, vector<128x128xf32>
    %dot_general3A_31 = arith.constant dense<0.000000e+00> : vector<1024x128xf32>
    %dot_general3A_32 = tpu.matmul %div3A_23, %get3A_30, %dot_general3A_31 {dimension_numbers = #tpu.dot_dimension_numbers<[1], [0], [0], [1], [0, 0, 1, 1], [], []>, transpose_lhs_hint = false} : vector<1024x128xf32>, vector<128x128xf32>, vector<1024x128xf32> -> vector<1024x128xf32>
    %add3A_33 = arith.addf %dot_general3A_27, %dot_general3A_32 : vector<1024x128xf32>
    %get3A_34 = arith.constant 0 : index
    %get3A_35 = arith.constant 0 : index
    %get3A_36 = vector.load %arg7[%get3A_34, %get3A_35] : memref<1x128xf32, #tpu.memory_space<vmem>>, vector<1x128xf32>
    %add3A_37 = vector.broadcast %get3A_36 : vector<1x128xf32> to vector<1024x128xf32>
    %add3A_38 = arith.addf %add3A_33, %add3A_37 : vector<1024x128xf32>
    %tanh3A = math.tanh %add3A_38 : vector<1024x128xf32>
    %get3A_39 = arith.constant 0 : index
    %get3A_40 = arith.constant 0 : index
    %get3A_41 = vector.load %arg8[%get3A_39, %get3A_40] : memref<128x128xf32, #tpu.memory_space<vmem>>, vector<128x128xf32>
    %dot_general3A_42 = arith.constant dense<0.000000e+00> : vector<1024x128xf32>
    %dot_general3A_43 = tpu.matmul %tanh3A, %get3A_41, %dot_general3A_42 {dimension_numbers = #tpu.dot_dimension_numbers<[1], [0], [0], [1], [0, 0, 1, 1], [], []>, transpose_lhs_hint = false} : vector<1024x128xf32>, vector<128x128xf32>, vector<1024x128xf32> -> vector<1024x128xf32>
    %get3A_44 = arith.constant 0 : index
    %get3A_45 = arith.constant 0 : index
    %get3A_46 = vector.load %arg9[%get3A_44, %get3A_45] : memref<1x128xf32, #tpu.memory_space<vmem>>, vector<1x128xf32>
    %add3A_47 = vector.broadcast %get3A_46 : vector<1x128xf32> to vector<1024x128xf32>
    %add3A_48 = arith.addf %dot_general3A_43, %add3A_47 : vector<1024x128xf32>
    %swap3A = arith.constant 0 : index
    %swap3A_49 = arith.constant 0 : index
    %swap3A_50 = vector.load %arg10[%swap3A, %swap3A_49] : memref<1024x128xf32, #tpu.memory_space<vmem>>, vector<1024x128xf32>
    tpu.vector_store %arg10[%swap3A, %swap3A_49], %add3A_48 {strides = array<i32>} : memref<1024x128xf32, #tpu.memory_space<vmem>>, vector<1024x128xf32>,
    return
  }
  func.func @transform_0(%arg0: i32) -> (i32, i32) {
    %c0_i32 = arith.constant 0 : i32
    %c0_i32_0 = arith.constant 0 : i32
    return %arg0, %c0_i32 : i32, i32
  }
  func.func @transform_1(%arg0: i32) -> (i32, i32, i32) {
    %c0_i32 = arith.constant 0 : i32
    %c0_i32_0 = arith.constant 0 : i32
    %c0_i32_1 = arith.constant 0 : i32
    return %c0_i32, %arg0, %c0_i32_0 : i32, i32, i32
  }
  func.func @transform_2(%arg0: i32) -> (i32, i32) {
    %c0_i32 = arith.constant 0 : i32
    %c0_i32_0 = arith.constant 0 : i32
    return %c0_i32, %arg0 : i32, i32
  }
  func.func @transform_3(%arg0: i32) -> (i32, i32) {
    %c0_i32 = arith.constant 0 : i32
    %c0_i32_0 = arith.constant 0 : i32
    return %c0_i32, %arg0 : i32, i32
  }
  func.func @transform_4(%arg0: i32) -> (i32, i32) {
    %c0_i32 = arith.constant 0 : i32
    %c0_i32_0 = arith.constant 0 : i32
    %c0_i32_1 = arith.constant 0 : i32
    return %c0_i32, %c0_i32_0 : i32, i32
  }
  func.func @transform_5(%arg0: i32) -> (i32, i32) {
    %c0_i32 = arith.constant 0 : i32
    %c0_i32_0 = arith.constant 0 : i32
    %c0_i32_1 = arith.constant 0 : i32
    return %c0_i32, %c0_i32_0 : i32, i32
  }
  func.func @transform_6(%arg0: i32) -> (i32, i32) {
    %c0_i32 = arith.constant 0 : i32
    %c0_i32_0 = arith.constant 0 : i32
    %c0_i32_1 = arith.constant 0 : i32
    return %c0_i32, %c0_i32_0 : i32, i32
  }
  func.func @transform_7(%arg0: i32) -> (i32, i32) {
    %c0_i32 = arith.constant 0 : i32
    %c0_i32_0 = arith.constant 0 : i32
    %c0_i32_1 = arith.constant 0 : i32
    return %c0_i32, %c0_i32_0 : i32, i32
  }
  func.func @transform_8(%arg0: i32) -> (i32, i32) {
    %c0_i32 = arith.constant 0 : i32
    %c0_i32_0 = arith.constant 0 : i32
    %c0_i32_1 = arith.constant 0 : i32
    return %c0_i32, %c0_i32_0 : i32, i32
  }
  func.func @transform_9(%arg0: i32) -> (i32, i32) {
    %c0_i32 = arith.constant 0 : i32
    %c0_i32_0 = arith.constant 0 : i32
    return %arg0, %c0_i32 : i32, i32
  }
}

</mosaic_0001>

<sc_bundles>
// kernel: kernel.4.cloned.1.call-start
scs
__scs_entry_jumppad:
0x0: {  	(pc) =	sbr.rel $0x88, $3  }
0x1: {  	(tag) =	ssettag $0x0;
	lr =	simm.s32 $0x1  }
0x2: {  	[smem:$0x3F9A] =	sst lr;
	_ =	strace $0xD0000000  }
0x3: {  	_ = 	snop  }
0x4: {  	_ = 	snop  }
0x5: {  	_ = 	snop  }
0x6: {  	_ = 	snop  }
0x7: {  	_ = 	snop  }
__scs_overlays_trampoline_lowered:
0x8: {  	[smem:$0x3FA9] =	sst s0  }
0x9: {  	[smem:$0x3FAA] =	sst s1  }
0xa: {  	[smem:$0x3FAB] =	sst s2  }
0xb: {  	[smem:$0x3FAC] =	sst s3  }
0xc: {  	[smem:$0x3FAD] =	sst s4  }
0xd: {  	[smem:$0x3FAE] =	sst s5  }
0xe: {  	[smem:$0x3FAF] =	sst s6  }
0xf: {  	[smem:$0x3FB0] =	sst s7  }
0x10: {  	[smem:$0x3FB1] =	sst s8  }
0x11: {  	[smem:$0x3FB2] =	sst s9;
	s0 =	simm.s32 @!p0 $0x0  }
0x12: {  	s1 =	sld [smem:$0x3F98];
	s0 =	simm.s32 @p0 $0x1  }
0x13: {  	[smem:$0x3FB3] =	sst s0;
	s0 =	simm.s32 @!p1 $0x0  }
0x14: {  	s2 =	sld [smem:$0x3F97];
	s0 =	simm.s32 @p1 $0x1  }
0x15: {  	[smem:$0x3FB4] =	sst s0;
	s0 =	simm.s32 @!p2 $0x0  }
0x16: {  	s3 =	sld [smem:$0x3FDB];
	s0 =	simm.s32 @p2 $0x1  }
0x17: {  	s4 =	simm.s32 $0x1BF5;
	[smem:$0x3FB6] =	sst s0  }
0x18: {  	s0 =	sld [smem:$0x3F99];
	_ =	swait.ge [sflag:s4], $0x0  }
0x19: {  	s7 =	sld [smem:$0x3F9A]  }
0x1a: {  	s8 =	sadd.s32 $0xFFFFE003, lr  }
0x1b: {  	s9 =	sadd.s32 $0xFFFFFEF7, lr;
	s5 =	simm.s32 $0xFFFFFFFF;
	p2 =	slt.u32 s8, $0xFFFFF086  }
0x1c: {  	p1 =	slt.u32 s9, $0xF7A;
	s5 =	simm.s32 @!p2 $0x0  }
0x1d: {  	s5 =	simm.s32 @p1 $0x1;
	p0 =	seq.s32 s7, s2  }
0x1e: {  	s7 =	smul.u32 @!p0 $0xF7A, s2;
	p2 =	seq.s32 @!p0 s5, $0x0  }
0x1f: {  	s9 =	smul.u32 $0xF7A, s1;
	s8 =	simm.s32 @!p0 $0x1BF5;
	p2 =	por !p2, p0  }
0x20: {  	[sflag:s8] =	ssyncset.s32 @!p0 $0xFFFFF086;
	s6 =	sadd.s32 @!p0 s3, s7;
	s7 =	simm.s32 @!p0 $0x108  }
0x21: {  	s3 =	sadd.s32 s3, s9;
	s6 =	sadd.s32 @!p0 $0x88, s6;
	s7 =	simm.s32 @p2 $0x1082  }
0x22: {  	[simem:s7], [sflag:s8] =	dma.local @!p0 [hbm:s6], $0xF7A  }
0x23: {  	s9 =	sor.u32 $0xD0000000, s2;
	s6 =	simm.s32 $0x108;
	_ =	swait.ge @!p0 [sflag:s8], $0x0  }
0x24: {  	s3 =	sadd.s32 $0x88, s3;
	s6 =	simm.s32 @!p1 $0x1082;
	[sflag:s4] =	ssyncset.s32 $0xFFFFF086  }
0x25: {  	[simem:s6], [sflag:s4] =	dma.local [hbm:s3], $0xF7A  }
0x26: {  	[smem:$0x3F9A] =	sst s1;
	(tag) =	ssettag s2;
	_ =	strace s9  }
0x27: {  	s1 =	sld [smem:$0x3FAA]  }
0x28: {  	s2 =	sld [smem:$0x3FAB]  }
0x29: {  	s4 =	sld [smem:$0x3FAD]  }
0x2a: {  	p0 =	seq.s32 s5, $0x0;
	s5 =	sld [smem:$0x3FAE]  }
0x2b: {  	s6 =	sld [smem:$0x3FAF]  }
0x2c: {  	s7 =	sld [smem:$0x3FB0]  }
0x2d: {  	s3 =	simm.s32 $0x108;
	s8 =	sld [smem:$0x3FB1]  }
0x2e: {  	s3 =	simm.s32 @!p0 $0x1082;
	s9 =	sld [smem:$0x3FB2]  }
0x2f: {  	lr =	sadd.s32 s0, s3;
	s0 =	sld [smem:$0x3FA9]  }
0x30: {  	s3 =	sld [smem:$0x3FAC]  }
0x31: {  	[smem:$0x3FB5] =	sst s10  }
0x32: {  	s10 =	sld [smem:$0x3FB3];
	_ =	sdelay $0x3  }
0x33: {  	p0 =	seq.s32 s10, $0x1;
	s10 =	sld [smem:$0x3FB5];
	_ =	sdelay $0x3  }
0x34: {  	[smem:$0x3FB5] =	sst s10  }
0x35: {  	s10 =	sld [smem:$0x3FB4];
	_ =	sdelay $0x3  }
0x36: {  	p1 =	seq.s32 s10, $0x1;
	s10 =	sld [smem:$0x3FB5];
	_ =	sdelay $0x3  }
0x37: {  	[smem:$0x3FB5] =	sst s10  }
0x38: {  	s10 =	sld [smem:$0x3FB6]  }
0x39: {  	_ = 	snop;
	(pc) =	sbr.ind lr, $3  }
0x3a: {  	_ = 	snop  }
0x3b: {  	_ = 	snop  }
0x3c: {  	p2 =	seq.s32 s10, $0x1;
	s10 =	sld [smem:$0x3FB5]  }
0x3d: {  	_ =	shalt  }
0x3e: {  	_ =	shalt  }
0x3f: {  	_ =	shalt  }
0x40: {  	_ =	shalt  }
0x41: {  	_ =	shalt  }
0x42: {  	_ =	shalt  }
0x43: {  	_ =	shalt  }
0x44: {  	_ =	shalt  }
0x45: {  	_ =	shalt  }
0x46: {  	_ =	shalt  }
0x47: {  	_ =	shalt  }
0x48: {  	_ =	shalt  }
0x49: {  	_ =	shalt  }
0x4a: {  	_ =	shalt  }
0x4b: {  	_ =	shalt  }
0x4c: {  	_ =	shalt  }
0x4d: {  	_ =	shalt  }
0x4e: {  	_ =	shalt  }
0x4f: {  	_ =	shalt  }
0x50: {  	_ =	shalt  }
0x51: {  	_ =	shalt  }
0x52: {  	_ =	shalt  }
0x53: {  	_ =	shalt  }
0x54: {  	_ =	shalt  }
0x55: {  	_ =	shalt  }
0x56: {  	_ =	shalt  }
0x57: {  	_ =	shalt  }
0x58: {  	_ =	shalt  }
0x59: {  	_ =	shalt  }
0x5a: {  	_ =	shalt  }
0x5b: {  	_ =	shalt  }
0x5c: {  	_ =	shalt  }
0x5d: {  	_ =	shalt  }
0x5e: {  	_ =	shalt  }
0x5f: {  	_ =	shalt  }
0x60: {  	_ =	shalt  }
0x61: {  	_ =	shalt  }
0x62: {  	_ =	shalt  }
0x63: {  	_ =	shalt  }
0x64: {  	_ =	shalt  }
0x65: {  	_ =	shalt  }
0x66: {  	_ =	shalt  }
0x67: {  	_ =	shalt  }
0x68: {  	_ =	shalt  }
0x69: {  	_ =	shalt  }
0x6a: {  	_ =	shalt  }
0x6b: {  	_ =	shalt  }
0x6c: {  	_ =	shalt  }
0x6d: {  	_ =	shalt  }
0x6e: {  	_ =	shalt  }
0x6f: {  	_ =	shalt  }
0x70: {  	_ =	shalt  }
0x71: {  	_ =	shalt  }
0x72: {  	_ =	shalt  }
0x73: {  	_ =	shalt  }
0x74: {  	_ =	shalt  }
0x75: {  	_ =	shalt  }
0x76: {  	_ =	shalt  }
0x77: {  	_ =	shalt  }
0x78: {  	_ =	shalt  }
0x79: {  	_ =	shalt  }
0x7a: {  	_ =	shalt  }
0x7b: {  	_ =	shalt  }
0x7c: {  	_ =	shalt  }
0x7d: {  	_ =	shalt  }
0x7e: {  	_ =	shalt  }
0x7f: {  	_ =	shalt  }
0x80: {  	_ =	shalt  }
0x81: {  	_ =	shalt  }
0x82: {  	_ =	shalt  }
0x83: {  	_ =	shalt  }
0x84: {  	_ =	shalt  }
0x85: {  	_ =	shalt  }
0x86: {  	_ =	shalt  }
0x87: {  	_ =	shalt  }
.Lfunc_end0:
.L_simem_size_0:
called_computation_lowered:
.L_overlay_start_0:
0x88: {  	s2 =	sld [smem:$0x3FD9]  }
0x89: {  	s3 =	sld [smem:$0x3FFE];
	_ =	sdelay $0x1  }
0x8a: {  	s1 =	srdreg.scid  }
0x8b: {  	s0 =	sand.u32 $0x1, s1  }
0x8c: {  	s17 =	sshll.u32 s0, $0xA;
	s2 =	sadd.s32 s3, s2  }
0x8d: {  	s2 =	sadd.s32 s2, s17  }
0x8e: {  	[smem:$0x3FC1] =	sst s2  }
0x8f: {  	_ = 	snop  }
0x90: {  	s2 =	sld [smem:$0x3FC7]  }
0x91: {  	s18 =	sld [smem:$0x3FD0];
	(tm) =	ssettm $0x1  }
0x92: {  	s4 =	sld [smem:$0x3FFB];
	_ =	sdelay $0x3  }
0x93: {  	_ =	strace s4  }
0x94: {  	s4 =	sld [smem:$0x3FFC];
	_ =	sdelay $0x3  }
0x95: {  	_ =	strace s4  }
0x96: {  	s4 =	sld [smem:$0x3FFD];
	_ =	sdelay $0x3  }
0x97: {  	_ =	strace s4  }
0x98: {  	_ =	strace $0x8FFFFFFF  }
0x99: {  	s19 =	sld [smem:$0x3FDB];
	_ =	sdelay $0x1  }
0x9a: {  	s5 =	simm.s32 $_scs_section_size  }
0x9b: {  	s6 =	simm.s32 $_size__tile_overlayer_lowered;
	s7 =	simm.s32 $_tile_overlayer_lowered  }
0x9c: {  	s22 =	simm.s32 $0x1BFF;
	s21 =	sshll.u32 s7, $0x1;
	s4 =	sadd.s32 s5, s19  }
0x9d: {  	s8 =	simm.s32 $0x0;
	s20 =	sshll.u32 s6, $0x1;
	s6 =	sadd.s32 s21, s4  }
0x9e: {  	[timem:s8], [sflag:s22] =	dma.local [hbm:s6], s20  }
0x9f: {  	_ =	swait.ge [sflag:s22], s20  }
0xa0: {  	s5 =	ssub.s32 $0x0, s20;
	[sflag:s22] =	ssyncset.done $0x0  }
0xa1: {  	[sflag:s22] =	ssyncadd.s32 s5;
	_ =	sdelay $0x1  }
0xa2: {  	s23 =	simm.s32 $0x1B8B  }
0xa3: {  	_ =	swait.ge [sflag:s23], $0x1  }
0xa4: {  	[sflag:s23] =	ssyncset.done $0x0  }
0xa5: {  	s25 =	simm.s32 $0x1B8E;
	s24 =	sld [smem:$0x3FFE];
	[sflag:s23] =	ssyncadd.s32 $0xFFFFFFFF  }
0xa6: {  	s26 =	simm.s32 $execute0_lowered;
	[smem:$0x3FD2] =	sst s25  }
0xa7: {  	s6 =	sshll.u32 s26, $0x1;
	_ =	strace $0x80000046;
	[dreg:$0x1] =	wrdreg $0xFFFFFFFF  }
0xa8: {  	s28 =	simm.s32 $_size_execute0_lowered;
	s4 =	sadd.s32 s4, s6;
	[dreg:$0x0] =	wrdreg $0x0  }
0xa9: {  	s6 =	sshll.u32 s28, $0x1;
	[dreg:$0x2] =	wrdreg s4  }
0xaa: {  	[dreg:$0x3] =	wrdreg s6  }
0xab: {  	[dreg:$0x4] =	wrdreg $0xC0  }
0xac: {  	_ =	task [dreg:s8], $0x5FFFF  }
0xad: {  	[dreg:$0x1] =	wrdreg $0xFFFFFFFF  }
0xae: {  	[dreg:$0x0] =	wrdreg $0x60  }
0xaf: {  	[dreg:$0x2] =	wrdreg s24  }
0xb0: {  	[dreg:$0x3] =	wrdreg s2  }
0xb1: {  	[dreg:$0x4] =	wrdreg s18  }
0xb2: {  	[dreg:$0x5] =	wrdreg $0x98000  }
0xb3: {  	[dreg:$0x6] =	wrdreg $0x1D0800  }
0xb4: {  	[dreg:$0x7] =	wrdreg $0x9  }
0xb5: {  	_ =	task.clear_ibuf [dreg:s8], $0x8FFFF;
	_ =	strace $0x90000046  }
0xb6: {  	s29 =	simm.s32 $0x9;
	_ =	strace $0x80000048  }
0xb7: {  	_ =	swait.ge [sflag:s29], $0x1  }
0xb8: {  	[sflag:s29] =	ssyncadd.s32 $0xFFFFFFFF  }
0xb9: {  	_ =	strace $0x90000048  }
0xba: {  	_ =	sfence  }
0xbb: {  	s30 =	sld [smem:$0x0];
	_ =	sdelay $0x2  }
0xbc: {  	s31 =	sshll.u32 s1, $0xD;
	s1 =	sshrl.u32 s1, $0x2  }
0xbd: {  	s3 =	sand.u32 $0x4000, s31;
	s1 =	sadd.s32 s1, s30  }
0xbe: {  	s0 =	sor.u32 s3, s0;
	s1 =	sshll.u32 s1, $0x11  }
0xbf: {  	s0 =	sor.u32 s1, s0  }
0xc0: {  	s0 =	sadd.s32 $0x8F2B, s0  }
0xc1: {  	[sflag:s0] =	ssyncadd.remote.s32 $0x1  }
0xc2: {  	_ =	sfence.sel $0xFFFF  }
0xc3: {  	[dreg:$0x0] =	wrdreg $0xFFFFFFFF;
	(pc) =	sbr.abs _section_cstart, $3  }
0xc4: {  	[dreg:$0x1] =	wrdreg $0xFFFFFFFF  }
0xc5: {  	_ =	task.clear_ibuf [dreg:s8], $0x2FFFF;
	_ =	strace $0x9FFFFFFF  }
0xc6: {  	(tm) =	ssettm $0x7FFFFFFF  }
0xc7: {  	_ =	shalt  }
tec
execute0_lowered:
.L_overlay_start_1:
0x0: {  	(tag) =	ssettag $0x1  }
0x1: {  	s0 =	rddreg [dreg:$0x0]  }
0x2: {  	s1 =	rddreg [dreg:$0x1]  }
0x3: {  	s5 =	rddreg [dreg:$0x2]  }
0x4: {  	s2 =	rddreg [dreg:$0x3]  }
0x5: {  	s3 =	rddreg [dreg:$0x4]  }
0x6: {  	s4 =	simm.s32 $0x0;
	s8 =	srdreg.scid;
	s19 =	stileid.u32  }
0x7: {  	s29 =	simm.s32 $0xC;
	s30 =	simm.s32 $0x6800;
	s31 =	simm.s32 $0x1  }
0x8: {  	[smem:$0x7FF] =	sst s4;
	s6 =	sadd.s32 $0x1400, s0;
	s7 =	sadd.s32 $0x15400, s0  }
0x9: {  	s9 =	sadd.s32 $0x29400, s0;
	s8 =	sand.u32 $0x1, s8;
	s12 =	smul.u32 $0x4E000, s19  }
0xa: {  	s10 =	sadd.s32 $0x79C00, s0;
	s13 =	sadd.s32 $0x29C00, s0;
	s15 =	smul.u32 $0x2700, s19  }
0xb: {  	s16 =	sshll.u32 s19, $0x1;
	s17 =	smul.u32 $0x9C0, s19;
	s21 =	sshll.u32 s19, $0x6  }
0xc: {  	s24 =	sshll.u32 s19, $0x7;
	_ =	strace $0x80000047;
	s11 =	ssub.s32 $0x2, s8  }
0xd: {  	s25 =	sadd.s32 s9, s24;
	s28 =	sshll.u32 s8, $0x6;
	p0 =	seq.s32 s8, $0x1  }
0xe: {  	s14 =	sshrl.u32 s11, $0x1;
	s12 =	sshrl.u32 s12, $0x2;
	s15 =	sadd.s32 s5, s15  }
0xf: {  	s22 =	sshrl.u32 s17, $0x2;
	s5 =	sadd.s32 $0x27000, s5;
	[dreg:$0xa] =	wrdreg s25  }
0x10: {  	s9 =	sadd.s32 s9, s28;
	s28 =	smul.u32 $0x50, s19;
	s11 =	ssub.s32 s11, s14  }
0x11: {  	s14 =	sor.u32 s8, s16;
	[dreg:$0x9] =	wrdreg s5;
	s5 =	smul.u32 $0x140000, s8  }
0x12: {  	[dreg:$0x6] =	wrdreg s15;
	s15 =	sor.u32 $0x1C0C, s21;
	s18 =	smul.u32 $0x1400, s14  }
0x13: {  	s23 =	sadd.s32 s22, s3;
	s26 =	sshll.u32 s14, $0x2;
	s20 =	smul.u32 $0xA000, s14  }
0x14: {  	[dreg:$0x7] =	wrdreg s15;
	s16 =	sor.u32 $0x2, s26;
	s26 =	smul.u32 $0x14000, s19  }
0x15: {  	s21 =	sadd.s32 s24, s9;
	[dreg:$0x8] =	wrdreg s23;
	s22 =	smul.u32 $0x2800, s16  }
0x16: {  	s12 =	sadd.s32 s12, s2;
	[dreg:$0xb] =	wrdreg s21;
	s25 =	smul.u32 $0x500, s16  }
0x17: {  	s23 =	sadd.s32 s10, s18;
	s24 =	sshrl.u32 s20, $0x3;
	s16 =	smul.u32 $0x5000, s14  }
0x18: {  	[dreg:$0xc] =	wrdreg s23;
	s9 =	sadd.s32 s10, s24;
	s5 =	sadd.s32 s26, s5  }
0x19: {  	s23 =	smax.u32 s11, $0x1;
	s26 =	sshrl.u32 s12, $0x3;
	s11 =	simm.s32 $0x2  }
0x1a: {  	s12 =	simm.s32 $0x4;
	s8 =	sshrl.u32 s22, $0x3;
	s15 =	sadd.s32 s10, s25  }
0x1b: {  	s17 =	sor.u32 $0x2800, s5;
	s5 =	sshrl.u32 s5, $0x3;
	[dreg:$0x12] =	wrdreg s23  }
0x1c: {  	s20 =	sshrl.u32 s16, $0x3;
	s24 =	sadd.s32 $0x500, s9;
	[dreg:$0x15] =	wrdreg s26  }
0x1d: {  	s23 =	simm.s32 $0x7;
	[dreg:$0xd] =	wrdreg s15;
	s8 =	sadd.s32 s10, s8  }
0x1e: {  	s10 =	simm.s32 $0xA2200;
	s5 =	sadd.s32 s5, s13;
	[dreg:$0x13] =	wrdreg s24  }
0x1f: {  	s18 =	sshrl.u32 s17, $0x3;
	s21 =	sadd.s32 s6, s20;
	[dreg:$0xe] =	wrdreg s5  }
0x20: {  	s22 =	sadd.s32 s7, s20;
	s17 =	simm.s32 $0x9080;
	[dreg:$0x10] =	wrdreg s21  }
0x21: {  	s24 =	simm.s32 $0x6;
	s10 =	simm.s32 @!p0 $0xA1C00;
	[dreg:$0x11] =	wrdreg s22  }
0x22: {  	p0 =	sne.s32 s19, $0xF;
	s25 =	sadd.s32 $0x500, s8;
	s5 =	simm.s32 $0x4000  }
0x23: {  	s8 =	simm.s32 $0x9000;
	s21 =	simm.s32 $0x9480;
	s0 =	sadd.s32 s10, s0  }
0x24: {  	s22 =	simm.s32 $0x9500;
	[dreg:$0x14] =	wrdreg s25;
	s0 =	sadd.s32 s28, s0  }
0x25: {  	s10 =	simm.s32 $0x3;
	[dreg:$0x18] =	wrdreg s0;
	s0 =	sadd.s32 s18, s13  }
0x26: {  	s28 =	sadd.s32 $0x2700, s3;
	[dreg:$0xf] =	wrdreg s0;
	s0 =	sadd.s32 $0x138000, s2  }
0x27: {  	s25 =	simm.s32 $0x0;
	[dreg:$0x17] =	wrdreg s28;
	s0 =	sshrl.u32 @!p0 s0, $0x3  }
0x28: {  	v0 =	vimm.f32 $0.0e+00;
	v1 =	vimm.f32 $1.000000000e+00;
	s13 =	simm.s32 $0x5;
	[dreg:$0x16] =	wrdreg s0;
	s0 =	simm.s32 $0x50  }
.LBB2_1:
0x29: {  	s9 =	rddreg [dreg:$0x6]  }
0x2a: {  	s14 =	rddreg [dreg:$0x7]  }
0x2b: {  	s15 =	rddreg [dreg:$0x15]  }
0x2c: {  	[spmem:s15], [sflag:s14] =	dma.local [hbm:s9], $0x2700  }
0x2d: {  	_ =	swait.ge [sflag:s29], $0x2700  }
0x2e: {  	[sflag:s29] =	ssyncset.done $0x0  }
0x2f: {  	[sflag:s29] =	ssyncadd.s32 $0xFFFFD900  }
0x30: {  	[tilespmem:$0x9580] =	vst v0  }
0x31: {  	[tilespmem:$0x9590] =	vst v0  }
0x32: {  	[tilespmem:$0x95A0] =	vst v0  }
0x33: {  	[tilespmem:$0x95B0] =	vst v0  }
0x34: {  	[tilespmem:$0x95C0] =	vst v0  }
0x35: {  	[tilespmem:$0x95D0] =	vst v0  }
0x36: {  	[tilespmem:$0x95E0] =	vst v0  }
0x37: {  	[tilespmem:$0x95F0] =	vst v0  }
0x38: {  	[tilespmem:$0x9600] =	vst v0  }
0x39: {  	[tilespmem:$0x9610] =	vst v0  }
0x3a: {  	[tilespmem:$0x9620] =	vst v0  }
0x3b: {  	[tilespmem:$0x9630] =	vst v0  }
0x3c: {  	[tilespmem:$0x9640] =	vst v0  }
0x3d: {  	[tilespmem:$0x9650] =	vst v0  }
0x3e: {  	[tilespmem:$0x9660] =	vst v0  }
0x3f: {  	[tilespmem:$0x9670] =	vst v0  }
0x40: {  	[tilespmem:$0x9680] =	vst v0  }
0x41: {  	[tilespmem:$0x9690] =	vst v0  }
0x42: {  	[tilespmem:$0x96A0] =	vst v0  }
0x43: {  	[tilespmem:$0x96B0] =	vst v0  }
0x44: {  	[tilespmem:$0x96C0] =	vst v0  }
0x45: {  	[tilespmem:$0x96D0] =	vst v0  }
0x46: {  	[tilespmem:$0x96E0] =	vst v0  }
0x47: {  	[tilespmem:$0x96F0] =	vst v0  }
0x48: {  	[tilespmem:$0x9700] =	vst v0  }
0x49: {  	[tilespmem:$0x9710] =	vst v0  }
0x4a: {  	[tilespmem:$0x9720] =	vst v0  }
0x4b: {  	[tilespmem:$0x9730] =	vst v0  }
0x4c: {  	[tilespmem:$0x9740] =	vst v0  }
0x4d: {  	[tilespmem:$0x9750] =	vst v0  }
0x4e: {  	[tilespmem:$0x9760] =	vst v0  }
0x4f: {  	[tilespmem:$0x9770] =	vst v0  }
0x50: {  	[tilespmem:$0x9780] =	vst v0  }
0x51: {  	[tilespmem:$0x9790] =	vst v0  }
0x52: {  	[tilespmem:$0x97A0] =	vst v0  }
0x53: {  	[tilespmem:$0x97B0] =	vst v0  }
0x54: {  	[tilespmem:$0x97C0] =	vst v0  }
0x55: {  	[tilespmem:$0x97D0] =	vst v0  }
0x56: {  	s19 =	simm.s32 $0x9580;
	s18 =	rddreg [dreg:$0x8];
	[tilespmem:$0x97E0] =	vst v0  }
0x57: {  	[spmem:s18] =	stream.linear.scatter [tilespmem:s19], [sflag:$0xC], $0x270, $0x38;
	[tilespmem:$0x1D2F8] =	vst v63  }
0x58: {  	_ =	swait.ge [sflag:s29], $0x270  }
0x59: {  	[sflag:s29] =	ssyncset.done $0x0;
	s9 =	rddreg [dreg:$0x9]  }
0x5a: {  	s15 =	rddreg [dreg:$0x16];
	[sflag:s29] =	ssyncadd.s32 $0xFFFFFD90  }
0x5b: {  	[spmem:s15], [sflag:s14] =	dma.local @!p0 [hbm:s9], $0x100  }
0x5c: {  	s9 =	simm.s32 @!p0 $0xC  }
0x5d: {  	_ =	swait.ge @!p0 [sflag:s9], $0x100  }
0x5e: {  	[sflag:s9] =	ssyncset.done @!p0 $0x0  }
0x5f: {  	s14 =	simm.s32 @!p0 $0x9580;
	s15 =	rddreg [dreg:$0x17];
	[sflag:s9] =	ssyncadd.s32 @!p0 $0xFFFFFF00  }
0x60: {  	[spmem:s15] =	stream.linear.scatter @!p0 [tilespmem:s14], [sflag:$0xC], $0x10, $0x38;
	[tilespmem:$0x1D2F8] =	vst v63  }
0x61: {  	_ =	swait.ge @!p0 [sflag:s9], $0x10  }
0x62: {  	[sflag:s9] =	ssyncset.done @!p0 $0x0  }
0x63: {  	[sflag:s9] =	ssyncadd.s32 @!p0 $0xFFFFFFF0  }
0x64: {  	[tilespmem:$0x9000] =	vst v1  }
0x65: {  	[tilespmem:$0x9010] =	vst v1  }
0x66: {  	[tilespmem:$0x9020] =	vst v1  }
0x67: {  	[tilespmem:$0x9030] =	vst v1  }
0x68: {  	s28 =	simm.s32 $0x2000;
	s18 =	simm.s32 $0x0;
	s15 =	smin.u32 s31, $0x4;
	[tilespmem:$0x9040] =	vst v1  }
0x69: {  	s14 =	sand.u32 $0x1, s18;
	s9 =	sshll.u32 s15, $0xC;
	[bflag:$0x0] =	sbarrier.arrive $0xFFFF  }
0x6a: {  	s19 =	sxor.u32 $0x1, s14;
	s9 =	sadd.s32 s16, s9;
	s20 =	rddreg [dreg:$0x10]  }
0x6b: {  	[tilespmem:s4], [sflag:$0x8] =	stream.linear.gather [hbm4b:s20+s4], $0xC80, $0x38;
	[tilespmem:$0x1D2F8] =	vst v63  }
0x6c: {  	s18 =	sshll.u32 s19, $0xC;
	s9 =	sshrl.u32 s9, $0x3;
	s26 =	rddreg [dreg:$0x11]  }
0x6d: {  	[tilespmem:s28], [sflag:$0xA] =	stream.linear.gather [hbm4b:s26+s4], $0xC80, $0x38;
	[tilespmem:$0x1D2F8] =	vst v63  }
0x6e: {  	s15 =	sor.u32 $0xA, s19;
	s20 =	sadd.s32 s6, s9;
	s26 =	sor.u32 $0x8, s19  }
0x6f: {  	[tilespmem:s18], [sflag:s26] =	stream.linear.gather [hbm4b:s20+s4], $0xC80, $0x38;
	[tilespmem:$0x1D2F8] =	vst v63  }
0x70: {  	s9 =	sadd.s32 s7, s9;
	s18 =	sor.u32 $0x2000, s18;
	s26 =	sor.u32 $0x8, s14  }
0x71: {  	[tilespmem:s18], [sflag:s15] =	stream.linear.gather [hbm4b:s9+s4], $0xC80, $0x38;
	[tilespmem:$0x1D2F8] =	vst v63  }
0x72: {  	_ =	swait.ge [sflag:s26], $0xC80  }
0x73: {  	[sflag:s26] =	ssyncset.done $0x0  }
0x74: {  	s28 =	sor.u32 $0xA, s14;
	[sflag:s26] =	ssyncadd.s32 $0xFFFFF380  }
0x75: {  	_ =	swait.ge [sflag:s28], $0xC80  }
0x76: {  	[sflag:s28] =	ssyncset.done $0x0  }
0x77: {  	s14 =	sshll.u32 s14, $0xC;
	[sflag:s28] =	ssyncadd.s32 $0xFFFFF380  }
0x78: {  	[tilespmem:s5], [sflag:$0x1] =	stream.indirect.gather [hbm4b:s1+s0], $0x80, s14, s0, $0xb8;
	[tilespmem:$0x1D2F8] =	vst v63  }
0x79: {  	s18 =	sor.u32 $0x80, s14  }
0x7a: {  	[tilespmem:s30], [sflag:$0x2] =	stream.indirect.gather [hbm4b:s1+s0], $0x80, s18, s0, $0xb8;
	[tilespmem:$0x1D2F8] =	vst v63  }
0x7b: {  	_ =	swait.ge [sflag:s31], $0x2800  }
0x7c: {  	[sflag:s31] =	ssyncset.done $0x0  }
0x7d: {  	s19 =	sor.u32 $0x2000, s14;
	[sflag:s31] =	ssyncadd.s32 $0xFFFFD800  }
0x7e: {  	[spmem:s2] =	stream.indirect.scatter.add.f32 [tilespmem:s5], [sflag:$0x3], $0x80, s19, s0, $0xb8;
	[tilespmem:$0x1D2F8] =	vst v63  }
0x7f: {  	_ = 	snop  }
0x80: {  	[spmem:s3] =	stream.indirect.scatter.add.f32 [tilespmem:s8], [sflag:$0x5], $0x1, s19, s0, $0xb8;
	[tilespmem:$0x1D2F8] =	vst v63  }
0x81: {  	_ =	swait.ge [sflag:s10], $0x2800  }
0x82: {  	[sflag:s10] =	ssyncset.done $0x0  }
0x83: {  	s20 =	sor.u32 $0x100, s14;
	[sflag:s10] =	ssyncadd.s32 $0xFFFFD800  }
0x84: {  	[tilespmem:s5], [sflag:$0x1] =	stream.indirect.gather [hbm4b:s1+s0], $0x80, s20, s0, $0xb8;
	[tilespmem:$0x1D2F8] =	vst v63  }
0x85: {  	_ =	swait.ge [sflag:s11], $0x2800  }
0x86: {  	[sflag:s11] =	ssyncset.done $0x0  }
0x87: {  	s26 =	sor.u32 $0x2080, s14;
	[sflag:s11] =	ssyncadd.s32 $0xFFFFD800  }
0x88: {  	[spmem:s2] =	stream.indirect.scatter.add.f32 [tilespmem:s30], [sflag:$0x4], $0x80, s26, s0, $0xb8;
	[tilespmem:$0x1D2F8] =	vst v63  }
0x89: {  	_ = 	snop  }
0x8a: {  	[spmem:s3] =	stream.indirect.scatter.add.f32 [tilespmem:s8], [sflag:$0x5], $0x1, s26, s0, $0xb8;
	[tilespmem:$0x1D2F8] =	vst v63  }
0x8b: {  	_ =	swait.ge [sflag:s12], $0x2800  }
0x8c: {  	[sflag:s12] =	ssyncset.done $0x0  }
0x8d: {  	s28 =	sor.u32 $0x180, s14;
	[sflag:s12] =	ssyncadd.s32 $0xFFFFD800  }
0x8e: {  	[tilespmem:s30], [sflag:$0x2] =	stream.indirect.gather [hbm4b:s1+s0], $0x80, s28, s0, $0xb8;
	[tilespmem:$0x1D2F8] =	vst v63  }
0x8f: {  	_ =	swait.ge [sflag:s31], $0x2800  }
0x90: {  	[sflag:s31] =	ssyncset.done $0x0  }
0x91: {  	s15 =	sor.u32 $0x2100, s14;
	[sflag:s31] =	ssyncadd.s32 $0xFFFFD800  }
0x92: {  	[spmem:s2] =	stream.indirect.scatter.add.f32 [tilespmem:s5], [sflag:$0x3], $0x80, s15, s0, $0xb8;
	[tilespmem:$0x1D2F8] =	vst v63  }
0x93: {  	_ = 	snop  }
0x94: {  	[spmem:s3] =	stream.indirect.scatter.add.f32 [tilespmem:s8], [sflag:$0x5], $0x1, s15, s0, $0xb8;
	[tilespmem:$0x1D2F8] =	vst v63  }
0x95: {  	_ =	swait.ge [sflag:s10], $0x2800  }
0x96: {  	[sflag:s10] =	ssyncset.done $0x0  }
0x97: {  	s18 =	sor.u32 $0x200, s14;
	[sflag:s10] =	ssyncadd.s32 $0xFFFFD800  }
0x98: {  	[tilespmem:s5], [sflag:$0x1] =	stream.indirect.gather [hbm4b:s1+s0], $0x80, s18, s0, $0xb8;
	[tilespmem:$0x1D2F8] =	vst v63  }
0x99: {  	_ =	swait.ge [sflag:s11], $0x2800  }
0x9a: {  	[sflag:s11] =	ssyncset.done $0x0  }
0x9b: {  	s19 =	sor.u32 $0x2180, s14;
	[sflag:s11] =	ssyncadd.s32 $0xFFFFD800  }
0x9c: {  	[spmem:s2] =	stream.indirect.scatter.add.f32 [tilespmem:s30], [sflag:$0x4], $0x80, s19, s0, $0xb8;
	[tilespmem:$0x1D2F8] =	vst v63  }
0x9d: {  	_ = 	snop  }
0x9e: {  	[spmem:s3] =	stream.indirect.scatter.add.f32 [tilespmem:s8], [sflag:$0x5], $0x1, s19, s0, $0xb8;
	[tilespmem:$0x1D2F8] =	vst v63  }
0x9f: {  	_ =	swait.ge [sflag:s12], $0x2800  }
0xa0: {  	[sflag:s12] =	ssyncset.done $0x0  }
0xa1: {  	s20 =	sor.u32 $0x280, s14;
	[sflag:s12] =	ssyncadd.s32 $0xFFFFD800  }
0xa2: {  	[tilespmem:s30], [sflag:$0x2] =	stream.indirect.gather [hbm4b:s1+s0], $0x80, s20, s0, $0xb8;
	[tilespmem:$0x1D2F8] =	vst v63  }
0xa3: {  	_ =	swait.ge [sflag:s31], $0x2800  }
0xa4: {  	[sflag:s31] =	ssyncset.done $0x0  }
0xa5: {  	s26 =	sor.u32 $0x2200, s14;
	[sflag:s31] =	ssyncadd.s32 $0xFFFFD800  }
0xa6: {  	[spmem:s2] =	stream.indirect.scatter.add.f32 [tilespmem:s5], [sflag:$0x3], $0x80, s26, s0, $0xb8;
	[tilespmem:$0x1D2F8] =	vst v63  }
0xa7: {  	_ = 	snop  }
0xa8: {  	[spmem:s3] =	stream.indirect.scatter.add.f32 [tilespmem:s8], [sflag:$0x5], $0x1, s26, s0, $0xb8;
	[tilespmem:$0x1D2F8] =	vst v63  }
0xa9: {  	_ =	swait.ge [sflag:s10], $0x2800  }
0xaa: {  	[sflag:s10] =	ssyncset.done $0x0  }
0xab: {  	s28 =	sor.u32 $0x300, s14;
	[sflag:s10] =	ssyncadd.s32 $0xFFFFD800  }
0xac: {  	[tilespmem:s5], [sflag:$0x1] =	stream.indirect.gather [hbm4b:s1+s0], $0x80, s28, s0, $0xb8;
	[tilespmem:$0x1D2F8] =	vst v63  }
0xad: {  	_ =	swait.ge [sflag:s11], $0x2800  }
0xae: {  	[sflag:s11] =	ssyncset.done $0x0  }
0xaf: {  	s15 =	sor.u32 $0x2280, s14;
	[sflag:s11] =	ssyncadd.s32 $0xFFFFD800  }
0xb0: {  	[spmem:s2] =	stream.indirect.scatter.add.f32 [tilespmem:s30], [sflag:$0x4], $0x80, s15, s0, $0xb8;
	[tilespmem:$0x1D2F8] =	vst v63  }
0xb1: {  	_ = 	snop  }
0xb2: {  	[spmem:s3] =	stream.indirect.scatter.add.f32 [tilespmem:s8], [sflag:$0x5], $0x1, s15, s0, $0xb8;
	[tilespmem:$0x1D2F8] =	vst v63  }
0xb3: {  	_ =	swait.ge [sflag:s12], $0x2800  }
0xb4: {  	[sflag:s12] =	ssyncset.done $0x0  }
0xb5: {  	s18 =	sor.u32 $0x380, s14;
	[sflag:s12] =	ssyncadd.s32 $0xFFFFD800  }
0xb6: {  	[tilespmem:s30], [sflag:$0x2] =	stream.indirect.gather [hbm4b:s1+s0], $0x80, s18, s0, $0xb8;
	[tilespmem:$0x1D2F8] =	vst v63  }
0xb7: {  	_ =	swait.ge [sflag:s31], $0x2800  }
0xb8: {  	[sflag:s31] =	ssyncset.done $0x0  }
0xb9: {  	s19 =	sor.u32 $0x2300, s14;
	[sflag:s31] =	ssyncadd.s32 $0xFFFFD800  }
0xba: {  	[spmem:s2] =	stream.indirect.scatter.add.f32 [tilespmem:s5], [sflag:$0x3], $0x80, s19, s0, $0xb8;
	[tilespmem:$0x1D2F8] =	vst v63  }
0xbb: {  	_ = 	snop  }
0xbc: {  	[spmem:s3] =	stream.indirect.scatter.add.f32 [tilespmem:s8], [sflag:$0x5], $0x1, s19, s0, $0xb8;
	[tilespmem:$0x1D2F8] =	vst v63  }
0xbd: {  	_ =	swait.ge [sflag:s10], $0x2800  }
0xbe: {  	[sflag:s10] =	ssyncset.done $0x0  }
0xbf: {  	s20 =	sor.u32 $0x400, s14;
	[sflag:s10] =	ssyncadd.s32 $0xFFFFD800  }
0xc0: {  	[tilespmem:s5], [sflag:$0x1] =	stream.indirect.gather [hbm4b:s1+s0], $0x80, s20, s0, $0xb8;
	[tilespmem:$0x1D2F8] =	vst v63  }
0xc1: {  	_ =	swait.ge [sflag:s11], $0x2800  }
0xc2: {  	[sflag:s11] =	ssyncset.done $0x0  }
0xc3: {  	s26 =	sor.u32 $0x2380, s14;
	[sflag:s11] =	ssyncadd.s32 $0xFFFFD800  }
0xc4: {  	[spmem:s2] =	stream.indirect.scatter.add.f32 [tilespmem:s30], [sflag:$0x4], $0x80, s26, s0, $0xb8;
	[tilespmem:$0x1D2F8] =	vst v63  }
0xc5: {  	_ = 	snop  }
0xc6: {  	[spmem:s3] =	stream.indirect.scatter.add.f32 [tilespmem:s8], [sflag:$0x5], $0x1, s26, s0, $0xb8;
	[tilespmem:$0x1D2F8] =	vst v63  }
0xc7: {  	_ =	swait.ge [sflag:s12], $0x2800  }
0xc8: {  	[sflag:s12] =	ssyncset.done $0x0  }
0xc9: {  	s28 =	sor.u32 $0x480, s14;
	[sflag:s12] =	ssyncadd.s32 $0xFFFFD800  }
0xca: {  	[tilespmem:s30], [sflag:$0x2] =	stream.indirect.gather [hbm4b:s1+s0], $0x80, s28, s0, $0xb8;
	[tilespmem:$0x1D2F8] =	vst v63  }
0xcb: {  	_ =	swait.ge [sflag:s31], $0x2800  }
0xcc: {  	[sflag:s31] =	ssyncset.done $0x0  }
0xcd: {  	s15 =	sor.u32 $0x2400, s14;
	[sflag:s31] =	ssyncadd.s32 $0xFFFFD800  }
0xce: {  	[spmem:s2] =	stream.indirect.scatter.add.f32 [tilespmem:s5], [sflag:$0x3], $0x80, s15, s0, $0xb8;
	[tilespmem:$0x1D2F8] =	vst v63  }
0xcf: {  	_ = 	snop  }
0xd0: {  	[spmem:s3] =	stream.indirect.scatter.add.f32 [tilespmem:s8], [sflag:$0x5], $0x1, s15, s0, $0xb8;
	[tilespmem:$0x1D2F8] =	vst v63  }
0xd1: {  	_ =	swait.ge [sflag:s10], $0x2800  }
0xd2: {  	[sflag:s10] =	ssyncset.done $0x0  }
0xd3: {  	s18 =	sor.u32 $0x500, s14;
	[sflag:s10] =	ssyncadd.s32 $0xFFFFD800  }
0xd4: {  	[tilespmem:s5], [sflag:$0x1] =	stream.indirect.gather [hbm4b:s1+s0], $0x80, s18, s0, $0xb8;
	[tilespmem:$0x1D2F8] =	vst v63  }
0xd5: {  	_ =	swait.ge [sflag:s11], $0x2800  }
0xd6: {  	[sflag:s11] =	ssyncset.done $0x0  }
0xd7: {  	s19 =	sor.u32 $0x2480, s14;
	[sflag:s11] =	ssyncadd.s32 $0xFFFFD800  }
0xd8: {  	[spmem:s2] =	stream.indirect.scatter.add.f32 [tilespmem:s30], [sflag:$0x4], $0x80, s19, s0, $0xb8;
	[tilespmem:$0x1D2F8] =	vst v63  }
0xd9: {  	_ = 	snop  }
0xda: {  	[spmem:s3] =	stream.indirect.scatter.add.f32 [tilespmem:s8], [sflag:$0x5], $0x1, s19, s0, $0xb8;
	[tilespmem:$0x1D2F8] =	vst v63  }
0xdb: {  	_ =	swait.ge [sflag:s12], $0x2800  }
0xdc: {  	[sflag:s12] =	ssyncset.done $0x0  }
0xdd: {  	s20 =	sor.u32 $0x580, s14;
	[sflag:s12] =	ssyncadd.s32 $0xFFFFD800  }
0xde: {  	[tilespmem:s30], [sflag:$0x2] =	stream.indirect.gather [hbm4b:s1+s0], $0x80, s20, s0, $0xb8;
	[tilespmem:$0x1D2F8] =	vst v63  }
0xdf: {  	_ =	swait.ge [sflag:s31], $0x2800  }
0xe0: {  	[sflag:s31] =	ssyncset.done $0x0  }
0xe1: {  	s26 =	sor.u32 $0x2500, s14;
	[sflag:s31] =	ssyncadd.s32 $0xFFFFD800  }
0xe2: {  	[spmem:s2] =	stream.indirect.scatter.add.f32 [tilespmem:s5], [sflag:$0x3], $0x80, s26, s0, $0xb8;
	[tilespmem:$0x1D2F8] =	vst v63  }
0xe3: {  	_ = 	snop  }
0xe4: {  	[spmem:s3] =	stream.indirect.scatter.add.f32 [tilespmem:s8], [sflag:$0x5], $0x1, s26, s0, $0xb8;
	[tilespmem:$0x1D2F8] =	vst v63  }
0xe5: {  	_ =	swait.ge [sflag:s10], $0x2800  }
0xe6: {  	[sflag:s10] =	ssyncset.done $0x0  }
0xe7: {  	s28 =	sor.u32 $0x600, s14;
	[sflag:s10] =	ssyncadd.s32 $0xFFFFD800  }
0xe8: {  	[tilespmem:s5], [sflag:$0x1] =	stream.indirect.gather [hbm4b:s1+s0], $0x80, s28, s0, $0xb8;
	[tilespmem:$0x1D2F8] =	vst v63  }
0xe9: {  	_ =	swait.ge [sflag:s11], $0x2800  }
0xea: {  	[sflag:s11] =	ssyncset.done $0x0  }
0xeb: {  	s15 =	sor.u32 $0x2580, s14;
	[sflag:s11] =	ssyncadd.s32 $0xFFFFD800  }
0xec: {  	[spmem:s2] =	stream.indirect.scatter.add.f32 [tilespmem:s30], [sflag:$0x4], $0x80, s15, s0, $0xb8;
	[tilespmem:$0x1D2F8] =	vst v63  }
0xed: {  	_ = 	snop  }
0xee: {  	[spmem:s3] =	stream.indirect.scatter.add.f32 [tilespmem:s8], [sflag:$0x5], $0x1, s15, s0, $0xb8;
	[tilespmem:$0x1D2F8] =	vst v63  }
0xef: {  	_ =	swait.ge [sflag:s12], $0x2800  }
0xf0: {  	[sflag:s12] =	ssyncset.done $0x0  }
0xf1: {  	s18 =	sor.u32 $0x680, s14;
	[sflag:s12] =	ssyncadd.s32 $0xFFFFD800  }
0xf2: {  	[tilespmem:s30], [sflag:$0x2] =	stream.indirect.gather [hbm4b:s1+s0], $0x80, s18, s0, $0xb8;
	[tilespmem:$0x1D2F8] =	vst v63  }
0xf3: {  	_ =	swait.ge [sflag:s31], $0x2800  }
0xf4: {  	[sflag:s31] =	ssyncset.done $0x0  }
0xf5: {  	s19 =	sor.u32 $0x2600, s14;
	[sflag:s31] =	ssyncadd.s32 $0xFFFFD800  }
0xf6: {  	[spmem:s2] =	stream.indirect.scatter.add.f32 [tilespmem:s5], [sflag:$0x3], $0x80, s19, s0, $0xb8;
	[tilespmem:$0x1D2F8] =	vst v63  }
0xf7: {  	_ = 	snop  }
0xf8: {  	[spmem:s3] =	stream.indirect.scatter.add.f32 [tilespmem:s8], [sflag:$0x5], $0x1, s19, s0, $0xb8;
	[tilespmem:$0x1D2F8] =	vst v63  }
0xf9: {  	_ =	swait.ge [sflag:s10], $0x2800  }
0xfa: {  	[sflag:s10] =	ssyncset.done $0x0  }
0xfb: {  	s20 =	sor.u32 $0x700, s14;
	[sflag:s10] =	ssyncadd.s32 $0xFFFFD800  }
0xfc: {  	[tilespmem:s5], [sflag:$0x1] =	stream.indirect.gather [hbm4b:s1+s0], $0x80, s20, s0, $0xb8;
	[tilespmem:$0x1D2F8] =	vst v63  }
0xfd: {  	_ =	swait.ge [sflag:s11], $0x2800  }
0xfe: {  	[sflag:s11] =	ssyncset.done $0x0  }
0xff: {  	s26 =	sor.u32 $0x2680, s14;
	[sflag:s11] =	ssyncadd.s32 $0xFFFFD800  }
0x100: {  	[spmem:s2] =	stream.indirect.scatter.add.f32 [tilespmem:s30], [sflag:$0x4], $0x80, s26, s0, $0xb8;
	[tilespmem:$0x1D2F8] =	vst v63  }
0x101: {  	_ = 	snop  }
0x102: {  	[spmem:s3] =	stream.indirect.scatter.add.f32 [tilespmem:s8], [sflag:$0x5], $0x1, s26, s0, $0xb8;
	[tilespmem:$0x1D2F8] =	vst v63  }
0x103: {  	_ =	swait.ge [sflag:s12], $0x2800  }
0x104: {  	[sflag:s12] =	ssyncset.done $0x0  }
0x105: {  	s28 =	sor.u32 $0x780, s14;
	[sflag:s12] =	ssyncadd.s32 $0xFFFFD800  }
0x106: {  	[tilespmem:s30], [sflag:$0x2] =	stream.indirect.gather [hbm4b:s1+s0], $0x80, s28, s0, $0xb8;
	[tilespmem:$0x1D2F8] =	vst v63  }
0x107: {  	_ =	swait.ge [sflag:s31], $0x2800  }
0x108: {  	[sflag:s31] =	ssyncset.done $0x0  }
0x109: {  	s15 =	sor.u32 $0x2700, s14;
	[sflag:s31] =	ssyncadd.s32 $0xFFFFD800  }
0x10a: {  	[spmem:s2] =	stream.indirect.scatter.add.f32 [tilespmem:s5], [sflag:$0x3], $0x80, s15, s0, $0xb8;
	[tilespmem:$0x1D2F8] =	vst v63  }
0x10b: {  	_ = 	snop  }
0x10c: {  	[spmem:s3] =	stream.indirect.scatter.add.f32 [tilespmem:s8], [sflag:$0x5], $0x1, s15, s0, $0xb8;
	[tilespmem:$0x1D2F8] =	vst v63  }
0x10d: {  	_ =	swait.ge [sflag:s10], $0x2800  }
0x10e: {  	[sflag:s10] =	ssyncset.done $0x0  }
0x10f: {  	s18 =	sor.u32 $0x800, s14;
	[sflag:s10] =	ssyncadd.s32 $0xFFFFD800  }
0x110: {  	[tilespmem:s5], [sflag:$0x1] =	stream.indirect.gather [hbm4b:s1+s0], $0x80, s18, s0, $0xb8;
	[tilespmem:$0x1D2F8] =	vst v63  }
0x111: {  	_ =	swait.ge [sflag:s11], $0x2800  }
0x112: {  	[sflag:s11] =	ssyncset.done $0x0  }
0x113: {  	s19 =	sor.u32 $0x2780, s14;
	[sflag:s11] =	ssyncadd.s32 $0xFFFFD800  }
0x114: {  	[spmem:s2] =	stream.indirect.scatter.add.f32 [tilespmem:s30], [sflag:$0x4], $0x80, s19, s0, $0xb8;
	[tilespmem:$0x1D2F8] =	vst v63  }
0x115: {  	_ = 	snop  }
0x116: {  	[spmem:s3] =	stream.indirect.scatter.add.f32 [tilespmem:s8], [sflag:$0x5], $0x1, s19, s0, $0xb8;
	[tilespmem:$0x1D2F8] =	vst v63  }
0x117: {  	_ =	swait.ge [sflag:s12], $0x2800  }
0x118: {  	[sflag:s12] =	ssyncset.done $0x0  }
0x119: {  	s20 =	sor.u32 $0x880, s14;
	[sflag:s12] =	ssyncadd.s32 $0xFFFFD800  }
0x11a: {  	[tilespmem:s30], [sflag:$0x2] =	stream.indirect.gather [hbm4b:s1+s0], $0x80, s20, s0, $0xb8;
	[tilespmem:$0x1D2F8] =	vst v63  }
0x11b: {  	_ =	swait.ge [sflag:s31], $0x2800  }
0x11c: {  	[sflag:s31] =	ssyncset.done $0x0  }
0x11d: {  	s26 =	sor.u32 $0x2800, s14;
	[sflag:s31] =	ssyncadd.s32 $0xFFFFD800  }
0x11e: {  	[spmem:s2] =	stream.indirect.scatter.add.f32 [tilespmem:s5], [sflag:$0x3], $0x80, s26, s0, $0xb8;
	[tilespmem:$0x1D2F8] =	vst v63  }
0x11f: {  	_ = 	snop  }
0x120: {  	[spmem:s3] =	stream.indirect.scatter.add.f32 [tilespmem:s8], [sflag:$0x5], $0x1, s26, s0, $0xb8;
	[tilespmem:$0x1D2F8] =	vst v63  }
0x121: {  	_ =	swait.ge [sflag:s10], $0x2800  }
0x122: {  	[sflag:s10] =	ssyncset.done $0x0  }
0x123: {  	s28 =	sor.u32 $0x900, s14;
	[sflag:s10] =	ssyncadd.s32 $0xFFFFD800  }
0x124: {  	[tilespmem:s5], [sflag:$0x1] =	stream.indirect.gather [hbm4b:s1+s0], $0x80, s28, s0, $0xb8;
	[tilespmem:$0x1D2F8] =	vst v63  }
0x125: {  	_ =	swait.ge [sflag:s11], $0x2800  }
0x126: {  	[sflag:s11] =	ssyncset.done $0x0  }
0x127: {  	s15 =	sor.u32 $0x2880, s14;
	[sflag:s11] =	ssyncadd.s32 $0xFFFFD800  }
0x128: {  	[spmem:s2] =	stream.indirect.scatter.add.f32 [tilespmem:s30], [sflag:$0x4], $0x80, s15, s0, $0xb8;
	[tilespmem:$0x1D2F8] =	vst v63  }
0x129: {  	_ = 	snop  }
0x12a: {  	[spmem:s3] =	stream.indirect.scatter.add.f32 [tilespmem:s8], [sflag:$0x5], $0x1, s15, s0, $0xb8;
	[tilespmem:$0x1D2F8] =	vst v63  }
0x12b: {  	_ =	swait.ge [sflag:s12], $0x2800  }
0x12c: {  	[sflag:s12] =	ssyncset.done $0x0  }
0x12d: {  	s18 =	sor.u32 $0x980, s14;
	[sflag:s12] =	ssyncadd.s32 $0xFFFFD800  }
0x12e: {  	[tilespmem:s30], [sflag:$0x2] =	stream.indirect.gather [hbm4b:s1+s0], $0x80, s18, s0, $0xb8;
	[tilespmem:$0x1D2F8] =	vst v63  }
0x12f: {  	_ =	swait.ge [sflag:s31], $0x2800  }
0x130: {  	[sflag:s31] =	ssyncset.done $0x0  }
0x131: {  	s19 =	sor.u32 $0x2900, s14;
	[sflag:s31] =	ssyncadd.s32 $0xFFFFD800  }
0x132: {  	[spmem:s2] =	stream.indirect.scatter.add.f32 [tilespmem:s5], [sflag:$0x3], $0x80, s19, s0, $0xb8;
	[tilespmem:$0x1D2F8] =	vst v63  }
0x133: {  	_ = 	snop  }
0x134: {  	[spmem:s3] =	stream.indirect.scatter.add.f32 [tilespmem:s8], [sflag:$0x5], $0x1, s19, s0, $0xb8;
	[tilespmem:$0x1D2F8] =	vst v63  }
0x135: {  	_ =	swait.ge [sflag:s10], $0x2800  }
0x136: {  	[sflag:s10] =	ssyncset.done $0x0  }
0x137: {  	s20 =	sor.u32 $0xA00, s14;
	[sflag:s10] =	ssyncadd.s32 $0xFFFFD800  }
0x138: {  	[tilespmem:s5], [sflag:$0x1] =	stream.indirect.gather [hbm4b:s1+s0], $0x80, s20, s0, $0xb8;
	[tilespmem:$0x1D2F8] =	vst v63  }
0x139: {  	_ =	swait.ge [sflag:s11], $0x2800  }
0x13a: {  	[sflag:s11] =	ssyncset.done $0x0  }
0x13b: {  	s26 =	sor.u32 $0x2980, s14;
	[sflag:s11] =	ssyncadd.s32 $0xFFFFD800  }
0x13c: {  	[spmem:s2] =	stream.indirect.scatter.add.f32 [tilespmem:s30], [sflag:$0x4], $0x80, s26, s0, $0xb8;
	[tilespmem:$0x1D2F8] =	vst v63  }
0x13d: {  	_ = 	snop  }
0x13e: {  	[spmem:s3] =	stream.indirect.scatter.add.f32 [tilespmem:s8], [sflag:$0x5], $0x1, s26, s0, $0xb8;
	[tilespmem:$0x1D2F8] =	vst v63  }
0x13f: {  	_ =	swait.ge [sflag:s12], $0x2800  }
0x140: {  	[sflag:s12] =	ssyncset.done $0x0  }
0x141: {  	s28 =	sor.u32 $0xA80, s14;
	[sflag:s12] =	ssyncadd.s32 $0xFFFFD800  }
0x142: {  	[tilespmem:s30], [sflag:$0x2] =	stream.indirect.gather [hbm4b:s1+s0], $0x80, s28, s0, $0xb8;
	[tilespmem:$0x1D2F8] =	vst v63  }
0x143: {  	_ =	swait.ge [sflag:s31], $0x2800  }
0x144: {  	[sflag:s31] =	ssyncset.done $0x0  }
0x145: {  	s15 =	sor.u32 $0x2A00, s14;
	[sflag:s31] =	ssyncadd.s32 $0xFFFFD800  }
0x146: {  	[spmem:s2] =	stream.indirect.scatter.add.f32 [tilespmem:s5], [sflag:$0x3], $0x80, s15, s0, $0xb8;
	[tilespmem:$0x1D2F8] =	vst v63  }
0x147: {  	_ = 	snop  }
0x148: {  	[spmem:s3] =	stream.indirect.scatter.add.f32 [tilespmem:s8], [sflag:$0x5], $0x1, s15, s0, $0xb8;
	[tilespmem:$0x1D2F8] =	vst v63  }
0x149: {  	_ =	swait.ge [sflag:s10], $0x2800  }
0x14a: {  	[sflag:s10] =	ssyncset.done $0x0  }
0x14b: {  	s18 =	sor.u32 $0xB00, s14;
	[sflag:s10] =	ssyncadd.s32 $0xFFFFD800  }
0x14c: {  	[tilespmem:s5], [sflag:$0x1] =	stream.indirect.gather [hbm4b:s1+s0], $0x80, s18, s0, $0xb8;
	[tilespmem:$0x1D2F8] =	vst v63  }
0x14d: {  	_ =	swait.ge [sflag:s11], $0x2800  }
0x14e: {  	[sflag:s11] =	ssyncset.done $0x0  }
0x14f: {  	s19 =	sor.u32 $0x2A80, s14;
	[sflag:s11] =	ssyncadd.s32 $0xFFFFD800  }
0x150: {  	[spmem:s2] =	stream.indirect.scatter.add.f32 [tilespmem:s30], [sflag:$0x4], $0x80, s19, s0, $0xb8;
	[tilespmem:$0x1D2F8] =	vst v63  }
0x151: {  	_ = 	snop  }
0x152: {  	[spmem:s3] =	stream.indirect.scatter.add.f32 [tilespmem:s8], [sflag:$0x5], $0x1, s19, s0, $0xb8;
	[tilespmem:$0x1D2F8] =	vst v63  }
0x153: {  	_ =	swait.ge [sflag:s12], $0x2800  }
0x154: {  	[sflag:s12] =	ssyncset.done $0x0  }
0x155: {  	s20 =	sor.u32 $0xB80, s14;
	[sflag:s12] =	ssyncadd.s32 $0xFFFFD800  }
0x156: {  	[tilespmem:s30], [sflag:$0x2] =	stream.indirect.gather [hbm4b:s1+s0], $0x80, s20, s0, $0xb8;
	[tilespmem:$0x1D2F8] =	vst v63  }
0x157: {  	_ =	swait.ge [sflag:s31], $0x2800  }
0x158: {  	[sflag:s31] =	ssyncset.done $0x0  }
0x159: {  	s26 =	sor.u32 $0x2B00, s14;
	[sflag:s31] =	ssyncadd.s32 $0xFFFFD800  }
0x15a: {  	[spmem:s2] =	stream.indirect.scatter.add.f32 [tilespmem:s5], [sflag:$0x3], $0x80, s26, s0, $0xb8;
	[tilespmem:$0x1D2F8] =	vst v63  }
0x15b: {  	_ = 	snop  }
0x15c: {  	[spmem:s3] =	stream.indirect.scatter.add.f32 [tilespmem:s8], [sflag:$0x5], $0x1, s26, s0, $0xb8;
	[tilespmem:$0x1D2F8] =	vst v63  }
0x15d: {  	_ =	swait.ge [sflag:s10], $0x2800  }
0x15e: {  	[sflag:s10] =	ssyncset.done $0x0  }
0x15f: {  	s28 =	sor.u32 $0xC00, s14;
	[sflag:s10] =	ssyncadd.s32 $0xFFFFD800  }
0x160: {  	[tilespmem:s5], [sflag:$0x1] =	stream.indirect.gather [hbm4b:s1+s0], $0x80, s28, s0, $0xb8;
	[tilespmem:$0x1D2F8] =	vst v63  }
0x161: {  	_ =	swait.ge [sflag:s11], $0x2800  }
0x162: {  	[sflag:s11] =	ssyncset.done $0x0  }
0x163: {  	s15 =	sor.u32 $0x2B80, s14;
	[sflag:s11] =	ssyncadd.s32 $0xFFFFD800  }
0x164: {  	[spmem:s2] =	stream.indirect.scatter.add.f32 [tilespmem:s30], [sflag:$0x4], $0x80, s15, s0, $0xb8;
	[tilespmem:$0x1D2F8] =	vst v63  }
0x165: {  	_ = 	snop  }
0x166: {  	[spmem:s3] =	stream.indirect.scatter.add.f32 [tilespmem:s8], [sflag:$0x5], $0x1, s15, s0, $0xb8;
	[tilespmem:$0x1D2F8] =	vst v63  }
0x167: {  	_ =	swait.ge [sflag:s31], $0x2800  }
0x168: {  	[sflag:s31] =	ssyncset.done $0x0  }
0x169: {  	s18 =	sor.u32 $0x2C00, s14;
	[sflag:s31] =	ssyncadd.s32 $0xFFFFD800  }
0x16a: {  	[spmem:s2] =	stream.indirect.scatter.add.f32 [tilespmem:s5], [sflag:$0x3], $0x80, s18, s0, $0xb8;
	[tilespmem:$0x1D2F8] =	vst v63  }
0x16b: {  	_ = 	snop  }
0x16c: {  	[spmem:s3] =	stream.indirect.scatter.add.f32 [tilespmem:s8], [sflag:$0x5], $0x1, s18, s0, $0xb8;
	[tilespmem:$0x1D2F8] =	vst v63  }
0x16d: {  	_ =	swait.ge [sflag:s12], $0x2800  }
0x16e: {  	[sflag:s12] =	ssyncset.done $0x0  }
0x16f: {  	[sflag:s12] =	ssyncadd.s32 $0xFFFFD800  }
0x170: {  	_ =	swait.ge [sflag:s10], $0x2800  }
0x171: {  	[sflag:s10] =	ssyncset.done $0x0  }
0x172: {  	[sflag:s10] =	ssyncadd.s32 $0xFFFFD800  }
0x173: {  	_ =	swait.ge [sflag:s13], $0x50  }
0x174: {  	[sflag:s13] =	ssyncset.done $0x0  }
0x175: {  	[sflag:s13] =	ssyncadd.s32 $0xFFFFFFB0  }
0x176: {  	_ =	swait.ge [sflag:s13], $0x50  }
0x177: {  	[sflag:s13] =	ssyncset.done $0x0  }
0x178: {  	[sflag:s13] =	ssyncadd.s32 $0xFFFFFFB0  }
0x179: {  	_ =	swait.ge [sflag:s13], $0x50  }
0x17a: {  	[sflag:s13] =	ssyncset.done $0x0  }
0x17b: {  	[sflag:s13] =	ssyncadd.s32 $0xFFFFFFB0  }
0x17c: {  	_ =	swait.ge [sflag:s13], $0x50  }
0x17d: {  	[sflag:s13] =	ssyncset.done $0x0  }
0x17e: {  	[sflag:s13] =	ssyncadd.s32 $0xFFFFFFB0  }
0x17f: {  	_ =	swait.ge [sflag:s13], $0x50  }
0x180: {  	[sflag:s13] =	ssyncset.done $0x0  }
0x181: {  	[sflag:s13] =	ssyncadd.s32 $0xFFFFFFB0  }
0x182: {  	_ =	swait.ge [sflag:s13], $0x50  }
0x183: {  	[sflag:s13] =	ssyncset.done $0x0  }
0x184: {  	[sflag:s13] =	ssyncadd.s32 $0xFFFFFFB0  }
0x185: {  	_ =	swait.ge [sflag:s13], $0x50  }
0x186: {  	[sflag:s13] =	ssyncset.done $0x0  }
0x187: {  	[sflag:s13] =	ssyncadd.s32 $0xFFFFFFB0  }
0x188: {  	_ =	swait.ge [sflag:s13], $0x50  }
0x189: {  	[sflag:s13] =	ssyncset.done $0x0  }
0x18a: {  	[sflag:s13] =	ssyncadd.s32 $0xFFFFFFB0  }
0x18b: {  	_ =	swait.ge [sflag:s13], $0x50  }
0x18c: {  	[sflag:s13] =	ssyncset.done $0x0  }
0x18d: {  	[sflag:s13] =	ssyncadd.s32 $0xFFFFFFB0  }
0x18e: {  	_ =	swait.ge [sflag:s13], $0x50  }
0x18f: {  	[sflag:s13] =	ssyncset.done $0x0  }
0x190: {  	[sflag:s13] =	ssyncadd.s32 $0xFFFFFFB0  }
0x191: {  	_ =	swait.ge [sflag:s13], $0x50  }
0x192: {  	[sflag:s13] =	ssyncset.done $0x0  }
0x193: {  	[sflag:s13] =	ssyncadd.s32 $0xFFFFFFB0  }
0x194: {  	_ =	swait.ge [sflag:s13], $0x50  }
0x195: {  	[sflag:s13] =	ssyncset.done $0x0  }
0x196: {  	[sflag:s13] =	ssyncadd.s32 $0xFFFFFFB0  }
0x197: {  	_ =	swait.ge [sflag:s13], $0x50  }
0x198: {  	[sflag:s13] =	ssyncset.done $0x0  }
0x199: {  	[sflag:s13] =	ssyncadd.s32 $0xFFFFFFB0  }
0x19a: {  	_ =	swait.ge [sflag:s13], $0x50  }
0x19b: {  	[sflag:s13] =	ssyncset.done $0x0  }
0x19c: {  	[sflag:s13] =	ssyncadd.s32 $0xFFFFFFB0  }
0x19d: {  	_ =	swait.ge [sflag:s13], $0x50  }
0x19e: {  	[sflag:s13] =	ssyncset.done $0x0  }
0x19f: {  	[sflag:s13] =	ssyncadd.s32 $0xFFFFFFB0  }
0x1a0: {  	_ =	swait.ge [sflag:s13], $0x50  }
0x1a1: {  	[sflag:s13] =	ssyncset.done $0x0  }
0x1a2: {  	[sflag:s13] =	ssyncadd.s32 $0xFFFFFFB0  }
0x1a3: {  	_ =	swait.ge [sflag:s13], $0x50  }
0x1a4: {  	[sflag:s13] =	ssyncset.done $0x0  }
0x1a5: {  	[sflag:s13] =	ssyncadd.s32 $0xFFFFFFB0  }
0x1a6: {  	_ =	swait.ge [sflag:s13], $0x50  }
0x1a7: {  	[sflag:s13] =	ssyncset.done $0x0  }
0x1a8: {  	[sflag:s13] =	ssyncadd.s32 $0xFFFFFFB0  }
0x1a9: {  	_ =	swait.ge [sflag:s13], $0x50  }
0x1aa: {  	[sflag:s13] =	ssyncset.done $0x0  }
0x1ab: {  	[sflag:s13] =	ssyncadd.s32 $0xFFFFFFB0  }
0x1ac: {  	_ =	swait.ge [sflag:s13], $0x50  }
0x1ad: {  	[sflag:s13] =	ssyncset.done $0x0  }
0x1ae: {  	[sflag:s13] =	ssyncadd.s32 $0xFFFFFFB0  }
0x1af: {  	_ =	swait.ge [sflag:s13], $0x50  }
0x1b0: {  	[sflag:s13] =	ssyncset.done $0x0  }
0x1b1: {  	[sflag:s13] =	ssyncadd.s32 $0xFFFFFFB0  }
0x1b2: {  	_ =	swait.ge [sflag:s13], $0x50  }
0x1b3: {  	[sflag:s13] =	ssyncset.done $0x0  }
0x1b4: {  	[sflag:s13] =	ssyncadd.s32 $0xFFFFFFB0  }
0x1b5: {  	_ =	swait.ge [sflag:s13], $0x50  }
0x1b6: {  	[sflag:s13] =	ssyncset.done $0x0  }
0x1b7: {  	s19 =	simm.s32 $0x2;
	[sflag:s13] =	ssyncadd.s32 $0xFFFFFFB0  }
0x1b8: {  	s9 =	smin.u32 s19, $0x4;
	s20 =	simm.s32 $0x1;
	_ =	swait.ge [sflag:s13], $0x50  }
0x1b9: {  	s9 =	sshll.u32 s9, $0xC;
	s14 =	sand.u32 $0x1, s20;
	[sflag:s13] =	ssyncset.done $0x0  }
0x1ba: {  	s26 =	simm.s32 $0x3;
	s28 =	sadd.s32 s16, s9;
	[sflag:s13] =	ssyncadd.s32 $0xFFFFFFB0  }
0x1bb: {  	s9 =	sxor.u32 $0x1, s14;
	s15 =	sshrl.u32 s28, $0x3;
	_ =	swait.ge [sflag:s13], $0x50  }
.LBB2_2:
0x1bc: {  	s18 =	sshll.u32 s9, $0xC  }
0x1bd: {  	s20 =	sadd.s32 s6, s15;
	[sflag:s13] =	ssyncset.done $0x0;
	s28 =	smov.u32 s26  }
0x1be: {  	s19 =	sor.u32 $0x8, s9;
	s9 =	sor.u32 $0xA, s9;
	[sflag:s13] =	ssyncadd.s32 $0xFFFFFFB0  }
0x1bf: {  	[tilespmem:s18], [sflag:s19] =	stream.linear.gather [hbm4b:s20+s4], $0xC80, $0x38;
	[tilespmem:$0x1D2F8] =	vst v63  }
0x1c0: {  	s15 =	sadd.s32 s7, s15;
	s18 =	sor.u32 $0x2000, s18;
	s19 =	sor.u32 $0x8, s14  }
0x1c1: {  	[tilespmem:s18], [sflag:s9] =	stream.linear.gather [hbm4b:s15+s4], $0xC80, $0x38;
	[tilespmem:$0x1D2F8] =	vst v63  }
0x1c2: {  	p1 =	sne.s32 s26, $0x5;
	s26 =	sadd.s32 $0x1, s26;
	_ =	swait.ge [sflag:s19], $0xC80  }
0x1c3: {  	s9 =	sor.u32 $0xA, s14;
	[sflag:s19] =	ssyncset.done $0x0  }
0x1c4: {  	[sflag:s19] =	ssyncadd.s32 $0xFFFFF380  }
0x1c5: {  	_ =	swait.ge [sflag:s9], $0xC80  }
0x1c6: {  	s14 =	sshll.u32 s14, $0xC;
	[sflag:s9] =	ssyncset.done $0x0  }
0x1c7: {  	[sflag:s9] =	ssyncadd.s32 $0xFFFFF380;
	s9 =	sor.u32 $0x80, s14  }
0x1c8: {  	[tilespmem:s5], [sflag:$0x1] =	stream.indirect.gather [hbm4b:s1+s0], $0x80, s14, s0, $0xb8;
	[tilespmem:$0x1D2F8] =	vst v63  }
0x1c9: {  	_ = 	snop  }
0x1ca: {  	[tilespmem:s30], [sflag:$0x2] =	stream.indirect.gather [hbm4b:s1+s0], $0x80, s9, s0, $0xb8;
	[tilespmem:$0x1D2F8] =	vst v63  }
0x1cb: {  	_ =	swait.ge [sflag:s31], $0x2800  }
0x1cc: {  	s9 =	sor.u32 $0x2000, s14;
	[sflag:s31] =	ssyncset.done $0x0  }
0x1cd: {  	[sflag:s31] =	ssyncadd.s32 $0xFFFFD800  }
0x1ce: {  	[spmem:s2] =	stream.indirect.scatter.add.f32 [tilespmem:s5], [sflag:$0x3], $0x80, s9, s0, $0xb8;
	[tilespmem:$0x1D2F8] =	vst v63  }
0x1cf: {  	_ = 	snop  }
0x1d0: {  	[spmem:s3] =	stream.indirect.scatter.add.f32 [tilespmem:s8], [sflag:$0x5], $0x1, s9, s0, $0xb8;
	[tilespmem:$0x1D2F8] =	vst v63  }
0x1d1: {  	_ =	swait.ge [sflag:s10], $0x2800  }
0x1d2: {  	s9 =	sor.u32 $0x100, s14;
	[sflag:s10] =	ssyncset.done $0x0  }
0x1d3: {  	[sflag:s10] =	ssyncadd.s32 $0xFFFFD800  }
0x1d4: {  	[tilespmem:s5], [sflag:$0x1] =	stream.indirect.gather [hbm4b:s1+s0], $0x80, s9, s0, $0xb8;
	[tilespmem:$0x1D2F8] =	vst v63  }
0x1d5: {  	_ =	swait.ge [sflag:s11], $0x2800  }
0x1d6: {  	s9 =	sor.u32 $0x2080, s14;
	[sflag:s11] =	ssyncset.done $0x0  }
0x1d7: {  	[sflag:s11] =	ssyncadd.s32 $0xFFFFD800  }
0x1d8: {  	[spmem:s2] =	stream.indirect.scatter.add.f32 [tilespmem:s30], [sflag:$0x4], $0x80, s9, s0, $0xb8;
	[tilespmem:$0x1D2F8] =	vst v63  }
0x1d9: {  	_ = 	snop  }
0x1da: {  	[spmem:s3] =	stream.indirect.scatter.add.f32 [tilespmem:s8], [sflag:$0x5], $0x1, s9, s0, $0xb8;
	[tilespmem:$0x1D2F8] =	vst v63  }
0x1db: {  	_ =	swait.ge [sflag:s12], $0x2800  }
0x1dc: {  	s9 =	sor.u32 $0x180, s14;
	[sflag:s12] =	ssyncset.done $0x0  }
0x1dd: {  	[sflag:s12] =	ssyncadd.s32 $0xFFFFD800  }
0x1de: {  	[tilespmem:s30], [sflag:$0x2] =	stream.indirect.gather [hbm4b:s1+s0], $0x80, s9, s0, $0xb8;
	[tilespmem:$0x1D2F8] =	vst v63  }
0x1df: {  	_ =	swait.ge [sflag:s31], $0x2800  }
0x1e0: {  	s9 =	sor.u32 $0x2100, s14;
	[sflag:s31] =	ssyncset.done $0x0  }
0x1e1: {  	[sflag:s31] =	ssyncadd.s32 $0xFFFFD800  }
0x1e2: {  	[spmem:s2] =	stream.indirect.scatter.add.f32 [tilespmem:s5], [sflag:$0x3], $0x80, s9, s0, $0xb8;
	[tilespmem:$0x1D2F8] =	vst v63  }
0x1e3: {  	_ = 	snop  }
0x1e4: {  	[spmem:s3] =	stream.indirect.scatter.add.f32 [tilespmem:s8], [sflag:$0x5], $0x1, s9, s0, $0xb8;
	[tilespmem:$0x1D2F8] =	vst v63  }
0x1e5: {  	_ =	swait.ge [sflag:s10], $0x2800  }
0x1e6: {  	s9 =	sor.u32 $0x200, s14;
	[sflag:s10] =	ssyncset.done $0x0  }
0x1e7: {  	[sflag:s10] =	ssyncadd.s32 $0xFFFFD800  }
0x1e8: {  	[tilespmem:s5], [sflag:$0x1] =	stream.indirect.gather [hbm4b:s1+s0], $0x80, s9, s0, $0xb8;
	[tilespmem:$0x1D2F8] =	vst v63  }
0x1e9: {  	_ =	swait.ge [sflag:s11], $0x2800  }
0x1ea: {  	s9 =	sor.u32 $0x2180, s14;
	[sflag:s11] =	ssyncset.done $0x0  }
0x1eb: {  	[sflag:s11] =	ssyncadd.s32 $0xFFFFD800  }
0x1ec: {  	[spmem:s2] =	stream.indirect.scatter.add.f32 [tilespmem:s30], [sflag:$0x4], $0x80, s9, s0, $0xb8;
	[tilespmem:$0x1D2F8] =	vst v63  }
0x1ed: {  	_ = 	snop  }
0x1ee: {  	[spmem:s3] =	stream.indirect.scatter.add.f32 [tilespmem:s8], [sflag:$0x5], $0x1, s9, s0, $0xb8;
	[tilespmem:$0x1D2F8] =	vst v63  }
0x1ef: {  	_ =	swait.ge [sflag:s12], $0x2800  }
0x1f0: {  	s9 =	sor.u32 $0x280, s14;
	[sflag:s12] =	ssyncset.done $0x0  }
0x1f1: {  	[sflag:s12] =	ssyncadd.s32 $0xFFFFD800  }
0x1f2: {  	[tilespmem:s30], [sflag:$0x2] =	stream.indirect.gather [hbm4b:s1+s0], $0x80, s9, s0, $0xb8;
	[tilespmem:$0x1D2F8] =	vst v63  }
0x1f3: {  	_ =	swait.ge [sflag:s31], $0x2800  }
0x1f4: {  	s9 =	sor.u32 $0x2200, s14;
	[sflag:s31] =	ssyncset.done $0x0  }
0x1f5: {  	[sflag:s31] =	ssyncadd.s32 $0xFFFFD800  }
0x1f6: {  	[spmem:s2] =	stream.indirect.scatter.add.f32 [tilespmem:s5], [sflag:$0x3], $0x80, s9, s0, $0xb8;
	[tilespmem:$0x1D2F8] =	vst v63  }
0x1f7: {  	_ = 	snop  }
0x1f8: {  	[spmem:s3] =	stream.indirect.scatter.add.f32 [tilespmem:s8], [sflag:$0x5], $0x1, s9, s0, $0xb8;
	[tilespmem:$0x1D2F8] =	vst v63  }
0x1f9: {  	_ =	swait.ge [sflag:s10], $0x2800  }
0x1fa: {  	s9 =	sor.u32 $0x300, s14;
	[sflag:s10] =	ssyncset.done $0x0  }
0x1fb: {  	[sflag:s10] =	ssyncadd.s32 $0xFFFFD800  }
0x1fc: {  	[tilespmem:s5], [sflag:$0x1] =	stream.indirect.gather [hbm4b:s1+s0], $0x80, s9, s0, $0xb8;
	[tilespmem:$0x1D2F8] =	vst v63  }
0x1fd: {  	_ =	swait.ge [sflag:s11], $0x2800  }
0x1fe: {  	s9 =	sor.u32 $0x2280, s14;
	[sflag:s11] =	ssyncset.done $0x0  }
0x1ff: {  	[sflag:s11] =	ssyncadd.s32 $0xFFFFD800  }
0x200: {  	[spmem:s2] =	stream.indirect.scatter.add.f32 [tilespmem:s30], [sflag:$0x4], $0x80, s9, s0, $0xb8;
	[tilespmem:$0x1D2F8] =	vst v63  }
0x201: {  	_ = 	snop  }
0x202: {  	[spmem:s3] =	stream.indirect.scatter.add.f32 [tilespmem:s8], [sflag:$0x5], $0x1, s9, s0, $0xb8;
	[tilespmem:$0x1D2F8] =	vst v63  }
0x203: {  	_ =	swait.ge [sflag:s12], $0x2800  }
0x204: {  	s9 =	sor.u32 $0x380, s14;
	[sflag:s12] =	ssyncset.done $0x0  }
0x205: {  	[sflag:s12] =	ssyncadd.s32 $0xFFFFD800  }
0x206: {  	[tilespmem:s30], [sflag:$0x2] =	stream.indirect.gather [hbm4b:s1+s0], $0x80, s9, s0, $0xb8;
	[tilespmem:$0x1D2F8] =	vst v63  }
0x207: {  	_ =	swait.ge [sflag:s31], $0x2800  }
0x208: {  	s9 =	sor.u32 $0x2300, s14;
	[sflag:s31] =	ssyncset.done $0x0  }
0x209: {  	[sflag:s31] =	ssyncadd.s32 $0xFFFFD800  }
0x20a: {  	[spmem:s2] =	stream.indirect.scatter.add.f32 [tilespmem:s5], [sflag:$0x3], $0x80, s9, s0, $0xb8;
	[tilespmem:$0x1D2F8] =	vst v63  }
0x20b: {  	_ = 	snop  }
0x20c: {  	[spmem:s3] =	stream.indirect.scatter.add.f32 [tilespmem:s8], [sflag:$0x5], $0x1, s9, s0, $0xb8;
	[tilespmem:$0x1D2F8] =	vst v63  }
0x20d: {  	_ =	swait.ge [sflag:s10], $0x2800  }
0x20e: {  	s9 =	sor.u32 $0x400, s14;
	[sflag:s10] =	ssyncset.done $0x0  }
0x20f: {  	[sflag:s10] =	ssyncadd.s32 $0xFFFFD800  }
0x210: {  	[tilespmem:s5], [sflag:$0x1] =	stream.indirect.gather [hbm4b:s1+s0], $0x80, s9, s0, $0xb8;
	[tilespmem:$0x1D2F8] =	vst v63  }
0x211: {  	_ =	swait.ge [sflag:s11], $0x2800  }
0x212: {  	s9 =	sor.u32 $0x2380, s14;
	[sflag:s11] =	ssyncset.done $0x0  }
0x213: {  	[sflag:s11] =	ssyncadd.s32 $0xFFFFD800  }
0x214: {  	[spmem:s2] =	stream.indirect.scatter.add.f32 [tilespmem:s30], [sflag:$0x4], $0x80, s9, s0, $0xb8;
	[tilespmem:$0x1D2F8] =	vst v63  }
0x215: {  	_ = 	snop  }
0x216: {  	[spmem:s3] =	stream.indirect.scatter.add.f32 [tilespmem:s8], [sflag:$0x5], $0x1, s9, s0, $0xb8;
	[tilespmem:$0x1D2F8] =	vst v63  }
0x217: {  	_ =	swait.ge [sflag:s12], $0x2800  }
0x218: {  	s9 =	sor.u32 $0x480, s14;
	[sflag:s12] =	ssyncset.done $0x0  }
0x219: {  	[sflag:s12] =	ssyncadd.s32 $0xFFFFD800  }
0x21a: {  	[tilespmem:s30], [sflag:$0x2] =	stream.indirect.gather [hbm4b:s1+s0], $0x80, s9, s0, $0xb8;
	[tilespmem:$0x1D2F8] =	vst v63  }
0x21b: {  	_ =	swait.ge [sflag:s31], $0x2800  }
0x21c: {  	s9 =	sor.u32 $0x2400, s14;
	[sflag:s31] =	ssyncset.done $0x0  }
0x21d: {  	[sflag:s31] =	ssyncadd.s32 $0xFFFFD800  }
0x21e: {  	[spmem:s2] =	stream.indirect.scatter.add.f32 [tilespmem:s5], [sflag:$0x3], $0x80, s9, s0, $0xb8;
	[tilespmem:$0x1D2F8] =	vst v63  }
0x21f: {  	_ = 	snop  }
0x220: {  	[spmem:s3] =	stream.indirect.scatter.add.f32 [tilespmem:s8], [sflag:$0x5], $0x1, s9, s0, $0xb8;
	[tilespmem:$0x1D2F8] =	vst v63  }
0x221: {  	_ =	swait.ge [sflag:s10], $0x2800  }
0x222: {  	s9 =	sor.u32 $0x500, s14;
	[sflag:s10] =	ssyncset.done $0x0  }
0x223: {  	[sflag:s10] =	ssyncadd.s32 $0xFFFFD800  }
0x224: {  	[tilespmem:s5], [sflag:$0x1] =	stream.indirect.gather [hbm4b:s1+s0], $0x80, s9, s0, $0xb8;
	[tilespmem:$0x1D2F8] =	vst v63  }
0x225: {  	_ =	swait.ge [sflag:s11], $0x2800  }
0x226: {  	s9 =	sor.u32 $0x2480, s14;
	[sflag:s11] =	ssyncset.done $0x0  }
0x227: {  	[sflag:s11] =	ssyncadd.s32 $0xFFFFD800  }
0x228: {  	[spmem:s2] =	stream.indirect.scatter.add.f32 [tilespmem:s30], [sflag:$0x4], $0x80, s9, s0, $0xb8;
	[tilespmem:$0x1D2F8] =	vst v63  }
0x229: {  	_ = 	snop  }
0x22a: {  	[spmem:s3] =	stream.indirect.scatter.add.f32 [tilespmem:s8], [sflag:$0x5], $0x1, s9, s0, $0xb8;
	[tilespmem:$0x1D2F8] =	vst v63  }
0x22b: {  	_ =	swait.ge [sflag:s12], $0x2800  }
0x22c: {  	s9 =	sor.u32 $0x580, s14;
	[sflag:s12] =	ssyncset.done $0x0  }
0x22d: {  	[sflag:s12] =	ssyncadd.s32 $0xFFFFD800  }
0x22e: {  	[tilespmem:s30], [sflag:$0x2] =	stream.indirect.gather [hbm4b:s1+s0], $0x80, s9, s0, $0xb8;
	[tilespmem:$0x1D2F8] =	vst v63  }
0x22f: {  	_ =	swait.ge [sflag:s31], $0x2800  }
0x230: {  	s9 =	sor.u32 $0x2500, s14;
	[sflag:s31] =	ssyncset.done $0x0  }
0x231: {  	[sflag:s31] =	ssyncadd.s32 $0xFFFFD800  }
0x232: {  	[spmem:s2] =	stream.indirect.scatter.add.f32 [tilespmem:s5], [sflag:$0x3], $0x80, s9, s0, $0xb8;
	[tilespmem:$0x1D2F8] =	vst v63  }
0x233: {  	_ = 	snop  }
0x234: {  	[spmem:s3] =	stream.indirect.scatter.add.f32 [tilespmem:s8], [sflag:$0x5], $0x1, s9, s0, $0xb8;
	[tilespmem:$0x1D2F8] =	vst v63  }
0x235: {  	_ =	swait.ge [sflag:s10], $0x2800  }
0x236: {  	s9 =	sor.u32 $0x600, s14;
	[sflag:s10] =	ssyncset.done $0x0  }
0x237: {  	[sflag:s10] =	ssyncadd.s32 $0xFFFFD800  }
0x238: {  	[tilespmem:s5], [sflag:$0x1] =	stream.indirect.gather [hbm4b:s1+s0], $0x80, s9, s0, $0xb8;
	[tilespmem:$0x1D2F8] =	vst v63  }
0x239: {  	_ =	swait.ge [sflag:s11], $0x2800  }
0x23a: {  	s9 =	sor.u32 $0x2580, s14;
	[sflag:s11] =	ssyncset.done $0x0  }
0x23b: {  	[sflag:s11] =	ssyncadd.s32 $0xFFFFD800  }
0x23c: {  	[spmem:s2] =	stream.indirect.scatter.add.f32 [tilespmem:s30], [sflag:$0x4], $0x80, s9, s0, $0xb8;
	[tilespmem:$0x1D2F8] =	vst v63  }
0x23d: {  	_ = 	snop  }
0x23e: {  	[spmem:s3] =	stream.indirect.scatter.add.f32 [tilespmem:s8], [sflag:$0x5], $0x1, s9, s0, $0xb8;
	[tilespmem:$0x1D2F8] =	vst v63  }
0x23f: {  	_ =	swait.ge [sflag:s12], $0x2800  }
0x240: {  	s9 =	sor.u32 $0x680, s14;
	[sflag:s12] =	ssyncset.done $0x0  }
0x241: {  	[sflag:s12] =	ssyncadd.s32 $0xFFFFD800  }
0x242: {  	[tilespmem:s30], [sflag:$0x2] =	stream.indirect.gather [hbm4b:s1+s0], $0x80, s9, s0, $0xb8;
	[tilespmem:$0x1D2F8] =	vst v63  }
0x243: {  	_ =	swait.ge [sflag:s31], $0x2800  }
0x244: {  	s9 =	sor.u32 $0x2600, s14;
	[sflag:s31] =	ssyncset.done $0x0  }
0x245: {  	[sflag:s31] =	ssyncadd.s32 $0xFFFFD800  }
0x246: {  	[spmem:s2] =	stream.indirect.scatter.add.f32 [tilespmem:s5], [sflag:$0x3], $0x80, s9, s0, $0xb8;
	[tilespmem:$0x1D2F8] =	vst v63  }
0x247: {  	_ = 	snop  }
0x248: {  	[spmem:s3] =	stream.indirect.scatter.add.f32 [tilespmem:s8], [sflag:$0x5], $0x1, s9, s0, $0xb8;
	[tilespmem:$0x1D2F8] =	vst v63  }
0x249: {  	_ =	swait.ge [sflag:s10], $0x2800  }
0x24a: {  	s9 =	sor.u32 $0x700, s14;
	[sflag:s10] =	ssyncset.done $0x0  }
0x24b: {  	[sflag:s10] =	ssyncadd.s32 $0xFFFFD800  }
0x24c: {  	[tilespmem:s5], [sflag:$0x1] =	stream.indirect.gather [hbm4b:s1+s0], $0x80, s9, s0, $0xb8;
	[tilespmem:$0x1D2F8] =	vst v63  }
0x24d: {  	_ =	swait.ge [sflag:s11], $0x2800  }
0x24e: {  	s9 =	sor.u32 $0x2680, s14;
	[sflag:s11] =	ssyncset.done $0x0  }
0x24f: {  	[sflag:s11] =	ssyncadd.s32 $0xFFFFD800  }
0x250: {  	[spmem:s2] =	stream.indirect.scatter.add.f32 [tilespmem:s30], [sflag:$0x4], $0x80, s9, s0, $0xb8;
	[tilespmem:$0x1D2F8] =	vst v63  }
0x251: {  	_ = 	snop  }
0x252: {  	[spmem:s3] =	stream.indirect.scatter.add.f32 [tilespmem:s8], [sflag:$0x5], $0x1, s9, s0, $0xb8;
	[tilespmem:$0x1D2F8] =	vst v63  }
0x253: {  	_ =	swait.ge [sflag:s12], $0x2800  }
0x254: {  	s9 =	sor.u32 $0x780, s14;
	[sflag:s12] =	ssyncset.done $0x0  }
0x255: {  	[sflag:s12] =	ssyncadd.s32 $0xFFFFD800  }
0x256: {  	[tilespmem:s30], [sflag:$0x2] =	stream.indirect.gather [hbm4b:s1+s0], $0x80, s9, s0, $0xb8;
	[tilespmem:$0x1D2F8] =	vst v63  }
0x257: {  	_ =	swait.ge [sflag:s31], $0x2800  }
0x258: {  	s9 =	sor.u32 $0x2700, s14;
	[sflag:s31] =	ssyncset.done $0x0  }
0x259: {  	[sflag:s31] =	ssyncadd.s32 $0xFFFFD800  }
0x25a: {  	[spmem:s2] =	stream.indirect.scatter.add.f32 [tilespmem:s5], [sflag:$0x3], $0x80, s9, s0, $0xb8;
	[tilespmem:$0x1D2F8] =	vst v63  }
0x25b: {  	_ = 	snop  }
0x25c: {  	[spmem:s3] =	stream.indirect.scatter.add.f32 [tilespmem:s8], [sflag:$0x5], $0x1, s9, s0, $0xb8;
	[tilespmem:$0x1D2F8] =	vst v63  }
0x25d: {  	_ =	swait.ge [sflag:s10], $0x2800  }
0x25e: {  	s9 =	sor.u32 $0x800, s14;
	[sflag:s10] =	ssyncset.done $0x0  }
0x25f: {  	[sflag:s10] =	ssyncadd.s32 $0xFFFFD800  }
0x260: {  	[tilespmem:s5], [sflag:$0x1] =	stream.indirect.gather [hbm4b:s1+s0], $0x80, s9, s0, $0xb8;
	[tilespmem:$0x1D2F8] =	vst v63  }
0x261: {  	_ =	swait.ge [sflag:s11], $0x2800  }
0x262: {  	s9 =	sor.u32 $0x2780, s14;
	[sflag:s11] =	ssyncset.done $0x0  }
0x263: {  	[sflag:s11] =	ssyncadd.s32 $0xFFFFD800  }
0x264: {  	[spmem:s2] =	stream.indirect.scatter.add.f32 [tilespmem:s30], [sflag:$0x4], $0x80, s9, s0, $0xb8;
	[tilespmem:$0x1D2F8] =	vst v63  }
0x265: {  	_ = 	snop  }
0x266: {  	[spmem:s3] =	stream.indirect.scatter.add.f32 [tilespmem:s8], [sflag:$0x5], $0x1, s9, s0, $0xb8;
	[tilespmem:$0x1D2F8] =	vst v63  }
0x267: {  	_ =	swait.ge [sflag:s12], $0x2800  }
0x268: {  	s9 =	sor.u32 $0x880, s14;
	[sflag:s12] =	ssyncset.done $0x0  }
0x269: {  	[sflag:s12] =	ssyncadd.s32 $0xFFFFD800  }
0x26a: {  	[tilespmem:s30], [sflag:$0x2] =	stream.indirect.gather [hbm4b:s1+s0], $0x80, s9, s0, $0xb8;
	[tilespmem:$0x1D2F8] =	vst v63  }
0x26b: {  	_ =	swait.ge [sflag:s31], $0x2800  }
0x26c: {  	s9 =	sor.u32 $0x2800, s14;
	[sflag:s31] =	ssyncset.done $0x0  }
0x26d: {  	[sflag:s31] =	ssyncadd.s32 $0xFFFFD800  }
0x26e: {  	[spmem:s2] =	stream.indirect.scatter.add.f32 [tilespmem:s5], [sflag:$0x3], $0x80, s9, s0, $0xb8;
	[tilespmem:$0x1D2F8] =	vst v63  }
0x26f: {  	_ = 	snop  }
0x270: {  	[spmem:s3] =	stream.indirect.scatter.add.f32 [tilespmem:s8], [sflag:$0x5], $0x1, s9, s0, $0xb8;
	[tilespmem:$0x1D2F8] =	vst v63  }
0x271: {  	_ =	swait.ge [sflag:s10], $0x2800  }
0x272: {  	s9 =	sor.u32 $0x900, s14;
	[sflag:s10] =	ssyncset.done $0x0  }
0x273: {  	[sflag:s10] =	ssyncadd.s32 $0xFFFFD800  }
0x274: {  	[tilespmem:s5], [sflag:$0x1] =	stream.indirect.gather [hbm4b:s1+s0], $0x80, s9, s0, $0xb8;
	[tilespmem:$0x1D2F8] =	vst v63  }
0x275: {  	_ =	swait.ge [sflag:s11], $0x2800  }
0x276: {  	s9 =	sor.u32 $0x2880, s14;
	[sflag:s11] =	ssyncset.done $0x0  }
0x277: {  	[sflag:s11] =	ssyncadd.s32 $0xFFFFD800  }
0x278: {  	[spmem:s2] =	stream.indirect.scatter.add.f32 [tilespmem:s30], [sflag:$0x4], $0x80, s9, s0, $0xb8;
	[tilespmem:$0x1D2F8] =	vst v63  }
0x279: {  	_ = 	snop  }
0x27a: {  	[spmem:s3] =	stream.indirect.scatter.add.f32 [tilespmem:s8], [sflag:$0x5], $0x1, s9, s0, $0xb8;
	[tilespmem:$0x1D2F8] =	vst v63  }
0x27b: {  	_ =	swait.ge [sflag:s12], $0x2800  }
0x27c: {  	s9 =	sor.u32 $0x980, s14;
	[sflag:s12] =	ssyncset.done $0x0  }
0x27d: {  	[sflag:s12] =	ssyncadd.s32 $0xFFFFD800  }
0x27e: {  	[tilespmem:s30], [sflag:$0x2] =	stream.indirect.gather [hbm4b:s1+s0], $0x80, s9, s0, $0xb8;
	[tilespmem:$0x1D2F8] =	vst v63  }
0x27f: {  	_ =	swait.ge [sflag:s31], $0x2800  }
0x280: {  	s9 =	sor.u32 $0x2900, s14;
	[sflag:s31] =	ssyncset.done $0x0  }
0x281: {  	[sflag:s31] =	ssyncadd.s32 $0xFFFFD800  }
0x282: {  	[spmem:s2] =	stream.indirect.scatter.add.f32 [tilespmem:s5], [sflag:$0x3], $0x80, s9, s0, $0xb8;
	[tilespmem:$0x1D2F8] =	vst v63  }
0x283: {  	_ = 	snop  }
0x284: {  	[spmem:s3] =	stream.indirect.scatter.add.f32 [tilespmem:s8], [sflag:$0x5], $0x1, s9, s0, $0xb8;
	[tilespmem:$0x1D2F8] =	vst v63  }
0x285: {  	_ =	swait.ge [sflag:s10], $0x2800  }
0x286: {  	s9 =	sor.u32 $0xA00, s14;
	[sflag:s10] =	ssyncset.done $0x0  }
0x287: {  	[sflag:s10] =	ssyncadd.s32 $0xFFFFD800  }
0x288: {  	[tilespmem:s5], [sflag:$0x1] =	stream.indirect.gather [hbm4b:s1+s0], $0x80, s9, s0, $0xb8;
	[tilespmem:$0x1D2F8] =	vst v63  }
0x289: {  	_ =	swait.ge [sflag:s11], $0x2800  }
0x28a: {  	s9 =	sor.u32 $0x2980, s14;
	[sflag:s11] =	ssyncset.done $0x0  }
0x28b: {  	[sflag:s11] =	ssyncadd.s32 $0xFFFFD800  }
0x28c: {  	[spmem:s2] =	stream.indirect.scatter.add.f32 [tilespmem:s30], [sflag:$0x4], $0x80, s9, s0, $0xb8;
	[tilespmem:$0x1D2F8] =	vst v63  }
0x28d: {  	_ = 	snop  }
0x28e: {  	[spmem:s3] =	stream.indirect.scatter.add.f32 [tilespmem:s8], [sflag:$0x5], $0x1, s9, s0, $0xb8;
	[tilespmem:$0x1D2F8] =	vst v63  }
0x28f: {  	_ =	swait.ge [sflag:s12], $0x2800  }
0x290: {  	s9 =	sor.u32 $0xA80, s14;
	[sflag:s12] =	ssyncset.done $0x0  }
0x291: {  	[sflag:s12] =	ssyncadd.s32 $0xFFFFD800  }
0x292: {  	[tilespmem:s30], [sflag:$0x2] =	stream.indirect.gather [hbm4b:s1+s0], $0x80, s9, s0, $0xb8;
	[tilespmem:$0x1D2F8] =	vst v63  }
0x293: {  	_ =	swait.ge [sflag:s31], $0x2800  }
0x294: {  	s9 =	sor.u32 $0x2A00, s14;
	[sflag:s31] =	ssyncset.done $0x0  }
0x295: {  	[sflag:s31] =	ssyncadd.s32 $0xFFFFD800  }
0x296: {  	[spmem:s2] =	stream.indirect.scatter.add.f32 [tilespmem:s5], [sflag:$0x3], $0x80, s9, s0, $0xb8;
	[tilespmem:$0x1D2F8] =	vst v63  }
0x297: {  	_ = 	snop  }
0x298: {  	[spmem:s3] =	stream.indirect.scatter.add.f32 [tilespmem:s8], [sflag:$0x5], $0x1, s9, s0, $0xb8;
	[tilespmem:$0x1D2F8] =	vst v63  }
0x299: {  	_ =	swait.ge [sflag:s10], $0x2800  }
0x29a: {  	s9 =	sor.u32 $0xB00, s14;
	[sflag:s10] =	ssyncset.done $0x0  }
0x29b: {  	[sflag:s10] =	ssyncadd.s32 $0xFFFFD800  }
0x29c: {  	[tilespmem:s5], [sflag:$0x1] =	stream.indirect.gather [hbm4b:s1+s0], $0x80, s9, s0, $0xb8;
	[tilespmem:$0x1D2F8] =	vst v63  }
0x29d: {  	_ =	swait.ge [sflag:s11], $0x2800  }
0x29e: {  	s9 =	sor.u32 $0x2A80, s14;
	[sflag:s11] =	ssyncset.done $0x0  }
0x29f: {  	[sflag:s11] =	ssyncadd.s32 $0xFFFFD800  }
0x2a0: {  	[spmem:s2] =	stream.indirect.scatter.add.f32 [tilespmem:s30], [sflag:$0x4], $0x80, s9, s0, $0xb8;
	[tilespmem:$0x1D2F8] =	vst v63  }
0x2a1: {  	_ = 	snop  }
0x2a2: {  	[spmem:s3] =	stream.indirect.scatter.add.f32 [tilespmem:s8], [sflag:$0x5], $0x1, s9, s0, $0xb8;
	[tilespmem:$0x1D2F8] =	vst v63  }
0x2a3: {  	_ =	swait.ge [sflag:s12], $0x2800  }
0x2a4: {  	s9 =	sor.u32 $0xB80, s14;
	[sflag:s12] =	ssyncset.done $0x0  }
0x2a5: {  	[sflag:s12] =	ssyncadd.s32 $0xFFFFD800  }
0x2a6: {  	[tilespmem:s30], [sflag:$0x2] =	stream.indirect.gather [hbm4b:s1+s0], $0x80, s9, s0, $0xb8;
	[tilespmem:$0x1D2F8] =	vst v63  }
0x2a7: {  	_ =	swait.ge [sflag:s31], $0x2800  }
0x2a8: {  	s9 =	sor.u32 $0x2B00, s14;
	[sflag:s31] =	ssyncset.done $0x0  }
0x2a9: {  	[sflag:s31] =	ssyncadd.s32 $0xFFFFD800  }
0x2aa: {  	[spmem:s2] =	stream.indirect.scatter.add.f32 [tilespmem:s5], [sflag:$0x3], $0x80, s9, s0, $0xb8;
	[tilespmem:$0x1D2F8] =	vst v63  }
0x2ab: {  	_ = 	snop  }
0x2ac: {  	[spmem:s3] =	stream.indirect.scatter.add.f32 [tilespmem:s8], [sflag:$0x5], $0x1, s9, s0, $0xb8;
	[tilespmem:$0x1D2F8] =	vst v63  }
0x2ad: {  	_ =	swait.ge [sflag:s10], $0x2800  }
0x2ae: {  	s9 =	sor.u32 $0xC00, s14;
	[sflag:s10] =	ssyncset.done $0x0  }
0x2af: {  	[sflag:s10] =	ssyncadd.s32 $0xFFFFD800  }
0x2b0: {  	[tilespmem:s5], [sflag:$0x1] =	stream.indirect.gather [hbm4b:s1+s0], $0x80, s9, s0, $0xb8;
	[tilespmem:$0x1D2F8] =	vst v63  }
0x2b1: {  	_ =	swait.ge [sflag:s11], $0x2800  }
0x2b2: {  	s9 =	sor.u32 $0x2B80, s14;
	[sflag:s11] =	ssyncset.done $0x0  }
0x2b3: {  	[sflag:s11] =	ssyncadd.s32 $0xFFFFD800  }
0x2b4: {  	[spmem:s2] =	stream.indirect.scatter.add.f32 [tilespmem:s30], [sflag:$0x4], $0x80, s9, s0, $0xb8;
	[tilespmem:$0x1D2F8] =	vst v63  }
0x2b5: {  	_ = 	snop  }
0x2b6: {  	[spmem:s3] =	stream.indirect.scatter.add.f32 [tilespmem:s8], [sflag:$0x5], $0x1, s9, s0, $0xb8;
	[tilespmem:$0x1D2F8] =	vst v63  }
0x2b7: {  	_ =	swait.ge [sflag:s31], $0x2800  }
0x2b8: {  	s9 =	sor.u32 $0x2C00, s14;
	[sflag:s31] =	ssyncset.done $0x0  }
0x2b9: {  	[sflag:s31] =	ssyncadd.s32 $0xFFFFD800  }
0x2ba: {  	[spmem:s2] =	stream.indirect.scatter.add.f32 [tilespmem:s5], [sflag:$0x3], $0x80, s9, s0, $0xb8;
	[tilespmem:$0x1D2F8] =	vst v63  }
0x2bb: {  	_ = 	snop  }
0x2bc: {  	[spmem:s3] =	stream.indirect.scatter.add.f32 [tilespmem:s8], [sflag:$0x5], $0x1, s9, s0, $0xb8;
	[tilespmem:$0x1D2F8] =	vst v63  }
0x2bd: {  	_ =	swait.ge [sflag:s12], $0x2800  }
0x2be: {  	[sflag:s12] =	ssyncset.done $0x0  }
0x2bf: {  	[sflag:s12] =	ssyncadd.s32 $0xFFFFD800  }
0x2c0: {  	_ =	swait.ge [sflag:s10], $0x2800  }
0x2c1: {  	[sflag:s10] =	ssyncset.done $0x0  }
0x2c2: {  	[sflag:s10] =	ssyncadd.s32 $0xFFFFD800  }
0x2c3: {  	_ =	swait.ge [sflag:s13], $0x50  }
0x2c4: {  	[sflag:s13] =	ssyncset.done $0x0  }
0x2c5: {  	[sflag:s13] =	ssyncadd.s32 $0xFFFFFFB0  }
0x2c6: {  	_ =	swait.ge [sflag:s13], $0x50  }
0x2c7: {  	[sflag:s13] =	ssyncset.done $0x0  }
0x2c8: {  	[sflag:s13] =	ssyncadd.s32 $0xFFFFFFB0  }
0x2c9: {  	_ =	swait.ge [sflag:s13], $0x50  }
0x2ca: {  	[sflag:s13] =	ssyncset.done $0x0  }
0x2cb: {  	[sflag:s13] =	ssyncadd.s32 $0xFFFFFFB0  }
0x2cc: {  	_ =	swait.ge [sflag:s13], $0x50  }
0x2cd: {  	[sflag:s13] =	ssyncset.done $0x0  }
0x2ce: {  	[sflag:s13] =	ssyncadd.s32 $0xFFFFFFB0  }
0x2cf: {  	_ =	swait.ge [sflag:s13], $0x50  }
0x2d0: {  	[sflag:s13] =	ssyncset.done $0x0  }
0x2d1: {  	[sflag:s13] =	ssyncadd.s32 $0xFFFFFFB0  }
0x2d2: {  	_ =	swait.ge [sflag:s13], $0x50  }
0x2d3: {  	[sflag:s13] =	ssyncset.done $0x0  }
0x2d4: {  	[sflag:s13] =	ssyncadd.s32 $0xFFFFFFB0  }
0x2d5: {  	_ =	swait.ge [sflag:s13], $0x50  }
0x2d6: {  	[sflag:s13] =	ssyncset.done $0x0  }
0x2d7: {  	[sflag:s13] =	ssyncadd.s32 $0xFFFFFFB0  }
0x2d8: {  	_ =	swait.ge [sflag:s13], $0x50  }
0x2d9: {  	[sflag:s13] =	ssyncset.done $0x0  }
0x2da: {  	[sflag:s13] =	ssyncadd.s32 $0xFFFFFFB0  }
0x2db: {  	_ =	swait.ge [sflag:s13], $0x50  }
0x2dc: {  	[sflag:s13] =	ssyncset.done $0x0  }
0x2dd: {  	[sflag:s13] =	ssyncadd.s32 $0xFFFFFFB0  }
0x2de: {  	_ =	swait.ge [sflag:s13], $0x50  }
0x2df: {  	[sflag:s13] =	ssyncset.done $0x0  }
0x2e0: {  	[sflag:s13] =	ssyncadd.s32 $0xFFFFFFB0  }
0x2e1: {  	_ =	swait.ge [sflag:s13], $0x50  }
0x2e2: {  	[sflag:s13] =	ssyncset.done $0x0  }
0x2e3: {  	[sflag:s13] =	ssyncadd.s32 $0xFFFFFFB0  }
0x2e4: {  	_ =	swait.ge [sflag:s13], $0x50  }
0x2e5: {  	[sflag:s13] =	ssyncset.done $0x0  }
0x2e6: {  	[sflag:s13] =	ssyncadd.s32 $0xFFFFFFB0  }
0x2e7: {  	_ =	swait.ge [sflag:s13], $0x50  }
0x2e8: {  	[sflag:s13] =	ssyncset.done $0x0  }
0x2e9: {  	[sflag:s13] =	ssyncadd.s32 $0xFFFFFFB0  }
0x2ea: {  	_ =	swait.ge [sflag:s13], $0x50  }
0x2eb: {  	[sflag:s13] =	ssyncset.done $0x0  }
0x2ec: {  	[sflag:s13] =	ssyncadd.s32 $0xFFFFFFB0  }
0x2ed: {  	_ =	swait.ge [sflag:s13], $0x50  }
0x2ee: {  	[sflag:s13] =	ssyncset.done $0x0  }
0x2ef: {  	[sflag:s13] =	ssyncadd.s32 $0xFFFFFFB0  }
0x2f0: {  	_ =	swait.ge [sflag:s13], $0x50  }
0x2f1: {  	[sflag:s13] =	ssyncset.done $0x0  }
0x2f2: {  	[sflag:s13] =	ssyncadd.s32 $0xFFFFFFB0  }
0x2f3: {  	_ =	swait.ge [sflag:s13], $0x50  }
0x2f4: {  	[sflag:s13] =	ssyncset.done $0x0  }
0x2f5: {  	[sflag:s13] =	ssyncadd.s32 $0xFFFFFFB0  }
0x2f6: {  	_ =	swait.ge [sflag:s13], $0x50  }
0x2f7: {  	[sflag:s13] =	ssyncset.done $0x0  }
0x2f8: {  	[sflag:s13] =	ssyncadd.s32 $0xFFFFFFB0  }
0x2f9: {  	_ =	swait.ge [sflag:s13], $0x50  }
0x2fa: {  	[sflag:s13] =	ssyncset.done $0x0  }
0x2fb: {  	[sflag:s13] =	ssyncadd.s32 $0xFFFFFFB0  }
0x2fc: {  	_ =	swait.ge [sflag:s13], $0x50  }
0x2fd: {  	[sflag:s13] =	ssyncset.done $0x0  }
0x2fe: {  	[sflag:s13] =	ssyncadd.s32 $0xFFFFFFB0  }
0x2ff: {  	_ =	swait.ge [sflag:s13], $0x50  }
0x300: {  	[sflag:s13] =	ssyncset.done $0x0  }
0x301: {  	[sflag:s13] =	ssyncadd.s32 $0xFFFFFFB0  }
0x302: {  	_ =	swait.ge [sflag:s13], $0x50  }
0x303: {  	[sflag:s13] =	ssyncset.done $0x0  }
0x304: {  	[sflag:s13] =	ssyncadd.s32 $0xFFFFFFB0  }
0x305: {  	_ =	swait.ge [sflag:s13], $0x50  }
0x306: {  	[sflag:s13] =	ssyncset.done $0x0  }
.Ltmp0:
0x307: {  	[sflag:s13] =	ssyncadd.s32 $0xFFFFFFB0;
	(pc) =	sbr.rel @p1 .LBB2_2-.Ltmp0, $4  }
0x308: {  	s9 =	smin.u32 s28, $0x4;
	_ =	swait.ge [sflag:s13], $0x50  }
0x309: {  	s14 =	sadd.s32 $0xFFFFFFFF, s28;
	s9 =	sshll.u32 s9, $0xC;
	[sflag:s13] =	ssyncset.done $0x0  }
0x30a: {  	s14 =	sand.u32 $0x1, s14;
	s15 =	sadd.s32 s16, s9;
	[sflag:s13] =	ssyncadd.s32 $0xFFFFFFB0  }
0x30b: {  	s9 =	sxor.u32 $0x1, s14;
	s15 =	sshrl.u32 s15, $0x3;
	_ =	swait.ge [sflag:s13], $0x50  }
0x30c: {  	s18 =	sshll.u32 s9, $0xC;
	[sflag:s13] =	ssyncset.done $0x0;
	s19 =	sadd.s32 s6, s15  }
0x30d: {  	s20 =	sor.u32 $0x8, s9;
	s26 =	sor.u32 $0x8, s14;
	[sflag:s13] =	ssyncadd.s32 $0xFFFFFFB0  }
0x30e: {  	[tilespmem:s18], [sflag:s20] =	stream.linear.gather [hbm4b:s19+s4], $0xC80, $0x38;
	[tilespmem:$0x1D2F8] =	vst v63  }
0x30f: {  	s19 =	sor.u32 $0xA, s9;
	s18 =	sor.u32 $0x2000, s18;
	s20 =	sadd.s32 s7, s15  }
0x310: {  	[tilespmem:s18], [sflag:s19] =	stream.linear.gather [hbm4b:s20+s4], $0xC80, $0x38;
	[tilespmem:$0x1D2F8] =	vst v63  }
0x311: {  	_ =	swait.ge [sflag:s26], $0xC80  }
0x312: {  	[sflag:s26] =	ssyncset.done $0x0  }
0x313: {  	s18 =	sor.u32 $0xA, s14;
	[sflag:s26] =	ssyncadd.s32 $0xFFFFF380  }
0x314: {  	_ =	swait.ge [sflag:s18], $0xC80  }
0x315: {  	[sflag:s18] =	ssyncset.done $0x0  }
0x316: {  	s14 =	sshll.u32 s14, $0xC;
	[sflag:s18] =	ssyncadd.s32 $0xFFFFF380  }
0x317: {  	[tilespmem:s5], [sflag:$0x1] =	stream.indirect.gather [hbm4b:s1+s0], $0x80, s14, s0, $0xb8;
	[tilespmem:$0x1D2F8] =	vst v63  }
0x318: {  	s19 =	sor.u32 $0x80, s14  }
0x319: {  	[tilespmem:s30], [sflag:$0x2] =	stream.indirect.gather [hbm4b:s1+s0], $0x80, s19, s0, $0xb8;
	[tilespmem:$0x1D2F8] =	vst v63  }
0x31a: {  	_ =	swait.ge [sflag:s31], $0x2800  }
0x31b: {  	[sflag:s31] =	ssyncset.done $0x0  }
0x31c: {  	s20 =	sor.u32 $0x2000, s14;
	[sflag:s31] =	ssyncadd.s32 $0xFFFFD800  }
0x31d: {  	[spmem:s2] =	stream.indirect.scatter.add.f32 [tilespmem:s5], [sflag:$0x3], $0x80, s20, s0, $0xb8;
	[tilespmem:$0x1D2F8] =	vst v63  }
0x31e: {  	_ = 	snop  }
0x31f: {  	[spmem:s3] =	stream.indirect.scatter.add.f32 [tilespmem:s8], [sflag:$0x5], $0x1, s20, s0, $0xb8;
	[tilespmem:$0x1D2F8] =	vst v63  }
0x320: {  	_ =	swait.ge [sflag:s10], $0x2800  }
0x321: {  	[sflag:s10] =	ssyncset.done $0x0  }
0x322: {  	s26 =	sor.u32 $0x100, s14;
	[sflag:s10] =	ssyncadd.s32 $0xFFFFD800  }
0x323: {  	[tilespmem:s5], [sflag:$0x1] =	stream.indirect.gather [hbm4b:s1+s0], $0x80, s26, s0, $0xb8;
	[tilespmem:$0x1D2F8] =	vst v63  }
0x324: {  	_ =	swait.ge [sflag:s11], $0x2800  }
0x325: {  	[sflag:s11] =	ssyncset.done $0x0  }
0x326: {  	s15 =	sor.u32 $0x2080, s14;
	[sflag:s11] =	ssyncadd.s32 $0xFFFFD800  }
0x327: {  	[spmem:s2] =	stream.indirect.scatter.add.f32 [tilespmem:s30], [sflag:$0x4], $0x80, s15, s0, $0xb8;
	[tilespmem:$0x1D2F8] =	vst v63  }
0x328: {  	_ = 	snop  }
0x329: {  	[spmem:s3] =	stream.indirect.scatter.add.f32 [tilespmem:s8], [sflag:$0x5], $0x1, s15, s0, $0xb8;
	[tilespmem:$0x1D2F8] =	vst v63  }
0x32a: {  	_ =	swait.ge [sflag:s12], $0x2800  }
0x32b: {  	[sflag:s12] =	ssyncset.done $0x0  }
0x32c: {  	s18 =	sor.u32 $0x180, s14;
	[sflag:s12] =	ssyncadd.s32 $0xFFFFD800  }
0x32d: {  	[tilespmem:s30], [sflag:$0x2] =	stream.indirect.gather [hbm4b:s1+s0], $0x80, s18, s0, $0xb8;
	[tilespmem:$0x1D2F8] =	vst v63  }
0x32e: {  	_ =	swait.ge [sflag:s31], $0x2800  }
0x32f: {  	[sflag:s31] =	ssyncset.done $0x0  }
0x330: {  	s19 =	sor.u32 $0x2100, s14;
	[sflag:s31] =	ssyncadd.s32 $0xFFFFD800  }
0x331: {  	[spmem:s2] =	stream.indirect.scatter.add.f32 [tilespmem:s5], [sflag:$0x3], $0x80, s19, s0, $0xb8;
	[tilespmem:$0x1D2F8] =	vst v63  }
0x332: {  	_ = 	snop  }
0x333: {  	[spmem:s3] =	stream.indirect.scatter.add.f32 [tilespmem:s8], [sflag:$0x5], $0x1, s19, s0, $0xb8;
	[tilespmem:$0x1D2F8] =	vst v63  }
0x334: {  	_ =	swait.ge [sflag:s10], $0x2800  }
0x335: {  	[sflag:s10] =	ssyncset.done $0x0  }
0x336: {  	s20 =	sor.u32 $0x200, s14;
	[sflag:s10] =	ssyncadd.s32 $0xFFFFD800  }
0x337: {  	[tilespmem:s5], [sflag:$0x1] =	stream.indirect.gather [hbm4b:s1+s0], $0x80, s20, s0, $0xb8;
	[tilespmem:$0x1D2F8] =	vst v63  }
0x338: {  	_ =	swait.ge [sflag:s11], $0x2800  }
0x339: {  	[sflag:s11] =	ssyncset.done $0x0  }
0x33a: {  	s26 =	sor.u32 $0x2180, s14;
	[sflag:s11] =	ssyncadd.s32 $0xFFFFD800  }
0x33b: {  	[spmem:s2] =	stream.indirect.scatter.add.f32 [tilespmem:s30], [sflag:$0x4], $0x80, s26, s0, $0xb8;
	[tilespmem:$0x1D2F8] =	vst v63  }
0x33c: {  	_ = 	snop  }
0x33d: {  	[spmem:s3] =	stream.indirect.scatter.add.f32 [tilespmem:s8], [sflag:$0x5], $0x1, s26, s0, $0xb8;
	[tilespmem:$0x1D2F8] =	vst v63  }
0x33e: {  	_ =	swait.ge [sflag:s12], $0x2800  }
0x33f: {  	[sflag:s12] =	ssyncset.done $0x0  }
0x340: {  	s15 =	sor.u32 $0x280, s14;
	[sflag:s12] =	ssyncadd.s32 $0xFFFFD800  }
0x341: {  	[tilespmem:s30], [sflag:$0x2] =	stream.indirect.gather [hbm4b:s1+s0], $0x80, s15, s0, $0xb8;
	[tilespmem:$0x1D2F8] =	vst v63  }
0x342: {  	_ =	swait.ge [sflag:s31], $0x2800  }
0x343: {  	[sflag:s31] =	ssyncset.done $0x0  }
0x344: {  	s18 =	sor.u32 $0x2200, s14;
	[sflag:s31] =	ssyncadd.s32 $0xFFFFD800  }
0x345: {  	[spmem:s2] =	stream.indirect.scatter.add.f32 [tilespmem:s5], [sflag:$0x3], $0x80, s18, s0, $0xb8;
	[tilespmem:$0x1D2F8] =	vst v63  }
0x346: {  	_ = 	snop  }
0x347: {  	[spmem:s3] =	stream.indirect.scatter.add.f32 [tilespmem:s8], [sflag:$0x5], $0x1, s18, s0, $0xb8;
	[tilespmem:$0x1D2F8] =	vst v63  }
0x348: {  	_ =	swait.ge [sflag:s10], $0x2800  }
0x349: {  	[sflag:s10] =	ssyncset.done $0x0  }
0x34a: {  	s19 =	sor.u32 $0x300, s14;
	[sflag:s10] =	ssyncadd.s32 $0xFFFFD800  }
0x34b: {  	[tilespmem:s5], [sflag:$0x1] =	stream.indirect.gather [hbm4b:s1+s0], $0x80, s19, s0, $0xb8;
	[tilespmem:$0x1D2F8] =	vst v63  }
0x34c: {  	_ =	swait.ge [sflag:s11], $0x2800  }
0x34d: {  	[sflag:s11] =	ssyncset.done $0x0  }
0x34e: {  	s20 =	sor.u32 $0x2280, s14;
	[sflag:s11] =	ssyncadd.s32 $0xFFFFD800  }
0x34f: {  	[spmem:s2] =	stream.indirect.scatter.add.f32 [tilespmem:s30], [sflag:$0x4], $0x80, s20, s0, $0xb8;
	[tilespmem:$0x1D2F8] =	vst v63  }
0x350: {  	_ = 	snop  }
0x351: {  	[spmem:s3] =	stream.indirect.scatter.add.f32 [tilespmem:s8], [sflag:$0x5], $0x1, s20, s0, $0xb8;
	[tilespmem:$0x1D2F8] =	vst v63  }
0x352: {  	_ =	swait.ge [sflag:s12], $0x2800  }
0x353: {  	[sflag:s12] =	ssyncset.done $0x0  }
0x354: {  	s26 =	sor.u32 $0x380, s14;
	[sflag:s12] =	ssyncadd.s32 $0xFFFFD800  }
0x355: {  	[tilespmem:s30], [sflag:$0x2] =	stream.indirect.gather [hbm4b:s1+s0], $0x80, s26, s0, $0xb8;
	[tilespmem:$0x1D2F8] =	vst v63  }
0x356: {  	_ =	swait.ge [sflag:s31], $0x2800  }
0x357: {  	[sflag:s31] =	ssyncset.done $0x0  }
0x358: {  	s15 =	sor.u32 $0x2300, s14;
	[sflag:s31] =	ssyncadd.s32 $0xFFFFD800  }
0x359: {  	[spmem:s2] =	stream.indirect.scatter.add.f32 [tilespmem:s5], [sflag:$0x3], $0x80, s15, s0, $0xb8;
	[tilespmem:$0x1D2F8] =	vst v63  }
0x35a: {  	_ = 	snop  }
0x35b: {  	[spmem:s3] =	stream.indirect.scatter.add.f32 [tilespmem:s8], [sflag:$0x5], $0x1, s15, s0, $0xb8;
	[tilespmem:$0x1D2F8] =	vst v63  }
0x35c: {  	_ =	swait.ge [sflag:s10], $0x2800  }
0x35d: {  	[sflag:s10] =	ssyncset.done $0x0  }
0x35e: {  	s18 =	sor.u32 $0x400, s14;
	[sflag:s10] =	ssyncadd.s32 $0xFFFFD800  }
0x35f: {  	[tilespmem:s5], [sflag:$0x1] =	stream.indirect.gather [hbm4b:s1+s0], $0x80, s18, s0, $0xb8;
	[tilespmem:$0x1D2F8] =	vst v63  }
0x360: {  	_ =	swait.ge [sflag:s11], $0x2800  }
0x361: {  	[sflag:s11] =	ssyncset.done $0x0  }
0x362: {  	s19 =	sor.u32 $0x2380, s14;
	[sflag:s11] =	ssyncadd.s32 $0xFFFFD800  }
0x363: {  	[spmem:s2] =	stream.indirect.scatter.add.f32 [tilespmem:s30], [sflag:$0x4], $0x80, s19, s0, $0xb8;
	[tilespmem:$0x1D2F8] =	vst v63  }
0x364: {  	_ = 	snop  }
0x365: {  	[spmem:s3] =	stream.indirect.scatter.add.f32 [tilespmem:s8], [sflag:$0x5], $0x1, s19, s0, $0xb8;
	[tilespmem:$0x1D2F8] =	vst v63  }
0x366: {  	_ =	swait.ge [sflag:s12], $0x2800  }
0x367: {  	[sflag:s12] =	ssyncset.done $0x0  }
0x368: {  	s20 =	sor.u32 $0x480, s14;
	[sflag:s12] =	ssyncadd.s32 $0xFFFFD800  }
0x369: {  	[tilespmem:s30], [sflag:$0x2] =	stream.indirect.gather [hbm4b:s1+s0], $0x80, s20, s0, $0xb8;
	[tilespmem:$0x1D2F8] =	vst v63  }
0x36a: {  	_ =	swait.ge [sflag:s31], $0x2800  }
0x36b: {  	[sflag:s31] =	ssyncset.done $0x0  }
0x36c: {  	s26 =	sor.u32 $0x2400, s14;
	[sflag:s31] =	ssyncadd.s32 $0xFFFFD800  }
0x36d: {  	[spmem:s2] =	stream.indirect.scatter.add.f32 [tilespmem:s5], [sflag:$0x3], $0x80, s26, s0, $0xb8;
	[tilespmem:$0x1D2F8] =	vst v63  }
0x36e: {  	_ = 	snop  }
0x36f: {  	[spmem:s3] =	stream.indirect.scatter.add.f32 [tilespmem:s8], [sflag:$0x5], $0x1, s26, s0, $0xb8;
	[tilespmem:$0x1D2F8] =	vst v63  }
0x370: {  	_ =	swait.ge [sflag:s10], $0x2800  }
0x371: {  	[sflag:s10] =	ssyncset.done $0x0  }
0x372: {  	s15 =	sor.u32 $0x500, s14;
	[sflag:s10] =	ssyncadd.s32 $0xFFFFD800  }
0x373: {  	[tilespmem:s5], [sflag:$0x1] =	stream.indirect.gather [hbm4b:s1+s0], $0x80, s15, s0, $0xb8;
	[tilespmem:$0x1D2F8] =	vst v63  }
0x374: {  	_ =	swait.ge [sflag:s11], $0x2800  }
0x375: {  	[sflag:s11] =	ssyncset.done $0x0  }
0x376: {  	s18 =	sor.u32 $0x2480, s14;
	[sflag:s11] =	ssyncadd.s32 $0xFFFFD800  }
0x377: {  	[spmem:s2] =	stream.indirect.scatter.add.f32 [tilespmem:s30], [sflag:$0x4], $0x80, s18, s0, $0xb8;
	[tilespmem:$0x1D2F8] =	vst v63  }
0x378: {  	_ = 	snop  }
0x379: {  	[spmem:s3] =	stream.indirect.scatter.add.f32 [tilespmem:s8], [sflag:$0x5], $0x1, s18, s0, $0xb8;
	[tilespmem:$0x1D2F8] =	vst v63  }
0x37a: {  	_ =	swait.ge [sflag:s12], $0x2800  }
0x37b: {  	[sflag:s12] =	ssyncset.done $0x0  }
0x37c: {  	s19 =	sor.u32 $0x580, s14;
	[sflag:s12] =	ssyncadd.s32 $0xFFFFD800  }
0x37d: {  	[tilespmem:s30], [sflag:$0x2] =	stream.indirect.gather [hbm4b:s1+s0], $0x80, s19, s0, $0xb8;
	[tilespmem:$0x1D2F8] =	vst v63  }
0x37e: {  	_ =	swait.ge [sflag:s31], $0x2800  }
0x37f: {  	[sflag:s31] =	ssyncset.done $0x0  }
0x380: {  	s20 =	sor.u32 $0x2500, s14;
	[sflag:s31] =	ssyncadd.s32 $0xFFFFD800  }
0x381: {  	[spmem:s2] =	stream.indirect.scatter.add.f32 [tilespmem:s5], [sflag:$0x3], $0x80, s20, s0, $0xb8;
	[tilespmem:$0x1D2F8] =	vst v63  }
0x382: {  	_ = 	snop  }
0x383: {  	[spmem:s3] =	stream.indirect.scatter.add.f32 [tilespmem:s8], [sflag:$0x5], $0x1, s20, s0, $0xb8;
	[tilespmem:$0x1D2F8] =	vst v63  }
0x384: {  	_ =	swait.ge [sflag:s10], $0x2800  }
0x385: {  	[sflag:s10] =	ssyncset.done $0x0  }
0x386: {  	s26 =	sor.u32 $0x600, s14;
	[sflag:s10] =	ssyncadd.s32 $0xFFFFD800  }
0x387: {  	[tilespmem:s5], [sflag:$0x1] =	stream.indirect.gather [hbm4b:s1+s0], $0x80, s26, s0, $0xb8;
	[tilespmem:$0x1D2F8] =	vst v63  }
0x388: {  	_ =	swait.ge [sflag:s11], $0x2800  }
0x389: {  	[sflag:s11] =	ssyncset.done $0x0  }
0x38a: {  	s15 =	sor.u32 $0x2580, s14;
	[sflag:s11] =	ssyncadd.s32 $0xFFFFD800  }
0x38b: {  	[spmem:s2] =	stream.indirect.scatter.add.f32 [tilespmem:s30], [sflag:$0x4], $0x80, s15, s0, $0xb8;
	[tilespmem:$0x1D2F8] =	vst v63  }
0x38c: {  	_ = 	snop  }
0x38d: {  	[spmem:s3] =	stream.indirect.scatter.add.f32 [tilespmem:s8], [sflag:$0x5], $0x1, s15, s0, $0xb8;
	[tilespmem:$0x1D2F8] =	vst v63  }
0x38e: {  	_ =	swait.ge [sflag:s12], $0x2800  }
0x38f: {  	[sflag:s12] =	ssyncset.done $0x0  }
0x390: {  	s18 =	sor.u32 $0x680, s14;
	[sflag:s12] =	ssyncadd.s32 $0xFFFFD800  }
0x391: {  	[tilespmem:s30], [sflag:$0x2] =	stream.indirect.gather [hbm4b:s1+s0], $0x80, s18, s0, $0xb8;
	[tilespmem:$0x1D2F8] =	vst v63  }
0x392: {  	_ =	swait.ge [sflag:s31], $0x2800  }
0x393: {  	[sflag:s31] =	ssyncset.done $0x0  }
0x394: {  	s19 =	sor.u32 $0x2600, s14;
	[sflag:s31] =	ssyncadd.s32 $0xFFFFD800  }
0x395: {  	[spmem:s2] =	stream.indirect.scatter.add.f32 [tilespmem:s5], [sflag:$0x3], $0x80, s19, s0, $0xb8;
	[tilespmem:$0x1D2F8] =	vst v63  }
0x396: {  	_ = 	snop  }
0x397: {  	[spmem:s3] =	stream.indirect.scatter.add.f32 [tilespmem:s8], [sflag:$0x5], $0x1, s19, s0, $0xb8;
	[tilespmem:$0x1D2F8] =	vst v63  }
0x398: {  	_ =	swait.ge [sflag:s10], $0x2800  }
0x399: {  	[sflag:s10] =	ssyncset.done $0x0  }
0x39a: {  	s20 =	sor.u32 $0x700, s14;
	[sflag:s10] =	ssyncadd.s32 $0xFFFFD800  }
0x39b: {  	[tilespmem:s5], [sflag:$0x1] =	stream.indirect.gather [hbm4b:s1+s0], $0x80, s20, s0, $0xb8;
	[tilespmem:$0x1D2F8] =	vst v63  }
0x39c: {  	_ =	swait.ge [sflag:s11], $0x2800  }
0x39d: {  	[sflag:s11] =	ssyncset.done $0x0  }
0x39e: {  	s26 =	sor.u32 $0x2680, s14;
	[sflag:s11] =	ssyncadd.s32 $0xFFFFD800  }
0x39f: {  	[spmem:s2] =	stream.indirect.scatter.add.f32 [tilespmem:s30], [sflag:$0x4], $0x80, s26, s0, $0xb8;
	[tilespmem:$0x1D2F8] =	vst v63  }
0x3a0: {  	_ = 	snop  }
0x3a1: {  	[spmem:s3] =	stream.indirect.scatter.add.f32 [tilespmem:s8], [sflag:$0x5], $0x1, s26, s0, $0xb8;
	[tilespmem:$0x1D2F8] =	vst v63  }
0x3a2: {  	_ =	swait.ge [sflag:s12], $0x2800  }
0x3a3: {  	[sflag:s12] =	ssyncset.done $0x0  }
0x3a4: {  	s15 =	sor.u32 $0x780, s14;
	[sflag:s12] =	ssyncadd.s32 $0xFFFFD800  }
0x3a5: {  	[tilespmem:s30], [sflag:$0x2] =	stream.indirect.gather [hbm4b:s1+s0], $0x80, s15, s0, $0xb8;
	[tilespmem:$0x1D2F8] =	vst v63  }
0x3a6: {  	_ =	swait.ge [sflag:s31], $0x2800  }
0x3a7: {  	[sflag:s31] =	ssyncset.done $0x0  }
0x3a8: {  	s18 =	sor.u32 $0x2700, s14;
	[sflag:s31] =	ssyncadd.s32 $0xFFFFD800  }
0x3a9: {  	[spmem:s2] =	stream.indirect.scatter.add.f32 [tilespmem:s5], [sflag:$0x3], $0x80, s18, s0, $0xb8;
	[tilespmem:$0x1D2F8] =	vst v63  }
0x3aa: {  	_ = 	snop  }
0x3ab: {  	[spmem:s3] =	stream.indirect.scatter.add.f32 [tilespmem:s8], [sflag:$0x5], $0x1, s18, s0, $0xb8;
	[tilespmem:$0x1D2F8] =	vst v63  }
0x3ac: {  	_ =	swait.ge [sflag:s10], $0x2800  }
0x3ad: {  	[sflag:s10] =	ssyncset.done $0x0  }
0x3ae: {  	s19 =	sor.u32 $0x800, s14;
	[sflag:s10] =	ssyncadd.s32 $0xFFFFD800  }
0x3af: {  	[tilespmem:s5], [sflag:$0x1] =	stream.indirect.gather [hbm4b:s1+s0], $0x80, s19, s0, $0xb8;
	[tilespmem:$0x1D2F8] =	vst v63  }
0x3b0: {  	_ =	swait.ge [sflag:s11], $0x2800  }
0x3b1: {  	[sflag:s11] =	ssyncset.done $0x0  }
0x3b2: {  	s20 =	sor.u32 $0x2780, s14;
	[sflag:s11] =	ssyncadd.s32 $0xFFFFD800  }
0x3b3: {  	[spmem:s2] =	stream.indirect.scatter.add.f32 [tilespmem:s30], [sflag:$0x4], $0x80, s20, s0, $0xb8;
	[tilespmem:$0x1D2F8] =	vst v63  }
0x3b4: {  	_ = 	snop  }
0x3b5: {  	[spmem:s3] =	stream.indirect.scatter.add.f32 [tilespmem:s8], [sflag:$0x5], $0x1, s20, s0, $0xb8;
	[tilespmem:$0x1D2F8] =	vst v63  }
0x3b6: {  	_ =	swait.ge [sflag:s12], $0x2800  }
0x3b7: {  	[sflag:s12] =	ssyncset.done $0x0  }
0x3b8: {  	s26 =	sor.u32 $0x880, s14;
	[sflag:s12] =	ssyncadd.s32 $0xFFFFD800  }
0x3b9: {  	[tilespmem:s30], [sflag:$0x2] =	stream.indirect.gather [hbm4b:s1+s0], $0x80, s26, s0, $0xb8;
	[tilespmem:$0x1D2F8] =	vst v63  }
0x3ba: {  	_ =	swait.ge [sflag:s31], $0x2800  }
0x3bb: {  	[sflag:s31] =	ssyncset.done $0x0  }
0x3bc: {  	s15 =	sor.u32 $0x2800, s14;
	[sflag:s31] =	ssyncadd.s32 $0xFFFFD800  }
0x3bd: {  	[spmem:s2] =	stream.indirect.scatter.add.f32 [tilespmem:s5], [sflag:$0x3], $0x80, s15, s0, $0xb8;
	[tilespmem:$0x1D2F8] =	vst v63  }
0x3be: {  	_ = 	snop  }
0x3bf: {  	[spmem:s3] =	stream.indirect.scatter.add.f32 [tilespmem:s8], [sflag:$0x5], $0x1, s15, s0, $0xb8;
	[tilespmem:$0x1D2F8] =	vst v63  }
0x3c0: {  	_ =	swait.ge [sflag:s10], $0x2800  }
0x3c1: {  	[sflag:s10] =	ssyncset.done $0x0  }
0x3c2: {  	s18 =	sor.u32 $0x900, s14;
	[sflag:s10] =	ssyncadd.s32 $0xFFFFD800  }
0x3c3: {  	[tilespmem:s5], [sflag:$0x1] =	stream.indirect.gather [hbm4b:s1+s0], $0x80, s18, s0, $0xb8;
	[tilespmem:$0x1D2F8] =	vst v63  }
0x3c4: {  	_ =	swait.ge [sflag:s11], $0x2800  }
0x3c5: {  	[sflag:s11] =	ssyncset.done $0x0  }
0x3c6: {  	s19 =	sor.u32 $0x2880, s14;
	[sflag:s11] =	ssyncadd.s32 $0xFFFFD800  }
0x3c7: {  	[spmem:s2] =	stream.indirect.scatter.add.f32 [tilespmem:s30], [sflag:$0x4], $0x80, s19, s0, $0xb8;
	[tilespmem:$0x1D2F8] =	vst v63  }
0x3c8: {  	_ = 	snop  }
0x3c9: {  	[spmem:s3] =	stream.indirect.scatter.add.f32 [tilespmem:s8], [sflag:$0x5], $0x1, s19, s0, $0xb8;
	[tilespmem:$0x1D2F8] =	vst v63  }
0x3ca: {  	_ =	swait.ge [sflag:s12], $0x2800  }
0x3cb: {  	[sflag:s12] =	ssyncset.done $0x0  }
0x3cc: {  	s20 =	sor.u32 $0x980, s14;
	[sflag:s12] =	ssyncadd.s32 $0xFFFFD800  }
0x3cd: {  	[tilespmem:s30], [sflag:$0x2] =	stream.indirect.gather [hbm4b:s1+s0], $0x80, s20, s0, $0xb8;
	[tilespmem:$0x1D2F8] =	vst v63  }
0x3ce: {  	_ =	swait.ge [sflag:s31], $0x2800  }
0x3cf: {  	[sflag:s31] =	ssyncset.done $0x0  }
0x3d0: {  	s26 =	sor.u32 $0x2900, s14;
	[sflag:s31] =	ssyncadd.s32 $0xFFFFD800  }
0x3d1: {  	[spmem:s2] =	stream.indirect.scatter.add.f32 [tilespmem:s5], [sflag:$0x3], $0x80, s26, s0, $0xb8;
	[tilespmem:$0x1D2F8] =	vst v63  }
0x3d2: {  	_ = 	snop  }
0x3d3: {  	[spmem:s3] =	stream.indirect.scatter.add.f32 [tilespmem:s8], [sflag:$0x5], $0x1, s26, s0, $0xb8;
	[tilespmem:$0x1D2F8] =	vst v63  }
0x3d4: {  	_ =	swait.ge [sflag:s10], $0x2800  }
0x3d5: {  	[sflag:s10] =	ssyncset.done $0x0  }
0x3d6: {  	s15 =	sor.u32 $0xA00, s14;
	[sflag:s10] =	ssyncadd.s32 $0xFFFFD800  }
0x3d7: {  	[tilespmem:s5], [sflag:$0x1] =	stream.indirect.gather [hbm4b:s1+s0], $0x80, s15, s0, $0xb8;
	[tilespmem:$0x1D2F8] =	vst v63  }
0x3d8: {  	_ =	swait.ge [sflag:s11], $0x2800  }
0x3d9: {  	[sflag:s11] =	ssyncset.done $0x0  }
0x3da: {  	s18 =	sor.u32 $0x2980, s14;
	[sflag:s11] =	ssyncadd.s32 $0xFFFFD800  }
0x3db: {  	[spmem:s2] =	stream.indirect.scatter.add.f32 [tilespmem:s30], [sflag:$0x4], $0x80, s18, s0, $0xb8;
	[tilespmem:$0x1D2F8] =	vst v63  }
0x3dc: {  	_ = 	snop  }
0x3dd: {  	[spmem:s3] =	stream.indirect.scatter.add.f32 [tilespmem:s8], [sflag:$0x5], $0x1, s18, s0, $0xb8;
	[tilespmem:$0x1D2F8] =	vst v63  }
0x3de: {  	_ =	swait.ge [sflag:s12], $0x2800  }
0x3df: {  	[sflag:s12] =	ssyncset.done $0x0  }
0x3e0: {  	s19 =	sor.u32 $0xA80, s14;
	[sflag:s12] =	ssyncadd.s32 $0xFFFFD800  }
0x3e1: {  	[tilespmem:s30], [sflag:$0x2] =	stream.indirect.gather [hbm4b:s1+s0], $0x80, s19, s0, $0xb8;
	[tilespmem:$0x1D2F8] =	vst v63  }
0x3e2: {  	_ =	swait.ge [sflag:s31], $0x2800  }
0x3e3: {  	[sflag:s31] =	ssyncset.done $0x0  }
0x3e4: {  	s20 =	sor.u32 $0x2A00, s14;
	[sflag:s31] =	ssyncadd.s32 $0xFFFFD800  }
0x3e5: {  	[spmem:s2] =	stream.indirect.scatter.add.f32 [tilespmem:s5], [sflag:$0x3], $0x80, s20, s0, $0xb8;
	[tilespmem:$0x1D2F8] =	vst v63  }
0x3e6: {  	_ = 	snop  }
0x3e7: {  	[spmem:s3] =	stream.indirect.scatter.add.f32 [tilespmem:s8], [sflag:$0x5], $0x1, s20, s0, $0xb8;
	[tilespmem:$0x1D2F8] =	vst v63  }
0x3e8: {  	_ =	swait.ge [sflag:s10], $0x2800  }
0x3e9: {  	[sflag:s10] =	ssyncset.done $0x0  }
0x3ea: {  	s26 =	sor.u32 $0xB00, s14;
	[sflag:s10] =	ssyncadd.s32 $0xFFFFD800  }
0x3eb: {  	[tilespmem:s5], [sflag:$0x1] =	stream.indirect.gather [hbm4b:s1+s0], $0x80, s26, s0, $0xb8;
	[tilespmem:$0x1D2F8] =	vst v63  }
0x3ec: {  	_ =	swait.ge [sflag:s11], $0x2800  }
0x3ed: {  	[sflag:s11] =	ssyncset.done $0x0  }
0x3ee: {  	s15 =	sor.u32 $0x2A80, s14;
	[sflag:s11] =	ssyncadd.s32 $0xFFFFD800  }
0x3ef: {  	[spmem:s2] =	stream.indirect.scatter.add.f32 [tilespmem:s30], [sflag:$0x4], $0x80, s15, s0, $0xb8;
	[tilespmem:$0x1D2F8] =	vst v63  }
0x3f0: {  	_ = 	snop  }
0x3f1: {  	[spmem:s3] =	stream.indirect.scatter.add.f32 [tilespmem:s8], [sflag:$0x5], $0x1, s15, s0, $0xb8;
	[tilespmem:$0x1D2F8] =	vst v63  }
0x3f2: {  	_ =	swait.ge [sflag:s12], $0x2800  }
0x3f3: {  	[sflag:s12] =	ssyncset.done $0x0  }
0x3f4: {  	s18 =	sor.u32 $0xB80, s14;
	[sflag:s12] =	ssyncadd.s32 $0xFFFFD800  }
0x3f5: {  	[tilespmem:s30], [sflag:$0x2] =	stream.indirect.gather [hbm4b:s1+s0], $0x80, s18, s0, $0xb8;
	[tilespmem:$0x1D2F8] =	vst v63  }
0x3f6: {  	_ =	swait.ge [sflag:s31], $0x2800  }
0x3f7: {  	[sflag:s31] =	ssyncset.done $0x0  }
0x3f8: {  	s19 =	sor.u32 $0x2B00, s14;
	[sflag:s31] =	ssyncadd.s32 $0xFFFFD800  }
0x3f9: {  	[spmem:s2] =	stream.indirect.scatter.add.f32 [tilespmem:s5], [sflag:$0x3], $0x80, s19, s0, $0xb8;
	[tilespmem:$0x1D2F8] =	vst v63  }
0x3fa: {  	_ = 	snop  }
0x3fb: {  	[spmem:s3] =	stream.indirect.scatter.add.f32 [tilespmem:s8], [sflag:$0x5], $0x1, s19, s0, $0xb8;
	[tilespmem:$0x1D2F8] =	vst v63  }
0x3fc: {  	_ =	swait.ge [sflag:s10], $0x2800  }
0x3fd: {  	[sflag:s10] =	ssyncset.done $0x0  }
0x3fe: {  	s20 =	sor.u32 $0xC00, s14;
	[sflag:s10] =	ssyncadd.s32 $0xFFFFD800  }
0x3ff: {  	[tilespmem:s5], [sflag:$0x1] =	stream.indirect.gather [hbm4b:s1+s0], $0x80, s20, s0, $0xb8;
	[tilespmem:$0x1D2F8] =	vst v63  }
0x400: {  	_ =	swait.ge [sflag:s11], $0x2800  }
0x401: {  	[sflag:s11] =	ssyncset.done $0x0  }
0x402: {  	s26 =	sor.u32 $0x2B80, s14;
	[sflag:s11] =	ssyncadd.s32 $0xFFFFD800  }
0x403: {  	[spmem:s2] =	stream.indirect.scatter.add.f32 [tilespmem:s30], [sflag:$0x4], $0x80, s26, s0, $0xb8;
	[tilespmem:$0x1D2F8] =	vst v63  }
0x404: {  	_ = 	snop  }
0x405: {  	[spmem:s3] =	stream.indirect.scatter.add.f32 [tilespmem:s8], [sflag:$0x5], $0x1, s26, s0, $0xb8;
	[tilespmem:$0x1D2F8] =	vst v63  }
0x406: {  	_ =	swait.ge [sflag:s31], $0x2800  }
0x407: {  	[sflag:s31] =	ssyncset.done $0x0  }
0x408: {  	s15 =	sor.u32 $0x2C00, s14;
	[sflag:s31] =	ssyncadd.s32 $0xFFFFD800  }
0x409: {  	[spmem:s2] =	stream.indirect.scatter.add.f32 [tilespmem:s5], [sflag:$0x3], $0x80, s15, s0, $0xb8;
	[tilespmem:$0x1D2F8] =	vst v63  }
0x40a: {  	_ = 	snop  }
0x40b: {  	[spmem:s3] =	stream.indirect.scatter.add.f32 [tilespmem:s8], [sflag:$0x5], $0x1, s15, s0, $0xb8;
	[tilespmem:$0x1D2F8] =	vst v63  }
0x40c: {  	_ =	swait.ge [sflag:s12], $0x2800  }
0x40d: {  	[sflag:s12] =	ssyncset.done $0x0  }
0x40e: {  	[sflag:s12] =	ssyncadd.s32 $0xFFFFD800  }
0x40f: {  	_ =	swait.ge [sflag:s10], $0x2800  }
0x410: {  	[sflag:s10] =	ssyncset.done $0x0  }
0x411: {  	[sflag:s10] =	ssyncadd.s32 $0xFFFFD800  }
0x412: {  	_ =	swait.ge [sflag:s13], $0x50  }
0x413: {  	[sflag:s13] =	ssyncset.done $0x0  }
0x414: {  	[sflag:s13] =	ssyncadd.s32 $0xFFFFFFB0  }
0x415: {  	_ =	swait.ge [sflag:s13], $0x50  }
0x416: {  	[sflag:s13] =	ssyncset.done $0x0  }
0x417: {  	[sflag:s13] =	ssyncadd.s32 $0xFFFFFFB0  }
0x418: {  	_ =	swait.ge [sflag:s13], $0x50  }
0x419: {  	[sflag:s13] =	ssyncset.done $0x0  }
0x41a: {  	[sflag:s13] =	ssyncadd.s32 $0xFFFFFFB0  }
0x41b: {  	_ =	swait.ge [sflag:s13], $0x50  }
0x41c: {  	[sflag:s13] =	ssyncset.done $0x0  }
0x41d: {  	[sflag:s13] =	ssyncadd.s32 $0xFFFFFFB0  }
0x41e: {  	_ =	swait.ge [sflag:s13], $0x50  }
0x41f: {  	[sflag:s13] =	ssyncset.done $0x0  }
0x420: {  	[sflag:s13] =	ssyncadd.s32 $0xFFFFFFB0  }
0x421: {  	_ =	swait.ge [sflag:s13], $0x50  }
0x422: {  	[sflag:s13] =	ssyncset.done $0x0  }
0x423: {  	[sflag:s13] =	ssyncadd.s32 $0xFFFFFFB0  }
0x424: {  	_ =	swait.ge [sflag:s13], $0x50  }
0x425: {  	[sflag:s13] =	ssyncset.done $0x0  }
0x426: {  	[sflag:s13] =	ssyncadd.s32 $0xFFFFFFB0  }
0x427: {  	_ =	swait.ge [sflag:s13], $0x50  }
0x428: {  	[sflag:s13] =	ssyncset.done $0x0  }
0x429: {  	[sflag:s13] =	ssyncadd.s32 $0xFFFFFFB0  }
0x42a: {  	_ =	swait.ge [sflag:s13], $0x50  }
0x42b: {  	[sflag:s13] =	ssyncset.done $0x0  }
0x42c: {  	[sflag:s13] =	ssyncadd.s32 $0xFFFFFFB0  }
0x42d: {  	_ =	swait.ge [sflag:s13], $0x50  }
0x42e: {  	[sflag:s13] =	ssyncset.done $0x0  }
0x42f: {  	[sflag:s13] =	ssyncadd.s32 $0xFFFFFFB0  }
0x430: {  	_ =	swait.ge [sflag:s13], $0x50  }
0x431: {  	[sflag:s13] =	ssyncset.done $0x0  }
0x432: {  	[sflag:s13] =	ssyncadd.s32 $0xFFFFFFB0  }
0x433: {  	_ =	swait.ge [sflag:s13], $0x50  }
0x434: {  	[sflag:s13] =	ssyncset.done $0x0  }
0x435: {  	[sflag:s13] =	ssyncadd.s32 $0xFFFFFFB0  }
0x436: {  	_ =	swait.ge [sflag:s13], $0x50  }
0x437: {  	[sflag:s13] =	ssyncset.done $0x0  }
0x438: {  	[sflag:s13] =	ssyncadd.s32 $0xFFFFFFB0  }
0x439: {  	_ =	swait.ge [sflag:s13], $0x50  }
0x43a: {  	[sflag:s13] =	ssyncset.done $0x0  }
0x43b: {  	[sflag:s13] =	ssyncadd.s32 $0xFFFFFFB0  }
0x43c: {  	_ =	swait.ge [sflag:s13], $0x50  }
0x43d: {  	[sflag:s13] =	ssyncset.done $0x0  }
0x43e: {  	[sflag:s13] =	ssyncadd.s32 $0xFFFFFFB0  }
0x43f: {  	_ =	swait.ge [sflag:s13], $0x50  }
0x440: {  	[sflag:s13] =	ssyncset.done $0x0  }
0x441: {  	[sflag:s13] =	ssyncadd.s32 $0xFFFFFFB0  }
0x442: {  	_ =	swait.ge [sflag:s13], $0x50  }
0x443: {  	[sflag:s13] =	ssyncset.done $0x0  }
0x444: {  	[sflag:s13] =	ssyncadd.s32 $0xFFFFFFB0  }
0x445: {  	_ =	swait.ge [sflag:s13], $0x50  }
0x446: {  	[sflag:s13] =	ssyncset.done $0x0  }
0x447: {  	[sflag:s13] =	ssyncadd.s32 $0xFFFFFFB0  }
0x448: {  	_ =	swait.ge [sflag:s13], $0x50  }
0x449: {  	[sflag:s13] =	ssyncset.done $0x0  }
0x44a: {  	[sflag:s13] =	ssyncadd.s32 $0xFFFFFFB0  }
0x44b: {  	_ =	swait.ge [sflag:s13], $0x50  }
0x44c: {  	[sflag:s13] =	ssyncset.done $0x0  }
0x44d: {  	[sflag:s13] =	ssyncadd.s32 $0xFFFFFFB0  }
0x44e: {  	_ =	swait.ge [sflag:s13], $0x50  }
0x44f: {  	[sflag:s13] =	ssyncset.done $0x0  }
0x450: {  	[sflag:s13] =	ssyncadd.s32 $0xFFFFFFB0  }
0x451: {  	_ =	swait.ge [sflag:s13], $0x50  }
0x452: {  	[sflag:s13] =	ssyncset.done $0x0  }
0x453: {  	[sflag:s13] =	ssyncadd.s32 $0xFFFFFFB0  }
0x454: {  	_ =	swait.ge [sflag:s13], $0x50  }
0x455: {  	[sflag:s13] =	ssyncset.done $0x0  }
0x456: {  	[sflag:s13] =	ssyncadd.s32 $0xFFFFFFB0  }
0x457: {  	_ =	swait.ge [sflag:s13], $0x50  }
0x458: {  	[sflag:s13] =	ssyncset.done $0x0  }
0x459: {  	[sflag:s13] =	ssyncadd.s32 $0xFFFFFFB0  }
0x45a: {  	_ =	swait.ge [sflag:s13], $0x50  }
0x45b: {  	[sflag:s13] =	ssyncset.done $0x0  }
0x45c: {  	s18 =	simm.s32 $0x9;
	[sflag:s13] =	ssyncadd.s32 $0xFFFFFFB0  }
0x45d: {  	_ =	swait.ge [sflag:s18], $0xC80  }
0x45e: {  	[sflag:s18] =	ssyncset.done $0x0  }
0x45f: {  	s19 =	simm.s32 $0xB;
	[sflag:s18] =	ssyncadd.s32 $0xFFFFF380  }
0x460: {  	_ =	swait.ge [sflag:s19], $0xC80  }
0x461: {  	[sflag:s19] =	ssyncset.done $0x0  }
0x462: {  	[sflag:s19] =	ssyncadd.s32 $0xFFFFF380  }
0x463: {  	[bflag:$0x0] =	sbarrier.arrive $0xFFFF  }
0x464: {  	s20 =	simm.s32 $0x0;
	s26 =	rddreg [dreg:$0xa]  }
0x465: {  	[tilespmem:s17], [sflag:$0xC] =	stream.linear.gather [hbm4b:s26+s20], $0x400, $0x38;
	[tilespmem:$0x1D2F8] =	vst v63  }
0x466: {  	_ =	swait.ge [sflag:s29], $0x400  }
0x467: {  	[sflag:s29] =	ssyncset.done $0x0  }
0x468: {  	s14 =	simm.s32 $0x9080;
	[sflag:s29] =	ssyncadd.s32 $0xFFFFFC00  }
0x469: {  	[tilespmem:s5], [sflag:$0x1] =	stream.indirect.gather [spmem:s2], $0x80, s14, s0, $0xb8;
	[tilespmem:$0x1D2F8] =	vst v63  }
0x46a: {  	_ = 	snop  }
0x46b: {  	[tilespmem:s21], [sflag:$0x5] =	stream.indirect.gather [spmem:s3], $0x1, s14, s0, $0xb8;
	[tilespmem:$0x1D2F8] =	vst v63  }
0x46c: {  	s15 =	simm.s32 $0x9100  }
0x46d: {  	[tilespmem:s30], [sflag:$0x2] =	stream.indirect.gather [spmem:s2], $0x80, s15, s0, $0xb8;
	[tilespmem:$0x1D2F8] =	vst v63  }
0x46e: {  	_ = 	snop  }
0x46f: {  	[tilespmem:s22], [sflag:$0x7] =	stream.indirect.gather [spmem:s3], $0x1, s15, s0, $0xb8;
	[tilespmem:$0x1D2F8] =	vst v63  }
0x470: {  	_ =	swait.ge [sflag:s31], $0x2800  }
0x471: {  	[sflag:s31] =	ssyncset.done $0x0  }
0x472: {  	s18 =	rddreg [dreg:$0xe];
	[sflag:s31] =	ssyncadd.s32 $0xFFFFD800  }
0x473: {  	[hbm4b:s18+s4] =	stream.linear.scatter [tilespmem:s5], [sflag:$0x6], $0x2800, $0x38;
	[tilespmem:$0x1D2F8] =	vst v63  }
0x474: {  	_ =	swait.ge [sflag:s11], $0x2800  }
0x475: {  	[sflag:s11] =	ssyncset.done $0x0  }
0x476: {  	s17 =	rddreg [dreg:$0xf];
	[sflag:s11] =	ssyncadd.s32 $0xFFFFD800  }
0x477: {  	[hbm4b:s17+s4] =	stream.linear.scatter [tilespmem:s30], [sflag:$0x6], $0x2800, $0x38;
	[tilespmem:$0x1D2F8] =	vst v63  }
0x478: {  	_ =	swait.ge [sflag:s13], $0x50  }
0x479: {  	[sflag:s13] =	ssyncset.done $0x0  }
0x47a: {  	[sflag:s13] =	ssyncadd.s32 $0xFFFFFFB0  }
0x47b: {  	_ =	swait.ge [sflag:s23], $0x50  }
0x47c: {  	[sflag:s23] =	ssyncset.done $0x0  }
0x47d: {  	s20 =	rddreg [dreg:$0x18];
	[sflag:s23] =	ssyncadd.s32 $0xFFFFFFB0  }
0x47e: {  	[hbm4b:s20+s4] =	stream.linear.scatter [tilespmem:s21], [sflag:$0xC], $0x50, $0x38;
	[tilespmem:$0x1D2F8] =	vst v63  }
0x47f: {  	_ =	swait.ge [sflag:s29], $0x50  }
0x480: {  	[sflag:s29] =	ssyncset.done $0x0  }
0x481: {  	s26 =	sadd.s32 $0xA, s20;
	[sflag:s29] =	ssyncadd.s32 $0xFFFFFFB0  }
0x482: {  	[hbm4b:s26+s4] =	stream.linear.scatter [tilespmem:s22], [sflag:$0xC], $0x50, $0x38;
	[tilespmem:$0x1D2F8] =	vst v63  }
0x483: {  	_ =	swait.ge [sflag:s29], $0x50  }
0x484: {  	[sflag:s29] =	ssyncset.done $0x0  }
0x485: {  	[sflag:s29] =	ssyncadd.s32 $0xFFFFFFB0  }
0x486: {  	_ =	swait.ge [sflag:s24], $0x2800  }
0x487: {  	[sflag:s24] =	ssyncset.done $0x0  }
0x488: {  	s9 =	simm.s32 $0x100;
	[sflag:s24] =	ssyncadd.s32 $0xFFFFD800  }
0x489: {  	s15 =	simm.s32 $0x800;
	s28 =	sadd.s32 $0xA00, s18;
	_ =	swait.ge [sflag:s24], $0x2800  }
0x48a: {  	s14 =	sadd.s32 $0x14, s20;
	s26 =	sadd.s32 $0xA00, s17;
	[sflag:s24] =	ssyncset.done $0x0  }
.LBB2_4:
0x48b: {  	s19 =	sadd.s32 $0x9080, s9  }
0x48c: {  	[sflag:s24] =	ssyncadd.s32 $0xFFFFD800;
	s20 =	smov.u32 s15;
	s18 =	sadd.s32 $0x400, s15  }
0x48d: {  	[tilespmem:s5], [sflag:$0x1] =	stream.indirect.gather [spmem:s2], $0x80, s19, s0, $0xb8;
	[tilespmem:$0x1D2F8] =	vst v63  }
0x48e: {  	p1 =	sne.s32 s15, $0xC00  }
0x48f: {  	[tilespmem:s21], [sflag:$0x5] =	stream.indirect.gather [spmem:s3], $0x1, s19, s0, $0xb8;
	[tilespmem:$0x1D2F8] =	vst v63  }
0x490: {  	s9 =	sadd.s32 $0x9100, s9  }
0x491: {  	[tilespmem:s30], [sflag:$0x2] =	stream.indirect.gather [spmem:s2], $0x80, s9, s0, $0xb8;
	[tilespmem:$0x1D2F8] =	vst v63  }
0x492: {  	_ = 	snop  }
0x493: {  	[tilespmem:s22], [sflag:$0x7] =	stream.indirect.gather [spmem:s3], $0x1, s9, s0, $0xb8;
	[tilespmem:$0x1D2F8] =	vst v63  }
0x494: {  	_ =	swait.ge [sflag:s31], $0x2800  }
0x495: {  	[sflag:s31] =	ssyncset.done $0x0  }
0x496: {  	[sflag:s31] =	ssyncadd.s32 $0xFFFFD800  }
0x497: {  	[hbm4b:s28+s4] =	stream.linear.scatter [tilespmem:s5], [sflag:$0x6], $0x2800, $0x38;
	[tilespmem:$0x1D2F8] =	vst v63  }
0x498: {  	_ =	swait.ge [sflag:s11], $0x2800  }
0x499: {  	[sflag:s11] =	ssyncset.done $0x0  }
0x49a: {  	[sflag:s11] =	ssyncadd.s32 $0xFFFFD800  }
0x49b: {  	[hbm4b:s26+s4] =	stream.linear.scatter [tilespmem:s30], [sflag:$0x6], $0x2800, $0x38;
	[tilespmem:$0x1D2F8] =	vst v63  }
0x49c: {  	_ =	swait.ge [sflag:s13], $0x50  }
0x49d: {  	[sflag:s13] =	ssyncset.done $0x0  }
0x49e: {  	[sflag:s13] =	ssyncadd.s32 $0xFFFFFFB0  }
0x49f: {  	_ =	swait.ge [sflag:s23], $0x50  }
0x4a0: {  	[sflag:s23] =	ssyncset.done $0x0  }
0x4a1: {  	[sflag:s23] =	ssyncadd.s32 $0xFFFFFFB0  }
0x4a2: {  	[hbm4b:s14+s4] =	stream.linear.scatter [tilespmem:s21], [sflag:$0xC], $0x50, $0x38;
	[tilespmem:$0x1D2F8] =	vst v63  }
0x4a3: {  	_ =	swait.ge [sflag:s29], $0x50  }
0x4a4: {  	[sflag:s29] =	ssyncset.done $0x0  }
0x4a5: {  	s9 =	sadd.s32 $0xA, s14;
	[sflag:s29] =	ssyncadd.s32 $0xFFFFFFB0  }
0x4a6: {  	[hbm4b:s9+s4] =	stream.linear.scatter [tilespmem:s22], [sflag:$0xC], $0x50, $0x38;
	[tilespmem:$0x1D2F8] =	vst v63  }
0x4a7: {  	_ =	swait.ge [sflag:s29], $0x50  }
0x4a8: {  	[sflag:s29] =	ssyncset.done $0x0  }
0x4a9: {  	[sflag:s29] =	ssyncadd.s32 $0xFFFFFFB0  }
.Ltmp1:
0x4aa: {  	_ =	swait.ge [sflag:s24], $0x2800;
	(pc) =	sbr.rel @p1 .LBB2_4-.Ltmp1, $4  }
0x4ab: {  	[sflag:s24] =	ssyncset.done $0x0  }
0x4ac: {  	s15 =	smov.u32 s18;
	[sflag:s24] =	ssyncadd.s32 $0xFFFFD800  }
0x4ad: {  	s26 =	sadd.s32 $0xA00, s26;
	s14 =	sadd.s32 $0x14, s14;
	_ =	swait.ge [sflag:s24], $0x2800  }
0x4ae: {  	s28 =	sadd.s32 $0xA00, s28;
	s9 =	sshra.s32 s20, $0x2;
	[sflag:s24] =	ssyncset.done $0x0  }
0x4af: {  	s15 =	sadd.s32 $0x9080, s9;
	[sflag:s24] =	ssyncadd.s32 $0xFFFFD800  }
0x4b0: {  	[tilespmem:s5], [sflag:$0x1] =	stream.indirect.gather [spmem:s2], $0x80, s15, s0, $0xb8;
	[tilespmem:$0x1D2F8] =	vst v63  }
0x4b1: {  	_ = 	snop  }
0x4b2: {  	[tilespmem:s21], [sflag:$0x5] =	stream.indirect.gather [spmem:s3], $0x1, s15, s0, $0xb8;
	[tilespmem:$0x1D2F8] =	vst v63  }
0x4b3: {  	s18 =	sadd.s32 $0x9100, s9  }
0x4b4: {  	[tilespmem:s30], [sflag:$0x2] =	stream.indirect.gather [spmem:s2], $0x80, s18, s0, $0xb8;
	[tilespmem:$0x1D2F8] =	vst v63  }
0x4b5: {  	_ = 	snop  }
0x4b6: {  	[tilespmem:s22], [sflag:$0x7] =	stream.indirect.gather [spmem:s3], $0x1, s18, s0, $0xb8;
	[tilespmem:$0x1D2F8] =	vst v63  }
0x4b7: {  	_ =	swait.ge [sflag:s31], $0x2800  }
0x4b8: {  	[sflag:s31] =	ssyncset.done $0x0  }
0x4b9: {  	[sflag:s31] =	ssyncadd.s32 $0xFFFFD800  }
0x4ba: {  	[hbm4b:s28+s4] =	stream.linear.scatter [tilespmem:s5], [sflag:$0x6], $0x2800, $0x38;
	[tilespmem:$0x1D2F8] =	vst v63  }
0x4bb: {  	_ =	swait.ge [sflag:s11], $0x2800  }
0x4bc: {  	[sflag:s11] =	ssyncset.done $0x0  }
0x4bd: {  	[sflag:s11] =	ssyncadd.s32 $0xFFFFD800  }
0x4be: {  	[hbm4b:s26+s4] =	stream.linear.scatter [tilespmem:s30], [sflag:$0x6], $0x2800, $0x38;
	[tilespmem:$0x1D2F8] =	vst v63  }
0x4bf: {  	_ =	swait.ge [sflag:s13], $0x50  }
0x4c0: {  	[sflag:s13] =	ssyncset.done $0x0  }
0x4c1: {  	[sflag:s13] =	ssyncadd.s32 $0xFFFFFFB0  }
0x4c2: {  	_ =	swait.ge [sflag:s23], $0x50  }
0x4c3: {  	[sflag:s23] =	ssyncset.done $0x0  }
0x4c4: {  	[sflag:s23] =	ssyncadd.s32 $0xFFFFFFB0  }
0x4c5: {  	[hbm4b:s14+s4] =	stream.linear.scatter [tilespmem:s21], [sflag:$0xC], $0x50, $0x38;
	[tilespmem:$0x1D2F8] =	vst v63  }
0x4c6: {  	_ =	swait.ge [sflag:s29], $0x50  }
0x4c7: {  	[sflag:s29] =	ssyncset.done $0x0  }
0x4c8: {  	s19 =	sadd.s32 $0xA, s14;
	[sflag:s29] =	ssyncadd.s32 $0xFFFFFFB0  }
0x4c9: {  	[hbm4b:s19+s4] =	stream.linear.scatter [tilespmem:s22], [sflag:$0xC], $0x50, $0x38;
	[tilespmem:$0x1D2F8] =	vst v63  }
0x4ca: {  	_ =	swait.ge [sflag:s29], $0x50  }
0x4cb: {  	[sflag:s29] =	ssyncset.done $0x0  }
0x4cc: {  	[sflag:s29] =	ssyncadd.s32 $0xFFFFFFB0  }
0x4cd: {  	_ =	swait.ge [sflag:s24], $0x2800  }
0x4ce: {  	[sflag:s24] =	ssyncset.done $0x0  }
0x4cf: {  	[sflag:s24] =	ssyncadd.s32 $0xFFFFD800  }
0x4d0: {  	_ =	swait.ge [sflag:s24], $0x2800  }
0x4d1: {  	[sflag:s24] =	ssyncset.done $0x0  }
0x4d2: {  	s26 =	simm.s32 $0x9080;
	s20 =	rddreg [dreg:$0xb];
	[sflag:s24] =	ssyncadd.s32 $0xFFFFD800  }
0x4d3: {  	[tilespmem:s26], [sflag:$0xC] =	stream.linear.gather [hbm4b:s20+s4], $0x200, $0x38;
	[tilespmem:$0x1D2F8] =	vst v63  }
0x4d4: {  	_ =	swait.ge [sflag:s29], $0x200  }
0x4d5: {  	[sflag:s29] =	ssyncset.done $0x0  }
0x4d6: {  	[sflag:s29] =	ssyncadd.s32 $0xFFFFFE00  }
0x4d7: {  	[tilespmem:s5], [sflag:$0x1] =	stream.indirect.gather [hbm4b:s1+s0], $0x80, s26, s0, $0xb8;
	[tilespmem:$0x1D2F8] =	vst v63  }
0x4d8: {  	s28 =	simm.s32 $0x9100  }
0x4d9: {  	[tilespmem:s30], [sflag:$0x2] =	stream.indirect.gather [hbm4b:s1+s0], $0x80, s28, s0, $0xb8;
	[tilespmem:$0x1D2F8] =	vst v63  }
0x4da: {  	_ =	swait.ge [sflag:s31], $0x2800  }
0x4db: {  	[sflag:s31] =	ssyncset.done $0x0  }
0x4dc: {  	s14 =	rddreg [dreg:$0xc];
	[sflag:s31] =	ssyncadd.s32 $0xFFFFD800  }
0x4dd: {  	[hbm4b:s14+s4] =	stream.linear.scatter [tilespmem:s5], [sflag:$0x6], $0x2800, $0x38;
	[tilespmem:$0x1D2F8] =	vst v63  }
0x4de: {  	_ =	swait.ge [sflag:s11], $0x2800  }
0x4df: {  	[sflag:s11] =	ssyncset.done $0x0  }
0x4e0: {  	s15 =	rddreg [dreg:$0x13];
	[sflag:s11] =	ssyncadd.s32 $0xFFFFD800  }
0x4e1: {  	[hbm4b:s15+s4] =	stream.linear.scatter [tilespmem:s30], [sflag:$0x6], $0x2800, $0x38;
	[tilespmem:$0x1D2F8] =	vst v63  }
0x4e2: {  	_ =	swait.ge [sflag:s24], $0x2800  }
0x4e3: {  	[sflag:s24] =	ssyncset.done $0x0  }
0x4e4: {  	[sflag:s24] =	ssyncadd.s32 $0xFFFFD800  }
0x4e5: {  	_ =	swait.ge [sflag:s24], $0x2800  }
0x4e6: {  	[sflag:s24] =	ssyncset.done $0x0  }
0x4e7: {  	s18 =	simm.s32 $0x9180;
	[sflag:s24] =	ssyncadd.s32 $0xFFFFD800  }
0x4e8: {  	[tilespmem:s5], [sflag:$0x1] =	stream.indirect.gather [hbm4b:s1+s0], $0x80, s18, s0, $0xb8;
	[tilespmem:$0x1D2F8] =	vst v63  }
0x4e9: {  	s19 =	simm.s32 $0x9200  }
0x4ea: {  	[tilespmem:s30], [sflag:$0x2] =	stream.indirect.gather [hbm4b:s1+s0], $0x80, s19, s0, $0xb8;
	[tilespmem:$0x1D2F8] =	vst v63  }
0x4eb: {  	_ =	swait.ge [sflag:s31], $0x2800  }
0x4ec: {  	[sflag:s31] =	ssyncset.done $0x0  }
0x4ed: {  	s20 =	rddreg [dreg:$0xd];
	[sflag:s31] =	ssyncadd.s32 $0xFFFFD800  }
0x4ee: {  	[hbm4b:s20+s4] =	stream.linear.scatter [tilespmem:s5], [sflag:$0x6], $0x2800, $0x38;
	[tilespmem:$0x1D2F8] =	vst v63  }
0x4ef: {  	_ =	swait.ge [sflag:s11], $0x2800  }
0x4f0: {  	[sflag:s11] =	ssyncset.done $0x0  }
0x4f1: {  	s26 =	rddreg [dreg:$0x14];
	[sflag:s11] =	ssyncadd.s32 $0xFFFFD800  }
0x4f2: {  	[hbm4b:s26+s4] =	stream.linear.scatter [tilespmem:s30], [sflag:$0x6], $0x2800, $0x38;
	[tilespmem:$0x1D2F8] =	vst v63  }
0x4f3: {  	_ =	swait.ge [sflag:s24], $0x2800  }
0x4f4: {  	[sflag:s24] =	ssyncset.done $0x0  }
0x4f5: {  	[sflag:s24] =	ssyncadd.s32 $0xFFFFD800  }
0x4f6: {  	_ =	swait.ge [sflag:s24], $0x2800  }
0x4f7: {  	s25 =	sadd.s32 $0x1, s25;
	s28 =	rddreg [dreg:$0x12]  }
0x4f8: {  	p1 =	sne.s32 s25, s28  }
.Ltmp2:
0x4f9: {  	_ = 	snop;
	(pc) =	sbr.rel @p1 .LBB2_1-.Ltmp2, $3  }
0x4fa: {  	_ =	sdelay $0x1  }
0x4fb: {  	[sflag:s24] =	ssyncset.done $0x0  }
0x4fc: {  	s17 =	simm.s32 $0x9080;
	[sflag:s24] =	ssyncadd.s32 $0xFFFFD800  }
0x4fd: {  	_ =	sfence.sel $0x180000  }
0x4fe: {  	[bflag:$0x0] =	sbarrier.arrive $0xFFFF  }
0x4ff: {  	_ =	strace $0x90000047  }
0x500: {  	s0 =	stileid.u32;
	[bflag:$0x2] =	sbarrier.arrive $0xFFFF  }
0x501: {  	p0 =	sne.s32 s0, $0x0;
	s0 =	rddreg [dreg:$0x5]  }
0x502: {  	s0 =	sadd.s32 @!p0 $0x100000, s0  }
0x503: {  	[sflag:s0] =	ssyncadd.tile.s32 @!p0 $0x1;
	_ =	shalt  }
.Lfunc_end2:
_tile_overlayer_lowered:
.L_overlay_start_2:
0x504: {  	(tag) =	ssettag $0x2  }
0x505: {  	s0 =	rddreg [dreg:$0x0];
	s2 =	stileid.u32  }
0x506: {  	s1 =	rddreg [dreg:$0x1];
	p0 =	sne.s32 s2, $0x0  }
0x507: {  	s3 =	rddreg [dreg:$0x2];
	[bflag:$0x3] =	sbarrier.arrive $0xFFFF;
	s2 =	simm.s32 @!p0 $0x1C0C  }
0x508: {  	[timem:s3], [sflag:s2] =	dma.local @!p0 [hbm:s0], s1  }
0x509: {  	s0 =	simm.s32 @!p0 $0xC  }
0x50a: {  	_ =	swait.ge @!p0 [sflag:s0], s1  }
0x50b: {  	s1 =	ssub.s32 @!p0 $0x0, s1;
	[sflag:s0] =	ssyncset.done @!p0 $0x0  }
0x50c: {  	[sflag:s0] =	ssyncadd.s32 @!p0 s1  }
0x50d: {  	[bflag:$0x3] =	sbarrier.arrive $0xFFFF  }
0x50e: {  	_ =	shalt  }

</sc_bundles>
